<compile_context>
chip_gen: v7x
topology: tpu7x:2x2x1
jax: 0.10.2.dev20260603
libtpu: 0.0.44.dev20260713+nightly
codegen_flags: <defaults>
</compile_context>

<pallas_src>
import functools

import jax
import jax.numpy as jnp
from jax import lax
from jax.experimental import pallas as pl
from jax.experimental.pallas import tpu as pltpu
from jax.experimental.pallas import tpu_sc as plsc

L = 3
D = 768
E = 8
F = 768
NH = 12
HD = 64
TB = 512


def _ln(h, g, b):
    mu = jnp.mean(h, axis=-1, keepdims=True)
    var = jnp.mean((h - mu) ** 2, axis=-1, keepdims=True)
    return (h - mu) / jnp.sqrt(var + 1e-5) * g + b


def _embed_k(x_ref, wp_ref, bp_ref, o_ref):
    o_ref[...] = x_ref[...] * wp_ref[...] + bp_ref[...]


def _qkv_k(h_ref, g_ref, b_ref, wq_ref, bq_ref, wk_ref, bk_ref, wv_ref,
           bv_ref, q_ref, k_ref, v_ref):
    a = _ln(h_ref[...], g_ref[...], b_ref[...])
    q_ref[...] = jnp.dot(a, wq_ref[...], preferred_element_type=jnp.float32) + bq_ref[...]
    k_ref[...] = jnp.dot(a, wk_ref[...], preferred_element_type=jnp.float32) + bk_ref[...]
    v_ref[...] = jnp.dot(a, wv_ref[...], preferred_element_type=jnp.float32) + bv_ref[...]


def _attn_k(q_ref, k_ref, v_ref, o_ref):
    for hh in range(2):
        q = q_ref[:, hh * HD:(hh + 1) * HD] * (1.0 / 8.0)
        k = k_ref[:, hh * HD:(hh + 1) * HD]
        v = v_ref[:, hh * HD:(hh + 1) * HD]
        s = jax.lax.dot_general(q, k, (((1,), (1,)), ((), ())),
                                preferred_element_type=jnp.float32)
        p = jnp.exp(s)
        o = jnp.dot(p, v, preferred_element_type=jnp.float32)
        o_ref[:, hh * HD:(hh + 1) * HD] = o / jnp.sum(p, axis=-1, keepdims=True)


def _oproj_k(h_ref, o_ref, wo_ref, bo_ref, out_ref):
    out_ref[...] = h_ref[...] + jnp.dot(
        o_ref[...], wo_ref[...], preferred_element_type=jnp.float32) + bo_ref[...]


BLK = 256


def _route_k(h_ref, g_ref, b_ref, gw_ref, gb_ref, m_ref, idx_ref, gate_ref,
             imp_ref, load_ref, loss_ref, *, nblocks):
    i = pl.program_id(0)
    h = h_ref[...]
    m = _ln(h, g_ref[...], b_ref[...])
    m_ref[...] = m

    logits = jnp.dot(m, gw_ref[...], preferred_element_type=jnp.float32) + gb_ref[...]
    logits = logits - jnp.max(logits, axis=-1, keepdims=True)
    ex = jnp.exp(logits)
    probs = ex / jnp.sum(ex, axis=-1, keepdims=True)

    eio = jax.lax.broadcasted_iota(jnp.int32, probs.shape, 1)
    m1 = jnp.max(probs, axis=-1, keepdims=True)
    idx1 = jnp.min(jnp.where(probs == m1, eio, E), axis=-1, keepdims=True)
    masked = jnp.where(eio == idx1, -1.0, probs)
    m2 = jnp.max(masked, axis=-1, keepdims=True)
    idx2 = jnp.min(jnp.where(masked == m2, eio, E), axis=-1, keepdims=True)
    gsum = m1 + m2
    idx_ref[...] = jnp.concatenate([idx1, idx2], axis=1)
    gate_ref[...] = jnp.concatenate([m1 / gsum, m2 / gsum], axis=1)

    imp_blk = jnp.sum(probs, axis=0, keepdims=True)
    load_blk = (jnp.sum(jnp.where(eio == idx1, 1.0, 0.0), axis=0, keepdims=True)
                + jnp.sum(jnp.where(eio == idx2, 1.0, 0.0), axis=0, keepdims=True))

    @pl.when(i == 0)
    def _():
        imp_ref[...] = jnp.zeros_like(imp_ref)
        load_ref[...] = jnp.zeros_like(load_ref)

    imp_ref[...] += imp_blk
    load_ref[...] += load_blk

    @pl.when(i == nblocks - 1)
    def _():
        n_tok = nblocks * h.shape[0]
        loss_ref[...] = ((E / (n_tok * n_tok)) *
                         jnp.sum(imp_ref[...] * load_ref[...],
                                 axis=(0, 1), keepdims=True))


def _rank_k(idx_ref, dest_ref, bmap_ref, rank_scr, *, n_tok, nblk):
    nch = n_tok // BLK
    r_io = jax.lax.broadcasted_iota(jnp.int32, (BLK, BLK), 0)
    c_io = jax.lax.broadcasted_iota(jnp.int32, (BLK, BLK), 1)
    ltri = (r_io > c_io).astype(jnp.float32)
    eio = jax.lax.broadcasted_iota(jnp.int32, (BLK, E), 1)

    carry = jnp.zeros((1, E), jnp.float32)
    for k in range(2):
        for c in range(nch):
            t0 = c * BLK
            ohc = (idx_ref[pl.ds(t0, BLK), k:k + 1] == eio).astype(jnp.float32)
            rank_full = jnp.dot(ltri, ohc,
                                preferred_element_type=jnp.float32) + carry
            rank_scr[pl.ds(t0, BLK), k:k + 1] = jnp.sum(
                ohc * rank_full, axis=1, keepdims=True)
            carry = carry + jnp.sum(ohc, axis=0, keepdims=True)

    counts = carry
    padded = jnp.ceil(counts * (1.0 / BLK)) * BLK
    f_io = jax.lax.broadcasted_iota(jnp.int32, (E, E), 0)
    e_io = jax.lax.broadcasted_iota(jnp.int32, (E, E), 1)
    ustri = (f_io < e_io).astype(jnp.float32)
    offs = jnp.dot(padded, ustri, preferred_element_type=jnp.float32)
    ends = offs + padded

    for k in range(2):
        for c in range(nch):
            t0 = c * BLK
            ohc = (idx_ref[pl.ds(t0, BLK), k:k + 1] == eio).astype(jnp.float32)
            off_elem = jnp.sum(ohc * offs, axis=1, keepdims=True)
            dest_ref[pl.ds(t0, BLK), k:k + 1] = (
                rank_scr[pl.ds(t0, BLK), k:k + 1] + off_elem).astype(jnp.int32)

    starts = (jax.lax.broadcasted_iota(jnp.int32, (1, nblk), 1)
              .astype(jnp.float32) * float(BLK))
    bm = jnp.zeros((1, nblk), jnp.float32)
    for e in range(E):
        bm = bm + (starts >= ends[0:1, e:e + 1]).astype(jnp.float32)
    bmap_ref[...] = jnp.minimum(bm, float(E - 1)).astype(jnp.int32)


def _expert_k(bm_ref, xs_ref, w1_ref, b1_ref, w2_ref, b2_ref, y_ref):
    y = jnp.maximum(
        jnp.dot(xs_ref[...], w1_ref[0], preferred_element_type=jnp.float32)
        + b1_ref[0], 0.0)
    y_ref[...] = jnp.dot(y, w2_ref[0],
                         preferred_element_type=jnp.float32) + b2_ref[0]


def _sc_dispatch(m_hbm, destf_hbm, xs_hbm, rows_v, idx_buf, sem, *, n_tok):
    wid = lax.axis_index("s") * 2 + lax.axis_index("c")

    def chunk(c, carry):
        t0 = wid * 128 + c * 64
        pltpu.sync_copy(m_hbm.at[pl.ds(t0, 64)], rows_v)
        for k in range(2):
            pltpu.sync_copy(destf_hbm.at[pl.ds(k * n_tok + t0, 64)], idx_buf)
            pltpu.async_copy(rows_v, xs_hbm.at[idx_buf], sem).wait()
        return carry

    lax.fori_loop(0, 2, chunk, 0)


def _sc_gather2(y_hbm, destf_hbm, y1_hbm, y2_hbm,
                idx1_v, idx2_v, y1_v, y2_v, sem, *, n_tok):
    wid = lax.axis_index("s") * 2 + lax.axis_index("c")

    def chunk(c, carry):
        t0 = wid * 128 + c * 32
        pltpu.sync_copy(destf_hbm.at[pl.ds(t0, 32)], idx1_v)
        pltpu.sync_copy(destf_hbm.at[pl.ds(n_tok + t0, 32)], idx2_v)
        pltpu.async_copy(y_hbm.at[idx1_v], y1_v, sem).wait()
        pltpu.async_copy(y_hbm.at[idx2_v], y2_v, sem).wait()
        pltpu.sync_copy(y1_v, y1_hbm.at[pl.ds(t0, 32)])
        pltpu.sync_copy(y2_v, y2_hbm.at[pl.ds(t0, 32)])
        return carry

    lax.fori_loop(0, 4, chunk, 0)


def _fma_k(h_ref, y1_ref, y2_ref, g_ref, out_ref):
    g1 = g_ref[:, 0:1]
    g2 = g_ref[:, 1:2]
    out_ref[...] = h_ref[...] + g1 * y1_ref[...] + g2 * y2_ref[...]


NSLOTS = 2 * 4096 + E * BLK
NBLK = NSLOTS // BLK

def _sc_mesh():
    return plsc.VectorSubcoreMesh(core_axis_name="c", subcore_axis_name="s")


def _dispatch_call(m, destf):
    n = m.shape[0]
    fn = pl.kernel(
        functools.partial(_sc_dispatch, n_tok=n),
        mesh=_sc_mesh(),
        out_type=jax.ShapeDtypeStruct((NSLOTS, D), jnp.float32),
        scratch_types=[pltpu.VMEM((64, D), jnp.float32),
                       pltpu.VMEM((64,), jnp.int32),
                       pltpu.SemaphoreType.DMA],
    )
    return fn(m, destf)


def _combine_call(h, ys, destf, gates):
    n = h.shape[0]
    fn = pl.kernel(
        functools.partial(_sc_gather2, n_tok=n),
        mesh=_sc_mesh(),
        out_type=[jax.ShapeDtypeStruct((n, D), jnp.float32),
                  jax.ShapeDtypeStruct((n, D), jnp.float32)],
        scratch_types=[pltpu.VMEM((32,), jnp.int32),
                       pltpu.VMEM((32,), jnp.int32),
                       pltpu.VMEM((32, D), jnp.float32),
                       pltpu.VMEM((32, D), jnp.float32),
                       pltpu.SemaphoreType.DMA],
    )
    y1d, y2d = fn(ys, destf)

    nblk = n // TB
    tok_spec = pl.BlockSpec((TB, D), lambda i: (i, 0))
    return pl.pallas_call(
        _fma_k,
        grid=(nblk,),
        in_specs=[tok_spec, tok_spec, tok_spec,
                  pl.BlockSpec((TB, 2), lambda i: (i, 0))],
        out_specs=tok_spec,
        out_shape=jax.ShapeDtypeStruct((n, D), jnp.float32),
    )(h, y1d, y2d, gates)


def _head_k(h_ref, pw_ref, hw_ref, hb_ref, loss_ref, rul_ref, tloss_ref, *, bsz, seq):
    for b in range(bsz):
        hb = h_ref[b * seq:(b + 1) * seq, :]
        sc = jnp.dot(hb, pw_ref[...], preferred_element_type=jnp.float32)
        sc = sc - jnp.max(sc, axis=0, keepdims=True)
        al = jnp.exp(sc)
        al = al / jnp.sum(al, axis=0, keepdims=True)
        pooled = jnp.sum(al * hb, axis=0, keepdims=True)
        rul_ref[b:b + 1, :] = jnp.dot(
            pooled, hw_ref[...], preferred_element_type=jnp.float32) + hb_ref[...]
    tloss_ref[...] = jnp.sum(loss_ref[...], axis=(0, 1), keepdims=True)


def kernel(x, Wp, bp, ln1_g, ln1_b, ln2_g, ln2_b, Wq, bq, Wk, bk, Wv, bv,
           Wo, bo, gW, gb, W1, b1, W2, b2, pool_w, head_W, head_b):
    B, S, _ = x.shape
    N = B * S
    nblk = N // TB
    f32 = jnp.float32

    h = pl.pallas_call(
        _embed_k,
        out_shape=jax.ShapeDtypeStruct((N, D), f32),
    )(x.reshape(N, 1), Wp, bp.reshape(1, D))

    tok_spec = pl.BlockSpec((TB, D), lambda i: (i, 0))
    row_spec = pl.BlockSpec((1, D), lambda i: (0, 0))
    full2 = lambda shape: pl.BlockSpec(shape, lambda i: (0,) * len(shape))
    full0 = lambda shape: pl.BlockSpec(shape, lambda: (0,) * len(shape))

    losses = []
    for l in range(L):
        q, k, v = pl.pallas_call(
            _qkv_k,
            grid=(nblk,),
            in_specs=[tok_spec, row_spec, row_spec,
                      full2((D, D)), row_spec,
                      full2((D, D)), row_spec,
                      full2((D, D)), row_spec],
            out_specs=[tok_spec, tok_spec, tok_spec],
            out_shape=[jax.ShapeDtypeStruct((N, D), f32)] * 3,
        )(h, ln1_g[l].reshape(1, D), ln1_b[l].reshape(1, D),
          Wq[l], bq[l].reshape(1, D), Wk[l], bk[l].reshape(1, D),
          Wv[l], bv[l].reshape(1, D))

        head_spec = pl.BlockSpec((S, 2 * HD), lambda bb, hh: (bb, hh))
        o = pl.pallas_call(
            _attn_k,
            grid=(B, NH // 2),
            in_specs=[head_spec] * 3,
            out_specs=head_spec,
            out_shape=jax.ShapeDtypeStruct((N, D), f32),
        )(q, k, v)

        h = pl.pallas_call(
            _oproj_k,
            grid=(nblk,),
            in_specs=[tok_spec, tok_spec, full2((D, D)), row_spec],
            out_specs=tok_spec,
            out_shape=jax.ShapeDtypeStruct((N, D), f32),
        )(h, o, Wo[l], bo[l].reshape(1, D))

        m, idxp, gates, _, _, lloss = pl.pallas_call(
            functools.partial(_route_k, nblocks=nblk),
            grid=(nblk,),
            in_specs=[tok_spec, row_spec, row_spec,
                      full2((D, E)), pl.BlockSpec((1, E), lambda i: (0, 0))],
            out_specs=[tok_spec,
                       pl.BlockSpec((TB, 2), lambda i: (i, 0)),
                       pl.BlockSpec((TB, 2), lambda i: (i, 0)),
                       pl.BlockSpec((1, E), lambda i: (0, 0)),
                       pl.BlockSpec((1, E), lambda i: (0, 0)),
                       pl.BlockSpec((1, 1), lambda i: (0, 0))],
            out_shape=[jax.ShapeDtypeStruct((N, D), f32),
                       jax.ShapeDtypeStruct((N, 2), jnp.int32),
                       jax.ShapeDtypeStruct((N, 2), f32),
                       jax.ShapeDtypeStruct((1, E), f32),
                       jax.ShapeDtypeStruct((1, E), f32),
                       jax.ShapeDtypeStruct((1, 1), f32)],
        )(h, ln2_g[l].reshape(1, D), ln2_b[l].reshape(1, D),
          gW[l], gb[l].reshape(1, E))
        losses.append(lloss)

        dest, bmap = pl.pallas_call(
            functools.partial(_rank_k, n_tok=N, nblk=NBLK),
            in_specs=[full0((N, 2))],
            out_specs=[full0((N, 2)),
                       pl.BlockSpec((1, NBLK), lambda: (0, 0))],
            out_shape=[jax.ShapeDtypeStruct((N, 2), jnp.int32),
                       jax.ShapeDtypeStruct((1, NBLK), jnp.int32)],
            scratch_shapes=[pltpu.VMEM((N, 2), f32)],
        )(idxp)

        destf = dest.T.reshape(2 * N)
        gatef = gates.T.reshape(2 * N)
        xs = _dispatch_call(m, destf)

        ys = pl.pallas_call(
            _expert_k,
            grid_spec=pltpu.PrefetchScalarGridSpec(
                num_scalar_prefetch=1,
                grid=(NBLK,),
                in_specs=[pl.BlockSpec((BLK, D), lambda b, bm: (b, 0)),
                          pl.BlockSpec((1, D, F), lambda b, bm: (bm[0, b], 0, 0)),
                          pl.BlockSpec((1, 1, F), lambda b, bm: (bm[0, b], 0, 0)),
                          pl.BlockSpec((1, F, D), lambda b, bm: (bm[0, b], 0, 0)),
                          pl.BlockSpec((1, 1, D), lambda b, bm: (bm[0, b], 0, 0))],
                out_specs=pl.BlockSpec((BLK, D), lambda b, bm: (b, 0)),
            ),
            out_shape=jax.ShapeDtypeStruct((NSLOTS, D), f32),
        )(bmap, xs, W1[l], b1[l].reshape(E, 1, F), W2[l], b2[l].reshape(E, 1, D))

        h = _combine_call(h, ys, destf, gates)

    rul, tloss = pl.pallas_call(
        functools.partial(_head_k, bsz=B, seq=S),
        in_specs=[full0((N, D)), full0((D, 1)), full0((D, 1)),
                  pl.BlockSpec((1, 1), lambda: (0, 0)),
                  pl.BlockSpec((L, 1), lambda: (0, 0))],
        out_specs=[pl.BlockSpec((B, 1), lambda: (0, 0)),
                   pl.BlockSpec((1, 1), lambda: (0, 0))],
        out_shape=[jax.ShapeDtypeStruct((B, 1), f32),
                   jax.ShapeDtypeStruct((1, 1), f32)],
    )(h, pool_w, head_W, head_b.reshape(1, 1),
      jnp.concatenate(losses, axis=0).reshape(L, 1))

    return rul, tloss[0, 0]

# --- scband reference (transcript-rebuilt; emitter-appended) ---
"""Pipeline reference for scband-rulprediction-model-26843545600120 (READ-ONLY COPY).

The authoritative reference and input builder live on the scoring server;
editing this copy changes nothing except your own understanding.
"""

import jax, jax.numpy as jnp
import numpy as np

L = 3
D = 768
E = 8
F = 768
NH = 12
TOPK = 2


def _ln(x, g, b):
    m = jnp.mean(x, axis=-1, keepdims=True)
    v = jnp.mean((x - m) ** 2, axis=-1, keepdims=True)
    return (x - m) / jnp.sqrt(v + 1e-5) * g + b


def _mha(h, Wq, bq, Wk, bk, Wv, bv, Wo, bo):
    B, S, Dm = h.shape
    Hd = Dm // NH
    q = (h @ Wq + bq).reshape(B, S, NH, Hd).transpose(0, 2, 1, 3)
    k = (h @ Wk + bk).reshape(B, S, NH, Hd).transpose(0, 2, 1, 3)
    v = (h @ Wv + bv).reshape(B, S, NH, Hd).transpose(0, 2, 1, 3)
    scale = float(np.sqrt(Hd))
    att = jax.nn.softmax(jnp.einsum('bhqd,bhkd->bhqk', q, k) / scale, axis=-1)
    o = jnp.einsum('bhqk,bhkd->bhqd', att, v).transpose(0, 2, 1, 3).reshape(B, S, Dm)
    return o @ Wo + bo


def _moe(m, gW, gb, W1, b1, W2, b2):
    probs = jax.nn.softmax(m @ gW + gb, axis=-1)
    topv, topi = jax.lax.top_k(probs, TOPK)
    gates = topv / jnp.sum(topv, axis=-1, keepdims=True)
    oh = jax.nn.one_hot(topi, E, dtype=m.dtype)
    combine = jnp.sum(oh * gates[..., None], axis=-2)
    eh = jax.nn.relu(jnp.einsum('bsd,edh->bseh', m, W1) + b1[None, None])
    eo = jnp.einsum('bseh,ehd->bsed', eh, W2) + b2[None, None]
    out = jnp.einsum('bse,bsed->bsd', combine, eo)
    importance = jnp.mean(probs, axis=(0, 1))
    load = jnp.mean(jnp.sum(oh, axis=-2), axis=(0, 1))
    loss = E * jnp.sum(importance * load)
    return out, loss


def setup_inputs(seed: int = 0):
    key = jax.random.key(seed)
    ks = jax.random.split(key, 16)
    s = 0.02
    d = {}
    d['x'] = jax.random.normal(ks[0], (2, 2048, 1), dtype=jnp.float32)
    d['Wp'] = jax.random.normal(ks[1], (1, D), dtype=jnp.float32) * s
    d['bp'] = jnp.zeros((D,), dtype=jnp.float32)
    d['ln1_g'] = jnp.ones((L, D), dtype=jnp.float32)
    d['ln1_b'] = jnp.zeros((L, D), dtype=jnp.float32)
    d['ln2_g'] = jnp.ones((L, D), dtype=jnp.float32)
    d['ln2_b'] = jnp.zeros((L, D), dtype=jnp.float32)
    d['Wq'] = jax.random.normal(ks[2], (L, D, D), dtype=jnp.float32) * s
    d['bq'] = jnp.zeros((L, D), dtype=jnp.float32)
    d['Wk'] = jax.random.normal(ks[3], (L, D, D), dtype=jnp.float32) * s
    d['bk'] = jnp.zeros((L, D), dtype=jnp.float32)
    d['Wv'] = jax.random.normal(ks[4], (L, D, D), dtype=jnp.float32) * s
    d['bv'] = jnp.zeros((L, D), dtype=jnp.float32)
    d['Wo'] = jax.random.normal(ks[5], (L, D, D), dtype=jnp.float32) * s
    d['bo'] = jnp.zeros((L, D), dtype=jnp.float32)
    d['gW'] = jax.random.normal(ks[6], (L, D, E), dtype=jnp.float32) * s
    d['gb'] = jnp.zeros((L, E), dtype=jnp.float32)
    d['W1'] = jax.random.normal(ks[7], (L, E, D, F), dtype=jnp.float32) * s
    d['b1'] = jnp.zeros((L, E, F), dtype=jnp.float32)
    d['W2'] = jax.random.normal(ks[8], (L, E, F, D), dtype=jnp.float32) * s
    d['b2'] = jnp.zeros((L, E, D), dtype=jnp.float32)
    d['pool_w'] = jax.random.normal(ks[9], (D, 1), dtype=jnp.float32) * s
    d['head_W'] = jax.random.normal(ks[10], (D, 1), dtype=jnp.float32) * s
    d['head_b'] = jnp.zeros((1,), dtype=jnp.float32)
    return d


def reference(x, Wp, bp, ln1_g, ln1_b, ln2_g, ln2_b, Wq, bq, Wk, bk, Wv, bv, Wo, bo, gW, gb, W1, b1, W2, b2, pool_w, head_W, head_b):
    h = x @ Wp + bp
    total_moe_loss = jnp.float32(0.0)
    for i in range(L):
        a = _ln(h, ln1_g[i], ln1_b[i])
        h = h + _mha(a, Wq[i], bq[i], Wk[i], bk[i], Wv[i], bv[i], Wo[i], bo[i])
        m = _ln(h, ln2_g[i], ln2_b[i])
        mo, ml = _moe(m, gW[i], gb[i], W1[i], b1[i], W2[i], b2[i])
        h = h + mo
        total_moe_loss = total_moe_loss + ml
    scores = h @ pool_w
    alpha = jax.nn.softmax(scores, axis=1)
    pooled = jnp.sum(alpha * h, axis=1)
    rul = pooled @ head_W + head_b
    return rul, total_moe_loss

if __name__ == "__main__":
    import jax
    _d = setup_inputs()
    print(jax.jit(kernel)(*tuple(_d.values())))

</pallas_src>

<mosaic_0001>
#map = affine_map<(d0, d1) -> (0, 0)>
#map1 = affine_map<(d0, d1) -> (0)>
module attributes {stable_mosaic.version = 14 : i64} {
  func.func @_sc_dispatch(%arg0: i32, %arg1: i32, %arg2: memref<4096x768xf32, #tpu.memory_space<hbm>>, %arg3: memref<8192xi32, #tpu.memory_space<hbm>>, %arg4: memref<10240x768xf32, #tpu.memory_space<hbm>>, %arg5: memref<64x768xf32, #tpu.memory_space<vmem>>, %arg6: memref<64xi32, #tpu.memory_space<vmem>>, %arg7: memref<!tpu.dma_semaphore, #tpu.memory_space<semaphore_mem>>) attributes {dimension_semantics = [#tpu.dimension_semantics<core_parallel>, #tpu.dimension_semantics<subcore_parallel>], iteration_bounds = array<i64: 2, 16>, scalar_prefetch = 0 : i64, scratch_operands = 3 : i64, tpu.core_type = #tpu.core_type<sc_vector_subcore>, window_params = [{transform_indices = #map}, {transform_indices = #map1}, {transform_indices = #map}]} {
    %mul3A = arith.constant 2 : i32
    %mul3A_0 = arith.muli %arg1, %mul3A : i32
    %add3A = arith.addi %mul3A_0, %arg0 : i32
    %scan3A = arith.constant 0 : i32
    %scan3A_1 = arith.constant 0 : i32
    %scan3A_2 = arith.constant 2 : i32
    %scan3A_3 = arith.addi %scan3A_1, %scan3A_2 : i32
    %scan3A_4 = arith.constant 1 : i32
    scf.for %scan3A_6 = %scan3A_1 to %scan3A_3 step %scan3A_4  : i32 {
      %mul3A_7 = arith.constant 128 : i32
      %mul3A_8 = arith.muli %add3A, %mul3A_7 : i32
      %mul3A_9 = arith.constant 64 : i32
      %mul3A_10 = arith.muli %scan3A_6, %mul3A_9 : i32
      %add3A_11 = arith.addi %mul3A_8, %mul3A_10 : i32
      "tpu.region"() ({
        %run_scoped3A = tpu.sem_alloc : memref<!tpu.dma_semaphore, #tpu.memory_space<semaphore_mem>>
        %dma_start3A_26 = arith.constant 0 : i32
        %dma_start3A_27 = tpu.memref_slice %arg2[%add3A_11, %dma_start3A_26] : memref<4096x768xf32, #tpu.memory_space<hbm>> -> memref<64x768xf32, #tpu.memory_space<hbm>>
        %dma_start3A_28 = arith.constant 0 : i32
        %dma_start3A_29 = tpu.memref_slice %arg2[%add3A_11, %dma_start3A_28] : memref<4096x768xf32, #tpu.memory_space<hbm>> -> memref<64x768xf32, #tpu.memory_space<hbm>>
        tpu.enqueue_dma source(%dma_start3A_29 : memref<64x768xf32, #tpu.memory_space<hbm>>) target(%arg5 : memref<64x768xf32, #tpu.memory_space<vmem>>) target_semaphore(%run_scoped3A : memref<!tpu.dma_semaphore, #tpu.memory_space<semaphore_mem>>)
        %dma_wait3A_30 = arith.constant 0 : i32
        %dma_wait3A_31 = tpu.memref_slice %arg2[%add3A_11, %dma_wait3A_30] : memref<4096x768xf32, #tpu.memory_space<hbm>> -> memref<64x768xf32, #tpu.memory_space<hbm>>
        %dma_wait3A_32 = arith.constant 0 : i32
        %dma_wait3A_33 = tpu.memref_slice %arg2[%add3A_11, %dma_wait3A_32] : memref<4096x768xf32, #tpu.memory_space<hbm>> -> memref<64x768xf32, #tpu.memory_space<hbm>>
        tpu.wait_dma2 semaphore(%run_scoped3A : memref<!tpu.dma_semaphore, #tpu.memory_space<semaphore_mem>>) src(%dma_wait3A_33 : memref<64x768xf32, #tpu.memory_space<hbm>>) dst(%arg5 : memref<64x768xf32, #tpu.memory_space<vmem>>)
        tpu.yield
      }) : () -> ()
      %add3A_12 = arith.constant 0 : i32
      %add3A_13 = arith.addi %add3A_12, %add3A_11 : i32
      "tpu.region"() ({
        %run_scoped3A = tpu.sem_alloc : memref<!tpu.dma_semaphore, #tpu.memory_space<semaphore_mem>>
        %dma_start3A_26 = tpu.memref_slice %arg3[%add3A_13] : memref<8192xi32, #tpu.memory_space<hbm>> -> memref<64xi32, #tpu.memory_space<hbm>>
        %dma_start3A_27 = tpu.memref_slice %arg3[%add3A_13] : memref<8192xi32, #tpu.memory_space<hbm>> -> memref<64xi32, #tpu.memory_space<hbm>>
        tpu.enqueue_dma source(%dma_start3A_27 : memref<64xi32, #tpu.memory_space<hbm>>) target(%arg6 : memref<64xi32, #tpu.memory_space<vmem>>) target_semaphore(%run_scoped3A : memref<!tpu.dma_semaphore, #tpu.memory_space<semaphore_mem>>)
        %dma_wait3A_28 = tpu.memref_slice %arg3[%add3A_13] : memref<8192xi32, #tpu.memory_space<hbm>> -> memref<64xi32, #tpu.memory_space<hbm>>
        %dma_wait3A_29 = tpu.memref_slice %arg3[%add3A_13] : memref<8192xi32, #tpu.memory_space<hbm>> -> memref<64xi32, #tpu.memory_space<hbm>>
        tpu.wait_dma2 semaphore(%run_scoped3A : memref<!tpu.dma_semaphore, #tpu.memory_space<semaphore_mem>>) src(%dma_wait3A_29 : memref<64xi32, #tpu.memory_space<hbm>>) dst(%arg6 : memref<64xi32, #tpu.memory_space<vmem>>)
        tpu.yield
      }) : () -> ()
      %dma_start3A = arith.constant 0 : i32
      %dma_start3A_14 = arith.constant 0 : i32
      %dma_start3A_15 = tpu.memref_slice %arg4[%dma_start3A, %dma_start3A_14] : memref<10240x768xf32, #tpu.memory_space<hbm>> -> memref<10240x768xf32, #tpu.memory_space<hbm>>
      tpu.enqueue_indirect_dma source(%arg5 : memref<64x768xf32, #tpu.memory_space<vmem>>) target(%dma_start3A_15 : memref<10240x768xf32, #tpu.memory_space<hbm>>) offsets(%arg6 : memref<64xi32, #tpu.memory_space<vmem>>) semaphore(%arg7 : memref<!tpu.dma_semaphore, #tpu.memory_space<semaphore_mem>>)
      %dma_wait3A = arith.constant 0 : i32
      %dma_wait3A_16 = arith.constant 0 : i32
      %dma_wait3A_17 = tpu.memref_slice %arg4[%dma_wait3A, %dma_wait3A_16] : memref<10240x768xf32, #tpu.memory_space<hbm>> -> memref<10240x768xf32, #tpu.memory_space<hbm>>
      tpu.wait_indirect_dma semaphore(%arg7 : memref<!tpu.dma_semaphore, #tpu.memory_space<semaphore_mem>>) src(%arg5 : memref<64x768xf32, #tpu.memory_space<vmem>>) dst(%dma_wait3A_17 : memref<10240x768xf32, #tpu.memory_space<hbm>>)
      %add3A_18 = arith.constant 4096 : i32
      %add3A_19 = arith.addi %add3A_18, %add3A_11 : i32
      "tpu.region"() ({
        %run_scoped3A = tpu.sem_alloc : memref<!tpu.dma_semaphore, #tpu.memory_space<semaphore_mem>>
        %dma_start3A_26 = tpu.memref_slice %arg3[%add3A_19] : memref<8192xi32, #tpu.memory_space<hbm>> -> memref<64xi32, #tpu.memory_space<hbm>>
        %dma_start3A_27 = tpu.memref_slice %arg3[%add3A_19] : memref<8192xi32, #tpu.memory_space<hbm>> -> memref<64xi32, #tpu.memory_space<hbm>>
        tpu.enqueue_dma source(%dma_start3A_27 : memref<64xi32, #tpu.memory_space<hbm>>) target(%arg6 : memref<64xi32, #tpu.memory_space<vmem>>) target_semaphore(%run_scoped3A : memref<!tpu.dma_semaphore, #tpu.memory_space<semaphore_mem>>)
        %dma_wait3A_28 = tpu.memref_slice %arg3[%add3A_19] : memref<8192xi32, #tpu.memory_space<hbm>> -> memref<64xi32, #tpu.memory_space<hbm>>
        %dma_wait3A_29 = tpu.memref_slice %arg3[%add3A_19] : memref<8192xi32, #tpu.memory_space<hbm>> -> memref<64xi32, #tpu.memory_space<hbm>>
        tpu.wait_dma2 semaphore(%run_scoped3A : memref<!tpu.dma_semaphore, #tpu.memory_space<semaphore_mem>>) src(%dma_wait3A_29 : memref<64xi32, #tpu.memory_space<hbm>>) dst(%arg6 : memref<64xi32, #tpu.memory_space<vmem>>)
        tpu.yield
      }) : () -> ()
      %dma_start3A_20 = arith.constant 0 : i32
      %dma_start3A_21 = arith.constant 0 : i32
      %dma_start3A_22 = tpu.memref_slice %arg4[%dma_start3A_20, %dma_start3A_21] : memref<10240x768xf32, #tpu.memory_space<hbm>> -> memref<10240x768xf32, #tpu.memory_space<hbm>>
      tpu.enqueue_indirect_dma source(%arg5 : memref<64x768xf32, #tpu.memory_space<vmem>>) target(%dma_start3A_22 : memref<10240x768xf32, #tpu.memory_space<hbm>>) offsets(%arg6 : memref<64xi32, #tpu.memory_space<vmem>>) semaphore(%arg7 : memref<!tpu.dma_semaphore, #tpu.memory_space<semaphore_mem>>)
      %dma_wait3A_23 = arith.constant 0 : i32
      %dma_wait3A_24 = arith.constant 0 : i32
      %dma_wait3A_25 = tpu.memref_slice %arg4[%dma_wait3A_23, %dma_wait3A_24] : memref<10240x768xf32, #tpu.memory_space<hbm>> -> memref<10240x768xf32, #tpu.memory_space<hbm>>
      tpu.wait_indirect_dma semaphore(%arg7 : memref<!tpu.dma_semaphore, #tpu.memory_space<semaphore_mem>>) src(%arg5 : memref<64x768xf32, #tpu.memory_space<vmem>>) dst(%dma_wait3A_25 : memref<10240x768xf32, #tpu.memory_space<hbm>>)
    }
    %scan3A_5 = arith.constant 2 : i32
    return
  }
}

#map = affine_map<(d0, d1) -> (0, 0)>
#map1 = affine_map<(d0, d1) -> (0)>
module attributes {stable_mosaic.version = 14 : i64} {
  func.func @_sc_gather2(%arg0: i32, %arg1: i32, %arg2: memref<10240x768xf32, #tpu.memory_space<hbm>>, %arg3: memref<8192xi32, #tpu.memory_space<hbm>>, %arg4: memref<4096x768xf32, #tpu.memory_space<hbm>>, %arg5: memref<4096x768xf32, #tpu.memory_space<hbm>>, %arg6: memref<32xi32, #tpu.memory_space<vmem>>, %arg7: memref<32xi32, #tpu.memory_space<vmem>>, %arg8: memref<32x768xf32, #tpu.memory_space<vmem>>, %arg9: memref<32x768xf32, #tpu.memory_space<vmem>>, %arg10: memref<!tpu.dma_semaphore, #tpu.memory_space<semaphore_mem>>) attributes {dimension_semantics = [#tpu.dimension_semantics<core_parallel>, #tpu.dimension_semantics<subcore_parallel>], iteration_bounds = array<i64: 2, 16>, scalar_prefetch = 0 : i64, scratch_operands = 5 : i64, tpu.core_type = #tpu.core_type<sc_vector_subcore>, window_params = [{transform_indices = #map}, {transform_indices = #map1}, {transform_indices = #map}, {transform_indices = #map}]} {
    %mul3A = arith.constant 2 : i32
    %mul3A_0 = arith.muli %arg1, %mul3A : i32
    %add3A = arith.addi %mul3A_0, %arg0 : i32
    %scan3A = arith.constant 0 : i32
    %scan3A_1 = arith.constant 0 : i32
    %scan3A_2 = arith.constant 4 : i32
    %scan3A_3 = arith.addi %scan3A_1, %scan3A_2 : i32
    %scan3A_4 = arith.constant 1 : i32
    scf.for %scan3A_6 = %scan3A_1 to %scan3A_3 step %scan3A_4  : i32 {
      %mul3A_7 = arith.constant 128 : i32
      %mul3A_8 = arith.muli %add3A, %mul3A_7 : i32
      %mul3A_9 = arith.constant 32 : i32
      %mul3A_10 = arith.muli %scan3A_6, %mul3A_9 : i32
      %add3A_11 = arith.addi %mul3A_8, %mul3A_10 : i32
      "tpu.region"() ({
        %run_scoped3A = tpu.sem_alloc : memref<!tpu.dma_semaphore, #tpu.memory_space<semaphore_mem>>
        %dma_start3A_24 = tpu.memref_slice %arg3[%add3A_11] : memref<8192xi32, #tpu.memory_space<hbm>> -> memref<32xi32, #tpu.memory_space<hbm>>
        %dma_start3A_25 = tpu.memref_slice %arg3[%add3A_11] : memref<8192xi32, #tpu.memory_space<hbm>> -> memref<32xi32, #tpu.memory_space<hbm>>
        tpu.enqueue_dma source(%dma_start3A_25 : memref<32xi32, #tpu.memory_space<hbm>>) target(%arg6 : memref<32xi32, #tpu.memory_space<vmem>>) target_semaphore(%run_scoped3A : memref<!tpu.dma_semaphore, #tpu.memory_space<semaphore_mem>>)
        %dma_wait3A_26 = tpu.memref_slice %arg3[%add3A_11] : memref<8192xi32, #tpu.memory_space<hbm>> -> memref<32xi32, #tpu.memory_space<hbm>>
        %dma_wait3A_27 = tpu.memref_slice %arg3[%add3A_11] : memref<8192xi32, #tpu.memory_space<hbm>> -> memref<32xi32, #tpu.memory_space<hbm>>
        tpu.wait_dma2 semaphore(%run_scoped3A : memref<!tpu.dma_semaphore, #tpu.memory_space<semaphore_mem>>) src(%dma_wait3A_27 : memref<32xi32, #tpu.memory_space<hbm>>) dst(%arg6 : memref<32xi32, #tpu.memory_space<vmem>>)
        tpu.yield
      }) : () -> ()
      %add3A_12 = arith.constant 4096 : i32
      %add3A_13 = arith.addi %add3A_12, %add3A_11 : i32
      "tpu.region"() ({
        %run_scoped3A = tpu.sem_alloc : memref<!tpu.dma_semaphore, #tpu.memory_space<semaphore_mem>>
        %dma_start3A_24 = tpu.memref_slice %arg3[%add3A_13] : memref<8192xi32, #tpu.memory_space<hbm>> -> memref<32xi32, #tpu.memory_space<hbm>>
        %dma_start3A_25 = tpu.memref_slice %arg3[%add3A_13] : memref<8192xi32, #tpu.memory_space<hbm>> -> memref<32xi32, #tpu.memory_space<hbm>>
        tpu.enqueue_dma source(%dma_start3A_25 : memref<32xi32, #tpu.memory_space<hbm>>) target(%arg7 : memref<32xi32, #tpu.memory_space<vmem>>) target_semaphore(%run_scoped3A : memref<!tpu.dma_semaphore, #tpu.memory_space<semaphore_mem>>)
        %dma_wait3A_26 = tpu.memref_slice %arg3[%add3A_13] : memref<8192xi32, #tpu.memory_space<hbm>> -> memref<32xi32, #tpu.memory_space<hbm>>
        %dma_wait3A_27 = tpu.memref_slice %arg3[%add3A_13] : memref<8192xi32, #tpu.memory_space<hbm>> -> memref<32xi32, #tpu.memory_space<hbm>>
        tpu.wait_dma2 semaphore(%run_scoped3A : memref<!tpu.dma_semaphore, #tpu.memory_space<semaphore_mem>>) src(%dma_wait3A_27 : memref<32xi32, #tpu.memory_space<hbm>>) dst(%arg7 : memref<32xi32, #tpu.memory_space<vmem>>)
        tpu.yield
      }) : () -> ()
      %dma_start3A = arith.constant 0 : i32
      %dma_start3A_14 = arith.constant 0 : i32
      %dma_start3A_15 = tpu.memref_slice %arg2[%dma_start3A, %dma_start3A_14] : memref<10240x768xf32, #tpu.memory_space<hbm>> -> memref<10240x768xf32, #tpu.memory_space<hbm>>
      tpu.enqueue_indirect_dma source(%dma_start3A_15 : memref<10240x768xf32, #tpu.memory_space<hbm>>) target(%arg8 : memref<32x768xf32, #tpu.memory_space<vmem>>) offsets(%arg6 : memref<32xi32, #tpu.memory_space<vmem>>) semaphore(%arg10 : memref<!tpu.dma_semaphore, #tpu.memory_space<semaphore_mem>>)
      %dma_wait3A = arith.constant 0 : i32
      %dma_wait3A_16 = arith.constant 0 : i32
      %dma_wait3A_17 = tpu.memref_slice %arg2[%dma_wait3A, %dma_wait3A_16] : memref<10240x768xf32, #tpu.memory_space<hbm>> -> memref<10240x768xf32, #tpu.memory_space<hbm>>
      tpu.wait_indirect_dma semaphore(%arg10 : memref<!tpu.dma_semaphore, #tpu.memory_space<semaphore_mem>>) src(%dma_wait3A_17 : memref<10240x768xf32, #tpu.memory_space<hbm>>) dst(%arg8 : memref<32x768xf32, #tpu.memory_space<vmem>>)
      %dma_start3A_18 = arith.constant 0 : i32
      %dma_start3A_19 = arith.constant 0 : i32
      %dma_start3A_20 = tpu.memref_slice %arg2[%dma_start3A_18, %dma_start3A_19] : memref<10240x768xf32, #tpu.memory_space<hbm>> -> memref<10240x768xf32, #tpu.memory_space<hbm>>
      tpu.enqueue_indirect_dma source(%dma_start3A_20 : memref<10240x768xf32, #tpu.memory_space<hbm>>) target(%arg9 : memref<32x768xf32, #tpu.memory_space<vmem>>) offsets(%arg7 : memref<32xi32, #tpu.memory_space<vmem>>) semaphore(%arg10 : memref<!tpu.dma_semaphore, #tpu.memory_space<semaphore_mem>>)
      %dma_wait3A_21 = arith.constant 0 : i32
      %dma_wait3A_22 = arith.constant 0 : i32
      %dma_wait3A_23 = tpu.memref_slice %arg2[%dma_wait3A_21, %dma_wait3A_22] : memref<10240x768xf32, #tpu.memory_space<hbm>> -> memref<10240x768xf32, #tpu.memory_space<hbm>>
      tpu.wait_indirect_dma semaphore(%arg10 : memref<!tpu.dma_semaphore, #tpu.memory_space<semaphore_mem>>) src(%dma_wait3A_23 : memref<10240x768xf32, #tpu.memory_space<hbm>>) dst(%arg9 : memref<32x768xf32, #tpu.memory_space<vmem>>)
      "tpu.region"() ({
        %run_scoped3A = tpu.sem_alloc : memref<!tpu.dma_semaphore, #tpu.memory_space<semaphore_mem>>
        %dma_start3A_24 = arith.constant 0 : i32
        %dma_start3A_25 = tpu.memref_slice %arg4[%add3A_11, %dma_start3A_24] : memref<4096x768xf32, #tpu.memory_space<hbm>> -> memref<32x768xf32, #tpu.memory_space<hbm>>
        %dma_start3A_26 = arith.constant 0 : i32
        %dma_start3A_27 = tpu.memref_slice %arg4[%add3A_11, %dma_start3A_26] : memref<4096x768xf32, #tpu.memory_space<hbm>> -> memref<32x768xf32, #tpu.memory_space<hbm>>
        tpu.enqueue_dma source(%arg8 : memref<32x768xf32, #tpu.memory_space<vmem>>) target(%dma_start3A_27 : memref<32x768xf32, #tpu.memory_space<hbm>>) target_semaphore(%run_scoped3A : memref<!tpu.dma_semaphore, #tpu.memory_space<semaphore_mem>>)
        %dma_wait3A_28 = arith.constant 0 : i32
        %dma_wait3A_29 = tpu.memref_slice %arg4[%add3A_11, %dma_wait3A_28] : memref<4096x768xf32, #tpu.memory_space<hbm>> -> memref<32x768xf32, #tpu.memory_space<hbm>>
        %dma_wait3A_30 = arith.constant 0 : i32
        %dma_wait3A_31 = tpu.memref_slice %arg4[%add3A_11, %dma_wait3A_30] : memref<4096x768xf32, #tpu.memory_space<hbm>> -> memref<32x768xf32, #tpu.memory_space<hbm>>
        tpu.wait_dma2 semaphore(%run_scoped3A : memref<!tpu.dma_semaphore, #tpu.memory_space<semaphore_mem>>) src(%arg8 : memref<32x768xf32, #tpu.memory_space<vmem>>) dst(%dma_wait3A_31 : memref<32x768xf32, #tpu.memory_space<hbm>>)
        tpu.yield
      }) : () -> ()
      "tpu.region"() ({
        %run_scoped3A = tpu.sem_alloc : memref<!tpu.dma_semaphore, #tpu.memory_space<semaphore_mem>>
        %dma_start3A_24 = arith.constant 0 : i32
        %dma_start3A_25 = tpu.memref_slice %arg5[%add3A_11, %dma_start3A_24] : memref<4096x768xf32, #tpu.memory_space<hbm>> -> memref<32x768xf32, #tpu.memory_space<hbm>>
        %dma_start3A_26 = arith.constant 0 : i32
        %dma_start3A_27 = tpu.memref_slice %arg5[%add3A_11, %dma_start3A_26] : memref<4096x768xf32, #tpu.memory_space<hbm>> -> memref<32x768xf32, #tpu.memory_space<hbm>>
        tpu.enqueue_dma source(%arg9 : memref<32x768xf32, #tpu.memory_space<vmem>>) target(%dma_start3A_27 : memref<32x768xf32, #tpu.memory_space<hbm>>) target_semaphore(%run_scoped3A : memref<!tpu.dma_semaphore, #tpu.memory_space<semaphore_mem>>)
        %dma_wait3A_28 = arith.constant 0 : i32
        %dma_wait3A_29 = tpu.memref_slice %arg5[%add3A_11, %dma_wait3A_28] : memref<4096x768xf32, #tpu.memory_space<hbm>> -> memref<32x768xf32, #tpu.memory_space<hbm>>
        %dma_wait3A_30 = arith.constant 0 : i32
        %dma_wait3A_31 = tpu.memref_slice %arg5[%add3A_11, %dma_wait3A_30] : memref<4096x768xf32, #tpu.memory_space<hbm>> -> memref<32x768xf32, #tpu.memory_space<hbm>>
        tpu.wait_dma2 semaphore(%run_scoped3A : memref<!tpu.dma_semaphore, #tpu.memory_space<semaphore_mem>>) src(%arg9 : memref<32x768xf32, #tpu.memory_space<vmem>>) dst(%dma_wait3A_31 : memref<32x768xf32, #tpu.memory_space<hbm>>)
        tpu.yield
      }) : () -> ()
    }
    %scan3A_5 = arith.constant 4 : i32
    return
  }
}

#map = affine_map<(d0, d1) -> (0, 0)>
#map1 = affine_map<(d0, d1) -> (0)>
module attributes {stable_mosaic.version = 14 : i64} {
  func.func @_sc_gather2(%arg0: i32, %arg1: i32, %arg2: memref<10240x768xf32, #tpu.memory_space<hbm>>, %arg3: memref<8192xi32, #tpu.memory_space<hbm>>, %arg4: memref<4096x768xf32, #tpu.memory_space<hbm>>, %arg5: memref<4096x768xf32, #tpu.memory_space<hbm>>, %arg6: memref<32xi32, #tpu.memory_space<vmem>>, %arg7: memref<32xi32, #tpu.memory_space<vmem>>, %arg8: memref<32x768xf32, #tpu.memory_space<vmem>>, %arg9: memref<32x768xf32, #tpu.memory_space<vmem>>, %arg10: memref<!tpu.dma_semaphore, #tpu.memory_space<semaphore_mem>>) attributes {dimension_semantics = [#tpu.dimension_semantics<core_parallel>, #tpu.dimension_semantics<subcore_parallel>], iteration_bounds = array<i64: 2, 16>, scalar_prefetch = 0 : i64, scratch_operands = 5 : i64, tpu.core_type = #tpu.core_type<sc_vector_subcore>, window_params = [{transform_indices = #map}, {transform_indices = #map1}, {transform_indices = #map}, {transform_indices = #map}]} {
    %mul3A = arith.constant 2 : i32
    %mul3A_0 = arith.muli %arg1, %mul3A : i32
    %add3A = arith.addi %mul3A_0, %arg0 : i32
    %scan3A = arith.constant 0 : i32
    %scan3A_1 = arith.constant 0 : i32
    %scan3A_2 = arith.constant 4 : i32
    %scan3A_3 = arith.addi %scan3A_1, %scan3A_2 : i32
    %scan3A_4 = arith.constant 1 : i32
    scf.for %scan3A_6 = %scan3A_1 to %scan3A_3 step %scan3A_4  : i32 {
      %mul3A_7 = arith.constant 128 : i32
      %mul3A_8 = arith.muli %add3A, %mul3A_7 : i32
      %mul3A_9 = arith.constant 32 : i32
      %mul3A_10 = arith.muli %scan3A_6, %mul3A_9 : i32
      %add3A_11 = arith.addi %mul3A_8, %mul3A_10 : i32
      "tpu.region"() ({
        %run_scoped3A = tpu.sem_alloc : memref<!tpu.dma_semaphore, #tpu.memory_space<semaphore_mem>>
        %dma_start3A_24 = tpu.memref_slice %arg3[%add3A_11] : memref<8192xi32, #tpu.memory_space<hbm>> -> memref<32xi32, #tpu.memory_space<hbm>>
        %dma_start3A_25 = tpu.memref_slice %arg3[%add3A_11] : memref<8192xi32, #tpu.memory_space<hbm>> -> memref<32xi32, #tpu.memory_space<hbm>>
        tpu.enqueue_dma source(%dma_start3A_25 : memref<32xi32, #tpu.memory_space<hbm>>) target(%arg6 : memref<32xi32, #tpu.memory_space<vmem>>) target_semaphore(%run_scoped3A : memref<!tpu.dma_semaphore, #tpu.memory_space<semaphore_mem>>)
        %dma_wait3A_26 = tpu.memref_slice %arg3[%add3A_11] : memref<8192xi32, #tpu.memory_space<hbm>> -> memref<32xi32, #tpu.memory_space<hbm>>
        %dma_wait3A_27 = tpu.memref_slice %arg3[%add3A_11] : memref<8192xi32, #tpu.memory_space<hbm>> -> memref<32xi32, #tpu.memory_space<hbm>>
        tpu.wait_dma2 semaphore(%run_scoped3A : memref<!tpu.dma_semaphore, #tpu.memory_space<semaphore_mem>>) src(%dma_wait3A_27 : memref<32xi32, #tpu.memory_space<hbm>>) dst(%arg6 : memref<32xi32, #tpu.memory_space<vmem>>)
        tpu.yield
      }) : () -> ()
      %add3A_12 = arith.constant 4096 : i32
      %add3A_13 = arith.addi %add3A_12, %add3A_11 : i32
      "tpu.region"() ({
        %run_scoped3A = tpu.sem_alloc : memref<!tpu.dma_semaphore, #tpu.memory_space<semaphore_mem>>
        %dma_start3A_24 = tpu.memref_slice %arg3[%add3A_13] : memref<8192xi32, #tpu.memory_space<hbm>> -> memref<32xi32, #tpu.memory_space<hbm>>
        %dma_start3A_25 = tpu.memref_slice %arg3[%add3A_13] : memref<8192xi32, #tpu.memory_space<hbm>> -> memref<32xi32, #tpu.memory_space<hbm>>
        tpu.enqueue_dma source(%dma_start3A_25 : memref<32xi32, #tpu.memory_space<hbm>>) target(%arg7 : memref<32xi32, #tpu.memory_space<vmem>>) target_semaphore(%run_scoped3A : memref<!tpu.dma_semaphore, #tpu.memory_space<semaphore_mem>>)
        %dma_wait3A_26 = tpu.memref_slice %arg3[%add3A_13] : memref<8192xi32, #tpu.memory_space<hbm>> -> memref<32xi32, #tpu.memory_space<hbm>>
        %dma_wait3A_27 = tpu.memref_slice %arg3[%add3A_13] : memref<8192xi32, #tpu.memory_space<hbm>> -> memref<32xi32, #tpu.memory_space<hbm>>
        tpu.wait_dma2 semaphore(%run_scoped3A : memref<!tpu.dma_semaphore, #tpu.memory_space<semaphore_mem>>) src(%dma_wait3A_27 : memref<32xi32, #tpu.memory_space<hbm>>) dst(%arg7 : memref<32xi32, #tpu.memory_space<vmem>>)
        tpu.yield
      }) : () -> ()
      %dma_start3A = arith.constant 0 : i32
      %dma_start3A_14 = arith.constant 0 : i32
      %dma_start3A_15 = tpu.memref_slice %arg2[%dma_start3A, %dma_start3A_14] : memref<10240x768xf32, #tpu.memory_space<hbm>> -> memref<10240x768xf32, #tpu.memory_space<hbm>>
      tpu.enqueue_indirect_dma source(%dma_start3A_15 : memref<10240x768xf32, #tpu.memory_space<hbm>>) target(%arg8 : memref<32x768xf32, #tpu.memory_space<vmem>>) offsets(%arg6 : memref<32xi32, #tpu.memory_space<vmem>>) semaphore(%arg10 : memref<!tpu.dma_semaphore, #tpu.memory_space<semaphore_mem>>)
      %dma_wait3A = arith.constant 0 : i32
      %dma_wait3A_16 = arith.constant 0 : i32
      %dma_wait3A_17 = tpu.memref_slice %arg2[%dma_wait3A, %dma_wait3A_16] : memref<10240x768xf32, #tpu.memory_space<hbm>> -> memref<10240x768xf32, #tpu.memory_space<hbm>>
      tpu.wait_indirect_dma semaphore(%arg10 : memref<!tpu.dma_semaphore, #tpu.memory_space<semaphore_mem>>) src(%dma_wait3A_17 : memref<10240x768xf32, #tpu.memory_space<hbm>>) dst(%arg8 : memref<32x768xf32, #tpu.memory_space<vmem>>)
      %dma_start3A_18 = arith.constant 0 : i32
      %dma_start3A_19 = arith.constant 0 : i32
      %dma_start3A_20 = tpu.memref_slice %arg2[%dma_start3A_18, %dma_start3A_19] : memref<10240x768xf32, #tpu.memory_space<hbm>> -> memref<10240x768xf32, #tpu.memory_space<hbm>>
      tpu.enqueue_indirect_dma source(%dma_start3A_20 : memref<10240x768xf32, #tpu.memory_space<hbm>>) target(%arg9 : memref<32x768xf32, #tpu.memory_space<vmem>>) offsets(%arg7 : memref<32xi32, #tpu.memory_space<vmem>>) semaphore(%arg10 : memref<!tpu.dma_semaphore, #tpu.memory_space<semaphore_mem>>)
      %dma_wait3A_21 = arith.constant 0 : i32
      %dma_wait3A_22 = arith.constant 0 : i32
      %dma_wait3A_23 = tpu.memref_slice %arg2[%dma_wait3A_21, %dma_wait3A_22] : memref<10240x768xf32, #tpu.memory_space<hbm>> -> memref<10240x768xf32, #tpu.memory_space<hbm>>
      tpu.wait_indirect_dma semaphore(%arg10 : memref<!tpu.dma_semaphore, #tpu.memory_space<semaphore_mem>>) src(%dma_wait3A_23 : memref<10240x768xf32, #tpu.memory_space<hbm>>) dst(%arg9 : memref<32x768xf32, #tpu.memory_space<vmem>>)
      "tpu.region"() ({
        %run_scoped3A = tpu.sem_alloc : memref<!tpu.dma_semaphore, #tpu.memory_space<semaphore_mem>>
        %dma_start3A_24 = arith.constant 0 : i32
        %dma_start3A_25 = tpu.memref_slice %arg4[%add3A_11, %dma_start3A_24] : memref<4096x768xf32, #tpu.memory_space<hbm>> -> memref<32x768xf32, #tpu.memory_space<hbm>>
        %dma_start3A_26 = arith.constant 0 : i32
        %dma_start3A_27 = tpu.memref_slice %arg4[%add3A_11, %dma_start3A_26] : memref<4096x768xf32, #tpu.memory_space<hbm>> -> memref<32x768xf32, #tpu.memory_space<hbm>>
        tpu.enqueue_dma source(%arg8 : memref<32x768xf32, #tpu.memory_space<vmem>>) target(%dma_start3A_27 : memref<32x768xf32, #tpu.memory_space<hbm>>) target_semaphore(%run_scoped3A : memref<!tpu.dma_semaphore, #tpu.memory_space<semaphore_mem>>)
        %dma_wait3A_28 = arith.constant 0 : i32
        %dma_wait3A_29 = tpu.memref_slice %arg4[%add3A_11, %dma_wait3A_28] : memref<4096x768xf32, #tpu.memory_space<hbm>> -> memref<32x768xf32, #tpu.memory_space<hbm>>
        %dma_wait3A_30 = arith.constant 0 : i32
        %dma_wait3A_31 = tpu.memref_slice %arg4[%add3A_11, %dma_wait3A_30] : memref<4096x768xf32, #tpu.memory_space<hbm>> -> memref<32x768xf32, #tpu.memory_space<hbm>>
        tpu.wait_dma2 semaphore(%run_scoped3A : memref<!tpu.dma_semaphore, #tpu.memory_space<semaphore_mem>>) src(%arg8 : memref<32x768xf32, #tpu.memory_space<vmem>>) dst(%dma_wait3A_31 : memref<32x768xf32, #tpu.memory_space<hbm>>)
        tpu.yield
      }) : () -> ()
      "tpu.region"() ({
        %run_scoped3A = tpu.sem_alloc : memref<!tpu.dma_semaphore, #tpu.memory_space<semaphore_mem>>
        %dma_start3A_24 = arith.constant 0 : i32
        %dma_start3A_25 = tpu.memref_slice %arg5[%add3A_11, %dma_start3A_24] : memref<4096x768xf32, #tpu.memory_space<hbm>> -> memref<32x768xf32, #tpu.memory_space<hbm>>
        %dma_start3A_26 = arith.constant 0 : i32
        %dma_start3A_27 = tpu.memref_slice %arg5[%add3A_11, %dma_start3A_26] : memref<4096x768xf32, #tpu.memory_space<hbm>> -> memref<32x768xf32, #tpu.memory_space<hbm>>
        tpu.enqueue_dma source(%arg9 : memref<32x768xf32, #tpu.memory_space<vmem>>) target(%dma_start3A_27 : memref<32x768xf32, #tpu.memory_space<hbm>>) target_semaphore(%run_scoped3A : memref<!tpu.dma_semaphore, #tpu.memory_space<semaphore_mem>>)
        %dma_wait3A_28 = arith.constant 0 : i32
        %dma_wait3A_29 = tpu.memref_slice %arg5[%add3A_11, %dma_wait3A_28] : memref<4096x768xf32, #tpu.memory_space<hbm>> -> memref<32x768xf32, #tpu.memory_space<hbm>>
        %dma_wait3A_30 = arith.constant 0 : i32
        %dma_wait3A_31 = tpu.memref_slice %arg5[%add3A_11, %dma_wait3A_30] : memref<4096x768xf32, #tpu.memory_space<hbm>> -> memref<32x768xf32, #tpu.memory_space<hbm>>
        tpu.wait_dma2 semaphore(%run_scoped3A : memref<!tpu.dma_semaphore, #tpu.memory_space<semaphore_mem>>) src(%arg9 : memref<32x768xf32, #tpu.memory_space<vmem>>) dst(%dma_wait3A_31 : memref<32x768xf32, #tpu.memory_space<hbm>>)
        tpu.yield
      }) : () -> ()
    }
    %scan3A_5 = arith.constant 4 : i32
    return
  }
}

#map = affine_map<(d0, d1) -> (0, 0)>
#map1 = affine_map<(d0, d1) -> (0)>
module attributes {stable_mosaic.version = 14 : i64} {
  func.func @_sc_dispatch(%arg0: i32, %arg1: i32, %arg2: memref<4096x768xf32, #tpu.memory_space<hbm>>, %arg3: memref<8192xi32, #tpu.memory_space<hbm>>, %arg4: memref<10240x768xf32, #tpu.memory_space<hbm>>, %arg5: memref<64x768xf32, #tpu.memory_space<vmem>>, %arg6: memref<64xi32, #tpu.memory_space<vmem>>, %arg7: memref<!tpu.dma_semaphore, #tpu.memory_space<semaphore_mem>>) attributes {dimension_semantics = [#tpu.dimension_semantics<core_parallel>, #tpu.dimension_semantics<subcore_parallel>], iteration_bounds = array<i64: 2, 16>, scalar_prefetch = 0 : i64, scratch_operands = 3 : i64, tpu.core_type = #tpu.core_type<sc_vector_subcore>, window_params = [{transform_indices = #map}, {transform_indices = #map1}, {transform_indices = #map}]} {
    %mul3A = arith.constant 2 : i32
    %mul3A_0 = arith.muli %arg1, %mul3A : i32
    %add3A = arith.addi %mul3A_0, %arg0 : i32
    %scan3A = arith.constant 0 : i32
    %scan3A_1 = arith.constant 0 : i32
    %scan3A_2 = arith.constant 2 : i32
    %scan3A_3 = arith.addi %scan3A_1, %scan3A_2 : i32
    %scan3A_4 = arith.constant 1 : i32
    scf.for %scan3A_6 = %scan3A_1 to %scan3A_3 step %scan3A_4  : i32 {
      %mul3A_7 = arith.constant 128 : i32
      %mul3A_8 = arith.muli %add3A, %mul3A_7 : i32
      %mul3A_9 = arith.constant 64 : i32
      %mul3A_10 = arith.muli %scan3A_6, %mul3A_9 : i32
      %add3A_11 = arith.addi %mul3A_8, %mul3A_10 : i32
      "tpu.region"() ({
        %run_scoped3A = tpu.sem_alloc : memref<!tpu.dma_semaphore, #tpu.memory_space<semaphore_mem>>
        %dma_start3A_26 = arith.constant 0 : i32
        %dma_start3A_27 = tpu.memref_slice %arg2[%add3A_11, %dma_start3A_26] : memref<4096x768xf32, #tpu.memory_space<hbm>> -> memref<64x768xf32, #tpu.memory_space<hbm>>
        %dma_start3A_28 = arith.constant 0 : i32
        %dma_start3A_29 = tpu.memref_slice %arg2[%add3A_11, %dma_start3A_28] : memref<4096x768xf32, #tpu.memory_space<hbm>> -> memref<64x768xf32, #tpu.memory_space<hbm>>
        tpu.enqueue_dma source(%dma_start3A_29 : memref<64x768xf32, #tpu.memory_space<hbm>>) target(%arg5 : memref<64x768xf32, #tpu.memory_space<vmem>>) target_semaphore(%run_scoped3A : memref<!tpu.dma_semaphore, #tpu.memory_space<semaphore_mem>>)
        %dma_wait3A_30 = arith.constant 0 : i32
        %dma_wait3A_31 = tpu.memref_slice %arg2[%add3A_11, %dma_wait3A_30] : memref<4096x768xf32, #tpu.memory_space<hbm>> -> memref<64x768xf32, #tpu.memory_space<hbm>>
        %dma_wait3A_32 = arith.constant 0 : i32
        %dma_wait3A_33 = tpu.memref_slice %arg2[%add3A_11, %dma_wait3A_32] : memref<4096x768xf32, #tpu.memory_space<hbm>> -> memref<64x768xf32, #tpu.memory_space<hbm>>
        tpu.wait_dma2 semaphore(%run_scoped3A : memref<!tpu.dma_semaphore, #tpu.memory_space<semaphore_mem>>) src(%dma_wait3A_33 : memref<64x768xf32, #tpu.memory_space<hbm>>) dst(%arg5 : memref<64x768xf32, #tpu.memory_space<vmem>>)
        tpu.yield
      }) : () -> ()
      %add3A_12 = arith.constant 0 : i32
      %add3A_13 = arith.addi %add3A_12, %add3A_11 : i32
      "tpu.region"() ({
        %run_scoped3A = tpu.sem_alloc : memref<!tpu.dma_semaphore, #tpu.memory_space<semaphore_mem>>
        %dma_start3A_26 = tpu.memref_slice %arg3[%add3A_13] : memref<8192xi32, #tpu.memory_space<hbm>> -> memref<64xi32, #tpu.memory_space<hbm>>
        %dma_start3A_27 = tpu.memref_slice %arg3[%add3A_13] : memref<8192xi32, #tpu.memory_space<hbm>> -> memref<64xi32, #tpu.memory_space<hbm>>
        tpu.enqueue_dma source(%dma_start3A_27 : memref<64xi32, #tpu.memory_space<hbm>>) target(%arg6 : memref<64xi32, #tpu.memory_space<vmem>>) target_semaphore(%run_scoped3A : memref<!tpu.dma_semaphore, #tpu.memory_space<semaphore_mem>>)
        %dma_wait3A_28 = tpu.memref_slice %arg3[%add3A_13] : memref<8192xi32, #tpu.memory_space<hbm>> -> memref<64xi32, #tpu.memory_space<hbm>>
        %dma_wait3A_29 = tpu.memref_slice %arg3[%add3A_13] : memref<8192xi32, #tpu.memory_space<hbm>> -> memref<64xi32, #tpu.memory_space<hbm>>
        tpu.wait_dma2 semaphore(%run_scoped3A : memref<!tpu.dma_semaphore, #tpu.memory_space<semaphore_mem>>) src(%dma_wait3A_29 : memref<64xi32, #tpu.memory_space<hbm>>) dst(%arg6 : memref<64xi32, #tpu.memory_space<vmem>>)
        tpu.yield
      }) : () -> ()
      %dma_start3A = arith.constant 0 : i32
      %dma_start3A_14 = arith.constant 0 : i32
      %dma_start3A_15 = tpu.memref_slice %arg4[%dma_start3A, %dma_start3A_14] : memref<10240x768xf32, #tpu.memory_space<hbm>> -> memref<10240x768xf32, #tpu.memory_space<hbm>>
      tpu.enqueue_indirect_dma source(%arg5 : memref<64x768xf32, #tpu.memory_space<vmem>>) target(%dma_start3A_15 : memref<10240x768xf32, #tpu.memory_space<hbm>>) offsets(%arg6 : memref<64xi32, #tpu.memory_space<vmem>>) semaphore(%arg7 : memref<!tpu.dma_semaphore, #tpu.memory_space<semaphore_mem>>)
      %dma_wait3A = arith.constant 0 : i32
      %dma_wait3A_16 = arith.constant 0 : i32
      %dma_wait3A_17 = tpu.memref_slice %arg4[%dma_wait3A, %dma_wait3A_16] : memref<10240x768xf32, #tpu.memory_space<hbm>> -> memref<10240x768xf32, #tpu.memory_space<hbm>>
      tpu.wait_indirect_dma semaphore(%arg7 : memref<!tpu.dma_semaphore, #tpu.memory_space<semaphore_mem>>) src(%arg5 : memref<64x768xf32, #tpu.memory_space<vmem>>) dst(%dma_wait3A_17 : memref<10240x768xf32, #tpu.memory_space<hbm>>)
      %add3A_18 = arith.constant 4096 : i32
      %add3A_19 = arith.addi %add3A_18, %add3A_11 : i32
      "tpu.region"() ({
        %run_scoped3A = tpu.sem_alloc : memref<!tpu.dma_semaphore, #tpu.memory_space<semaphore_mem>>
        %dma_start3A_26 = tpu.memref_slice %arg3[%add3A_19] : memref<8192xi32, #tpu.memory_space<hbm>> -> memref<64xi32, #tpu.memory_space<hbm>>
        %dma_start3A_27 = tpu.memref_slice %arg3[%add3A_19] : memref<8192xi32, #tpu.memory_space<hbm>> -> memref<64xi32, #tpu.memory_space<hbm>>
        tpu.enqueue_dma source(%dma_start3A_27 : memref<64xi32, #tpu.memory_space<hbm>>) target(%arg6 : memref<64xi32, #tpu.memory_space<vmem>>) target_semaphore(%run_scoped3A : memref<!tpu.dma_semaphore, #tpu.memory_space<semaphore_mem>>)
        %dma_wait3A_28 = tpu.memref_slice %arg3[%add3A_19] : memref<8192xi32, #tpu.memory_space<hbm>> -> memref<64xi32, #tpu.memory_space<hbm>>
        %dma_wait3A_29 = tpu.memref_slice %arg3[%add3A_19] : memref<8192xi32, #tpu.memory_space<hbm>> -> memref<64xi32, #tpu.memory_space<hbm>>
        tpu.wait_dma2 semaphore(%run_scoped3A : memref<!tpu.dma_semaphore, #tpu.memory_space<semaphore_mem>>) src(%dma_wait3A_29 : memref<64xi32, #tpu.memory_space<hbm>>) dst(%arg6 : memref<64xi32, #tpu.memory_space<vmem>>)
        tpu.yield
      }) : () -> ()
      %dma_start3A_20 = arith.constant 0 : i32
      %dma_start3A_21 = arith.constant 0 : i32
      %dma_start3A_22 = tpu.memref_slice %arg4[%dma_start3A_20, %dma_start3A_21] : memref<10240x768xf32, #tpu.memory_space<hbm>> -> memref<10240x768xf32, #tpu.memory_space<hbm>>
      tpu.enqueue_indirect_dma source(%arg5 : memref<64x768xf32, #tpu.memory_space<vmem>>) target(%dma_start3A_22 : memref<10240x768xf32, #tpu.memory_space<hbm>>) offsets(%arg6 : memref<64xi32, #tpu.memory_space<vmem>>) semaphore(%arg7 : memref<!tpu.dma_semaphore, #tpu.memory_space<semaphore_mem>>)
      %dma_wait3A_23 = arith.constant 0 : i32
      %dma_wait3A_24 = arith.constant 0 : i32
      %dma_wait3A_25 = tpu.memref_slice %arg4[%dma_wait3A_23, %dma_wait3A_24] : memref<10240x768xf32, #tpu.memory_space<hbm>> -> memref<10240x768xf32, #tpu.memory_space<hbm>>
      tpu.wait_indirect_dma semaphore(%arg7 : memref<!tpu.dma_semaphore, #tpu.memory_space<semaphore_mem>>) src(%arg5 : memref<64x768xf32, #tpu.memory_space<vmem>>) dst(%dma_wait3A_25 : memref<10240x768xf32, #tpu.memory_space<hbm>>)
    }
    %scan3A_5 = arith.constant 2 : i32
    return
  }
}

#map = affine_map<(d0, d1) -> (0, 0)>
#map1 = affine_map<(d0, d1) -> (0)>
module attributes {stable_mosaic.version = 14 : i64} {
  func.func @_sc_dispatch(%arg0: i32, %arg1: i32, %arg2: memref<4096x768xf32, #tpu.memory_space<hbm>>, %arg3: memref<8192xi32, #tpu.memory_space<hbm>>, %arg4: memref<10240x768xf32, #tpu.memory_space<hbm>>, %arg5: memref<64x768xf32, #tpu.memory_space<vmem>>, %arg6: memref<64xi32, #tpu.memory_space<vmem>>, %arg7: memref<!tpu.dma_semaphore, #tpu.memory_space<semaphore_mem>>) attributes {dimension_semantics = [#tpu.dimension_semantics<core_parallel>, #tpu.dimension_semantics<subcore_parallel>], iteration_bounds = array<i64: 2, 16>, scalar_prefetch = 0 : i64, scratch_operands = 3 : i64, tpu.core_type = #tpu.core_type<sc_vector_subcore>, window_params = [{transform_indices = #map}, {transform_indices = #map1}, {transform_indices = #map}]} {
    %mul3A = arith.constant 2 : i32
    %mul3A_0 = arith.muli %arg1, %mul3A : i32
    %add3A = arith.addi %mul3A_0, %arg0 : i32
    %scan3A = arith.constant 0 : i32
    %scan3A_1 = arith.constant 0 : i32
    %scan3A_2 = arith.constant 2 : i32
    %scan3A_3 = arith.addi %scan3A_1, %scan3A_2 : i32
    %scan3A_4 = arith.constant 1 : i32
    scf.for %scan3A_6 = %scan3A_1 to %scan3A_3 step %scan3A_4  : i32 {
      %mul3A_7 = arith.constant 128 : i32
      %mul3A_8 = arith.muli %add3A, %mul3A_7 : i32
      %mul3A_9 = arith.constant 64 : i32
      %mul3A_10 = arith.muli %scan3A_6, %mul3A_9 : i32
      %add3A_11 = arith.addi %mul3A_8, %mul3A_10 : i32
      "tpu.region"() ({
        %run_scoped3A = tpu.sem_alloc : memref<!tpu.dma_semaphore, #tpu.memory_space<semaphore_mem>>
        %dma_start3A_26 = arith.constant 0 : i32
        %dma_start3A_27 = tpu.memref_slice %arg2[%add3A_11, %dma_start3A_26] : memref<4096x768xf32, #tpu.memory_space<hbm>> -> memref<64x768xf32, #tpu.memory_space<hbm>>
        %dma_start3A_28 = arith.constant 0 : i32
        %dma_start3A_29 = tpu.memref_slice %arg2[%add3A_11, %dma_start3A_28] : memref<4096x768xf32, #tpu.memory_space<hbm>> -> memref<64x768xf32, #tpu.memory_space<hbm>>
        tpu.enqueue_dma source(%dma_start3A_29 : memref<64x768xf32, #tpu.memory_space<hbm>>) target(%arg5 : memref<64x768xf32, #tpu.memory_space<vmem>>) target_semaphore(%run_scoped3A : memref<!tpu.dma_semaphore, #tpu.memory_space<semaphore_mem>>)
        %dma_wait3A_30 = arith.constant 0 : i32
        %dma_wait3A_31 = tpu.memref_slice %arg2[%add3A_11, %dma_wait3A_30] : memref<4096x768xf32, #tpu.memory_space<hbm>> -> memref<64x768xf32, #tpu.memory_space<hbm>>
        %dma_wait3A_32 = arith.constant 0 : i32
        %dma_wait3A_33 = tpu.memref_slice %arg2[%add3A_11, %dma_wait3A_32] : memref<4096x768xf32, #tpu.memory_space<hbm>> -> memref<64x768xf32, #tpu.memory_space<hbm>>
        tpu.wait_dma2 semaphore(%run_scoped3A : memref<!tpu.dma_semaphore, #tpu.memory_space<semaphore_mem>>) src(%dma_wait3A_33 : memref<64x768xf32, #tpu.memory_space<hbm>>) dst(%arg5 : memref<64x768xf32, #tpu.memory_space<vmem>>)
        tpu.yield
      }) : () -> ()
      %add3A_12 = arith.constant 0 : i32
      %add3A_13 = arith.addi %add3A_12, %add3A_11 : i32
      "tpu.region"() ({
        %run_scoped3A = tpu.sem_alloc : memref<!tpu.dma_semaphore, #tpu.memory_space<semaphore_mem>>
        %dma_start3A_26 = tpu.memref_slice %arg3[%add3A_13] : memref<8192xi32, #tpu.memory_space<hbm>> -> memref<64xi32, #tpu.memory_space<hbm>>
        %dma_start3A_27 = tpu.memref_slice %arg3[%add3A_13] : memref<8192xi32, #tpu.memory_space<hbm>> -> memref<64xi32, #tpu.memory_space<hbm>>
        tpu.enqueue_dma source(%dma_start3A_27 : memref<64xi32, #tpu.memory_space<hbm>>) target(%arg6 : memref<64xi32, #tpu.memory_space<vmem>>) target_semaphore(%run_scoped3A : memref<!tpu.dma_semaphore, #tpu.memory_space<semaphore_mem>>)
        %dma_wait3A_28 = tpu.memref_slice %arg3[%add3A_13] : memref<8192xi32, #tpu.memory_space<hbm>> -> memref<64xi32, #tpu.memory_space<hbm>>
        %dma_wait3A_29 = tpu.memref_slice %arg3[%add3A_13] : memref<8192xi32, #tpu.memory_space<hbm>> -> memref<64xi32, #tpu.memory_space<hbm>>
        tpu.wait_dma2 semaphore(%run_scoped3A : memref<!tpu.dma_semaphore, #tpu.memory_space<semaphore_mem>>) src(%dma_wait3A_29 : memref<64xi32, #tpu.memory_space<hbm>>) dst(%arg6 : memref<64xi32, #tpu.memory_space<vmem>>)
        tpu.yield
      }) : () -> ()
      %dma_start3A = arith.constant 0 : i32
      %dma_start3A_14 = arith.constant 0 : i32
      %dma_start3A_15 = tpu.memref_slice %arg4[%dma_start3A, %dma_start3A_14] : memref<10240x768xf32, #tpu.memory_space<hbm>> -> memref<10240x768xf32, #tpu.memory_space<hbm>>
      tpu.enqueue_indirect_dma source(%arg5 : memref<64x768xf32, #tpu.memory_space<vmem>>) target(%dma_start3A_15 : memref<10240x768xf32, #tpu.memory_space<hbm>>) offsets(%arg6 : memref<64xi32, #tpu.memory_space<vmem>>) semaphore(%arg7 : memref<!tpu.dma_semaphore, #tpu.memory_space<semaphore_mem>>)
      %dma_wait3A = arith.constant 0 : i32
      %dma_wait3A_16 = arith.constant 0 : i32
      %dma_wait3A_17 = tpu.memref_slice %arg4[%dma_wait3A, %dma_wait3A_16] : memref<10240x768xf32, #tpu.memory_space<hbm>> -> memref<10240x768xf32, #tpu.memory_space<hbm>>
      tpu.wait_indirect_dma semaphore(%arg7 : memref<!tpu.dma_semaphore, #tpu.memory_space<semaphore_mem>>) src(%arg5 : memref<64x768xf32, #tpu.memory_space<vmem>>) dst(%dma_wait3A_17 : memref<10240x768xf32, #tpu.memory_space<hbm>>)
      %add3A_18 = arith.constant 4096 : i32
      %add3A_19 = arith.addi %add3A_18, %add3A_11 : i32
      "tpu.region"() ({
        %run_scoped3A = tpu.sem_alloc : memref<!tpu.dma_semaphore, #tpu.memory_space<semaphore_mem>>
        %dma_start3A_26 = tpu.memref_slice %arg3[%add3A_19] : memref<8192xi32, #tpu.memory_space<hbm>> -> memref<64xi32, #tpu.memory_space<hbm>>
        %dma_start3A_27 = tpu.memref_slice %arg3[%add3A_19] : memref<8192xi32, #tpu.memory_space<hbm>> -> memref<64xi32, #tpu.memory_space<hbm>>
        tpu.enqueue_dma source(%dma_start3A_27 : memref<64xi32, #tpu.memory_space<hbm>>) target(%arg6 : memref<64xi32, #tpu.memory_space<vmem>>) target_semaphore(%run_scoped3A : memref<!tpu.dma_semaphore, #tpu.memory_space<semaphore_mem>>)
        %dma_wait3A_28 = tpu.memref_slice %arg3[%add3A_19] : memref<8192xi32, #tpu.memory_space<hbm>> -> memref<64xi32, #tpu.memory_space<hbm>>
        %dma_wait3A_29 = tpu.memref_slice %arg3[%add3A_19] : memref<8192xi32, #tpu.memory_space<hbm>> -> memref<64xi32, #tpu.memory_space<hbm>>
        tpu.wait_dma2 semaphore(%run_scoped3A : memref<!tpu.dma_semaphore, #tpu.memory_space<semaphore_mem>>) src(%dma_wait3A_29 : memref<64xi32, #tpu.memory_space<hbm>>) dst(%arg6 : memref<64xi32, #tpu.memory_space<vmem>>)
        tpu.yield
      }) : () -> ()
      %dma_start3A_20 = arith.constant 0 : i32
      %dma_start3A_21 = arith.constant 0 : i32
      %dma_start3A_22 = tpu.memref_slice %arg4[%dma_start3A_20, %dma_start3A_21] : memref<10240x768xf32, #tpu.memory_space<hbm>> -> memref<10240x768xf32, #tpu.memory_space<hbm>>
      tpu.enqueue_indirect_dma source(%arg5 : memref<64x768xf32, #tpu.memory_space<vmem>>) target(%dma_start3A_22 : memref<10240x768xf32, #tpu.memory_space<hbm>>) offsets(%arg6 : memref<64xi32, #tpu.memory_space<vmem>>) semaphore(%arg7 : memref<!tpu.dma_semaphore, #tpu.memory_space<semaphore_mem>>)
      %dma_wait3A_23 = arith.constant 0 : i32
      %dma_wait3A_24 = arith.constant 0 : i32
      %dma_wait3A_25 = tpu.memref_slice %arg4[%dma_wait3A_23, %dma_wait3A_24] : memref<10240x768xf32, #tpu.memory_space<hbm>> -> memref<10240x768xf32, #tpu.memory_space<hbm>>
      tpu.wait_indirect_dma semaphore(%arg7 : memref<!tpu.dma_semaphore, #tpu.memory_space<semaphore_mem>>) src(%arg5 : memref<64x768xf32, #tpu.memory_space<vmem>>) dst(%dma_wait3A_25 : memref<10240x768xf32, #tpu.memory_space<hbm>>)
    }
    %scan3A_5 = arith.constant 2 : i32
    return
  }
}

#map = affine_map<(d0, d1) -> (0, 0)>
#map1 = affine_map<(d0, d1) -> (0)>
module attributes {stable_mosaic.version = 14 : i64} {
  func.func @_sc_gather2(%arg0: i32, %arg1: i32, %arg2: memref<10240x768xf32, #tpu.memory_space<hbm>>, %arg3: memref<8192xi32, #tpu.memory_space<hbm>>, %arg4: memref<4096x768xf32, #tpu.memory_space<hbm>>, %arg5: memref<4096x768xf32, #tpu.memory_space<hbm>>, %arg6: memref<32xi32, #tpu.memory_space<vmem>>, %arg7: memref<32xi32, #tpu.memory_space<vmem>>, %arg8: memref<32x768xf32, #tpu.memory_space<vmem>>, %arg9: memref<32x768xf32, #tpu.memory_space<vmem>>, %arg10: memref<!tpu.dma_semaphore, #tpu.memory_space<semaphore_mem>>) attributes {dimension_semantics = [#tpu.dimension_semantics<core_parallel>, #tpu.dimension_semantics<subcore_parallel>], iteration_bounds = array<i64: 2, 16>, scalar_prefetch = 0 : i64, scratch_operands = 5 : i64, tpu.core_type = #tpu.core_type<sc_vector_subcore>, window_params = [{transform_indices = #map}, {transform_indices = #map1}, {transform_indices = #map}, {transform_indices = #map}]} {
    %mul3A = arith.constant 2 : i32
    %mul3A_0 = arith.muli %arg1, %mul3A : i32
    %add3A = arith.addi %mul3A_0, %arg0 : i32
    %scan3A = arith.constant 0 : i32
    %scan3A_1 = arith.constant 0 : i32
    %scan3A_2 = arith.constant 4 : i32
    %scan3A_3 = arith.addi %scan3A_1, %scan3A_2 : i32
    %scan3A_4 = arith.constant 1 : i32
    scf.for %scan3A_6 = %scan3A_1 to %scan3A_3 step %scan3A_4  : i32 {
      %mul3A_7 = arith.constant 128 : i32
      %mul3A_8 = arith.muli %add3A, %mul3A_7 : i32
      %mul3A_9 = arith.constant 32 : i32
      %mul3A_10 = arith.muli %scan3A_6, %mul3A_9 : i32
      %add3A_11 = arith.addi %mul3A_8, %mul3A_10 : i32
      "tpu.region"() ({
        %run_scoped3A = tpu.sem_alloc : memref<!tpu.dma_semaphore, #tpu.memory_space<semaphore_mem>>
        %dma_start3A_24 = tpu.memref_slice %arg3[%add3A_11] : memref<8192xi32, #tpu.memory_space<hbm>> -> memref<32xi32, #tpu.memory_space<hbm>>
        %dma_start3A_25 = tpu.memref_slice %arg3[%add3A_11] : memref<8192xi32, #tpu.memory_space<hbm>> -> memref<32xi32, #tpu.memory_space<hbm>>
        tpu.enqueue_dma source(%dma_start3A_25 : memref<32xi32, #tpu.memory_space<hbm>>) target(%arg6 : memref<32xi32, #tpu.memory_space<vmem>>) target_semaphore(%run_scoped3A : memref<!tpu.dma_semaphore, #tpu.memory_space<semaphore_mem>>)
        %dma_wait3A_26 = tpu.memref_slice %arg3[%add3A_11] : memref<8192xi32, #tpu.memory_space<hbm>> -> memref<32xi32, #tpu.memory_space<hbm>>
        %dma_wait3A_27 = tpu.memref_slice %arg3[%add3A_11] : memref<8192xi32, #tpu.memory_space<hbm>> -> memref<32xi32, #tpu.memory_space<hbm>>
        tpu.wait_dma2 semaphore(%run_scoped3A : memref<!tpu.dma_semaphore, #tpu.memory_space<semaphore_mem>>) src(%dma_wait3A_27 : memref<32xi32, #tpu.memory_space<hbm>>) dst(%arg6 : memref<32xi32, #tpu.memory_space<vmem>>)
        tpu.yield
      }) : () -> ()
      %add3A_12 = arith.constant 4096 : i32
      %add3A_13 = arith.addi %add3A_12, %add3A_11 : i32
      "tpu.region"() ({
        %run_scoped3A = tpu.sem_alloc : memref<!tpu.dma_semaphore, #tpu.memory_space<semaphore_mem>>
        %dma_start3A_24 = tpu.memref_slice %arg3[%add3A_13] : memref<8192xi32, #tpu.memory_space<hbm>> -> memref<32xi32, #tpu.memory_space<hbm>>
        %dma_start3A_25 = tpu.memref_slice %arg3[%add3A_13] : memref<8192xi32, #tpu.memory_space<hbm>> -> memref<32xi32, #tpu.memory_space<hbm>>
        tpu.enqueue_dma source(%dma_start3A_25 : memref<32xi32, #tpu.memory_space<hbm>>) target(%arg7 : memref<32xi32, #tpu.memory_space<vmem>>) target_semaphore(%run_scoped3A : memref<!tpu.dma_semaphore, #tpu.memory_space<semaphore_mem>>)
        %dma_wait3A_26 = tpu.memref_slice %arg3[%add3A_13] : memref<8192xi32, #tpu.memory_space<hbm>> -> memref<32xi32, #tpu.memory_space<hbm>>
        %dma_wait3A_27 = tpu.memref_slice %arg3[%add3A_13] : memref<8192xi32, #tpu.memory_space<hbm>> -> memref<32xi32, #tpu.memory_space<hbm>>
        tpu.wait_dma2 semaphore(%run_scoped3A : memref<!tpu.dma_semaphore, #tpu.memory_space<semaphore_mem>>) src(%dma_wait3A_27 : memref<32xi32, #tpu.memory_space<hbm>>) dst(%arg7 : memref<32xi32, #tpu.memory_space<vmem>>)
        tpu.yield
      }) : () -> ()
      %dma_start3A = arith.constant 0 : i32
      %dma_start3A_14 = arith.constant 0 : i32
      %dma_start3A_15 = tpu.memref_slice %arg2[%dma_start3A, %dma_start3A_14] : memref<10240x768xf32, #tpu.memory_space<hbm>> -> memref<10240x768xf32, #tpu.memory_space<hbm>>
      tpu.enqueue_indirect_dma source(%dma_start3A_15 : memref<10240x768xf32, #tpu.memory_space<hbm>>) target(%arg8 : memref<32x768xf32, #tpu.memory_space<vmem>>) offsets(%arg6 : memref<32xi32, #tpu.memory_space<vmem>>) semaphore(%arg10 : memref<!tpu.dma_semaphore, #tpu.memory_space<semaphore_mem>>)
      %dma_wait3A = arith.constant 0 : i32
      %dma_wait3A_16 = arith.constant 0 : i32
      %dma_wait3A_17 = tpu.memref_slice %arg2[%dma_wait3A, %dma_wait3A_16] : memref<10240x768xf32, #tpu.memory_space<hbm>> -> memref<10240x768xf32, #tpu.memory_space<hbm>>
      tpu.wait_indirect_dma semaphore(%arg10 : memref<!tpu.dma_semaphore, #tpu.memory_space<semaphore_mem>>) src(%dma_wait3A_17 : memref<10240x768xf32, #tpu.memory_space<hbm>>) dst(%arg8 : memref<32x768xf32, #tpu.memory_space<vmem>>)
      %dma_start3A_18 = arith.constant 0 : i32
      %dma_start3A_19 = arith.constant 0 : i32
      %dma_start3A_20 = tpu.memref_slice %arg2[%dma_start3A_18, %dma_start3A_19] : memref<10240x768xf32, #tpu.memory_space<hbm>> -> memref<10240x768xf32, #tpu.memory_space<hbm>>
      tpu.enqueue_indirect_dma source(%dma_start3A_20 : memref<10240x768xf32, #tpu.memory_space<hbm>>) target(%arg9 : memref<32x768xf32, #tpu.memory_space<vmem>>) offsets(%arg7 : memref<32xi32, #tpu.memory_space<vmem>>) semaphore(%arg10 : memref<!tpu.dma_semaphore, #tpu.memory_space<semaphore_mem>>)
      %dma_wait3A_21 = arith.constant 0 : i32
      %dma_wait3A_22 = arith.constant 0 : i32
      %dma_wait3A_23 = tpu.memref_slice %arg2[%dma_wait3A_21, %dma_wait3A_22] : memref<10240x768xf32, #tpu.memory_space<hbm>> -> memref<10240x768xf32, #tpu.memory_space<hbm>>
      tpu.wait_indirect_dma semaphore(%arg10 : memref<!tpu.dma_semaphore, #tpu.memory_space<semaphore_mem>>) src(%dma_wait3A_23 : memref<10240x768xf32, #tpu.memory_space<hbm>>) dst(%arg9 : memref<32x768xf32, #tpu.memory_space<vmem>>)
      "tpu.region"() ({
        %run_scoped3A = tpu.sem_alloc : memref<!tpu.dma_semaphore, #tpu.memory_space<semaphore_mem>>
        %dma_start3A_24 = arith.constant 0 : i32
        %dma_start3A_25 = tpu.memref_slice %arg4[%add3A_11, %dma_start3A_24] : memref<4096x768xf32, #tpu.memory_space<hbm>> -> memref<32x768xf32, #tpu.memory_space<hbm>>
        %dma_start3A_26 = arith.constant 0 : i32
        %dma_start3A_27 = tpu.memref_slice %arg4[%add3A_11, %dma_start3A_26] : memref<4096x768xf32, #tpu.memory_space<hbm>> -> memref<32x768xf32, #tpu.memory_space<hbm>>
        tpu.enqueue_dma source(%arg8 : memref<32x768xf32, #tpu.memory_space<vmem>>) target(%dma_start3A_27 : memref<32x768xf32, #tpu.memory_space<hbm>>) target_semaphore(%run_scoped3A : memref<!tpu.dma_semaphore, #tpu.memory_space<semaphore_mem>>)
        %dma_wait3A_28 = arith.constant 0 : i32
        %dma_wait3A_29 = tpu.memref_slice %arg4[%add3A_11, %dma_wait3A_28] : memref<4096x768xf32, #tpu.memory_space<hbm>> -> memref<32x768xf32, #tpu.memory_space<hbm>>
        %dma_wait3A_30 = arith.constant 0 : i32
        %dma_wait3A_31 = tpu.memref_slice %arg4[%add3A_11, %dma_wait3A_30] : memref<4096x768xf32, #tpu.memory_space<hbm>> -> memref<32x768xf32, #tpu.memory_space<hbm>>
        tpu.wait_dma2 semaphore(%run_scoped3A : memref<!tpu.dma_semaphore, #tpu.memory_space<semaphore_mem>>) src(%arg8 : memref<32x768xf32, #tpu.memory_space<vmem>>) dst(%dma_wait3A_31 : memref<32x768xf32, #tpu.memory_space<hbm>>)
        tpu.yield
      }) : () -> ()
      "tpu.region"() ({
        %run_scoped3A = tpu.sem_alloc : memref<!tpu.dma_semaphore, #tpu.memory_space<semaphore_mem>>
        %dma_start3A_24 = arith.constant 0 : i32
        %dma_start3A_25 = tpu.memref_slice %arg5[%add3A_11, %dma_start3A_24] : memref<4096x768xf32, #tpu.memory_space<hbm>> -> memref<32x768xf32, #tpu.memory_space<hbm>>
        %dma_start3A_26 = arith.constant 0 : i32
        %dma_start3A_27 = tpu.memref_slice %arg5[%add3A_11, %dma_start3A_26] : memref<4096x768xf32, #tpu.memory_space<hbm>> -> memref<32x768xf32, #tpu.memory_space<hbm>>
        tpu.enqueue_dma source(%arg9 : memref<32x768xf32, #tpu.memory_space<vmem>>) target(%dma_start3A_27 : memref<32x768xf32, #tpu.memory_space<hbm>>) target_semaphore(%run_scoped3A : memref<!tpu.dma_semaphore, #tpu.memory_space<semaphore_mem>>)
        %dma_wait3A_28 = arith.constant 0 : i32
        %dma_wait3A_29 = tpu.memref_slice %arg5[%add3A_11, %dma_wait3A_28] : memref<4096x768xf32, #tpu.memory_space<hbm>> -> memref<32x768xf32, #tpu.memory_space<hbm>>
        %dma_wait3A_30 = arith.constant 0 : i32
        %dma_wait3A_31 = tpu.memref_slice %arg5[%add3A_11, %dma_wait3A_30] : memref<4096x768xf32, #tpu.memory_space<hbm>> -> memref<32x768xf32, #tpu.memory_space<hbm>>
        tpu.wait_dma2 semaphore(%run_scoped3A : memref<!tpu.dma_semaphore, #tpu.memory_space<semaphore_mem>>) src(%arg9 : memref<32x768xf32, #tpu.memory_space<vmem>>) dst(%dma_wait3A_31 : memref<32x768xf32, #tpu.memory_space<hbm>>)
        tpu.yield
      }) : () -> ()
    }
    %scan3A_5 = arith.constant 4 : i32
    return
  }
}

module attributes {stable_mosaic.version = 14 : i64} {
  func.func @_embed_k(%arg0: memref<4096x1xf32, #tpu.memory_space<vmem>>, %arg1: memref<1x768xf32, #tpu.memory_space<vmem>>, %arg2: memref<1x768xf32, #tpu.memory_space<vmem>>, %arg3: memref<4096x768xf32, #tpu.memory_space<vmem>>) attributes {dimension_semantics = [], scalar_prefetch = 0 : i64, scratch_operands = 0 : i64, tpu.core_type = #tpu.core_type<tc>} {
    %get3A = arith.constant 0 : index
    %get3A_0 = arith.constant 0 : index
    %get3A_1 = vector.load %arg0[%get3A, %get3A_0] : memref<4096x1xf32, #tpu.memory_space<vmem>>, vector<4096x1xf32>
    %get3A_2 = arith.constant 0 : index
    %get3A_3 = arith.constant 0 : index
    %get3A_4 = vector.load %arg1[%get3A_2, %get3A_3] : memref<1x768xf32, #tpu.memory_space<vmem>>, vector<1x768xf32>
    %mul3A = vector.broadcast %get3A_1 : vector<4096x1xf32> to vector<4096x768xf32>
    %mul3A_5 = vector.broadcast %get3A_4 : vector<1x768xf32> to vector<4096x768xf32>
    %mul3A_6 = arith.mulf %mul3A, %mul3A_5 : vector<4096x768xf32>
    %get3A_7 = arith.constant 0 : index
    %get3A_8 = arith.constant 0 : index
    %get3A_9 = vector.load %arg2[%get3A_7, %get3A_8] : memref<1x768xf32, #tpu.memory_space<vmem>>, vector<1x768xf32>
    %add3A = vector.broadcast %get3A_9 : vector<1x768xf32> to vector<4096x768xf32>
    %add3A_10 = arith.addf %mul3A_6, %add3A : vector<4096x768xf32>
    %swap3A = arith.constant 0 : index
    %swap3A_11 = arith.constant 0 : index
    %swap3A_12 = vector.load %arg3[%swap3A, %swap3A_11] : memref<4096x768xf32, #tpu.memory_space<vmem>>, vector<4096x768xf32>
    tpu.vector_store %arg3[%swap3A, %swap3A_11], %add3A_10 {strides = array<i32>} : memref<4096x768xf32, #tpu.memory_space<vmem>>, vector<4096x768xf32>,
    return
  }
}

module attributes {stable_mosaic.version = 14 : i64} {
  func.func @_qkv_k(%arg0: i32, %arg1: memref<512x768xf32, #tpu.memory_space<vmem>>, %arg2: memref<1x768xf32, #tpu.memory_space<vmem>>, %arg3: memref<1x768xf32, #tpu.memory_space<vmem>>, %arg4: memref<768x768xf32, #tpu.memory_space<vmem>>, %arg5: memref<1x768xf32, #tpu.memory_space<vmem>>, %arg6: memref<768x768xf32, #tpu.memory_space<vmem>>, %arg7: memref<1x768xf32, #tpu.memory_space<vmem>>, %arg8: memref<768x768xf32, #tpu.memory_space<vmem>>, %arg9: memref<1x768xf32, #tpu.memory_space<vmem>>, %arg10: memref<512x768xf32, #tpu.memory_space<vmem>>, %arg11: memref<512x768xf32, #tpu.memory_space<vmem>>, %arg12: memref<512x768xf32, #tpu.memory_space<vmem>>) attributes {dimension_semantics = [#tpu.dimension_semantics<arbitrary>], iteration_bounds = array<i64: 8>, scalar_prefetch = 0 : i64, scratch_operands = 0 : i64, tpu.core_type = #tpu.core_type<tc>, window_params = [{transform_indices = @transform_0, window_bounds = array<i64: 512, 768>}, {pipeline_mode = #tpu.pipeline_mode<synchronous>, transform_indices = @transform_1, window_bounds = array<i64: 1, 768>}, {pipeline_mode = #tpu.pipeline_mode<synchronous>, transform_indices = @transform_2, window_bounds = array<i64: 1, 768>}, {pipeline_mode = #tpu.pipeline_mode<synchronous>, transform_indices = @transform_3, window_bounds = array<i64: 768, 768>}, {pipeline_mode = #tpu.pipeline_mode<synchronous>, transform_indices = @transform_4, window_bounds = array<i64: 1, 768>}, {pipeline_mode = #tpu.pipeline_mode<synchronous>, transform_indices = @transform_5, window_bounds = array<i64: 768, 768>}, {pipeline_mode = #tpu.pipeline_mode<synchronous>, transform_indices = @transform_6, window_bounds = array<i64: 1, 768>}, {pipeline_mode = #tpu.pipeline_mode<synchronous>, transform_indices = @transform_7, window_bounds = array<i64: 768, 768>}, {pipeline_mode = #tpu.pipeline_mode<synchronous>, transform_indices = @transform_8, window_bounds = array<i64: 1, 768>}, {transform_indices = @transform_9, window_bounds = array<i64: 512, 768>}, {transform_indices = @transform_10, window_bounds = array<i64: 512, 768>}, {transform_indices = @transform_11, window_bounds = array<i64: 512, 768>}]} {
    %get3A = arith.constant 0 : index
    %get3A_0 = arith.constant 0 : index
    %get3A_1 = vector.load %arg1[%get3A, %get3A_0] : memref<512x768xf32, #tpu.memory_space<vmem>>, vector<512x768xf32>
    %get3A_2 = arith.constant 0 : index
    %get3A_3 = arith.constant 0 : index
    %get3A_4 = vector.load %arg2[%get3A_2, %get3A_3] : memref<1x768xf32, #tpu.memory_space<vmem>>, vector<1x768xf32>
    %get3A_5 = arith.constant 0 : index
    %get3A_6 = arith.constant 0 : index
    %get3A_7 = vector.load %arg3[%get3A_5, %get3A_6] : memref<1x768xf32, #tpu.memory_space<vmem>>, vector<1x768xf32>
    %reduce_sum3A = arith.constant dense<0.000000e+00> : vector<512xf32>
    %reduce_sum3A_8 = vector.multi_reduction <add>, %get3A_1, %reduce_sum3A [1] : vector<512x768xf32> to vector<512xf32>
    %broadcast_in_dim3A = vector.shape_cast %reduce_sum3A_8 : vector<512xf32> to vector<512x1xf32>
    %div3A = arith.constant 7.680000e+02 : f32
    %div3A_9 = vector.broadcast %div3A : f32 to vector<512x1xf32>
    %div3A_10 = arith.divf %broadcast_in_dim3A, %div3A_9 : vector<512x1xf32>
    %sub3A = vector.broadcast %div3A_10 : vector<512x1xf32> to vector<512x768xf32>
    %sub3A_11 = arith.subf %get3A_1, %sub3A : vector<512x768xf32>
    %integer_pow3A = arith.mulf %sub3A_11, %sub3A_11 : vector<512x768xf32>
    %reduce_sum3A_12 = arith.constant dense<0.000000e+00> : vector<512xf32>
    %reduce_sum3A_13 = vector.multi_reduction <add>, %integer_pow3A, %reduce_sum3A_12 [1] : vector<512x768xf32> to vector<512xf32>
    %broadcast_in_dim3A_14 = vector.shape_cast %reduce_sum3A_13 : vector<512xf32> to vector<512x1xf32>
    %div3A_15 = arith.constant 7.680000e+02 : f32
    %div3A_16 = vector.broadcast %div3A_15 : f32 to vector<512x1xf32>
    %div3A_17 = arith.divf %broadcast_in_dim3A_14, %div3A_16 : vector<512x1xf32>
    %sub3A_18 = vector.broadcast %div3A_10 : vector<512x1xf32> to vector<512x768xf32>
    %sub3A_19 = arith.subf %get3A_1, %sub3A_18 : vector<512x768xf32>
    %add3A = arith.constant 9.99999974E-6 : f32
    %add3A_20 = vector.broadcast %add3A : f32 to vector<512x1xf32>
    %add3A_21 = arith.addf %div3A_17, %add3A_20 : vector<512x1xf32>
    %sqrt3A = math.sqrt %add3A_21 : vector<512x1xf32>
    %div3A_22 = vector.broadcast %sqrt3A : vector<512x1xf32> to vector<512x768xf32>
    %div3A_23 = arith.divf %sub3A_19, %div3A_22 : vector<512x768xf32>
    %mul3A = vector.broadcast %get3A_4 : vector<1x768xf32> to vector<512x768xf32>
    %mul3A_24 = arith.mulf %div3A_23, %mul3A : vector<512x768xf32>
    %add3A_25 = vector.broadcast %get3A_7 : vector<1x768xf32> to vector<512x768xf32>
    %add3A_26 = arith.addf %mul3A_24, %add3A_25 : vector<512x768xf32>
    %get3A_27 = arith.constant 0 : index
    %get3A_28 = arith.constant 0 : index
    %get3A_29 = vector.load %arg4[%get3A_27, %get3A_28] : memref<768x768xf32, #tpu.memory_space<vmem>>, vector<768x768xf32>
    %dot_general3A = arith.constant dense<0.000000e+00> : vector<512x768xf32>
    %dot_general3A_30 = tpu.matmul %add3A_26, %get3A_29, %dot_general3A {dimension_numbers = #tpu.dot_dimension_numbers<[1], [0], [0], [1], [0, 0, 1, 1], [], []>, transpose_lhs_hint = false} : vector<512x768xf32>, vector<768x768xf32>, vector<512x768xf32> -> vector<512x768xf32>
    %get3A_31 = arith.constant 0 : index
    %get3A_32 = arith.constant 0 : index
    %get3A_33 = vector.load %arg5[%get3A_31, %get3A_32] : memref<1x768xf32, #tpu.memory_space<vmem>>, vector<1x768xf32>
    %add3A_34 = vector.broadcast %get3A_33 : vector<1x768xf32> to vector<512x768xf32>
    %add3A_35 = arith.addf %dot_general3A_30, %add3A_34 : vector<512x768xf32>
    %swap3A = arith.constant 0 : index
    %swap3A_36 = arith.constant 0 : index
    %swap3A_37 = vector.load %arg10[%swap3A, %swap3A_36] : memref<512x768xf32, #tpu.memory_space<vmem>>, vector<512x768xf32>
    tpu.vector_store %arg10[%swap3A, %swap3A_36], %add3A_35 {strides = array<i32>} : memref<512x768xf32, #tpu.memory_space<vmem>>, vector<512x768xf32>,
    %get3A_38 = arith.constant 0 : index
    %get3A_39 = arith.constant 0 : index
    %get3A_40 = vector.load %arg6[%get3A_38, %get3A_39] : memref<768x768xf32, #tpu.memory_space<vmem>>, vector<768x768xf32>
    %dot_general3A_41 = arith.constant dense<0.000000e+00> : vector<512x768xf32>
    %dot_general3A_42 = tpu.matmul %add3A_26, %get3A_40, %dot_general3A_41 {dimension_numbers = #tpu.dot_dimension_numbers<[1], [0], [0], [1], [0, 0, 1, 1], [], []>, transpose_lhs_hint = false} : vector<512x768xf32>, vector<768x768xf32>, vector<512x768xf32> -> vector<512x768xf32>
    %get3A_43 = arith.constant 0 : index
    %get3A_44 = arith.constant 0 : index
    %get3A_45 = vector.load %arg7[%get3A_43, %get3A_44] : memref<1x768xf32, #tpu.memory_space<vmem>>, vector<1x768xf32>
    %add3A_46 = vector.broadcast %get3A_45 : vector<1x768xf32> to vector<512x768xf32>
    %add3A_47 = arith.addf %dot_general3A_42, %add3A_46 : vector<512x768xf32>
    %swap3A_48 = arith.constant 0 : index
    %swap3A_49 = arith.constant 0 : index
    %swap3A_50 = vector.load %arg11[%swap3A_48, %swap3A_49] : memref<512x768xf32, #tpu.memory_space<vmem>>, vector<512x768xf32>
    tpu.vector_store %arg11[%swap3A_48, %swap3A_49], %add3A_47 {strides = array<i32>} : memref<512x768xf32, #tpu.memory_space<vmem>>, vector<512x768xf32>,
    %get3A_51 = arith.constant 0 : index
    %get3A_52 = arith.constant 0 : index
    %get3A_53 = vector.load %arg8[%get3A_51, %get3A_52] : memref<768x768xf32, #tpu.memory_space<vmem>>, vector<768x768xf32>
    %dot_general3A_54 = arith.constant dense<0.000000e+00> : vector<512x768xf32>
    %dot_general3A_55 = tpu.matmul %add3A_26, %get3A_53, %dot_general3A_54 {dimension_numbers = #tpu.dot_dimension_numbers<[1], [0], [0], [1], [0, 0, 1, 1], [], []>, transpose_lhs_hint = false} : vector<512x768xf32>, vector<768x768xf32>, vector<512x768xf32> -> vector<512x768xf32>
    %get3A_56 = arith.constant 0 : index
    %get3A_57 = arith.constant 0 : index
    %get3A_58 = vector.load %arg9[%get3A_56, %get3A_57] : memref<1x768xf32, #tpu.memory_space<vmem>>, vector<1x768xf32>
    %add3A_59 = vector.broadcast %get3A_58 : vector<1x768xf32> to vector<512x768xf32>
    %add3A_60 = arith.addf %dot_general3A_55, %add3A_59 : vector<512x768xf32>
    %swap3A_61 = arith.constant 0 : index
    %swap3A_62 = arith.constant 0 : index
    %swap3A_63 = vector.load %arg12[%swap3A_61, %swap3A_62] : memref<512x768xf32, #tpu.memory_space<vmem>>, vector<512x768xf32>
    tpu.vector_store %arg12[%swap3A_61, %swap3A_62], %add3A_60 {strides = array<i32>} : memref<512x768xf32, #tpu.memory_space<vmem>>, vector<512x768xf32>,
    return
  }
  func.func @transform_0(%arg0: i32) -> (i32, i32) {
    %c0_i32 = arith.constant 0 : i32
    %c0_i32_0 = arith.constant 0 : i32
    return %arg0, %c0_i32 : i32, i32
  }
  func.func @transform_1(%arg0: i32) -> (i32, i32) {
    %c0_i32 = arith.constant 0 : i32
    %c0_i32_0 = arith.constant 0 : i32
    %c0_i32_1 = arith.constant 0 : i32
    return %c0_i32, %c0_i32_0 : i32, i32
  }
  func.func @transform_2(%arg0: i32) -> (i32, i32) {
    %c0_i32 = arith.constant 0 : i32
    %c0_i32_0 = arith.constant 0 : i32
    %c0_i32_1 = arith.constant 0 : i32
    return %c0_i32, %c0_i32_0 : i32, i32
  }
  func.func @transform_3(%arg0: i32) -> (i32, i32) {
    %c0_i32 = arith.constant 0 : i32
    %c0_i32_0 = arith.constant 0 : i32
    %c0_i32_1 = arith.constant 0 : i32
    return %c0_i32, %c0_i32_0 : i32, i32
  }
  func.func @transform_4(%arg0: i32) -> (i32, i32) {
    %c0_i32 = arith.constant 0 : i32
    %c0_i32_0 = arith.constant 0 : i32
    %c0_i32_1 = arith.constant 0 : i32
    return %c0_i32, %c0_i32_0 : i32, i32
  }
  func.func @transform_5(%arg0: i32) -> (i32, i32) {
    %c0_i32 = arith.constant 0 : i32
    %c0_i32_0 = arith.constant 0 : i32
    %c0_i32_1 = arith.constant 0 : i32
    return %c0_i32, %c0_i32_0 : i32, i32
  }
  func.func @transform_6(%arg0: i32) -> (i32, i32) {
    %c0_i32 = arith.constant 0 : i32
    %c0_i32_0 = arith.constant 0 : i32
    %c0_i32_1 = arith.constant 0 : i32
    return %c0_i32, %c0_i32_0 : i32, i32
  }
  func.func @transform_7(%arg0: i32) -> (i32, i32) {
    %c0_i32 = arith.constant 0 : i32
    %c0_i32_0 = arith.constant 0 : i32
    %c0_i32_1 = arith.constant 0 : i32
    return %c0_i32, %c0_i32_0 : i32, i32
  }
  func.func @transform_8(%arg0: i32) -> (i32, i32) {
    %c0_i32 = arith.constant 0 : i32
    %c0_i32_0 = arith.constant 0 : i32
    %c0_i32_1 = arith.constant 0 : i32
    return %c0_i32, %c0_i32_0 : i32, i32
  }
  func.func @transform_9(%arg0: i32) -> (i32, i32) {
    %c0_i32 = arith.constant 0 : i32
    %c0_i32_0 = arith.constant 0 : i32
    return %arg0, %c0_i32 : i32, i32
  }
  func.func @transform_10(%arg0: i32) -> (i32, i32) {
    %c0_i32 = arith.constant 0 : i32
    %c0_i32_0 = arith.constant 0 : i32
    return %arg0, %c0_i32 : i32, i32
  }
  func.func @transform_11(%arg0: i32) -> (i32, i32) {
    %c0_i32 = arith.constant 0 : i32
    %c0_i32_0 = arith.constant 0 : i32
    return %arg0, %c0_i32 : i32, i32
  }
}

module attributes {stable_mosaic.version = 14 : i64} {
  func.func @_attn_k(%arg0: i32, %arg1: i32, %arg2: memref<2048x128xf32, #tpu.memory_space<vmem>>, %arg3: memref<2048x128xf32, #tpu.memory_space<vmem>>, %arg4: memref<2048x128xf32, #tpu.memory_space<vmem>>, %arg5: memref<2048x128xf32, #tpu.memory_space<vmem>>) attributes {dimension_semantics = [#tpu.dimension_semantics<arbitrary>, #tpu.dimension_semantics<arbitrary>], iteration_bounds = array<i64: 2, 6>, scalar_prefetch = 0 : i64, scratch_operands = 0 : i64, tpu.core_type = #tpu.core_type<tc>, window_params = [{transform_indices = @transform_0, window_bounds = array<i64: 2048, 128>}, {transform_indices = @transform_1, window_bounds = array<i64: 2048, 128>}, {transform_indices = @transform_2, window_bounds = array<i64: 2048, 128>}, {transform_indices = @transform_3, window_bounds = array<i64: 2048, 128>}]} {
    %get3A = arith.constant 0 : index
    %get3A_0 = arith.constant 0 : index
    %get3A_1 = vector.load %arg2[%get3A, %get3A_0] : memref<2048x128xf32, #tpu.memory_space<vmem>>, vector<2048x64xf32>
    %mul3A = arith.constant 1.250000e-01 : f32
    %mul3A_2 = vector.broadcast %mul3A : f32 to vector<2048x64xf32>
    %mul3A_3 = arith.mulf %get3A_1, %mul3A_2 : vector<2048x64xf32>
    %get3A_4 = arith.constant 0 : index
    %get3A_5 = arith.constant 0 : index
    %get3A_6 = vector.load %arg3[%get3A_4, %get3A_5] : memref<2048x128xf32, #tpu.memory_space<vmem>>, vector<2048x64xf32>
    %get3A_7 = arith.constant 0 : index
    %get3A_8 = arith.constant 0 : index
    %get3A_9 = vector.load %arg4[%get3A_7, %get3A_8] : memref<2048x128xf32, #tpu.memory_space<vmem>>, vector<2048x64xf32>
    %dot_general3A = arith.constant dense<0.000000e+00> : vector<2048x2048xf32>
    %dot_general3A_10 = tpu.matmul %mul3A_3, %get3A_6, %dot_general3A {dimension_numbers = #tpu.dot_dimension_numbers<[1], [1], [0], [0], [0, 0, 1, 0], [], []>, transpose_lhs_hint = false} : vector<2048x64xf32>, vector<2048x64xf32>, vector<2048x2048xf32> -> vector<2048x2048xf32>
    %exp3A = math.exp %dot_general3A_10 : vector<2048x2048xf32>
    %dot_general3A_11 = arith.constant dense<0.000000e+00> : vector<2048x64xf32>
    %dot_general3A_12 = tpu.matmul %exp3A, %get3A_9, %dot_general3A_11 {dimension_numbers = #tpu.dot_dimension_numbers<[1], [0], [0], [1], [0, 0, 1, 1], [], []>, transpose_lhs_hint = false} : vector<2048x2048xf32>, vector<2048x64xf32>, vector<2048x64xf32> -> vector<2048x64xf32>
    %reduce_sum3A = arith.constant dense<0.000000e+00> : vector<2048xf32>
    %reduce_sum3A_13 = vector.multi_reduction <add>, %exp3A, %reduce_sum3A [1] : vector<2048x2048xf32> to vector<2048xf32>
    %broadcast_in_dim3A = vector.shape_cast %reduce_sum3A_13 : vector<2048xf32> to vector<2048x1xf32>
    %div3A = vector.broadcast %broadcast_in_dim3A : vector<2048x1xf32> to vector<2048x64xf32>
    %div3A_14 = arith.divf %dot_general3A_12, %div3A : vector<2048x64xf32>
    %swap3A = arith.constant 0 : index
    %swap3A_15 = arith.constant 0 : index
    %swap3A_16 = vector.load %arg5[%swap3A, %swap3A_15] : memref<2048x128xf32, #tpu.memory_space<vmem>>, vector<2048x64xf32>
    tpu.vector_store %arg5[%swap3A, %swap3A_15], %div3A_14 {strides = array<i32>} : memref<2048x128xf32, #tpu.memory_space<vmem>>, vector<2048x64xf32>,
    %get3A_17 = arith.constant 0 : index
    %get3A_18 = arith.constant 64 : index
    %get3A_19 = vector.load %arg2[%get3A_17, %get3A_18] : memref<2048x128xf32, #tpu.memory_space<vmem>>, vector<2048x64xf32>
    %mul3A_20 = arith.constant 1.250000e-01 : f32
    %mul3A_21 = vector.broadcast %mul3A_20 : f32 to vector<2048x64xf32>
    %mul3A_22 = arith.mulf %get3A_19, %mul3A_21 : vector<2048x64xf32>
    %get3A_23 = arith.constant 0 : index
    %get3A_24 = arith.constant 64 : index
    %get3A_25 = vector.load %arg3[%get3A_23, %get3A_24] : memref<2048x128xf32, #tpu.memory_space<vmem>>, vector<2048x64xf32>
    %get3A_26 = arith.constant 0 : index
    %get3A_27 = arith.constant 64 : index
    %get3A_28 = vector.load %arg4[%get3A_26, %get3A_27] : memref<2048x128xf32, #tpu.memory_space<vmem>>, vector<2048x64xf32>
    %dot_general3A_29 = arith.constant dense<0.000000e+00> : vector<2048x2048xf32>
    %dot_general3A_30 = tpu.matmul %mul3A_22, %get3A_25, %dot_general3A_29 {dimension_numbers = #tpu.dot_dimension_numbers<[1], [1], [0], [0], [0, 0, 1, 0], [], []>, transpose_lhs_hint = false} : vector<2048x64xf32>, vector<2048x64xf32>, vector<2048x2048xf32> -> vector<2048x2048xf32>
    %exp3A_31 = math.exp %dot_general3A_30 : vector<2048x2048xf32>
    %dot_general3A_32 = arith.constant dense<0.000000e+00> : vector<2048x64xf32>
    %dot_general3A_33 = tpu.matmul %exp3A_31, %get3A_28, %dot_general3A_32 {dimension_numbers = #tpu.dot_dimension_numbers<[1], [0], [0], [1], [0, 0, 1, 1], [], []>, transpose_lhs_hint = false} : vector<2048x2048xf32>, vector<2048x64xf32>, vector<2048x64xf32> -> vector<2048x64xf32>
    %reduce_sum3A_34 = arith.constant dense<0.000000e+00> : vector<2048xf32>
    %reduce_sum3A_35 = vector.multi_reduction <add>, %exp3A_31, %reduce_sum3A_34 [1] : vector<2048x2048xf32> to vector<2048xf32>
    %broadcast_in_dim3A_36 = vector.shape_cast %reduce_sum3A_35 : vector<2048xf32> to vector<2048x1xf32>
    %div3A_37 = vector.broadcast %broadcast_in_dim3A_36 : vector<2048x1xf32> to vector<2048x64xf32>
    %div3A_38 = arith.divf %dot_general3A_33, %div3A_37 : vector<2048x64xf32>
    %swap3A_39 = arith.constant 0 : index
    %swap3A_40 = arith.constant 64 : index
    %swap3A_41 = vector.load %arg5[%swap3A_39, %swap3A_40] : memref<2048x128xf32, #tpu.memory_space<vmem>>, vector<2048x64xf32>
    tpu.vector_store %arg5[%swap3A_39, %swap3A_40], %div3A_38 {strides = array<i32>} : memref<2048x128xf32, #tpu.memory_space<vmem>>, vector<2048x64xf32>,
    return
  }
  func.func @transform_0(%arg0: i32, %arg1: i32) -> (i32, i32) {
    %c0_i32 = arith.constant 0 : i32
    return %arg0, %arg1 : i32, i32
  }
  func.func @transform_1(%arg0: i32, %arg1: i32) -> (i32, i32) {
    %c0_i32 = arith.constant 0 : i32
    return %arg0, %arg1 : i32, i32
  }
  func.func @transform_2(%arg0: i32, %arg1: i32) -> (i32, i32) {
    %c0_i32 = arith.constant 0 : i32
    return %arg0, %arg1 : i32, i32
  }
  func.func @transform_3(%arg0: i32, %arg1: i32) -> (i32, i32) {
    %c0_i32 = arith.constant 0 : i32
    return %arg0, %arg1 : i32, i32
  }
}

module attributes {stable_mosaic.version = 14 : i64} {
  func.func @_oproj_k(%arg0: i32, %arg1: memref<512x768xf32, #tpu.memory_space<vmem>>, %arg2: memref<512x768xf32, #tpu.memory_space<vmem>>, %arg3: memref<768x768xf32, #tpu.memory_space<vmem>>, %arg4: memref<1x768xf32, #tpu.memory_space<vmem>>, %arg5: memref<512x768xf32, #tpu.memory_space<vmem>>) attributes {dimension_semantics = [#tpu.dimension_semantics<arbitrary>], iteration_bounds = array<i64: 8>, scalar_prefetch = 0 : i64, scratch_operands = 0 : i64, tpu.core_type = #tpu.core_type<tc>, window_params = [{transform_indices = @transform_0, window_bounds = array<i64: 512, 768>}, {transform_indices = @transform_1, window_bounds = array<i64: 512, 768>}, {pipeline_mode = #tpu.pipeline_mode<synchronous>, transform_indices = @transform_2, window_bounds = array<i64: 768, 768>}, {pipeline_mode = #tpu.pipeline_mode<synchronous>, transform_indices = @transform_3, window_bounds = array<i64: 1, 768>}, {transform_indices = @transform_4, window_bounds = array<i64: 512, 768>}]} {
    %get3A = arith.constant 0 : index
    %get3A_0 = arith.constant 0 : index
    %get3A_1 = vector.load %arg1[%get3A, %get3A_0] : memref<512x768xf32, #tpu.memory_space<vmem>>, vector<512x768xf32>
    %get3A_2 = arith.constant 0 : index
    %get3A_3 = arith.constant 0 : index
    %get3A_4 = vector.load %arg2[%get3A_2, %get3A_3] : memref<512x768xf32, #tpu.memory_space<vmem>>, vector<512x768xf32>
    %get3A_5 = arith.constant 0 : index
    %get3A_6 = arith.constant 0 : index
    %get3A_7 = vector.load %arg3[%get3A_5, %get3A_6] : memref<768x768xf32, #tpu.memory_space<vmem>>, vector<768x768xf32>
    %dot_general3A = arith.constant dense<0.000000e+00> : vector<512x768xf32>
    %dot_general3A_8 = tpu.matmul %get3A_4, %get3A_7, %dot_general3A {dimension_numbers = #tpu.dot_dimension_numbers<[1], [0], [0], [1], [0, 0, 1, 1], [], []>, transpose_lhs_hint = false} : vector<512x768xf32>, vector<768x768xf32>, vector<512x768xf32> -> vector<512x768xf32>
    %add3A = arith.addf %get3A_1, %dot_general3A_8 : vector<512x768xf32>
    %get3A_9 = arith.constant 0 : index
    %get3A_10 = arith.constant 0 : index
    %get3A_11 = vector.load %arg4[%get3A_9, %get3A_10] : memref<1x768xf32, #tpu.memory_space<vmem>>, vector<1x768xf32>
    %add3A_12 = vector.broadcast %get3A_11 : vector<1x768xf32> to vector<512x768xf32>
    %add3A_13 = arith.addf %add3A, %add3A_12 : vector<512x768xf32>
    %swap3A = arith.constant 0 : index
    %swap3A_14 = arith.constant 0 : index
    %swap3A_15 = vector.load %arg5[%swap3A, %swap3A_14] : memref<512x768xf32, #tpu.memory_space<vmem>>, vector<512x768xf32>
    tpu.vector_store %arg5[%swap3A, %swap3A_14], %add3A_13 {strides = array<i32>} : memref<512x768xf32, #tpu.memory_space<vmem>>, vector<512x768xf32>,
    return
  }
  func.func @transform_0(%arg0: i32) -> (i32, i32) {
    %c0_i32 = arith.constant 0 : i32
    %c0_i32_0 = arith.constant 0 : i32
    return %arg0, %c0_i32 : i32, i32
  }
  func.func @transform_1(%arg0: i32) -> (i32, i32) {
    %c0_i32 = arith.constant 0 : i32
    %c0_i32_0 = arith.constant 0 : i32
    return %arg0, %c0_i32 : i32, i32
  }
  func.func @transform_2(%arg0: i32) -> (i32, i32) {
    %c0_i32 = arith.constant 0 : i32
    %c0_i32_0 = arith.constant 0 : i32
    %c0_i32_1 = arith.constant 0 : i32
    return %c0_i32, %c0_i32_0 : i32, i32
  }
  func.func @transform_3(%arg0: i32) -> (i32, i32) {
    %c0_i32 = arith.constant 0 : i32
    %c0_i32_0 = arith.constant 0 : i32
    %c0_i32_1 = arith.constant 0 : i32
    return %c0_i32, %c0_i32_0 : i32, i32
  }
  func.func @transform_4(%arg0: i32) -> (i32, i32) {
    %c0_i32 = arith.constant 0 : i32
    %c0_i32_0 = arith.constant 0 : i32
    return %arg0, %c0_i32 : i32, i32
  }
}

module attributes {stable_mosaic.version = 14 : i64} {
  func.func @_route_k(%arg0: i32, %arg1: memref<512x768xf32, #tpu.memory_space<vmem>>, %arg2: memref<1x768xf32, #tpu.memory_space<vmem>>, %arg3: memref<1x768xf32, #tpu.memory_space<vmem>>, %arg4: memref<768x8xf32, #tpu.memory_space<vmem>>, %arg5: memref<1x8xf32, #tpu.memory_space<vmem>>, %arg6: memref<512x768xf32, #tpu.memory_space<vmem>>, %arg7: memref<512x2xi32, #tpu.memory_space<vmem>>, %arg8: memref<512x2xf32, #tpu.memory_space<vmem>>, %arg9: memref<1x8xf32, #tpu.memory_space<vmem>>, %arg10: memref<1x8xf32, #tpu.memory_space<vmem>>, %arg11: memref<1x1xf32, #tpu.memory_space<vmem>>) attributes {dimension_semantics = [#tpu.dimension_semantics<arbitrary>], iteration_bounds = array<i64: 8>, scalar_prefetch = 0 : i64, scratch_operands = 0 : i64, tpu.core_type = #tpu.core_type<tc>, window_params = [{transform_indices = @transform_0, window_bounds = array<i64: 512, 768>}, {pipeline_mode = #tpu.pipeline_mode<synchronous>, transform_indices = @transform_1, window_bounds = array<i64: 1, 768>}, {pipeline_mode = #tpu.pipeline_mode<synchronous>, transform_indices = @transform_2, window_bounds = array<i64: 1, 768>}, {pipeline_mode = #tpu.pipeline_mode<synchronous>, transform_indices = @transform_3, window_bounds = array<i64: 768, 8>}, {pipeline_mode = #tpu.pipeline_mode<synchronous>, transform_indices = @transform_4, window_bounds = array<i64: 1, 8>}, {transform_indices = @transform_5, window_bounds = array<i64: 512, 768>}, {transform_indices = @transform_6, window_bounds = array<i64: 512, 2>}, {transform_indices = @transform_7, window_bounds = array<i64: 512, 2>}, {pipeline_mode = #tpu.pipeline_mode<synchronous>, transform_indices = @transform_8, window_bounds = array<i64: 1, 8>}, {pipeline_mode = #tpu.pipeline_mode<synchronous>, transform_indices = @transform_9, window_bounds = array<i64: 1, 8>}, {pipeline_mode = #tpu.pipeline_mode<synchronous>, transform_indices = @transform_10, window_bounds = array<i64: 1, 1>}]} {
    %get3A = arith.constant 0 : index
    %get3A_0 = arith.constant 0 : index
    %get3A_1 = vector.load %arg1[%get3A, %get3A_0] : memref<512x768xf32, #tpu.memory_space<vmem>>, vector<512x768xf32>
    %get3A_2 = arith.constant 0 : index
    %get3A_3 = arith.constant 0 : index
    %get3A_4 = vector.load %arg2[%get3A_2, %get3A_3] : memref<1x768xf32, #tpu.memory_space<vmem>>, vector<1x768xf32>
    %get3A_5 = arith.constant 0 : index
    %get3A_6 = arith.constant 0 : index
    %get3A_7 = vector.load %arg3[%get3A_5, %get3A_6] : memref<1x768xf32, #tpu.memory_space<vmem>>, vector<1x768xf32>
    %reduce_sum3A = arith.constant dense<0.000000e+00> : vector<512xf32>
    %reduce_sum3A_8 = vector.multi_reduction <add>, %get3A_1, %reduce_sum3A [1] : vector<512x768xf32> to vector<512xf32>
    %broadcast_in_dim3A = vector.shape_cast %reduce_sum3A_8 : vector<512xf32> to vector<512x1xf32>
    %div3A = arith.constant 7.680000e+02 : f32
    %div3A_9 = vector.broadcast %div3A : f32 to vector<512x1xf32>
    %div3A_10 = arith.divf %broadcast_in_dim3A, %div3A_9 : vector<512x1xf32>
    %sub3A = vector.broadcast %div3A_10 : vector<512x1xf32> to vector<512x768xf32>
    %sub3A_11 = arith.subf %get3A_1, %sub3A : vector<512x768xf32>
    %integer_pow3A = arith.mulf %sub3A_11, %sub3A_11 : vector<512x768xf32>
    %reduce_sum3A_12 = arith.constant dense<0.000000e+00> : vector<512xf32>
    %reduce_sum3A_13 = vector.multi_reduction <add>, %integer_pow3A, %reduce_sum3A_12 [1] : vector<512x768xf32> to vector<512xf32>
    %broadcast_in_dim3A_14 = vector.shape_cast %reduce_sum3A_13 : vector<512xf32> to vector<512x1xf32>
    %div3A_15 = arith.constant 7.680000e+02 : f32
    %div3A_16 = vector.broadcast %div3A_15 : f32 to vector<512x1xf32>
    %div3A_17 = arith.divf %broadcast_in_dim3A_14, %div3A_16 : vector<512x1xf32>
    %sub3A_18 = vector.broadcast %div3A_10 : vector<512x1xf32> to vector<512x768xf32>
    %sub3A_19 = arith.subf %get3A_1, %sub3A_18 : vector<512x768xf32>
    %add3A = arith.constant 9.99999974E-6 : f32
    %add3A_20 = vector.broadcast %add3A : f32 to vector<512x1xf32>
    %add3A_21 = arith.addf %div3A_17, %add3A_20 : vector<512x1xf32>
    %sqrt3A = math.sqrt %add3A_21 : vector<512x1xf32>
    %div3A_22 = vector.broadcast %sqrt3A : vector<512x1xf32> to vector<512x768xf32>
    %div3A_23 = arith.divf %sub3A_19, %div3A_22 : vector<512x768xf32>
    %mul3A = vector.broadcast %get3A_4 : vector<1x768xf32> to vector<512x768xf32>
    %mul3A_24 = arith.mulf %div3A_23, %mul3A : vector<512x768xf32>
    %add3A_25 = vector.broadcast %get3A_7 : vector<1x768xf32> to vector<512x768xf32>
    %add3A_26 = arith.addf %mul3A_24, %add3A_25 : vector<512x768xf32>
    %swap3A = arith.constant 0 : index
    %swap3A_27 = arith.constant 0 : index
    %swap3A_28 = vector.load %arg6[%swap3A, %swap3A_27] : memref<512x768xf32, #tpu.memory_space<vmem>>, vector<512x768xf32>
    tpu.vector_store %arg6[%swap3A, %swap3A_27], %add3A_26 {strides = array<i32>} : memref<512x768xf32, #tpu.memory_space<vmem>>, vector<512x768xf32>,
    %get3A_29 = arith.constant 0 : index
    %get3A_30 = arith.constant 0 : index
    %get3A_31 = vector.load %arg4[%get3A_29, %get3A_30] : memref<768x8xf32, #tpu.memory_space<vmem>>, vector<768x8xf32>
    %dot_general3A = arith.constant dense<0.000000e+00> : vector<512x8xf32>
    %dot_general3A_32 = tpu.matmul %add3A_26, %get3A_31, %dot_general3A {dimension_numbers = #tpu.dot_dimension_numbers<[1], [0], [0], [1], [0, 0, 1, 1], [], []>, transpose_lhs_hint = false} : vector<512x768xf32>, vector<768x8xf32>, vector<512x8xf32> -> vector<512x8xf32>
    %get3A_33 = arith.constant 0 : index
    %get3A_34 = arith.constant 0 : index
    %get3A_35 = vector.load %arg5[%get3A_33, %get3A_34] : memref<1x8xf32, #tpu.memory_space<vmem>>, vector<1x8xf32>
    %add3A_36 = vector.broadcast %get3A_35 : vector<1x8xf32> to vector<512x8xf32>
    %add3A_37 = arith.addf %dot_general3A_32, %add3A_36 : vector<512x8xf32>
    %reduce_max3A = arith.constant dense<0xFF800000> : vector<512xf32>
    %reduce_max3A_38 = vector.multi_reduction <maximumf>, %add3A_37, %reduce_max3A [1] : vector<512x8xf32> to vector<512xf32>
    %broadcast_in_dim3A_39 = vector.shape_cast %reduce_max3A_38 : vector<512xf32> to vector<512x1xf32>
    %sub3A_40 = vector.broadcast %broadcast_in_dim3A_39 : vector<512x1xf32> to vector<512x8xf32>
    %sub3A_41 = arith.subf %add3A_37, %sub3A_40 : vector<512x8xf32>
    %exp3A = math.exp %sub3A_41 : vector<512x8xf32>
    %reduce_sum3A_42 = arith.constant dense<0.000000e+00> : vector<512xf32>
    %reduce_sum3A_43 = vector.multi_reduction <add>, %exp3A, %reduce_sum3A_42 [1] : vector<512x8xf32> to vector<512xf32>
    %broadcast_in_dim3A_44 = vector.shape_cast %reduce_sum3A_43 : vector<512xf32> to vector<512x1xf32>
    %div3A_45 = vector.broadcast %broadcast_in_dim3A_44 : vector<512x1xf32> to vector<512x8xf32>
    %div3A_46 = arith.divf %exp3A, %div3A_45 : vector<512x8xf32>
    %iota3A = tpu.iota {dimensions = array<i32: 1>} : vector<512x8xi32>
    %reduce_max3A_47 = arith.constant dense<0xFF800000> : vector<512xf32>
    %reduce_max3A_48 = vector.multi_reduction <maximumf>, %div3A_46, %reduce_max3A_47 [1] : vector<512x8xf32> to vector<512xf32>
    %broadcast_in_dim3A_49 = vector.shape_cast %reduce_max3A_48 : vector<512xf32> to vector<512x1xf32>
    %eq3A = vector.broadcast %broadcast_in_dim3A_49 : vector<512x1xf32> to vector<512x8xf32>
    %eq3A_50 = arith.cmpf oeq, %div3A_46, %eq3A : vector<512x8xf32>
    %jit3A = arith.constant 8 : i32
    %broadcast_in_dim3A_51 = vector.broadcast %jit3A : i32 to vector<512x8xi32>
    %select_n3A = arith.select %eq3A_50, %iota3A, %broadcast_in_dim3A_51 : vector<512x8xi1>, vector<512x8xi32>
    %reduce_min3A = arith.constant dense<2147483647> : vector<512xi32>
    %reduce_min3A_52 = vector.multi_reduction <minsi>, %select_n3A, %reduce_min3A [1] : vector<512x8xi32> to vector<512xi32>
    %broadcast_in_dim3A_53 = vector.shape_cast %reduce_min3A_52 : vector<512xi32> to vector<512x1xi32>
    %eq3A_54 = vector.broadcast %broadcast_in_dim3A_53 : vector<512x1xi32> to vector<512x8xi32>
    %eq3A_55 = arith.cmpi eq, %iota3A, %eq3A_54 : vector<512x8xi32>
    %jit3A_56 = arith.constant -1.000000e+00 : f32
    %broadcast_in_dim3A_57 = vector.broadcast %jit3A_56 : f32 to vector<512x8xf32>
    %select_n3A_58 = arith.select %eq3A_55, %broadcast_in_dim3A_57, %div3A_46 : vector<512x8xi1>, vector<512x8xf32>
    %reduce_max3A_59 = arith.constant dense<0xFF800000> : vector<512xf32>
    %reduce_max3A_60 = vector.multi_reduction <maximumf>, %select_n3A_58, %reduce_max3A_59 [1] : vector<512x8xf32> to vector<512xf32>
    %broadcast_in_dim3A_61 = vector.shape_cast %reduce_max3A_60 : vector<512xf32> to vector<512x1xf32>
    %eq3A_62 = vector.broadcast %broadcast_in_dim3A_61 : vector<512x1xf32> to vector<512x8xf32>
    %eq3A_63 = arith.cmpf oeq, %select_n3A_58, %eq3A_62 : vector<512x8xf32>
    %jit3A_64 = arith.constant 8 : i32
    %broadcast_in_dim3A_65 = vector.broadcast %jit3A_64 : i32 to vector<512x8xi32>
    %select_n3A_66 = arith.select %eq3A_63, %iota3A, %broadcast_in_dim3A_65 : vector<512x8xi1>, vector<512x8xi32>
    %reduce_min3A_67 = arith.constant dense<2147483647> : vector<512xi32>
    %reduce_min3A_68 = vector.multi_reduction <minsi>, %select_n3A_66, %reduce_min3A_67 [1] : vector<512x8xi32> to vector<512xi32>
    %broadcast_in_dim3A_69 = vector.shape_cast %reduce_min3A_68 : vector<512xi32> to vector<512x1xi32>
    %add3A_70 = arith.addf %broadcast_in_dim3A_49, %broadcast_in_dim3A_61 : vector<512x1xf32>
    %concatenate3A = tpu.concatenate %broadcast_in_dim3A_53, %broadcast_in_dim3A_69 in 1 : vector<512x1xi32>, vector<512x1xi32> -> vector<512x2xi32>
    %swap3A_71 = arith.constant 0 : index
    %swap3A_72 = arith.constant 0 : index
    %swap3A_73 = vector.load %arg7[%swap3A_71, %swap3A_72] : memref<512x2xi32, #tpu.memory_space<vmem>>, vector<512x2xi32>
    tpu.vector_store %arg7[%swap3A_71, %swap3A_72], %concatenate3A {strides = array<i32>} : memref<512x2xi32, #tpu.memory_space<vmem>>, vector<512x2xi32>,
    %div3A_74 = arith.divf %broadcast_in_dim3A_49, %add3A_70 : vector<512x1xf32>
    %div3A_75 = arith.divf %broadcast_in_dim3A_61, %add3A_70 : vector<512x1xf32>
    %concatenate3A_76 = tpu.concatenate %div3A_74, %div3A_75 in 1 : vector<512x1xf32>, vector<512x1xf32> -> vector<512x2xf32>
    %swap3A_77 = arith.constant 0 : index
    %swap3A_78 = arith.constant 0 : index
    %swap3A_79 = vector.load %arg8[%swap3A_77, %swap3A_78] : memref<512x2xf32, #tpu.memory_space<vmem>>, vector<512x2xf32>
    tpu.vector_store %arg8[%swap3A_77, %swap3A_78], %concatenate3A_76 {strides = array<i32>} : memref<512x2xf32, #tpu.memory_space<vmem>>, vector<512x2xf32>,
    %reduce_sum3A_80 = arith.constant dense<0.000000e+00> : vector<8xf32>
    %reduce_sum3A_81 = vector.multi_reduction <add>, %div3A_46, %reduce_sum3A_80 [0] : vector<512x8xf32> to vector<8xf32>
    %broadcast_in_dim3A_82 = vector.shape_cast %reduce_sum3A_81 : vector<8xf32> to vector<1x8xf32>
    %eq3A_83 = vector.broadcast %broadcast_in_dim3A_53 : vector<512x1xi32> to vector<512x8xi32>
    %eq3A_84 = arith.cmpi eq, %iota3A, %eq3A_83 : vector<512x8xi32>
    %jit3A_85 = arith.constant 1.000000e+00 : f32
    %jit3A_86 = arith.constant 0.000000e+00 : f32
    %broadcast_in_dim3A_87 = vector.broadcast %jit3A_85 : f32 to vector<512x8xf32>
    %broadcast_in_dim3A_88 = vector.broadcast %jit3A_86 : f32 to vector<512x8xf32>
    %select_n3A_89 = arith.select %eq3A_84, %broadcast_in_dim3A_87, %broadcast_in_dim3A_88 : vector<512x8xi1>, vector<512x8xf32>
    %reduce_sum3A_90 = arith.constant dense<0.000000e+00> : vector<8xf32>
    %reduce_sum3A_91 = vector.multi_reduction <add>, %select_n3A_89, %reduce_sum3A_90 [0] : vector<512x8xf32> to vector<8xf32>
    %broadcast_in_dim3A_92 = vector.shape_cast %reduce_sum3A_91 : vector<8xf32> to vector<1x8xf32>
    %eq3A_93 = vector.broadcast %broadcast_in_dim3A_69 : vector<512x1xi32> to vector<512x8xi32>
    %eq3A_94 = arith.cmpi eq, %iota3A, %eq3A_93 : vector<512x8xi32>
    %jit3A_95 = arith.constant 1.000000e+00 : f32
    %jit3A_96 = arith.constant 0.000000e+00 : f32
    %broadcast_in_dim3A_97 = vector.broadcast %jit3A_95 : f32 to vector<512x8xf32>
    %broadcast_in_dim3A_98 = vector.broadcast %jit3A_96 : f32 to vector<512x8xf32>
    %select_n3A_99 = arith.select %eq3A_94, %broadcast_in_dim3A_97, %broadcast_in_dim3A_98 : vector<512x8xi1>, vector<512x8xf32>
    %reduce_sum3A_100 = arith.constant dense<0.000000e+00> : vector<8xf32>
    %reduce_sum3A_101 = vector.multi_reduction <add>, %select_n3A_99, %reduce_sum3A_100 [0] : vector<512x8xf32> to vector<8xf32>
    %broadcast_in_dim3A_102 = vector.shape_cast %reduce_sum3A_101 : vector<8xf32> to vector<1x8xf32>
    %add3A_103 = arith.addf %broadcast_in_dim3A_92, %broadcast_in_dim3A_102 : vector<1x8xf32>
    %eq3A_104 = arith.constant 0 : i32
    %eq3A_105 = arith.cmpi eq, %arg0, %eq3A_104 : i32
    %convert_element_type3A = arith.extui %eq3A_105 : i1 to i32
    %cond3A = arith.constant 0 : i32
    %cond3A_106 = arith.cmpi ne, %convert_element_type3A, %cond3A : i32
    scf.if %cond3A_106 {
      %broadcast_in_dim3A_126 = arith.constant 0.000000e+00 : f32
      %broadcast_in_dim3A_127 = vector.broadcast %broadcast_in_dim3A_126 : f32 to vector<1x8xf32>
      %swap3A_128 = arith.constant 0 : index
      %swap3A_129 = arith.constant 0 : index
      %swap3A_130 = vector.load %arg9[%swap3A_128, %swap3A_129] : memref<1x8xf32, #tpu.memory_space<vmem>>, vector<1x8xf32>
      tpu.vector_store %arg9[%swap3A_128, %swap3A_129], %broadcast_in_dim3A_127 {strides = array<i32>} : memref<1x8xf32, #tpu.memory_space<vmem>>, vector<1x8xf32>,
      %broadcast_in_dim3A_131 = arith.constant 0.000000e+00 : f32
      %broadcast_in_dim3A_132 = vector.broadcast %broadcast_in_dim3A_131 : f32 to vector<1x8xf32>
      %swap3A_133 = arith.constant 0 : index
      %swap3A_134 = arith.constant 0 : index
      %swap3A_135 = vector.load %arg10[%swap3A_133, %swap3A_134] : memref<1x8xf32, #tpu.memory_space<vmem>>, vector<1x8xf32>
      tpu.vector_store %arg10[%swap3A_133, %swap3A_134], %broadcast_in_dim3A_132 {strides = array<i32>} : memref<1x8xf32, #tpu.memory_space<vmem>>, vector<1x8xf32>,
    } else {
    }
    %get3A_107 = arith.constant 0 : index
    %get3A_108 = arith.constant 0 : index
    %get3A_109 = vector.load %arg9[%get3A_107, %get3A_108] : memref<1x8xf32, #tpu.memory_space<vmem>>, vector<1x8xf32>
    %add3A_110 = arith.addf %get3A_109, %broadcast_in_dim3A_82 : vector<1x8xf32>
    %swap3A_111 = arith.constant 0 : index
    %swap3A_112 = arith.constant 0 : index
    %swap3A_113 = vector.load %arg9[%swap3A_111, %swap3A_112] : memref<1x8xf32, #tpu.memory_space<vmem>>, vector<1x8xf32>
    tpu.vector_store %arg9[%swap3A_111, %swap3A_112], %add3A_110 {strides = array<i32>} : memref<1x8xf32, #tpu.memory_space<vmem>>, vector<1x8xf32>,
    %get3A_114 = arith.constant 0 : index
    %get3A_115 = arith.constant 0 : index
    %get3A_116 = vector.load %arg10[%get3A_114, %get3A_115] : memref<1x8xf32, #tpu.memory_space<vmem>>, vector<1x8xf32>
    %add3A_117 = arith.addf %get3A_116, %add3A_103 : vector<1x8xf32>
    %swap3A_118 = arith.constant 0 : index
    %swap3A_119 = arith.constant 0 : index
    %swap3A_120 = vector.load %arg10[%swap3A_118, %swap3A_119] : memref<1x8xf32, #tpu.memory_space<vmem>>, vector<1x8xf32>
    tpu.vector_store %arg10[%swap3A_118, %swap3A_119], %add3A_117 {strides = array<i32>} : memref<1x8xf32, #tpu.memory_space<vmem>>, vector<1x8xf32>,
    %eq3A_121 = arith.constant 7 : i32
    %eq3A_122 = arith.cmpi eq, %arg0, %eq3A_121 : i32
    %convert_element_type3A_123 = arith.extui %eq3A_122 : i1 to i32
    %cond3A_124 = arith.constant 0 : i32
    %cond3A_125 = arith.cmpi ne, %convert_element_type3A_123, %cond3A_124 : i32
    scf.if %cond3A_125 {
      %get3A_126 = arith.constant 0 : index
      %get3A_127 = arith.constant 0 : index
      %get3A_128 = vector.load %arg9[%get3A_126, %get3A_127] : memref<1x8xf32, #tpu.memory_space<vmem>>, vector<1x8xf32>
      %get3A_129 = arith.constant 0 : index
      %get3A_130 = arith.constant 0 : index
      %get3A_131 = vector.load %arg10[%get3A_129, %get3A_130] : memref<1x8xf32, #tpu.memory_space<vmem>>, vector<1x8xf32>
      %mul3A_132 = arith.mulf %get3A_128, %get3A_131 : vector<1x8xf32>
      %reduce_sum3A_133 = vector.shape_cast %mul3A_132 : vector<1x8xf32> to vector<1x1x8xf32>
      %reduce_sum3A_134 = arith.constant dense<0.000000e+00> : vector<1xf32>
      %reduce_sum3A_135 = vector.multi_reduction <add>, %reduce_sum3A_133, %reduce_sum3A_134 [1, 2] : vector<1x1x8xf32> to vector<1xf32>
      %reduce_sum3A_136 = vector.shape_cast %reduce_sum3A_135 : vector<1xf32> to vector<1x1x1xf32>
      %reduce_sum3A_137 = vector.extract %reduce_sum3A_136[0, 0, 0] : f32 from vector<1x1x1xf32>
      %broadcast_in_dim3A_138 = vector.broadcast %reduce_sum3A_137 : f32 to vector<1x1xf32>
      %mul3A_139 = arith.constant 4.76837158E-7 : f32
      %mul3A_140 = vector.broadcast %mul3A_139 : f32 to vector<1x1xf32>
      %mul3A_141 = arith.mulf %mul3A_140, %broadcast_in_dim3A_138 : vector<1x1xf32>
      %swap3A_142 = arith.constant 0 : index
      %swap3A_143 = arith.constant 0 : index
      %swap3A_144 = vector.load %arg11[%swap3A_142, %swap3A_143] : memref<1x1xf32, #tpu.memory_space<vmem>>, vector<1x1xf32>
      tpu.vector_store %arg11[%swap3A_142, %swap3A_143], %mul3A_141 {strides = array<i32>} : memref<1x1xf32, #tpu.memory_space<vmem>>, vector<1x1xf32>,
    } else {
    }
    return
  }
  func.func @transform_0(%arg0: i32) -> (i32, i32) {
    %c0_i32 = arith.constant 0 : i32
    %c0_i32_0 = arith.constant 0 : i32
    return %arg0, %c0_i32 : i32, i32
  }
  func.func @transform_1(%arg0: i32) -> (i32, i32) {
    %c0_i32 = arith.constant 0 : i32
    %c0_i32_0 = arith.constant 0 : i32
    %c0_i32_1 = arith.constant 0 : i32
    return %c0_i32, %c0_i32_0 : i32, i32
  }
  func.func @transform_2(%arg0: i32) -> (i32, i32) {
    %c0_i32 = arith.constant 0 : i32
    %c0_i32_0 = arith.constant 0 : i32
    %c0_i32_1 = arith.constant 0 : i32
    return %c0_i32, %c0_i32_0 : i32, i32
  }
  func.func @transform_3(%arg0: i32) -> (i32, i32) {
    %c0_i32 = arith.constant 0 : i32
    %c0_i32_0 = arith.constant 0 : i32
    %c0_i32_1 = arith.constant 0 : i32
    return %c0_i32, %c0_i32_0 : i32, i32
  }
  func.func @transform_4(%arg0: i32) -> (i32, i32) {
    %c0_i32 = arith.constant 0 : i32
    %c0_i32_0 = arith.constant 0 : i32
    %c0_i32_1 = arith.constant 0 : i32
    return %c0_i32, %c0_i32_0 : i32, i32
  }
  func.func @transform_5(%arg0: i32) -> (i32, i32) {
    %c0_i32 = arith.constant 0 : i32
    %c0_i32_0 = arith.constant 0 : i32
    return %arg0, %c0_i32 : i32, i32
  }
  func.func @transform_6(%arg0: i32) -> (i32, i32) {
    %c0_i32 = arith.constant 0 : i32
    %c0_i32_0 = arith.constant 0 : i32
    return %arg0, %c0_i32 : i32, i32
  }
  func.func @transform_7(%arg0: i32) -> (i32, i32) {
    %c0_i32 = arith.constant 0 : i32
    %c0_i32_0 = arith.constant 0 : i32
    return %arg0, %c0_i32 : i32, i32
  }
  func.func @transform_8(%arg0: i32) -> (i32, i32) {
    %c0_i32 = arith.constant 0 : i32
    %c0_i32_0 = arith.constant 0 : i32
    %c0_i32_1 = arith.constant 0 : i32
    return %c0_i32, %c0_i32_0 : i32, i32
  }
  func.func @transform_9(%arg0: i32) -> (i32, i32) {
    %c0_i32 = arith.constant 0 : i32
    %c0_i32_0 = arith.constant 0 : i32
    %c0_i32_1 = arith.constant 0 : i32
    return %c0_i32, %c0_i32_0 : i32, i32
  }
  func.func @transform_10(%arg0: i32) -> (i32, i32) {
    %c0_i32 = arith.constant 0 : i32
    %c0_i32_0 = arith.constant 0 : i32
    %c0_i32_1 = arith.constant 0 : i32
    return %c0_i32, %c0_i32_0 : i32, i32
  }
}

module attributes {stable_mosaic.version = 14 : i64} {
  func.func @_rank_k(%arg0: memref<4096x2xi32, #tpu.memory_space<vmem>>, %arg1: memref<4096x2xi32, #tpu.memory_space<vmem>>, %arg2: memref<1x40xi32, #tpu.memory_space<vmem>>, %arg3: memref<4096x2xf32, #tpu.memory_space<vmem>>) attributes {dimension_semantics = [], scalar_prefetch = 0 : i64, scratch_operands = 1 : i64, tpu.core_type = #tpu.core_type<tc>} {
    %iota3A = tpu.iota {dimensions = array<i32: 0>} : vector<256x256xi32>
    %iota3A_0 = tpu.iota {dimensions = array<i32: 1>} : vector<256x256xi32>
    %gt3A = arith.cmpi sgt, %iota3A, %iota3A_0 : vector<256x256xi32>
    %convert_element_type3A = arith.extui %gt3A : vector<256x256xi1> to vector<256x256xi32>
    %convert_element_type3A_1 = arith.sitofp %convert_element_type3A : vector<256x256xi32> to vector<256x256xf32>
    %iota3A_2 = tpu.iota {dimensions = array<i32: 1>} : vector<256x8xi32>
    %broadcast_in_dim3A = arith.constant 0.000000e+00 : f32
    %broadcast_in_dim3A_3 = vector.broadcast %broadcast_in_dim3A : f32 to vector<1x8xf32>
    %get3A = arith.constant 0 : index
    %get3A_4 = arith.constant 0 : index
    %get3A_5 = vector.load %arg0[%get3A, %get3A_4] : memref<4096x2xi32, #tpu.memory_space<vmem>>, vector<256x1xi32>
    %eq3A = vector.broadcast %get3A_5 : vector<256x1xi32> to vector<256x8xi32>
    %eq3A_6 = arith.cmpi eq, %eq3A, %iota3A_2 : vector<256x8xi32>
    %convert_element_type3A_7 = arith.extui %eq3A_6 : vector<256x8xi1> to vector<256x8xi32>
    %convert_element_type3A_8 = arith.sitofp %convert_element_type3A_7 : vector<256x8xi32> to vector<256x8xf32>
    %dot_general3A = arith.constant dense<0.000000e+00> : vector<256x8xf32>
    %dot_general3A_9 = tpu.matmul %convert_element_type3A_1, %convert_element_type3A_8, %dot_general3A {dimension_numbers = #tpu.dot_dimension_numbers<[1], [0], [0], [1], [0, 0, 1, 1], [], []>, transpose_lhs_hint = false} : vector<256x256xf32>, vector<256x8xf32>, vector<256x8xf32> -> vector<256x8xf32>
    %add3A = vector.broadcast %broadcast_in_dim3A_3 : vector<1x8xf32> to vector<256x8xf32>
    %add3A_10 = arith.addf %dot_general3A_9, %add3A : vector<256x8xf32>
    %mul3A = arith.mulf %convert_element_type3A_8, %add3A_10 : vector<256x8xf32>
    %reduce_sum3A = arith.constant dense<0.000000e+00> : vector<256xf32>
    %reduce_sum3A_11 = vector.multi_reduction <add>, %mul3A, %reduce_sum3A [1] : vector<256x8xf32> to vector<256xf32>
    %broadcast_in_dim3A_12 = vector.shape_cast %reduce_sum3A_11 : vector<256xf32> to vector<256x1xf32>
    %swap3A = arith.constant 0 : index
    %swap3A_13 = arith.constant 0 : index
    %swap3A_14 = vector.load %arg3[%swap3A, %swap3A_13] : memref<4096x2xf32, #tpu.memory_space<vmem>>, vector<256x1xf32>
    tpu.vector_store %arg3[%swap3A, %swap3A_13], %broadcast_in_dim3A_12 {strides = array<i32>} : memref<4096x2xf32, #tpu.memory_space<vmem>>, vector<256x1xf32>,
    %reduce_sum3A_15 = arith.constant dense<0.000000e+00> : vector<8xf32>
    %reduce_sum3A_16 = vector.multi_reduction <add>, %convert_element_type3A_8, %reduce_sum3A_15 [0] : vector<256x8xf32> to vector<8xf32>
    %broadcast_in_dim3A_17 = vector.shape_cast %reduce_sum3A_16 : vector<8xf32> to vector<1x8xf32>
    %add3A_18 = arith.addf %broadcast_in_dim3A_3, %broadcast_in_dim3A_17 : vector<1x8xf32>
    %get3A_19 = arith.constant 256 : index
    %get3A_20 = arith.constant 0 : index
    %get3A_21 = vector.load %arg0[%get3A_19, %get3A_20] : memref<4096x2xi32, #tpu.memory_space<vmem>>, vector<256x1xi32>
    %eq3A_22 = vector.broadcast %get3A_21 : vector<256x1xi32> to vector<256x8xi32>
    %eq3A_23 = arith.cmpi eq, %eq3A_22, %iota3A_2 : vector<256x8xi32>
    %convert_element_type3A_24 = arith.extui %eq3A_23 : vector<256x8xi1> to vector<256x8xi32>
    %convert_element_type3A_25 = arith.sitofp %convert_element_type3A_24 : vector<256x8xi32> to vector<256x8xf32>
    %dot_general3A_26 = arith.constant dense<0.000000e+00> : vector<256x8xf32>
    %dot_general3A_27 = tpu.matmul %convert_element_type3A_1, %convert_element_type3A_25, %dot_general3A_26 {dimension_numbers = #tpu.dot_dimension_numbers<[1], [0], [0], [1], [0, 0, 1, 1], [], []>, transpose_lhs_hint = false} : vector<256x256xf32>, vector<256x8xf32>, vector<256x8xf32> -> vector<256x8xf32>
    %add3A_28 = vector.broadcast %add3A_18 : vector<1x8xf32> to vector<256x8xf32>
    %add3A_29 = arith.addf %dot_general3A_27, %add3A_28 : vector<256x8xf32>
    %mul3A_30 = arith.mulf %convert_element_type3A_25, %add3A_29 : vector<256x8xf32>
    %reduce_sum3A_31 = arith.constant dense<0.000000e+00> : vector<256xf32>
    %reduce_sum3A_32 = vector.multi_reduction <add>, %mul3A_30, %reduce_sum3A_31 [1] : vector<256x8xf32> to vector<256xf32>
    %broadcast_in_dim3A_33 = vector.shape_cast %reduce_sum3A_32 : vector<256xf32> to vector<256x1xf32>
    %swap3A_34 = arith.constant 256 : index
    %swap3A_35 = arith.constant 0 : index
    %swap3A_36 = vector.load %arg3[%swap3A_34, %swap3A_35] : memref<4096x2xf32, #tpu.memory_space<vmem>>, vector<256x1xf32>
    tpu.vector_store %arg3[%swap3A_34, %swap3A_35], %broadcast_in_dim3A_33 {strides = array<i32>} : memref<4096x2xf32, #tpu.memory_space<vmem>>, vector<256x1xf32>,
    %reduce_sum3A_37 = arith.constant dense<0.000000e+00> : vector<8xf32>
    %reduce_sum3A_38 = vector.multi_reduction <add>, %convert_element_type3A_25, %reduce_sum3A_37 [0] : vector<256x8xf32> to vector<8xf32>
    %broadcast_in_dim3A_39 = vector.shape_cast %reduce_sum3A_38 : vector<8xf32> to vector<1x8xf32>
    %add3A_40 = arith.addf %add3A_18, %broadcast_in_dim3A_39 : vector<1x8xf32>
    %get3A_41 = arith.constant 512 : index
    %get3A_42 = arith.constant 0 : index
    %get3A_43 = vector.load %arg0[%get3A_41, %get3A_42] : memref<4096x2xi32, #tpu.memory_space<vmem>>, vector<256x1xi32>
    %eq3A_44 = vector.broadcast %get3A_43 : vector<256x1xi32> to vector<256x8xi32>
    %eq3A_45 = arith.cmpi eq, %eq3A_44, %iota3A_2 : vector<256x8xi32>
    %convert_element_type3A_46 = arith.extui %eq3A_45 : vector<256x8xi1> to vector<256x8xi32>
    %convert_element_type3A_47 = arith.sitofp %convert_element_type3A_46 : vector<256x8xi32> to vector<256x8xf32>
    %dot_general3A_48 = arith.constant dense<0.000000e+00> : vector<256x8xf32>
    %dot_general3A_49 = tpu.matmul %convert_element_type3A_1, %convert_element_type3A_47, %dot_general3A_48 {dimension_numbers = #tpu.dot_dimension_numbers<[1], [0], [0], [1], [0, 0, 1, 1], [], []>, transpose_lhs_hint = false} : vector<256x256xf32>, vector<256x8xf32>, vector<256x8xf32> -> vector<256x8xf32>
    %add3A_50 = vector.broadcast %add3A_40 : vector<1x8xf32> to vector<256x8xf32>
    %add3A_51 = arith.addf %dot_general3A_49, %add3A_50 : vector<256x8xf32>
    %mul3A_52 = arith.mulf %convert_element_type3A_47, %add3A_51 : vector<256x8xf32>
    %reduce_sum3A_53 = arith.constant dense<0.000000e+00> : vector<256xf32>
    %reduce_sum3A_54 = vector.multi_reduction <add>, %mul3A_52, %reduce_sum3A_53 [1] : vector<256x8xf32> to vector<256xf32>
    %broadcast_in_dim3A_55 = vector.shape_cast %reduce_sum3A_54 : vector<256xf32> to vector<256x1xf32>
    %swap3A_56 = arith.constant 512 : index
    %swap3A_57 = arith.constant 0 : index
    %swap3A_58 = vector.load %arg3[%swap3A_56, %swap3A_57] : memref<4096x2xf32, #tpu.memory_space<vmem>>, vector<256x1xf32>
    tpu.vector_store %arg3[%swap3A_56, %swap3A_57], %broadcast_in_dim3A_55 {strides = array<i32>} : memref<4096x2xf32, #tpu.memory_space<vmem>>, vector<256x1xf32>,
    %reduce_sum3A_59 = arith.constant dense<0.000000e+00> : vector<8xf32>
    %reduce_sum3A_60 = vector.multi_reduction <add>, %convert_element_type3A_47, %reduce_sum3A_59 [0] : vector<256x8xf32> to vector<8xf32>
    %broadcast_in_dim3A_61 = vector.shape_cast %reduce_sum3A_60 : vector<8xf32> to vector<1x8xf32>
    %add3A_62 = arith.addf %add3A_40, %broadcast_in_dim3A_61 : vector<1x8xf32>
    %get3A_63 = arith.constant 768 : index
    %get3A_64 = arith.constant 0 : index
    %get3A_65 = vector.load %arg0[%get3A_63, %get3A_64] : memref<4096x2xi32, #tpu.memory_space<vmem>>, vector<256x1xi32>
    %eq3A_66 = vector.broadcast %get3A_65 : vector<256x1xi32> to vector<256x8xi32>
    %eq3A_67 = arith.cmpi eq, %eq3A_66, %iota3A_2 : vector<256x8xi32>
    %convert_element_type3A_68 = arith.extui %eq3A_67 : vector<256x8xi1> to vector<256x8xi32>
    %convert_element_type3A_69 = arith.sitofp %convert_element_type3A_68 : vector<256x8xi32> to vector<256x8xf32>
    %dot_general3A_70 = arith.constant dense<0.000000e+00> : vector<256x8xf32>
    %dot_general3A_71 = tpu.matmul %convert_element_type3A_1, %convert_element_type3A_69, %dot_general3A_70 {dimension_numbers = #tpu.dot_dimension_numbers<[1], [0], [0], [1], [0, 0, 1, 1], [], []>, transpose_lhs_hint = false} : vector<256x256xf32>, vector<256x8xf32>, vector<256x8xf32> -> vector<256x8xf32>
    %add3A_72 = vector.broadcast %add3A_62 : vector<1x8xf32> to vector<256x8xf32>
    %add3A_73 = arith.addf %dot_general3A_71, %add3A_72 : vector<256x8xf32>
    %mul3A_74 = arith.mulf %convert_element_type3A_69, %add3A_73 : vector<256x8xf32>
    %reduce_sum3A_75 = arith.constant dense<0.000000e+00> : vector<256xf32>
    %reduce_sum3A_76 = vector.multi_reduction <add>, %mul3A_74, %reduce_sum3A_75 [1] : vector<256x8xf32> to vector<256xf32>
    %broadcast_in_dim3A_77 = vector.shape_cast %reduce_sum3A_76 : vector<256xf32> to vector<256x1xf32>
    %swap3A_78 = arith.constant 768 : index
    %swap3A_79 = arith.constant 0 : index
    %swap3A_80 = vector.load %arg3[%swap3A_78, %swap3A_79] : memref<4096x2xf32, #tpu.memory_space<vmem>>, vector<256x1xf32>
    tpu.vector_store %arg3[%swap3A_78, %swap3A_79], %broadcast_in_dim3A_77 {strides = array<i32>} : memref<4096x2xf32, #tpu.memory_space<vmem>>, vector<256x1xf32>,
    %reduce_sum3A_81 = arith.constant dense<0.000000e+00> : vector<8xf32>
    %reduce_sum3A_82 = vector.multi_reduction <add>, %convert_element_type3A_69, %reduce_sum3A_81 [0] : vector<256x8xf32> to vector<8xf32>
    %broadcast_in_dim3A_83 = vector.shape_cast %reduce_sum3A_82 : vector<8xf32> to vector<1x8xf32>
    %add3A_84 = arith.addf %add3A_62, %broadcast_in_dim3A_83 : vector<1x8xf32>
    %get3A_85 = arith.constant 1024 : index
    %get3A_86 = arith.constant 0 : index
    %get3A_87 = vector.load %arg0[%get3A_85, %get3A_86] : memref<4096x2xi32, #tpu.memory_space<vmem>>, vector<256x1xi32>
    %eq3A_88 = vector.broadcast %get3A_87 : vector<256x1xi32> to vector<256x8xi32>
    %eq3A_89 = arith.cmpi eq, %eq3A_88, %iota3A_2 : vector<256x8xi32>
    %convert_element_type3A_90 = arith.extui %eq3A_89 : vector<256x8xi1> to vector<256x8xi32>
    %convert_element_type3A_91 = arith.sitofp %convert_element_type3A_90 : vector<256x8xi32> to vector<256x8xf32>
    %dot_general3A_92 = arith.constant dense<0.000000e+00> : vector<256x8xf32>
    %dot_general3A_93 = tpu.matmul %convert_element_type3A_1, %convert_element_type3A_91, %dot_general3A_92 {dimension_numbers = #tpu.dot_dimension_numbers<[1], [0], [0], [1], [0, 0, 1, 1], [], []>, transpose_lhs_hint = false} : vector<256x256xf32>, vector<256x8xf32>, vector<256x8xf32> -> vector<256x8xf32>
    %add3A_94 = vector.broadcast %add3A_84 : vector<1x8xf32> to vector<256x8xf32>
    %add3A_95 = arith.addf %dot_general3A_93, %add3A_94 : vector<256x8xf32>
    %mul3A_96 = arith.mulf %convert_element_type3A_91, %add3A_95 : vector<256x8xf32>
    %reduce_sum3A_97 = arith.constant dense<0.000000e+00> : vector<256xf32>
    %reduce_sum3A_98 = vector.multi_reduction <add>, %mul3A_96, %reduce_sum3A_97 [1] : vector<256x8xf32> to vector<256xf32>
    %broadcast_in_dim3A_99 = vector.shape_cast %reduce_sum3A_98 : vector<256xf32> to vector<256x1xf32>
    %swap3A_100 = arith.constant 1024 : index
    %swap3A_101 = arith.constant 0 : index
    %swap3A_102 = vector.load %arg3[%swap3A_100, %swap3A_101] : memref<4096x2xf32, #tpu.memory_space<vmem>>, vector<256x1xf32>
    tpu.vector_store %arg3[%swap3A_100, %swap3A_101], %broadcast_in_dim3A_99 {strides = array<i32>} : memref<4096x2xf32, #tpu.memory_space<vmem>>, vector<256x1xf32>,
    %reduce_sum3A_103 = arith.constant dense<0.000000e+00> : vector<8xf32>
    %reduce_sum3A_104 = vector.multi_reduction <add>, %convert_element_type3A_91, %reduce_sum3A_103 [0] : vector<256x8xf32> to vector<8xf32>
    %broadcast_in_dim3A_105 = vector.shape_cast %reduce_sum3A_104 : vector<8xf32> to vector<1x8xf32>
    %add3A_106 = arith.addf %add3A_84, %broadcast_in_dim3A_105 : vector<1x8xf32>
    %get3A_107 = arith.constant 1280 : index
    %get3A_108 = arith.constant 0 : index
    %get3A_109 = vector.load %arg0[%get3A_107, %get3A_108] : memref<4096x2xi32, #tpu.memory_space<vmem>>, vector<256x1xi32>
    %eq3A_110 = vector.broadcast %get3A_109 : vector<256x1xi32> to vector<256x8xi32>
    %eq3A_111 = arith.cmpi eq, %eq3A_110, %iota3A_2 : vector<256x8xi32>
    %convert_element_type3A_112 = arith.extui %eq3A_111 : vector<256x8xi1> to vector<256x8xi32>
    %convert_element_type3A_113 = arith.sitofp %convert_element_type3A_112 : vector<256x8xi32> to vector<256x8xf32>
    %dot_general3A_114 = arith.constant dense<0.000000e+00> : vector<256x8xf32>
    %dot_general3A_115 = tpu.matmul %convert_element_type3A_1, %convert_element_type3A_113, %dot_general3A_114 {dimension_numbers = #tpu.dot_dimension_numbers<[1], [0], [0], [1], [0, 0, 1, 1], [], []>, transpose_lhs_hint = false} : vector<256x256xf32>, vector<256x8xf32>, vector<256x8xf32> -> vector<256x8xf32>
    %add3A_116 = vector.broadcast %add3A_106 : vector<1x8xf32> to vector<256x8xf32>
    %add3A_117 = arith.addf %dot_general3A_115, %add3A_116 : vector<256x8xf32>
    %mul3A_118 = arith.mulf %convert_element_type3A_113, %add3A_117 : vector<256x8xf32>
    %reduce_sum3A_119 = arith.constant dense<0.000000e+00> : vector<256xf32>
    %reduce_sum3A_120 = vector.multi_reduction <add>, %mul3A_118, %reduce_sum3A_119 [1] : vector<256x8xf32> to vector<256xf32>
    %broadcast_in_dim3A_121 = vector.shape_cast %reduce_sum3A_120 : vector<256xf32> to vector<256x1xf32>
    %swap3A_122 = arith.constant 1280 : index
    %swap3A_123 = arith.constant 0 : index
    %swap3A_124 = vector.load %arg3[%swap3A_122, %swap3A_123] : memref<4096x2xf32, #tpu.memory_space<vmem>>, vector<256x1xf32>
    tpu.vector_store %arg3[%swap3A_122, %swap3A_123], %broadcast_in_dim3A_121 {strides = array<i32>} : memref<4096x2xf32, #tpu.memory_space<vmem>>, vector<256x1xf32>,
    %reduce_sum3A_125 = arith.constant dense<0.000000e+00> : vector<8xf32>
    %reduce_sum3A_126 = vector.multi_reduction <add>, %convert_element_type3A_113, %reduce_sum3A_125 [0] : vector<256x8xf32> to vector<8xf32>
    %broadcast_in_dim3A_127 = vector.shape_cast %reduce_sum3A_126 : vector<8xf32> to vector<1x8xf32>
    %add3A_128 = arith.addf %add3A_106, %broadcast_in_dim3A_127 : vector<1x8xf32>
    %get3A_129 = arith.constant 1536 : index
    %get3A_130 = arith.constant 0 : index
    %get3A_131 = vector.load %arg0[%get3A_129, %get3A_130] : memref<4096x2xi32, #tpu.memory_space<vmem>>, vector<256x1xi32>
    %eq3A_132 = vector.broadcast %get3A_131 : vector<256x1xi32> to vector<256x8xi32>
    %eq3A_133 = arith.cmpi eq, %eq3A_132, %iota3A_2 : vector<256x8xi32>
    %convert_element_type3A_134 = arith.extui %eq3A_133 : vector<256x8xi1> to vector<256x8xi32>
    %convert_element_type3A_135 = arith.sitofp %convert_element_type3A_134 : vector<256x8xi32> to vector<256x8xf32>
    %dot_general3A_136 = arith.constant dense<0.000000e+00> : vector<256x8xf32>
    %dot_general3A_137 = tpu.matmul %convert_element_type3A_1, %convert_element_type3A_135, %dot_general3A_136 {dimension_numbers = #tpu.dot_dimension_numbers<[1], [0], [0], [1], [0, 0, 1, 1], [], []>, transpose_lhs_hint = false} : vector<256x256xf32>, vector<256x8xf32>, vector<256x8xf32> -> vector<256x8xf32>
    %add3A_138 = vector.broadcast %add3A_128 : vector<1x8xf32> to vector<256x8xf32>
    %add3A_139 = arith.addf %dot_general3A_137, %add3A_138 : vector<256x8xf32>
    %mul3A_140 = arith.mulf %convert_element_type3A_135, %add3A_139 : vector<256x8xf32>
    %reduce_sum3A_141 = arith.constant dense<0.000000e+00> : vector<256xf32>
    %reduce_sum3A_142 = vector.multi_reduction <add>, %mul3A_140, %reduce_sum3A_141 [1] : vector<256x8xf32> to vector<256xf32>
    %broadcast_in_dim3A_143 = vector.shape_cast %reduce_sum3A_142 : vector<256xf32> to vector<256x1xf32>
    %swap3A_144 = arith.constant 1536 : index
    %swap3A_145 = arith.constant 0 : index
    %swap3A_146 = vector.load %arg3[%swap3A_144, %swap3A_145] : memref<4096x2xf32, #tpu.memory_space<vmem>>, vector<256x1xf32>
    tpu.vector_store %arg3[%swap3A_144, %swap3A_145], %broadcast_in_dim3A_143 {strides = array<i32>} : memref<4096x2xf32, #tpu.memory_space<vmem>>, vector<256x1xf32>,
    %reduce_sum3A_147 = arith.constant dense<0.000000e+00> : vector<8xf32>
    %reduce_sum3A_148 = vector.multi_reduction <add>, %convert_element_type3A_135, %reduce_sum3A_147 [0] : vector<256x8xf32> to vector<8xf32>
    %broadcast_in_dim3A_149 = vector.shape_cast %reduce_sum3A_148 : vector<8xf32> to vector<1x8xf32>
    %add3A_150 = arith.addf %add3A_128, %broadcast_in_dim3A_149 : vector<1x8xf32>
    %get3A_151 = arith.constant 1792 : index
    %get3A_152 = arith.constant 0 : index
    %get3A_153 = vector.load %arg0[%get3A_151, %get3A_152] : memref<4096x2xi32, #tpu.memory_space<vmem>>, vector<256x1xi32>
    %eq3A_154 = vector.broadcast %get3A_153 : vector<256x1xi32> to vector<256x8xi32>
    %eq3A_155 = arith.cmpi eq, %eq3A_154, %iota3A_2 : vector<256x8xi32>
    %convert_element_type3A_156 = arith.extui %eq3A_155 : vector<256x8xi1> to vector<256x8xi32>
    %convert_element_type3A_157 = arith.sitofp %convert_element_type3A_156 : vector<256x8xi32> to vector<256x8xf32>
    %dot_general3A_158 = arith.constant dense<0.000000e+00> : vector<256x8xf32>
    %dot_general3A_159 = tpu.matmul %convert_element_type3A_1, %convert_element_type3A_157, %dot_general3A_158 {dimension_numbers = #tpu.dot_dimension_numbers<[1], [0], [0], [1], [0, 0, 1, 1], [], []>, transpose_lhs_hint = false} : vector<256x256xf32>, vector<256x8xf32>, vector<256x8xf32> -> vector<256x8xf32>
    %add3A_160 = vector.broadcast %add3A_150 : vector<1x8xf32> to vector<256x8xf32>
    %add3A_161 = arith.addf %dot_general3A_159, %add3A_160 : vector<256x8xf32>
    %mul3A_162 = arith.mulf %convert_element_type3A_157, %add3A_161 : vector<256x8xf32>
    %reduce_sum3A_163 = arith.constant dense<0.000000e+00> : vector<256xf32>
    %reduce_sum3A_164 = vector.multi_reduction <add>, %mul3A_162, %reduce_sum3A_163 [1] : vector<256x8xf32> to vector<256xf32>
    %broadcast_in_dim3A_165 = vector.shape_cast %reduce_sum3A_164 : vector<256xf32> to vector<256x1xf32>
    %swap3A_166 = arith.constant 1792 : index
    %swap3A_167 = arith.constant 0 : index
    %swap3A_168 = vector.load %arg3[%swap3A_166, %swap3A_167] : memref<4096x2xf32, #tpu.memory_space<vmem>>, vector<256x1xf32>
    tpu.vector_store %arg3[%swap3A_166, %swap3A_167], %broadcast_in_dim3A_165 {strides = array<i32>} : memref<4096x2xf32, #tpu.memory_space<vmem>>, vector<256x1xf32>,
    %reduce_sum3A_169 = arith.constant dense<0.000000e+00> : vector<8xf32>
    %reduce_sum3A_170 = vector.multi_reduction <add>, %convert_element_type3A_157, %reduce_sum3A_169 [0] : vector<256x8xf32> to vector<8xf32>
    %broadcast_in_dim3A_171 = vector.shape_cast %reduce_sum3A_170 : vector<8xf32> to vector<1x8xf32>
    %add3A_172 = arith.addf %add3A_150, %broadcast_in_dim3A_171 : vector<1x8xf32>
    %get3A_173 = arith.constant 2048 : index
    %get3A_174 = arith.constant 0 : index
    %get3A_175 = vector.load %arg0[%get3A_173, %get3A_174] : memref<4096x2xi32, #tpu.memory_space<vmem>>, vector<256x1xi32>
    %eq3A_176 = vector.broadcast %get3A_175 : vector<256x1xi32> to vector<256x8xi32>
    %eq3A_177 = arith.cmpi eq, %eq3A_176, %iota3A_2 : vector<256x8xi32>
    %convert_element_type3A_178 = arith.extui %eq3A_177 : vector<256x8xi1> to vector<256x8xi32>
    %convert_element_type3A_179 = arith.sitofp %convert_element_type3A_178 : vector<256x8xi32> to vector<256x8xf32>
    %dot_general3A_180 = arith.constant dense<0.000000e+00> : vector<256x8xf32>
    %dot_general3A_181 = tpu.matmul %convert_element_type3A_1, %convert_element_type3A_179, %dot_general3A_180 {dimension_numbers = #tpu.dot_dimension_numbers<[1], [0], [0], [1], [0, 0, 1, 1], [], []>, transpose_lhs_hint = false} : vector<256x256xf32>, vector<256x8xf32>, vector<256x8xf32> -> vector<256x8xf32>
    %add3A_182 = vector.broadcast %add3A_172 : vector<1x8xf32> to vector<256x8xf32>
    %add3A_183 = arith.addf %dot_general3A_181, %add3A_182 : vector<256x8xf32>
    %mul3A_184 = arith.mulf %convert_element_type3A_179, %add3A_183 : vector<256x8xf32>
    %reduce_sum3A_185 = arith.constant dense<0.000000e+00> : vector<256xf32>
    %reduce_sum3A_186 = vector.multi_reduction <add>, %mul3A_184, %reduce_sum3A_185 [1] : vector<256x8xf32> to vector<256xf32>
    %broadcast_in_dim3A_187 = vector.shape_cast %reduce_sum3A_186 : vector<256xf32> to vector<256x1xf32>
    %swap3A_188 = arith.constant 2048 : index
    %swap3A_189 = arith.constant 0 : index
    %swap3A_190 = vector.load %arg3[%swap3A_188, %swap3A_189] : memref<4096x2xf32, #tpu.memory_space<vmem>>, vector<256x1xf32>
    tpu.vector_store %arg3[%swap3A_188, %swap3A_189], %broadcast_in_dim3A_187 {strides = array<i32>} : memref<4096x2xf32, #tpu.memory_space<vmem>>, vector<256x1xf32>,
    %reduce_sum3A_191 = arith.constant dense<0.000000e+00> : vector<8xf32>
    %reduce_sum3A_192 = vector.multi_reduction <add>, %convert_element_type3A_179, %reduce_sum3A_191 [0] : vector<256x8xf32> to vector<8xf32>
    %broadcast_in_dim3A_193 = vector.shape_cast %reduce_sum3A_192 : vector<8xf32> to vector<1x8xf32>
    %add3A_194 = arith.addf %add3A_172, %broadcast_in_dim3A_193 : vector<1x8xf32>
    %get3A_195 = arith.constant 2304 : index
    %get3A_196 = arith.constant 0 : index
    %get3A_197 = vector.load %arg0[%get3A_195, %get3A_196] : memref<4096x2xi32, #tpu.memory_space<vmem>>, vector<256x1xi32>
    %eq3A_198 = vector.broadcast %get3A_197 : vector<256x1xi32> to vector<256x8xi32>
    %eq3A_199 = arith.cmpi eq, %eq3A_198, %iota3A_2 : vector<256x8xi32>
    %convert_element_type3A_200 = arith.extui %eq3A_199 : vector<256x8xi1> to vector<256x8xi32>
    %convert_element_type3A_201 = arith.sitofp %convert_element_type3A_200 : vector<256x8xi32> to vector<256x8xf32>
    %dot_general3A_202 = arith.constant dense<0.000000e+00> : vector<256x8xf32>
    %dot_general3A_203 = tpu.matmul %convert_element_type3A_1, %convert_element_type3A_201, %dot_general3A_202 {dimension_numbers = #tpu.dot_dimension_numbers<[1], [0], [0], [1], [0, 0, 1, 1], [], []>, transpose_lhs_hint = false} : vector<256x256xf32>, vector<256x8xf32>, vector<256x8xf32> -> vector<256x8xf32>
    %add3A_204 = vector.broadcast %add3A_194 : vector<1x8xf32> to vector<256x8xf32>
    %add3A_205 = arith.addf %dot_general3A_203, %add3A_204 : vector<256x8xf32>
    %mul3A_206 = arith.mulf %convert_element_type3A_201, %add3A_205 : vector<256x8xf32>
    %reduce_sum3A_207 = arith.constant dense<0.000000e+00> : vector<256xf32>
    %reduce_sum3A_208 = vector.multi_reduction <add>, %mul3A_206, %reduce_sum3A_207 [1] : vector<256x8xf32> to vector<256xf32>
    %broadcast_in_dim3A_209 = vector.shape_cast %reduce_sum3A_208 : vector<256xf32> to vector<256x1xf32>
    %swap3A_210 = arith.constant 2304 : index
    %swap3A_211 = arith.constant 0 : index
    %swap3A_212 = vector.load %arg3[%swap3A_210, %swap3A_211] : memref<4096x2xf32, #tpu.memory_space<vmem>>, vector<256x1xf32>
    tpu.vector_store %arg3[%swap3A_210, %swap3A_211], %broadcast_in_dim3A_209 {strides = array<i32>} : memref<4096x2xf32, #tpu.memory_space<vmem>>, vector<256x1xf32>,
    %reduce_sum3A_213 = arith.constant dense<0.000000e+00> : vector<8xf32>
    %reduce_sum3A_214 = vector.multi_reduction <add>, %convert_element_type3A_201, %reduce_sum3A_213 [0] : vector<256x8xf32> to vector<8xf32>
    %broadcast_in_dim3A_215 = vector.shape_cast %reduce_sum3A_214 : vector<8xf32> to vector<1x8xf32>
    %add3A_216 = arith.addf %add3A_194, %broadcast_in_dim3A_215 : vector<1x8xf32>
    %get3A_217 = arith.constant 2560 : index
    %get3A_218 = arith.constant 0 : index
    %get3A_219 = vector.load %arg0[%get3A_217, %get3A_218] : memref<4096x2xi32, #tpu.memory_space<vmem>>, vector<256x1xi32>
    %eq3A_220 = vector.broadcast %get3A_219 : vector<256x1xi32> to vector<256x8xi32>
    %eq3A_221 = arith.cmpi eq, %eq3A_220, %iota3A_2 : vector<256x8xi32>
    %convert_element_type3A_222 = arith.extui %eq3A_221 : vector<256x8xi1> to vector<256x8xi32>
    %convert_element_type3A_223 = arith.sitofp %convert_element_type3A_222 : vector<256x8xi32> to vector<256x8xf32>
    %dot_general3A_224 = arith.constant dense<0.000000e+00> : vector<256x8xf32>
    %dot_general3A_225 = tpu.matmul %convert_element_type3A_1, %convert_element_type3A_223, %dot_general3A_224 {dimension_numbers = #tpu.dot_dimension_numbers<[1], [0], [0], [1], [0, 0, 1, 1], [], []>, transpose_lhs_hint = false} : vector<256x256xf32>, vector<256x8xf32>, vector<256x8xf32> -> vector<256x8xf32>
    %add3A_226 = vector.broadcast %add3A_216 : vector<1x8xf32> to vector<256x8xf32>
    %add3A_227 = arith.addf %dot_general3A_225, %add3A_226 : vector<256x8xf32>
    %mul3A_228 = arith.mulf %convert_element_type3A_223, %add3A_227 : vector<256x8xf32>
    %reduce_sum3A_229 = arith.constant dense<0.000000e+00> : vector<256xf32>
    %reduce_sum3A_230 = vector.multi_reduction <add>, %mul3A_228, %reduce_sum3A_229 [1] : vector<256x8xf32> to vector<256xf32>
    %broadcast_in_dim3A_231 = vector.shape_cast %reduce_sum3A_230 : vector<256xf32> to vector<256x1xf32>
    %swap3A_232 = arith.constant 2560 : index
    %swap3A_233 = arith.constant 0 : index
    %swap3A_234 = vector.load %arg3[%swap3A_232, %swap3A_233] : memref<4096x2xf32, #tpu.memory_space<vmem>>, vector<256x1xf32>
    tpu.vector_store %arg3[%swap3A_232, %swap3A_233], %broadcast_in_dim3A_231 {strides = array<i32>} : memref<4096x2xf32, #tpu.memory_space<vmem>>, vector<256x1xf32>,
    %reduce_sum3A_235 = arith.constant dense<0.000000e+00> : vector<8xf32>
    %reduce_sum3A_236 = vector.multi_reduction <add>, %convert_element_type3A_223, %reduce_sum3A_235 [0] : vector<256x8xf32> to vector<8xf32>
    %broadcast_in_dim3A_237 = vector.shape_cast %reduce_sum3A_236 : vector<8xf32> to vector<1x8xf32>
    %add3A_238 = arith.addf %add3A_216, %broadcast_in_dim3A_237 : vector<1x8xf32>
    %get3A_239 = arith.constant 2816 : index
    %get3A_240 = arith.constant 0 : index
    %get3A_241 = vector.load %arg0[%get3A_239, %get3A_240] : memref<4096x2xi32, #tpu.memory_space<vmem>>, vector<256x1xi32>
    %eq3A_242 = vector.broadcast %get3A_241 : vector<256x1xi32> to vector<256x8xi32>
    %eq3A_243 = arith.cmpi eq, %eq3A_242, %iota3A_2 : vector<256x8xi32>
    %convert_element_type3A_244 = arith.extui %eq3A_243 : vector<256x8xi1> to vector<256x8xi32>
    %convert_element_type3A_245 = arith.sitofp %convert_element_type3A_244 : vector<256x8xi32> to vector<256x8xf32>
    %dot_general3A_246 = arith.constant dense<0.000000e+00> : vector<256x8xf32>
    %dot_general3A_247 = tpu.matmul %convert_element_type3A_1, %convert_element_type3A_245, %dot_general3A_246 {dimension_numbers = #tpu.dot_dimension_numbers<[1], [0], [0], [1], [0, 0, 1, 1], [], []>, transpose_lhs_hint = false} : vector<256x256xf32>, vector<256x8xf32>, vector<256x8xf32> -> vector<256x8xf32>
    %add3A_248 = vector.broadcast %add3A_238 : vector<1x8xf32> to vector<256x8xf32>
    %add3A_249 = arith.addf %dot_general3A_247, %add3A_248 : vector<256x8xf32>
    %mul3A_250 = arith.mulf %convert_element_type3A_245, %add3A_249 : vector<256x8xf32>
    %reduce_sum3A_251 = arith.constant dense<0.000000e+00> : vector<256xf32>
    %reduce_sum3A_252 = vector.multi_reduction <add>, %mul3A_250, %reduce_sum3A_251 [1] : vector<256x8xf32> to vector<256xf32>
    %broadcast_in_dim3A_253 = vector.shape_cast %reduce_sum3A_252 : vector<256xf32> to vector<256x1xf32>
    %swap3A_254 = arith.constant 2816 : index
    %swap3A_255 = arith.constant 0 : index
    %swap3A_256 = vector.load %arg3[%swap3A_254, %swap3A_255] : memref<4096x2xf32, #tpu.memory_space<vmem>>, vector<256x1xf32>
    tpu.vector_store %arg3[%swap3A_254, %swap3A_255], %broadcast_in_dim3A_253 {strides = array<i32>} : memref<4096x2xf32, #tpu.memory_space<vmem>>, vector<256x1xf32>,
    %reduce_sum3A_257 = arith.constant dense<0.000000e+00> : vector<8xf32>
    %reduce_sum3A_258 = vector.multi_reduction <add>, %convert_element_type3A_245, %reduce_sum3A_257 [0] : vector<256x8xf32> to vector<8xf32>
    %broadcast_in_dim3A_259 = vector.shape_cast %reduce_sum3A_258 : vector<8xf32> to vector<1x8xf32>
    %add3A_260 = arith.addf %add3A_238, %broadcast_in_dim3A_259 : vector<1x8xf32>
    %get3A_261 = arith.constant 3072 : index
    %get3A_262 = arith.constant 0 : index
    %get3A_263 = vector.load %arg0[%get3A_261, %get3A_262] : memref<4096x2xi32, #tpu.memory_space<vmem>>, vector<256x1xi32>
    %eq3A_264 = vector.broadcast %get3A_263 : vector<256x1xi32> to vector<256x8xi32>
    %eq3A_265 = arith.cmpi eq, %eq3A_264, %iota3A_2 : vector<256x8xi32>
    %convert_element_type3A_266 = arith.extui %eq3A_265 : vector<256x8xi1> to vector<256x8xi32>
    %convert_element_type3A_267 = arith.sitofp %convert_element_type3A_266 : vector<256x8xi32> to vector<256x8xf32>
    %dot_general3A_268 = arith.constant dense<0.000000e+00> : vector<256x8xf32>
    %dot_general3A_269 = tpu.matmul %convert_element_type3A_1, %convert_element_type3A_267, %dot_general3A_268 {dimension_numbers = #tpu.dot_dimension_numbers<[1], [0], [0], [1], [0, 0, 1, 1], [], []>, transpose_lhs_hint = false} : vector<256x256xf32>, vector<256x8xf32>, vector<256x8xf32> -> vector<256x8xf32>
    %add3A_270 = vector.broadcast %add3A_260 : vector<1x8xf32> to vector<256x8xf32>
    %add3A_271 = arith.addf %dot_general3A_269, %add3A_270 : vector<256x8xf32>
    %mul3A_272 = arith.mulf %convert_element_type3A_267, %add3A_271 : vector<256x8xf32>
    %reduce_sum3A_273 = arith.constant dense<0.000000e+00> : vector<256xf32>
    %reduce_sum3A_274 = vector.multi_reduction <add>, %mul3A_272, %reduce_sum3A_273 [1] : vector<256x8xf32> to vector<256xf32>
    %broadcast_in_dim3A_275 = vector.shape_cast %reduce_sum3A_274 : vector<256xf32> to vector<256x1xf32>
    %swap3A_276 = arith.constant 3072 : index
    %swap3A_277 = arith.constant 0 : index
    %swap3A_278 = vector.load %arg3[%swap3A_276, %swap3A_277] : memref<4096x2xf32, #tpu.memory_space<vmem>>, vector<256x1xf32>
    tpu.vector_store %arg3[%swap3A_276, %swap3A_277], %broadcast_in_dim3A_275 {strides = array<i32>} : memref<4096x2xf32, #tpu.memory_space<vmem>>, vector<256x1xf32>,
    %reduce_sum3A_279 = arith.constant dense<0.000000e+00> : vector<8xf32>
    %reduce_sum3A_280 = vector.multi_reduction <add>, %convert_element_type3A_267, %reduce_sum3A_279 [0] : vector<256x8xf32> to vector<8xf32>
    %broadcast_in_dim3A_281 = vector.shape_cast %reduce_sum3A_280 : vector<8xf32> to vector<1x8xf32>
    %add3A_282 = arith.addf %add3A_260, %broadcast_in_dim3A_281 : vector<1x8xf32>
    %get3A_283 = arith.constant 3328 : index
    %get3A_284 = arith.constant 0 : index
    %get3A_285 = vector.load %arg0[%get3A_283, %get3A_284] : memref<4096x2xi32, #tpu.memory_space<vmem>>, vector<256x1xi32>
    %eq3A_286 = vector.broadcast %get3A_285 : vector<256x1xi32> to vector<256x8xi32>
    %eq3A_287 = arith.cmpi eq, %eq3A_286, %iota3A_2 : vector<256x8xi32>
    %convert_element_type3A_288 = arith.extui %eq3A_287 : vector<256x8xi1> to vector<256x8xi32>
    %convert_element_type3A_289 = arith.sitofp %convert_element_type3A_288 : vector<256x8xi32> to vector<256x8xf32>
    %dot_general3A_290 = arith.constant dense<0.000000e+00> : vector<256x8xf32>
    %dot_general3A_291 = tpu.matmul %convert_element_type3A_1, %convert_element_type3A_289, %dot_general3A_290 {dimension_numbers = #tpu.dot_dimension_numbers<[1], [0], [0], [1], [0, 0, 1, 1], [], []>, transpose_lhs_hint = false} : vector<256x256xf32>, vector<256x8xf32>, vector<256x8xf32> -> vector<256x8xf32>
    %add3A_292 = vector.broadcast %add3A_282 : vector<1x8xf32> to vector<256x8xf32>
    %add3A_293 = arith.addf %dot_general3A_291, %add3A_292 : vector<256x8xf32>
    %mul3A_294 = arith.mulf %convert_element_type3A_289, %add3A_293 : vector<256x8xf32>
    %reduce_sum3A_295 = arith.constant dense<0.000000e+00> : vector<256xf32>
    %reduce_sum3A_296 = vector.multi_reduction <add>, %mul3A_294, %reduce_sum3A_295 [1] : vector<256x8xf32> to vector<256xf32>
    %broadcast_in_dim3A_297 = vector.shape_cast %reduce_sum3A_296 : vector<256xf32> to vector<256x1xf32>
    %swap3A_298 = arith.constant 3328 : index
    %swap3A_299 = arith.constant 0 : index
    %swap3A_300 = vector.load %arg3[%swap3A_298, %swap3A_299] : memref<4096x2xf32, #tpu.memory_space<vmem>>, vector<256x1xf32>
    tpu.vector_store %arg3[%swap3A_298, %swap3A_299], %broadcast_in_dim3A_297 {strides = array<i32>} : memref<4096x2xf32, #tpu.memory_space<vmem>>, vector<256x1xf32>,
    %reduce_sum3A_301 = arith.constant dense<0.000000e+00> : vector<8xf32>
    %reduce_sum3A_302 = vector.multi_reduction <add>, %convert_element_type3A_289, %reduce_sum3A_301 [0] : vector<256x8xf32> to vector<8xf32>
    %broadcast_in_dim3A_303 = vector.shape_cast %reduce_sum3A_302 : vector<8xf32> to vector<1x8xf32>
    %add3A_304 = arith.addf %add3A_282, %broadcast_in_dim3A_303 : vector<1x8xf32>
    %get3A_305 = arith.constant 3584 : index
    %get3A_306 = arith.constant 0 : index
    %get3A_307 = vector.load %arg0[%get3A_305, %get3A_306] : memref<4096x2xi32, #tpu.memory_space<vmem>>, vector<256x1xi32>
    %eq3A_308 = vector.broadcast %get3A_307 : vector<256x1xi32> to vector<256x8xi32>
    %eq3A_309 = arith.cmpi eq, %eq3A_308, %iota3A_2 : vector<256x8xi32>
    %convert_element_type3A_310 = arith.extui %eq3A_309 : vector<256x8xi1> to vector<256x8xi32>
    %convert_element_type3A_311 = arith.sitofp %convert_element_type3A_310 : vector<256x8xi32> to vector<256x8xf32>
    %dot_general3A_312 = arith.constant dense<0.000000e+00> : vector<256x8xf32>
    %dot_general3A_313 = tpu.matmul %convert_element_type3A_1, %convert_element_type3A_311, %dot_general3A_312 {dimension_numbers = #tpu.dot_dimension_numbers<[1], [0], [0], [1], [0, 0, 1, 1], [], []>, transpose_lhs_hint = false} : vector<256x256xf32>, vector<256x8xf32>, vector<256x8xf32> -> vector<256x8xf32>
    %add3A_314 = vector.broadcast %add3A_304 : vector<1x8xf32> to vector<256x8xf32>
    %add3A_315 = arith.addf %dot_general3A_313, %add3A_314 : vector<256x8xf32>
    %mul3A_316 = arith.mulf %convert_element_type3A_311, %add3A_315 : vector<256x8xf32>
    %reduce_sum3A_317 = arith.constant dense<0.000000e+00> : vector<256xf32>
    %reduce_sum3A_318 = vector.multi_reduction <add>, %mul3A_316, %reduce_sum3A_317 [1] : vector<256x8xf32> to vector<256xf32>
    %broadcast_in_dim3A_319 = vector.shape_cast %reduce_sum3A_318 : vector<256xf32> to vector<256x1xf32>
    %swap3A_320 = arith.constant 3584 : index
    %swap3A_321 = arith.constant 0 : index
    %swap3A_322 = vector.load %arg3[%swap3A_320, %swap3A_321] : memref<4096x2xf32, #tpu.memory_space<vmem>>, vector<256x1xf32>
    tpu.vector_store %arg3[%swap3A_320, %swap3A_321], %broadcast_in_dim3A_319 {strides = array<i32>} : memref<4096x2xf32, #tpu.memory_space<vmem>>, vector<256x1xf32>,
    %reduce_sum3A_323 = arith.constant dense<0.000000e+00> : vector<8xf32>
    %reduce_sum3A_324 = vector.multi_reduction <add>, %convert_element_type3A_311, %reduce_sum3A_323 [0] : vector<256x8xf32> to vector<8xf32>
    %broadcast_in_dim3A_325 = vector.shape_cast %reduce_sum3A_324 : vector<8xf32> to vector<1x8xf32>
    %add3A_326 = arith.addf %add3A_304, %broadcast_in_dim3A_325 : vector<1x8xf32>
    %get3A_327 = arith.constant 3840 : index
    %get3A_328 = arith.constant 0 : index
    %get3A_329 = vector.load %arg0[%get3A_327, %get3A_328] : memref<4096x2xi32, #tpu.memory_space<vmem>>, vector<256x1xi32>
    %eq3A_330 = vector.broadcast %get3A_329 : vector<256x1xi32> to vector<256x8xi32>
    %eq3A_331 = arith.cmpi eq, %eq3A_330, %iota3A_2 : vector<256x8xi32>
    %convert_element_type3A_332 = arith.extui %eq3A_331 : vector<256x8xi1> to vector<256x8xi32>
    %convert_element_type3A_333 = arith.sitofp %convert_element_type3A_332 : vector<256x8xi32> to vector<256x8xf32>
    %dot_general3A_334 = arith.constant dense<0.000000e+00> : vector<256x8xf32>
    %dot_general3A_335 = tpu.matmul %convert_element_type3A_1, %convert_element_type3A_333, %dot_general3A_334 {dimension_numbers = #tpu.dot_dimension_numbers<[1], [0], [0], [1], [0, 0, 1, 1], [], []>, transpose_lhs_hint = false} : vector<256x256xf32>, vector<256x8xf32>, vector<256x8xf32> -> vector<256x8xf32>
    %add3A_336 = vector.broadcast %add3A_326 : vector<1x8xf32> to vector<256x8xf32>
    %add3A_337 = arith.addf %dot_general3A_335, %add3A_336 : vector<256x8xf32>
    %mul3A_338 = arith.mulf %convert_element_type3A_333, %add3A_337 : vector<256x8xf32>
    %reduce_sum3A_339 = arith.constant dense<0.000000e+00> : vector<256xf32>
    %reduce_sum3A_340 = vector.multi_reduction <add>, %mul3A_338, %reduce_sum3A_339 [1] : vector<256x8xf32> to vector<256xf32>
    %broadcast_in_dim3A_341 = vector.shape_cast %reduce_sum3A_340 : vector<256xf32> to vector<256x1xf32>
    %swap3A_342 = arith.constant 3840 : index
    %swap3A_343 = arith.constant 0 : index
    %swap3A_344 = vector.load %arg3[%swap3A_342, %swap3A_343] : memref<4096x2xf32, #tpu.memory_space<vmem>>, vector<256x1xf32>
    tpu.vector_store %arg3[%swap3A_342, %swap3A_343], %broadcast_in_dim3A_341 {strides = array<i32>} : memref<4096x2xf32, #tpu.memory_space<vmem>>, vector<256x1xf32>,
    %reduce_sum3A_345 = arith.constant dense<0.000000e+00> : vector<8xf32>
    %reduce_sum3A_346 = vector.multi_reduction <add>, %convert_element_type3A_333, %reduce_sum3A_345 [0] : vector<256x8xf32> to vector<8xf32>
    %broadcast_in_dim3A_347 = vector.shape_cast %reduce_sum3A_346 : vector<8xf32> to vector<1x8xf32>
    %add3A_348 = arith.addf %add3A_326, %broadcast_in_dim3A_347 : vector<1x8xf32>
    %get3A_349 = arith.constant 0 : index
    %get3A_350 = arith.constant 1 : index
    %get3A_351 = vector.load %arg0[%get3A_349, %get3A_350] : memref<4096x2xi32, #tpu.memory_space<vmem>>, vector<256x1xi32>
    %eq3A_352 = vector.broadcast %get3A_351 : vector<256x1xi32> to vector<256x8xi32>
    %eq3A_353 = arith.cmpi eq, %eq3A_352, %iota3A_2 : vector<256x8xi32>
    %convert_element_type3A_354 = arith.extui %eq3A_353 : vector<256x8xi1> to vector<256x8xi32>
    %convert_element_type3A_355 = arith.sitofp %convert_element_type3A_354 : vector<256x8xi32> to vector<256x8xf32>
    %dot_general3A_356 = arith.constant dense<0.000000e+00> : vector<256x8xf32>
    %dot_general3A_357 = tpu.matmul %convert_element_type3A_1, %convert_element_type3A_355, %dot_general3A_356 {dimension_numbers = #tpu.dot_dimension_numbers<[1], [0], [0], [1], [0, 0, 1, 1], [], []>, transpose_lhs_hint = false} : vector<256x256xf32>, vector<256x8xf32>, vector<256x8xf32> -> vector<256x8xf32>
    %add3A_358 = vector.broadcast %add3A_348 : vector<1x8xf32> to vector<256x8xf32>
    %add3A_359 = arith.addf %dot_general3A_357, %add3A_358 : vector<256x8xf32>
    %mul3A_360 = arith.mulf %convert_element_type3A_355, %add3A_359 : vector<256x8xf32>
    %reduce_sum3A_361 = arith.constant dense<0.000000e+00> : vector<256xf32>
    %reduce_sum3A_362 = vector.multi_reduction <add>, %mul3A_360, %reduce_sum3A_361 [1] : vector<256x8xf32> to vector<256xf32>
    %broadcast_in_dim3A_363 = vector.shape_cast %reduce_sum3A_362 : vector<256xf32> to vector<256x1xf32>
    %swap3A_364 = arith.constant 0 : index
    %swap3A_365 = arith.constant 1 : index
    %swap3A_366 = vector.load %arg3[%swap3A_364, %swap3A_365] : memref<4096x2xf32, #tpu.memory_space<vmem>>, vector<256x1xf32>
    tpu.vector_store %arg3[%swap3A_364, %swap3A_365], %broadcast_in_dim3A_363 {strides = array<i32>} : memref<4096x2xf32, #tpu.memory_space<vmem>>, vector<256x1xf32>,
    %reduce_sum3A_367 = arith.constant dense<0.000000e+00> : vector<8xf32>
    %reduce_sum3A_368 = vector.multi_reduction <add>, %convert_element_type3A_355, %reduce_sum3A_367 [0] : vector<256x8xf32> to vector<8xf32>
    %broadcast_in_dim3A_369 = vector.shape_cast %reduce_sum3A_368 : vector<8xf32> to vector<1x8xf32>
    %add3A_370 = arith.addf %add3A_348, %broadcast_in_dim3A_369 : vector<1x8xf32>
    %get3A_371 = arith.constant 256 : index
    %get3A_372 = arith.constant 1 : index
    %get3A_373 = vector.load %arg0[%get3A_371, %get3A_372] : memref<4096x2xi32, #tpu.memory_space<vmem>>, vector<256x1xi32>
    %eq3A_374 = vector.broadcast %get3A_373 : vector<256x1xi32> to vector<256x8xi32>
    %eq3A_375 = arith.cmpi eq, %eq3A_374, %iota3A_2 : vector<256x8xi32>
    %convert_element_type3A_376 = arith.extui %eq3A_375 : vector<256x8xi1> to vector<256x8xi32>
    %convert_element_type3A_377 = arith.sitofp %convert_element_type3A_376 : vector<256x8xi32> to vector<256x8xf32>
    %dot_general3A_378 = arith.constant dense<0.000000e+00> : vector<256x8xf32>
    %dot_general3A_379 = tpu.matmul %convert_element_type3A_1, %convert_element_type3A_377, %dot_general3A_378 {dimension_numbers = #tpu.dot_dimension_numbers<[1], [0], [0], [1], [0, 0, 1, 1], [], []>, transpose_lhs_hint = false} : vector<256x256xf32>, vector<256x8xf32>, vector<256x8xf32> -> vector<256x8xf32>
    %add3A_380 = vector.broadcast %add3A_370 : vector<1x8xf32> to vector<256x8xf32>
    %add3A_381 = arith.addf %dot_general3A_379, %add3A_380 : vector<256x8xf32>
    %mul3A_382 = arith.mulf %convert_element_type3A_377, %add3A_381 : vector<256x8xf32>
    %reduce_sum3A_383 = arith.constant dense<0.000000e+00> : vector<256xf32>
    %reduce_sum3A_384 = vector.multi_reduction <add>, %mul3A_382, %reduce_sum3A_383 [1] : vector<256x8xf32> to vector<256xf32>
    %broadcast_in_dim3A_385 = vector.shape_cast %reduce_sum3A_384 : vector<256xf32> to vector<256x1xf32>
    %swap3A_386 = arith.constant 256 : index
    %swap3A_387 = arith.constant 1 : index
    %swap3A_388 = vector.load %arg3[%swap3A_386, %swap3A_387] : memref<4096x2xf32, #tpu.memory_space<vmem>>, vector<256x1xf32>
    tpu.vector_store %arg3[%swap3A_386, %swap3A_387], %broadcast_in_dim3A_385 {strides = array<i32>} : memref<4096x2xf32, #tpu.memory_space<vmem>>, vector<256x1xf32>,
    %reduce_sum3A_389 = arith.constant dense<0.000000e+00> : vector<8xf32>
    %reduce_sum3A_390 = vector.multi_reduction <add>, %convert_element_type3A_377, %reduce_sum3A_389 [0] : vector<256x8xf32> to vector<8xf32>
    %broadcast_in_dim3A_391 = vector.shape_cast %reduce_sum3A_390 : vector<8xf32> to vector<1x8xf32>
    %add3A_392 = arith.addf %add3A_370, %broadcast_in_dim3A_391 : vector<1x8xf32>
    %get3A_393 = arith.constant 512 : index
    %get3A_394 = arith.constant 1 : index
    %get3A_395 = vector.load %arg0[%get3A_393, %get3A_394] : memref<4096x2xi32, #tpu.memory_space<vmem>>, vector<256x1xi32>
    %eq3A_396 = vector.broadcast %get3A_395 : vector<256x1xi32> to vector<256x8xi32>
    %eq3A_397 = arith.cmpi eq, %eq3A_396, %iota3A_2 : vector<256x8xi32>
    %convert_element_type3A_398 = arith.extui %eq3A_397 : vector<256x8xi1> to vector<256x8xi32>
    %convert_element_type3A_399 = arith.sitofp %convert_element_type3A_398 : vector<256x8xi32> to vector<256x8xf32>
    %dot_general3A_400 = arith.constant dense<0.000000e+00> : vector<256x8xf32>
    %dot_general3A_401 = tpu.matmul %convert_element_type3A_1, %convert_element_type3A_399, %dot_general3A_400 {dimension_numbers = #tpu.dot_dimension_numbers<[1], [0], [0], [1], [0, 0, 1, 1], [], []>, transpose_lhs_hint = false} : vector<256x256xf32>, vector<256x8xf32>, vector<256x8xf32> -> vector<256x8xf32>
    %add3A_402 = vector.broadcast %add3A_392 : vector<1x8xf32> to vector<256x8xf32>
    %add3A_403 = arith.addf %dot_general3A_401, %add3A_402 : vector<256x8xf32>
    %mul3A_404 = arith.mulf %convert_element_type3A_399, %add3A_403 : vector<256x8xf32>
    %reduce_sum3A_405 = arith.constant dense<0.000000e+00> : vector<256xf32>
    %reduce_sum3A_406 = vector.multi_reduction <add>, %mul3A_404, %reduce_sum3A_405 [1] : vector<256x8xf32> to vector<256xf32>
    %broadcast_in_dim3A_407 = vector.shape_cast %reduce_sum3A_406 : vector<256xf32> to vector<256x1xf32>
    %swap3A_408 = arith.constant 512 : index
    %swap3A_409 = arith.constant 1 : index
    %swap3A_410 = vector.load %arg3[%swap3A_408, %swap3A_409] : memref<4096x2xf32, #tpu.memory_space<vmem>>, vector<256x1xf32>
    tpu.vector_store %arg3[%swap3A_408, %swap3A_409], %broadcast_in_dim3A_407 {strides = array<i32>} : memref<4096x2xf32, #tpu.memory_space<vmem>>, vector<256x1xf32>,
    %reduce_sum3A_411 = arith.constant dense<0.000000e+00> : vector<8xf32>
    %reduce_sum3A_412 = vector.multi_reduction <add>, %convert_element_type3A_399, %reduce_sum3A_411 [0] : vector<256x8xf32> to vector<8xf32>
    %broadcast_in_dim3A_413 = vector.shape_cast %reduce_sum3A_412 : vector<8xf32> to vector<1x8xf32>
    %add3A_414 = arith.addf %add3A_392, %broadcast_in_dim3A_413 : vector<1x8xf32>
    %get3A_415 = arith.constant 768 : index
    %get3A_416 = arith.constant 1 : index
    %get3A_417 = vector.load %arg0[%get3A_415, %get3A_416] : memref<4096x2xi32, #tpu.memory_space<vmem>>, vector<256x1xi32>
    %eq3A_418 = vector.broadcast %get3A_417 : vector<256x1xi32> to vector<256x8xi32>
    %eq3A_419 = arith.cmpi eq, %eq3A_418, %iota3A_2 : vector<256x8xi32>
    %convert_element_type3A_420 = arith.extui %eq3A_419 : vector<256x8xi1> to vector<256x8xi32>
    %convert_element_type3A_421 = arith.sitofp %convert_element_type3A_420 : vector<256x8xi32> to vector<256x8xf32>
    %dot_general3A_422 = arith.constant dense<0.000000e+00> : vector<256x8xf32>
    %dot_general3A_423 = tpu.matmul %convert_element_type3A_1, %convert_element_type3A_421, %dot_general3A_422 {dimension_numbers = #tpu.dot_dimension_numbers<[1], [0], [0], [1], [0, 0, 1, 1], [], []>, transpose_lhs_hint = false} : vector<256x256xf32>, vector<256x8xf32>, vector<256x8xf32> -> vector<256x8xf32>
    %add3A_424 = vector.broadcast %add3A_414 : vector<1x8xf32> to vector<256x8xf32>
    %add3A_425 = arith.addf %dot_general3A_423, %add3A_424 : vector<256x8xf32>
    %mul3A_426 = arith.mulf %convert_element_type3A_421, %add3A_425 : vector<256x8xf32>
    %reduce_sum3A_427 = arith.constant dense<0.000000e+00> : vector<256xf32>
    %reduce_sum3A_428 = vector.multi_reduction <add>, %mul3A_426, %reduce_sum3A_427 [1] : vector<256x8xf32> to vector<256xf32>
    %broadcast_in_dim3A_429 = vector.shape_cast %reduce_sum3A_428 : vector<256xf32> to vector<256x1xf32>
    %swap3A_430 = arith.constant 768 : index
    %swap3A_431 = arith.constant 1 : index
    %swap3A_432 = vector.load %arg3[%swap3A_430, %swap3A_431] : memref<4096x2xf32, #tpu.memory_space<vmem>>, vector<256x1xf32>
    tpu.vector_store %arg3[%swap3A_430, %swap3A_431], %broadcast_in_dim3A_429 {strides = array<i32>} : memref<4096x2xf32, #tpu.memory_space<vmem>>, vector<256x1xf32>,
    %reduce_sum3A_433 = arith.constant dense<0.000000e+00> : vector<8xf32>
    %reduce_sum3A_434 = vector.multi_reduction <add>, %convert_element_type3A_421, %reduce_sum3A_433 [0] : vector<256x8xf32> to vector<8xf32>
    %broadcast_in_dim3A_435 = vector.shape_cast %reduce_sum3A_434 : vector<8xf32> to vector<1x8xf32>
    %add3A_436 = arith.addf %add3A_414, %broadcast_in_dim3A_435 : vector<1x8xf32>
    %get3A_437 = arith.constant 1024 : index
    %get3A_438 = arith.constant 1 : index
    %get3A_439 = vector.load %arg0[%get3A_437, %get3A_438] : memref<4096x2xi32, #tpu.memory_space<vmem>>, vector<256x1xi32>
    %eq3A_440 = vector.broadcast %get3A_439 : vector<256x1xi32> to vector<256x8xi32>
    %eq3A_441 = arith.cmpi eq, %eq3A_440, %iota3A_2 : vector<256x8xi32>
    %convert_element_type3A_442 = arith.extui %eq3A_441 : vector<256x8xi1> to vector<256x8xi32>
    %convert_element_type3A_443 = arith.sitofp %convert_element_type3A_442 : vector<256x8xi32> to vector<256x8xf32>
    %dot_general3A_444 = arith.constant dense<0.000000e+00> : vector<256x8xf32>
    %dot_general3A_445 = tpu.matmul %convert_element_type3A_1, %convert_element_type3A_443, %dot_general3A_444 {dimension_numbers = #tpu.dot_dimension_numbers<[1], [0], [0], [1], [0, 0, 1, 1], [], []>, transpose_lhs_hint = false} : vector<256x256xf32>, vector<256x8xf32>, vector<256x8xf32> -> vector<256x8xf32>
    %add3A_446 = vector.broadcast %add3A_436 : vector<1x8xf32> to vector<256x8xf32>
    %add3A_447 = arith.addf %dot_general3A_445, %add3A_446 : vector<256x8xf32>
    %mul3A_448 = arith.mulf %convert_element_type3A_443, %add3A_447 : vector<256x8xf32>
    %reduce_sum3A_449 = arith.constant dense<0.000000e+00> : vector<256xf32>
    %reduce_sum3A_450 = vector.multi_reduction <add>, %mul3A_448, %reduce_sum3A_449 [1] : vector<256x8xf32> to vector<256xf32>
    %broadcast_in_dim3A_451 = vector.shape_cast %reduce_sum3A_450 : vector<256xf32> to vector<256x1xf32>
    %swap3A_452 = arith.constant 1024 : index
    %swap3A_453 = arith.constant 1 : index
    %swap3A_454 = vector.load %arg3[%swap3A_452, %swap3A_453] : memref<4096x2xf32, #tpu.memory_space<vmem>>, vector<256x1xf32>
    tpu.vector_store %arg3[%swap3A_452, %swap3A_453], %broadcast_in_dim3A_451 {strides = array<i32>} : memref<4096x2xf32, #tpu.memory_space<vmem>>, vector<256x1xf32>,
    %reduce_sum3A_455 = arith.constant dense<0.000000e+00> : vector<8xf32>
    %reduce_sum3A_456 = vector.multi_reduction <add>, %convert_element_type3A_443, %reduce_sum3A_455 [0] : vector<256x8xf32> to vector<8xf32>
    %broadcast_in_dim3A_457 = vector.shape_cast %reduce_sum3A_456 : vector<8xf32> to vector<1x8xf32>
    %add3A_458 = arith.addf %add3A_436, %broadcast_in_dim3A_457 : vector<1x8xf32>
    %get3A_459 = arith.constant 1280 : index
    %get3A_460 = arith.constant 1 : index
    %get3A_461 = vector.load %arg0[%get3A_459, %get3A_460] : memref<4096x2xi32, #tpu.memory_space<vmem>>, vector<256x1xi32>
    %eq3A_462 = vector.broadcast %get3A_461 : vector<256x1xi32> to vector<256x8xi32>
    %eq3A_463 = arith.cmpi eq, %eq3A_462, %iota3A_2 : vector<256x8xi32>
    %convert_element_type3A_464 = arith.extui %eq3A_463 : vector<256x8xi1> to vector<256x8xi32>
    %convert_element_type3A_465 = arith.sitofp %convert_element_type3A_464 : vector<256x8xi32> to vector<256x8xf32>
    %dot_general3A_466 = arith.constant dense<0.000000e+00> : vector<256x8xf32>
    %dot_general3A_467 = tpu.matmul %convert_element_type3A_1, %convert_element_type3A_465, %dot_general3A_466 {dimension_numbers = #tpu.dot_dimension_numbers<[1], [0], [0], [1], [0, 0, 1, 1], [], []>, transpose_lhs_hint = false} : vector<256x256xf32>, vector<256x8xf32>, vector<256x8xf32> -> vector<256x8xf32>
    %add3A_468 = vector.broadcast %add3A_458 : vector<1x8xf32> to vector<256x8xf32>
    %add3A_469 = arith.addf %dot_general3A_467, %add3A_468 : vector<256x8xf32>
    %mul3A_470 = arith.mulf %convert_element_type3A_465, %add3A_469 : vector<256x8xf32>
    %reduce_sum3A_471 = arith.constant dense<0.000000e+00> : vector<256xf32>
    %reduce_sum3A_472 = vector.multi_reduction <add>, %mul3A_470, %reduce_sum3A_471 [1] : vector<256x8xf32> to vector<256xf32>
    %broadcast_in_dim3A_473 = vector.shape_cast %reduce_sum3A_472 : vector<256xf32> to vector<256x1xf32>
    %swap3A_474 = arith.constant 1280 : index
    %swap3A_475 = arith.constant 1 : index
    %swap3A_476 = vector.load %arg3[%swap3A_474, %swap3A_475] : memref<4096x2xf32, #tpu.memory_space<vmem>>, vector<256x1xf32>
    tpu.vector_store %arg3[%swap3A_474, %swap3A_475], %broadcast_in_dim3A_473 {strides = array<i32>} : memref<4096x2xf32, #tpu.memory_space<vmem>>, vector<256x1xf32>,
    %reduce_sum3A_477 = arith.constant dense<0.000000e+00> : vector<8xf32>
    %reduce_sum3A_478 = vector.multi_reduction <add>, %convert_element_type3A_465, %reduce_sum3A_477 [0] : vector<256x8xf32> to vector<8xf32>
    %broadcast_in_dim3A_479 = vector.shape_cast %reduce_sum3A_478 : vector<8xf32> to vector<1x8xf32>
    %add3A_480 = arith.addf %add3A_458, %broadcast_in_dim3A_479 : vector<1x8xf32>
    %get3A_481 = arith.constant 1536 : index
    %get3A_482 = arith.constant 1 : index
    %get3A_483 = vector.load %arg0[%get3A_481, %get3A_482] : memref<4096x2xi32, #tpu.memory_space<vmem>>, vector<256x1xi32>
    %eq3A_484 = vector.broadcast %get3A_483 : vector<256x1xi32> to vector<256x8xi32>
    %eq3A_485 = arith.cmpi eq, %eq3A_484, %iota3A_2 : vector<256x8xi32>
    %convert_element_type3A_486 = arith.extui %eq3A_485 : vector<256x8xi1> to vector<256x8xi32>
    %convert_element_type3A_487 = arith.sitofp %convert_element_type3A_486 : vector<256x8xi32> to vector<256x8xf32>
    %dot_general3A_488 = arith.constant dense<0.000000e+00> : vector<256x8xf32>
    %dot_general3A_489 = tpu.matmul %convert_element_type3A_1, %convert_element_type3A_487, %dot_general3A_488 {dimension_numbers = #tpu.dot_dimension_numbers<[1], [0], [0], [1], [0, 0, 1, 1], [], []>, transpose_lhs_hint = false} : vector<256x256xf32>, vector<256x8xf32>, vector<256x8xf32> -> vector<256x8xf32>
    %add3A_490 = vector.broadcast %add3A_480 : vector<1x8xf32> to vector<256x8xf32>
    %add3A_491 = arith.addf %dot_general3A_489, %add3A_490 : vector<256x8xf32>
    %mul3A_492 = arith.mulf %convert_element_type3A_487, %add3A_491 : vector<256x8xf32>
    %reduce_sum3A_493 = arith.constant dense<0.000000e+00> : vector<256xf32>
    %reduce_sum3A_494 = vector.multi_reduction <add>, %mul3A_492, %reduce_sum3A_493 [1] : vector<256x8xf32> to vector<256xf32>
    %broadcast_in_dim3A_495 = vector.shape_cast %reduce_sum3A_494 : vector<256xf32> to vector<256x1xf32>
    %swap3A_496 = arith.constant 1536 : index
    %swap3A_497 = arith.constant 1 : index
    %swap3A_498 = vector.load %arg3[%swap3A_496, %swap3A_497] : memref<4096x2xf32, #tpu.memory_space<vmem>>, vector<256x1xf32>
    tpu.vector_store %arg3[%swap3A_496, %swap3A_497], %broadcast_in_dim3A_495 {strides = array<i32>} : memref<4096x2xf32, #tpu.memory_space<vmem>>, vector<256x1xf32>,
    %reduce_sum3A_499 = arith.constant dense<0.000000e+00> : vector<8xf32>
    %reduce_sum3A_500 = vector.multi_reduction <add>, %convert_element_type3A_487, %reduce_sum3A_499 [0] : vector<256x8xf32> to vector<8xf32>
    %broadcast_in_dim3A_501 = vector.shape_cast %reduce_sum3A_500 : vector<8xf32> to vector<1x8xf32>
    %add3A_502 = arith.addf %add3A_480, %broadcast_in_dim3A_501 : vector<1x8xf32>
    %get3A_503 = arith.constant 1792 : index
    %get3A_504 = arith.constant 1 : index
    %get3A_505 = vector.load %arg0[%get3A_503, %get3A_504] : memref<4096x2xi32, #tpu.memory_space<vmem>>, vector<256x1xi32>
    %eq3A_506 = vector.broadcast %get3A_505 : vector<256x1xi32> to vector<256x8xi32>
    %eq3A_507 = arith.cmpi eq, %eq3A_506, %iota3A_2 : vector<256x8xi32>
    %convert_element_type3A_508 = arith.extui %eq3A_507 : vector<256x8xi1> to vector<256x8xi32>
    %convert_element_type3A_509 = arith.sitofp %convert_element_type3A_508 : vector<256x8xi32> to vector<256x8xf32>
    %dot_general3A_510 = arith.constant dense<0.000000e+00> : vector<256x8xf32>
    %dot_general3A_511 = tpu.matmul %convert_element_type3A_1, %convert_element_type3A_509, %dot_general3A_510 {dimension_numbers = #tpu.dot_dimension_numbers<[1], [0], [0], [1], [0, 0, 1, 1], [], []>, transpose_lhs_hint = false} : vector<256x256xf32>, vector<256x8xf32>, vector<256x8xf32> -> vector<256x8xf32>
    %add3A_512 = vector.broadcast %add3A_502 : vector<1x8xf32> to vector<256x8xf32>
    %add3A_513 = arith.addf %dot_general3A_511, %add3A_512 : vector<256x8xf32>
    %mul3A_514 = arith.mulf %convert_element_type3A_509, %add3A_513 : vector<256x8xf32>
    %reduce_sum3A_515 = arith.constant dense<0.000000e+00> : vector<256xf32>
    %reduce_sum3A_516 = vector.multi_reduction <add>, %mul3A_514, %reduce_sum3A_515 [1] : vector<256x8xf32> to vector<256xf32>
    %broadcast_in_dim3A_517 = vector.shape_cast %reduce_sum3A_516 : vector<256xf32> to vector<256x1xf32>
    %swap3A_518 = arith.constant 1792 : index
    %swap3A_519 = arith.constant 1 : index
    %swap3A_520 = vector.load %arg3[%swap3A_518, %swap3A_519] : memref<4096x2xf32, #tpu.memory_space<vmem>>, vector<256x1xf32>
    tpu.vector_store %arg3[%swap3A_518, %swap3A_519], %broadcast_in_dim3A_517 {strides = array<i32>} : memref<4096x2xf32, #tpu.memory_space<vmem>>, vector<256x1xf32>,
    %reduce_sum3A_521 = arith.constant dense<0.000000e+00> : vector<8xf32>
    %reduce_sum3A_522 = vector.multi_reduction <add>, %convert_element_type3A_509, %reduce_sum3A_521 [0] : vector<256x8xf32> to vector<8xf32>
    %broadcast_in_dim3A_523 = vector.shape_cast %reduce_sum3A_522 : vector<8xf32> to vector<1x8xf32>
    %add3A_524 = arith.addf %add3A_502, %broadcast_in_dim3A_523 : vector<1x8xf32>
    %get3A_525 = arith.constant 2048 : index
    %get3A_526 = arith.constant 1 : index
    %get3A_527 = vector.load %arg0[%get3A_525, %get3A_526] : memref<4096x2xi32, #tpu.memory_space<vmem>>, vector<256x1xi32>
    %eq3A_528 = vector.broadcast %get3A_527 : vector<256x1xi32> to vector<256x8xi32>
    %eq3A_529 = arith.cmpi eq, %eq3A_528, %iota3A_2 : vector<256x8xi32>
    %convert_element_type3A_530 = arith.extui %eq3A_529 : vector<256x8xi1> to vector<256x8xi32>
    %convert_element_type3A_531 = arith.sitofp %convert_element_type3A_530 : vector<256x8xi32> to vector<256x8xf32>
    %dot_general3A_532 = arith.constant dense<0.000000e+00> : vector<256x8xf32>
    %dot_general3A_533 = tpu.matmul %convert_element_type3A_1, %convert_element_type3A_531, %dot_general3A_532 {dimension_numbers = #tpu.dot_dimension_numbers<[1], [0], [0], [1], [0, 0, 1, 1], [], []>, transpose_lhs_hint = false} : vector<256x256xf32>, vector<256x8xf32>, vector<256x8xf32> -> vector<256x8xf32>
    %add3A_534 = vector.broadcast %add3A_524 : vector<1x8xf32> to vector<256x8xf32>
    %add3A_535 = arith.addf %dot_general3A_533, %add3A_534 : vector<256x8xf32>
    %mul3A_536 = arith.mulf %convert_element_type3A_531, %add3A_535 : vector<256x8xf32>
    %reduce_sum3A_537 = arith.constant dense<0.000000e+00> : vector<256xf32>
    %reduce_sum3A_538 = vector.multi_reduction <add>, %mul3A_536, %reduce_sum3A_537 [1] : vector<256x8xf32> to vector<256xf32>
    %broadcast_in_dim3A_539 = vector.shape_cast %reduce_sum3A_538 : vector<256xf32> to vector<256x1xf32>
    %swap3A_540 = arith.constant 2048 : index
    %swap3A_541 = arith.constant 1 : index
    %swap3A_542 = vector.load %arg3[%swap3A_540, %swap3A_541] : memref<4096x2xf32, #tpu.memory_space<vmem>>, vector<256x1xf32>
    tpu.vector_store %arg3[%swap3A_540, %swap3A_541], %broadcast_in_dim3A_539 {strides = array<i32>} : memref<4096x2xf32, #tpu.memory_space<vmem>>, vector<256x1xf32>,
    %reduce_sum3A_543 = arith.constant dense<0.000000e+00> : vector<8xf32>
    %reduce_sum3A_544 = vector.multi_reduction <add>, %convert_element_type3A_531, %reduce_sum3A_543 [0] : vector<256x8xf32> to vector<8xf32>
    %broadcast_in_dim3A_545 = vector.shape_cast %reduce_sum3A_544 : vector<8xf32> to vector<1x8xf32>
    %add3A_546 = arith.addf %add3A_524, %broadcast_in_dim3A_545 : vector<1x8xf32>
    %get3A_547 = arith.constant 2304 : index
    %get3A_548 = arith.constant 1 : index
    %get3A_549 = vector.load %arg0[%get3A_547, %get3A_548] : memref<4096x2xi32, #tpu.memory_space<vmem>>, vector<256x1xi32>
    %eq3A_550 = vector.broadcast %get3A_549 : vector<256x1xi32> to vector<256x8xi32>
    %eq3A_551 = arith.cmpi eq, %eq3A_550, %iota3A_2 : vector<256x8xi32>
    %convert_element_type3A_552 = arith.extui %eq3A_551 : vector<256x8xi1> to vector<256x8xi32>
    %convert_element_type3A_553 = arith.sitofp %convert_element_type3A_552 : vector<256x8xi32> to vector<256x8xf32>
    %dot_general3A_554 = arith.constant dense<0.000000e+00> : vector<256x8xf32>
    %dot_general3A_555 = tpu.matmul %convert_element_type3A_1, %convert_element_type3A_553, %dot_general3A_554 {dimension_numbers = #tpu.dot_dimension_numbers<[1], [0], [0], [1], [0, 0, 1, 1], [], []>, transpose_lhs_hint = false} : vector<256x256xf32>, vector<256x8xf32>, vector<256x8xf32> -> vector<256x8xf32>
    %add3A_556 = vector.broadcast %add3A_546 : vector<1x8xf32> to vector<256x8xf32>
    %add3A_557 = arith.addf %dot_general3A_555, %add3A_556 : vector<256x8xf32>
    %mul3A_558 = arith.mulf %convert_element_type3A_553, %add3A_557 : vector<256x8xf32>
    %reduce_sum3A_559 = arith.constant dense<0.000000e+00> : vector<256xf32>
    %reduce_sum3A_560 = vector.multi_reduction <add>, %mul3A_558, %reduce_sum3A_559 [1] : vector<256x8xf32> to vector<256xf32>
    %broadcast_in_dim3A_561 = vector.shape_cast %reduce_sum3A_560 : vector<256xf32> to vector<256x1xf32>
    %swap3A_562 = arith.constant 2304 : index
    %swap3A_563 = arith.constant 1 : index
    %swap3A_564 = vector.load %arg3[%swap3A_562, %swap3A_563] : memref<4096x2xf32, #tpu.memory_space<vmem>>, vector<256x1xf32>
    tpu.vector_store %arg3[%swap3A_562, %swap3A_563], %broadcast_in_dim3A_561 {strides = array<i32>} : memref<4096x2xf32, #tpu.memory_space<vmem>>, vector<256x1xf32>,
    %reduce_sum3A_565 = arith.constant dense<0.000000e+00> : vector<8xf32>
    %reduce_sum3A_566 = vector.multi_reduction <add>, %convert_element_type3A_553, %reduce_sum3A_565 [0] : vector<256x8xf32> to vector<8xf32>
    %broadcast_in_dim3A_567 = vector.shape_cast %reduce_sum3A_566 : vector<8xf32> to vector<1x8xf32>
    %add3A_568 = arith.addf %add3A_546, %broadcast_in_dim3A_567 : vector<1x8xf32>
    %get3A_569 = arith.constant 2560 : index
    %get3A_570 = arith.constant 1 : index
    %get3A_571 = vector.load %arg0[%get3A_569, %get3A_570] : memref<4096x2xi32, #tpu.memory_space<vmem>>, vector<256x1xi32>
    %eq3A_572 = vector.broadcast %get3A_571 : vector<256x1xi32> to vector<256x8xi32>
    %eq3A_573 = arith.cmpi eq, %eq3A_572, %iota3A_2 : vector<256x8xi32>
    %convert_element_type3A_574 = arith.extui %eq3A_573 : vector<256x8xi1> to vector<256x8xi32>
    %convert_element_type3A_575 = arith.sitofp %convert_element_type3A_574 : vector<256x8xi32> to vector<256x8xf32>
    %dot_general3A_576 = arith.constant dense<0.000000e+00> : vector<256x8xf32>
    %dot_general3A_577 = tpu.matmul %convert_element_type3A_1, %convert_element_type3A_575, %dot_general3A_576 {dimension_numbers = #tpu.dot_dimension_numbers<[1], [0], [0], [1], [0, 0, 1, 1], [], []>, transpose_lhs_hint = false} : vector<256x256xf32>, vector<256x8xf32>, vector<256x8xf32> -> vector<256x8xf32>
    %add3A_578 = vector.broadcast %add3A_568 : vector<1x8xf32> to vector<256x8xf32>
    %add3A_579 = arith.addf %dot_general3A_577, %add3A_578 : vector<256x8xf32>
    %mul3A_580 = arith.mulf %convert_element_type3A_575, %add3A_579 : vector<256x8xf32>
    %reduce_sum3A_581 = arith.constant dense<0.000000e+00> : vector<256xf32>
    %reduce_sum3A_582 = vector.multi_reduction <add>, %mul3A_580, %reduce_sum3A_581 [1] : vector<256x8xf32> to vector<256xf32>
    %broadcast_in_dim3A_583 = vector.shape_cast %reduce_sum3A_582 : vector<256xf32> to vector<256x1xf32>
    %swap3A_584 = arith.constant 2560 : index
    %swap3A_585 = arith.constant 1 : index
    %swap3A_586 = vector.load %arg3[%swap3A_584, %swap3A_585] : memref<4096x2xf32, #tpu.memory_space<vmem>>, vector<256x1xf32>
    tpu.vector_store %arg3[%swap3A_584, %swap3A_585], %broadcast_in_dim3A_583 {strides = array<i32>} : memref<4096x2xf32, #tpu.memory_space<vmem>>, vector<256x1xf32>,
    %reduce_sum3A_587 = arith.constant dense<0.000000e+00> : vector<8xf32>
    %reduce_sum3A_588 = vector.multi_reduction <add>, %convert_element_type3A_575, %reduce_sum3A_587 [0] : vector<256x8xf32> to vector<8xf32>
    %broadcast_in_dim3A_589 = vector.shape_cast %reduce_sum3A_588 : vector<8xf32> to vector<1x8xf32>
    %add3A_590 = arith.addf %add3A_568, %broadcast_in_dim3A_589 : vector<1x8xf32>
    %get3A_591 = arith.constant 2816 : index
    %get3A_592 = arith.constant 1 : index
    %get3A_593 = vector.load %arg0[%get3A_591, %get3A_592] : memref<4096x2xi32, #tpu.memory_space<vmem>>, vector<256x1xi32>
    %eq3A_594 = vector.broadcast %get3A_593 : vector<256x1xi32> to vector<256x8xi32>
    %eq3A_595 = arith.cmpi eq, %eq3A_594, %iota3A_2 : vector<256x8xi32>
    %convert_element_type3A_596 = arith.extui %eq3A_595 : vector<256x8xi1> to vector<256x8xi32>
    %convert_element_type3A_597 = arith.sitofp %convert_element_type3A_596 : vector<256x8xi32> to vector<256x8xf32>
    %dot_general3A_598 = arith.constant dense<0.000000e+00> : vector<256x8xf32>
    %dot_general3A_599 = tpu.matmul %convert_element_type3A_1, %convert_element_type3A_597, %dot_general3A_598 {dimension_numbers = #tpu.dot_dimension_numbers<[1], [0], [0], [1], [0, 0, 1, 1], [], []>, transpose_lhs_hint = false} : vector<256x256xf32>, vector<256x8xf32>, vector<256x8xf32> -> vector<256x8xf32>
    %add3A_600 = vector.broadcast %add3A_590 : vector<1x8xf32> to vector<256x8xf32>
    %add3A_601 = arith.addf %dot_general3A_599, %add3A_600 : vector<256x8xf32>
    %mul3A_602 = arith.mulf %convert_element_type3A_597, %add3A_601 : vector<256x8xf32>
    %reduce_sum3A_603 = arith.constant dense<0.000000e+00> : vector<256xf32>
    %reduce_sum3A_604 = vector.multi_reduction <add>, %mul3A_602, %reduce_sum3A_603 [1] : vector<256x8xf32> to vector<256xf32>
    %broadcast_in_dim3A_605 = vector.shape_cast %reduce_sum3A_604 : vector<256xf32> to vector<256x1xf32>
    %swap3A_606 = arith.constant 2816 : index
    %swap3A_607 = arith.constant 1 : index
    %swap3A_608 = vector.load %arg3[%swap3A_606, %swap3A_607] : memref<4096x2xf32, #tpu.memory_space<vmem>>, vector<256x1xf32>
    tpu.vector_store %arg3[%swap3A_606, %swap3A_607], %broadcast_in_dim3A_605 {strides = array<i32>} : memref<4096x2xf32, #tpu.memory_space<vmem>>, vector<256x1xf32>,
    %reduce_sum3A_609 = arith.constant dense<0.000000e+00> : vector<8xf32>
    %reduce_sum3A_610 = vector.multi_reduction <add>, %convert_element_type3A_597, %reduce_sum3A_609 [0] : vector<256x8xf32> to vector<8xf32>
    %broadcast_in_dim3A_611 = vector.shape_cast %reduce_sum3A_610 : vector<8xf32> to vector<1x8xf32>
    %add3A_612 = arith.addf %add3A_590, %broadcast_in_dim3A_611 : vector<1x8xf32>
    %get3A_613 = arith.constant 3072 : index
    %get3A_614 = arith.constant 1 : index
    %get3A_615 = vector.load %arg0[%get3A_613, %get3A_614] : memref<4096x2xi32, #tpu.memory_space<vmem>>, vector<256x1xi32>
    %eq3A_616 = vector.broadcast %get3A_615 : vector<256x1xi32> to vector<256x8xi32>
    %eq3A_617 = arith.cmpi eq, %eq3A_616, %iota3A_2 : vector<256x8xi32>
    %convert_element_type3A_618 = arith.extui %eq3A_617 : vector<256x8xi1> to vector<256x8xi32>
    %convert_element_type3A_619 = arith.sitofp %convert_element_type3A_618 : vector<256x8xi32> to vector<256x8xf32>
    %dot_general3A_620 = arith.constant dense<0.000000e+00> : vector<256x8xf32>
    %dot_general3A_621 = tpu.matmul %convert_element_type3A_1, %convert_element_type3A_619, %dot_general3A_620 {dimension_numbers = #tpu.dot_dimension_numbers<[1], [0], [0], [1], [0, 0, 1, 1], [], []>, transpose_lhs_hint = false} : vector<256x256xf32>, vector<256x8xf32>, vector<256x8xf32> -> vector<256x8xf32>
    %add3A_622 = vector.broadcast %add3A_612 : vector<1x8xf32> to vector<256x8xf32>
    %add3A_623 = arith.addf %dot_general3A_621, %add3A_622 : vector<256x8xf32>
    %mul3A_624 = arith.mulf %convert_element_type3A_619, %add3A_623 : vector<256x8xf32>
    %reduce_sum3A_625 = arith.constant dense<0.000000e+00> : vector<256xf32>
    %reduce_sum3A_626 = vector.multi_reduction <add>, %mul3A_624, %reduce_sum3A_625 [1] : vector<256x8xf32> to vector<256xf32>
    %broadcast_in_dim3A_627 = vector.shape_cast %reduce_sum3A_626 : vector<256xf32> to vector<256x1xf32>
    %swap3A_628 = arith.constant 3072 : index
    %swap3A_629 = arith.constant 1 : index
    %swap3A_630 = vector.load %arg3[%swap3A_628, %swap3A_629] : memref<4096x2xf32, #tpu.memory_space<vmem>>, vector<256x1xf32>
    tpu.vector_store %arg3[%swap3A_628, %swap3A_629], %broadcast_in_dim3A_627 {strides = array<i32>} : memref<4096x2xf32, #tpu.memory_space<vmem>>, vector<256x1xf32>,
    %reduce_sum3A_631 = arith.constant dense<0.000000e+00> : vector<8xf32>
    %reduce_sum3A_632 = vector.multi_reduction <add>, %convert_element_type3A_619, %reduce_sum3A_631 [0] : vector<256x8xf32> to vector<8xf32>
    %broadcast_in_dim3A_633 = vector.shape_cast %reduce_sum3A_632 : vector<8xf32> to vector<1x8xf32>
    %add3A_634 = arith.addf %add3A_612, %broadcast_in_dim3A_633 : vector<1x8xf32>
    %get3A_635 = arith.constant 3328 : index
    %get3A_636 = arith.constant 1 : index
    %get3A_637 = vector.load %arg0[%get3A_635, %get3A_636] : memref<4096x2xi32, #tpu.memory_space<vmem>>, vector<256x1xi32>
    %eq3A_638 = vector.broadcast %get3A_637 : vector<256x1xi32> to vector<256x8xi32>
    %eq3A_639 = arith.cmpi eq, %eq3A_638, %iota3A_2 : vector<256x8xi32>
    %convert_element_type3A_640 = arith.extui %eq3A_639 : vector<256x8xi1> to vector<256x8xi32>
    %convert_element_type3A_641 = arith.sitofp %convert_element_type3A_640 : vector<256x8xi32> to vector<256x8xf32>
    %dot_general3A_642 = arith.constant dense<0.000000e+00> : vector<256x8xf32>
    %dot_general3A_643 = tpu.matmul %convert_element_type3A_1, %convert_element_type3A_641, %dot_general3A_642 {dimension_numbers = #tpu.dot_dimension_numbers<[1], [0], [0], [1], [0, 0, 1, 1], [], []>, transpose_lhs_hint = false} : vector<256x256xf32>, vector<256x8xf32>, vector<256x8xf32> -> vector<256x8xf32>
    %add3A_644 = vector.broadcast %add3A_634 : vector<1x8xf32> to vector<256x8xf32>
    %add3A_645 = arith.addf %dot_general3A_643, %add3A_644 : vector<256x8xf32>
    %mul3A_646 = arith.mulf %convert_element_type3A_641, %add3A_645 : vector<256x8xf32>
    %reduce_sum3A_647 = arith.constant dense<0.000000e+00> : vector<256xf32>
    %reduce_sum3A_648 = vector.multi_reduction <add>, %mul3A_646, %reduce_sum3A_647 [1] : vector<256x8xf32> to vector<256xf32>
    %broadcast_in_dim3A_649 = vector.shape_cast %reduce_sum3A_648 : vector<256xf32> to vector<256x1xf32>
    %swap3A_650 = arith.constant 3328 : index
    %swap3A_651 = arith.constant 1 : index
    %swap3A_652 = vector.load %arg3[%swap3A_650, %swap3A_651] : memref<4096x2xf32, #tpu.memory_space<vmem>>, vector<256x1xf32>
    tpu.vector_store %arg3[%swap3A_650, %swap3A_651], %broadcast_in_dim3A_649 {strides = array<i32>} : memref<4096x2xf32, #tpu.memory_space<vmem>>, vector<256x1xf32>,
    %reduce_sum3A_653 = arith.constant dense<0.000000e+00> : vector<8xf32>
    %reduce_sum3A_654 = vector.multi_reduction <add>, %convert_element_type3A_641, %reduce_sum3A_653 [0] : vector<256x8xf32> to vector<8xf32>
    %broadcast_in_dim3A_655 = vector.shape_cast %reduce_sum3A_654 : vector<8xf32> to vector<1x8xf32>
    %add3A_656 = arith.addf %add3A_634, %broadcast_in_dim3A_655 : vector<1x8xf32>
    %get3A_657 = arith.constant 3584 : index
    %get3A_658 = arith.constant 1 : index
    %get3A_659 = vector.load %arg0[%get3A_657, %get3A_658] : memref<4096x2xi32, #tpu.memory_space<vmem>>, vector<256x1xi32>
    %eq3A_660 = vector.broadcast %get3A_659 : vector<256x1xi32> to vector<256x8xi32>
    %eq3A_661 = arith.cmpi eq, %eq3A_660, %iota3A_2 : vector<256x8xi32>
    %convert_element_type3A_662 = arith.extui %eq3A_661 : vector<256x8xi1> to vector<256x8xi32>
    %convert_element_type3A_663 = arith.sitofp %convert_element_type3A_662 : vector<256x8xi32> to vector<256x8xf32>
    %dot_general3A_664 = arith.constant dense<0.000000e+00> : vector<256x8xf32>
    %dot_general3A_665 = tpu.matmul %convert_element_type3A_1, %convert_element_type3A_663, %dot_general3A_664 {dimension_numbers = #tpu.dot_dimension_numbers<[1], [0], [0], [1], [0, 0, 1, 1], [], []>, transpose_lhs_hint = false} : vector<256x256xf32>, vector<256x8xf32>, vector<256x8xf32> -> vector<256x8xf32>
    %add3A_666 = vector.broadcast %add3A_656 : vector<1x8xf32> to vector<256x8xf32>
    %add3A_667 = arith.addf %dot_general3A_665, %add3A_666 : vector<256x8xf32>
    %mul3A_668 = arith.mulf %convert_element_type3A_663, %add3A_667 : vector<256x8xf32>
    %reduce_sum3A_669 = arith.constant dense<0.000000e+00> : vector<256xf32>
    %reduce_sum3A_670 = vector.multi_reduction <add>, %mul3A_668, %reduce_sum3A_669 [1] : vector<256x8xf32> to vector<256xf32>
    %broadcast_in_dim3A_671 = vector.shape_cast %reduce_sum3A_670 : vector<256xf32> to vector<256x1xf32>
    %swap3A_672 = arith.constant 3584 : index
    %swap3A_673 = arith.constant 1 : index
    %swap3A_674 = vector.load %arg3[%swap3A_672, %swap3A_673] : memref<4096x2xf32, #tpu.memory_space<vmem>>, vector<256x1xf32>
    tpu.vector_store %arg3[%swap3A_672, %swap3A_673], %broadcast_in_dim3A_671 {strides = array<i32>} : memref<4096x2xf32, #tpu.memory_space<vmem>>, vector<256x1xf32>,
    %reduce_sum3A_675 = arith.constant dense<0.000000e+00> : vector<8xf32>
    %reduce_sum3A_676 = vector.multi_reduction <add>, %convert_element_type3A_663, %reduce_sum3A_675 [0] : vector<256x8xf32> to vector<8xf32>
    %broadcast_in_dim3A_677 = vector.shape_cast %reduce_sum3A_676 : vector<8xf32> to vector<1x8xf32>
    %add3A_678 = arith.addf %add3A_656, %broadcast_in_dim3A_677 : vector<1x8xf32>
    %get3A_679 = arith.constant 3840 : index
    %get3A_680 = arith.constant 1 : index
    %get3A_681 = vector.load %arg0[%get3A_679, %get3A_680] : memref<4096x2xi32, #tpu.memory_space<vmem>>, vector<256x1xi32>
    %eq3A_682 = vector.broadcast %get3A_681 : vector<256x1xi32> to vector<256x8xi32>
    %eq3A_683 = arith.cmpi eq, %eq3A_682, %iota3A_2 : vector<256x8xi32>
    %convert_element_type3A_684 = arith.extui %eq3A_683 : vector<256x8xi1> to vector<256x8xi32>
    %convert_element_type3A_685 = arith.sitofp %convert_element_type3A_684 : vector<256x8xi32> to vector<256x8xf32>
    %dot_general3A_686 = arith.constant dense<0.000000e+00> : vector<256x8xf32>
    %dot_general3A_687 = tpu.matmul %convert_element_type3A_1, %convert_element_type3A_685, %dot_general3A_686 {dimension_numbers = #tpu.dot_dimension_numbers<[1], [0], [0], [1], [0, 0, 1, 1], [], []>, transpose_lhs_hint = false} : vector<256x256xf32>, vector<256x8xf32>, vector<256x8xf32> -> vector<256x8xf32>
    %add3A_688 = vector.broadcast %add3A_678 : vector<1x8xf32> to vector<256x8xf32>
    %add3A_689 = arith.addf %dot_general3A_687, %add3A_688 : vector<256x8xf32>
    %mul3A_690 = arith.mulf %convert_element_type3A_685, %add3A_689 : vector<256x8xf32>
    %reduce_sum3A_691 = arith.constant dense<0.000000e+00> : vector<256xf32>
    %reduce_sum3A_692 = vector.multi_reduction <add>, %mul3A_690, %reduce_sum3A_691 [1] : vector<256x8xf32> to vector<256xf32>
    %broadcast_in_dim3A_693 = vector.shape_cast %reduce_sum3A_692 : vector<256xf32> to vector<256x1xf32>
    %swap3A_694 = arith.constant 3840 : index
    %swap3A_695 = arith.constant 1 : index
    %swap3A_696 = vector.load %arg3[%swap3A_694, %swap3A_695] : memref<4096x2xf32, #tpu.memory_space<vmem>>, vector<256x1xf32>
    tpu.vector_store %arg3[%swap3A_694, %swap3A_695], %broadcast_in_dim3A_693 {strides = array<i32>} : memref<4096x2xf32, #tpu.memory_space<vmem>>, vector<256x1xf32>,
    %reduce_sum3A_697 = arith.constant dense<0.000000e+00> : vector<8xf32>
    %reduce_sum3A_698 = vector.multi_reduction <add>, %convert_element_type3A_685, %reduce_sum3A_697 [0] : vector<256x8xf32> to vector<8xf32>
    %broadcast_in_dim3A_699 = vector.shape_cast %reduce_sum3A_698 : vector<8xf32> to vector<1x8xf32>
    %add3A_700 = arith.addf %add3A_678, %broadcast_in_dim3A_699 : vector<1x8xf32>
    %mul3A_701 = arith.constant 3.906250e-03 : f32
    %mul3A_702 = vector.broadcast %mul3A_701 : f32 to vector<1x8xf32>
    %mul3A_703 = arith.mulf %add3A_700, %mul3A_702 : vector<1x8xf32>
    %ceil3A = math.ceil %mul3A_703 : vector<1x8xf32>
    %mul3A_704 = arith.constant 2.560000e+02 : f32
    %mul3A_705 = vector.broadcast %mul3A_704 : f32 to vector<1x8xf32>
    %mul3A_706 = arith.mulf %ceil3A, %mul3A_705 : vector<1x8xf32>
    %iota3A_707 = tpu.iota {dimensions = array<i32: 0>} : vector<8x8xi32>
    %iota3A_708 = tpu.iota {dimensions = array<i32: 1>} : vector<8x8xi32>
    %lt3A = arith.cmpi slt, %iota3A_707, %iota3A_708 : vector<8x8xi32>
    %convert_element_type3A_709 = arith.extui %lt3A : vector<8x8xi1> to vector<8x8xi32>
    %convert_element_type3A_710 = arith.sitofp %convert_element_type3A_709 : vector<8x8xi32> to vector<8x8xf32>
    %dot_general3A_711 = arith.constant dense<0.000000e+00> : vector<1x8xf32>
    %dot_general3A_712 = tpu.matmul %mul3A_706, %convert_element_type3A_710, %dot_general3A_711 {dimension_numbers = #tpu.dot_dimension_numbers<[1], [0], [0], [1], [0, 0, 1, 1], [], []>, transpose_lhs_hint = false} : vector<1x8xf32>, vector<8x8xf32>, vector<1x8xf32> -> vector<1x8xf32>
    %add3A_713 = arith.addf %dot_general3A_712, %mul3A_706 : vector<1x8xf32>
    %get3A_714 = arith.constant 0 : index
    %get3A_715 = arith.constant 0 : index
    %get3A_716 = vector.load %arg0[%get3A_714, %get3A_715] : memref<4096x2xi32, #tpu.memory_space<vmem>>, vector<256x1xi32>
    %eq3A_717 = vector.broadcast %get3A_716 : vector<256x1xi32> to vector<256x8xi32>
    %eq3A_718 = arith.cmpi eq, %eq3A_717, %iota3A_2 : vector<256x8xi32>
    %convert_element_type3A_719 = arith.extui %eq3A_718 : vector<256x8xi1> to vector<256x8xi32>
    %convert_element_type3A_720 = arith.sitofp %convert_element_type3A_719 : vector<256x8xi32> to vector<256x8xf32>
    %mul3A_721 = vector.broadcast %dot_general3A_712 : vector<1x8xf32> to vector<256x8xf32>
    %mul3A_722 = arith.mulf %convert_element_type3A_720, %mul3A_721 : vector<256x8xf32>
    %reduce_sum3A_723 = arith.constant dense<0.000000e+00> : vector<256xf32>
    %reduce_sum3A_724 = vector.multi_reduction <add>, %mul3A_722, %reduce_sum3A_723 [1] : vector<256x8xf32> to vector<256xf32>
    %broadcast_in_dim3A_725 = vector.shape_cast %reduce_sum3A_724 : vector<256xf32> to vector<256x1xf32>
    %get3A_726 = arith.constant 0 : index
    %get3A_727 = arith.constant 0 : index
    %get3A_728 = vector.load %arg3[%get3A_726, %get3A_727] : memref<4096x2xf32, #tpu.memory_space<vmem>>, vector<256x1xf32>
    %add3A_729 = arith.addf %get3A_728, %broadcast_in_dim3A_725 : vector<256x1xf32>
    %convert_element_type3A_730 = arith.fptosi %add3A_729 : vector<256x1xf32> to vector<256x1xi32>
    %swap3A_731 = arith.constant 0 : index
    %swap3A_732 = arith.constant 0 : index
    %swap3A_733 = vector.load %arg1[%swap3A_731, %swap3A_732] : memref<4096x2xi32, #tpu.memory_space<vmem>>, vector<256x1xi32>
    tpu.vector_store %arg1[%swap3A_731, %swap3A_732], %convert_element_type3A_730 {strides = array<i32>} : memref<4096x2xi32, #tpu.memory_space<vmem>>, vector<256x1xi32>,
    %get3A_734 = arith.constant 256 : index
    %get3A_735 = arith.constant 0 : index
    %get3A_736 = vector.load %arg0[%get3A_734, %get3A_735] : memref<4096x2xi32, #tpu.memory_space<vmem>>, vector<256x1xi32>
    %eq3A_737 = vector.broadcast %get3A_736 : vector<256x1xi32> to vector<256x8xi32>
    %eq3A_738 = arith.cmpi eq, %eq3A_737, %iota3A_2 : vector<256x8xi32>
    %convert_element_type3A_739 = arith.extui %eq3A_738 : vector<256x8xi1> to vector<256x8xi32>
    %convert_element_type3A_740 = arith.sitofp %convert_element_type3A_739 : vector<256x8xi32> to vector<256x8xf32>
    %mul3A_741 = vector.broadcast %dot_general3A_712 : vector<1x8xf32> to vector<256x8xf32>
    %mul3A_742 = arith.mulf %convert_element_type3A_740, %mul3A_741 : vector<256x8xf32>
    %reduce_sum3A_743 = arith.constant dense<0.000000e+00> : vector<256xf32>
    %reduce_sum3A_744 = vector.multi_reduction <add>, %mul3A_742, %reduce_sum3A_743 [1] : vector<256x8xf32> to vector<256xf32>
    %broadcast_in_dim3A_745 = vector.shape_cast %reduce_sum3A_744 : vector<256xf32> to vector<256x1xf32>
    %get3A_746 = arith.constant 256 : index
    %get3A_747 = arith.constant 0 : index
    %get3A_748 = vector.load %arg3[%get3A_746, %get3A_747] : memref<4096x2xf32, #tpu.memory_space<vmem>>, vector<256x1xf32>
    %add3A_749 = arith.addf %get3A_748, %broadcast_in_dim3A_745 : vector<256x1xf32>
    %convert_element_type3A_750 = arith.fptosi %add3A_749 : vector<256x1xf32> to vector<256x1xi32>
    %swap3A_751 = arith.constant 256 : index
    %swap3A_752 = arith.constant 0 : index
    %swap3A_753 = vector.load %arg1[%swap3A_751, %swap3A_752] : memref<4096x2xi32, #tpu.memory_space<vmem>>, vector<256x1xi32>
    tpu.vector_store %arg1[%swap3A_751, %swap3A_752], %convert_element_type3A_750 {strides = array<i32>} : memref<4096x2xi32, #tpu.memory_space<vmem>>, vector<256x1xi32>,
    %get3A_754 = arith.constant 512 : index
    %get3A_755 = arith.constant 0 : index
    %get3A_756 = vector.load %arg0[%get3A_754, %get3A_755] : memref<4096x2xi32, #tpu.memory_space<vmem>>, vector<256x1xi32>
    %eq3A_757 = vector.broadcast %get3A_756 : vector<256x1xi32> to vector<256x8xi32>
    %eq3A_758 = arith.cmpi eq, %eq3A_757, %iota3A_2 : vector<256x8xi32>
    %convert_element_type3A_759 = arith.extui %eq3A_758 : vector<256x8xi1> to vector<256x8xi32>
    %convert_element_type3A_760 = arith.sitofp %convert_element_type3A_759 : vector<256x8xi32> to vector<256x8xf32>
    %mul3A_761 = vector.broadcast %dot_general3A_712 : vector<1x8xf32> to vector<256x8xf32>
    %mul3A_762 = arith.mulf %convert_element_type3A_760, %mul3A_761 : vector<256x8xf32>
    %reduce_sum3A_763 = arith.constant dense<0.000000e+00> : vector<256xf32>
    %reduce_sum3A_764 = vector.multi_reduction <add>, %mul3A_762, %reduce_sum3A_763 [1] : vector<256x8xf32> to vector<256xf32>
    %broadcast_in_dim3A_765 = vector.shape_cast %reduce_sum3A_764 : vector<256xf32> to vector<256x1xf32>
    %get3A_766 = arith.constant 512 : index
    %get3A_767 = arith.constant 0 : index
    %get3A_768 = vector.load %arg3[%get3A_766, %get3A_767] : memref<4096x2xf32, #tpu.memory_space<vmem>>, vector<256x1xf32>
    %add3A_769 = arith.addf %get3A_768, %broadcast_in_dim3A_765 : vector<256x1xf32>
    %convert_element_type3A_770 = arith.fptosi %add3A_769 : vector<256x1xf32> to vector<256x1xi32>
    %swap3A_771 = arith.constant 512 : index
    %swap3A_772 = arith.constant 0 : index
    %swap3A_773 = vector.load %arg1[%swap3A_771, %swap3A_772] : memref<4096x2xi32, #tpu.memory_space<vmem>>, vector<256x1xi32>
    tpu.vector_store %arg1[%swap3A_771, %swap3A_772], %convert_element_type3A_770 {strides = array<i32>} : memref<4096x2xi32, #tpu.memory_space<vmem>>, vector<256x1xi32>,
    %get3A_774 = arith.constant 768 : index
    %get3A_775 = arith.constant 0 : index
    %get3A_776 = vector.load %arg0[%get3A_774, %get3A_775] : memref<4096x2xi32, #tpu.memory_space<vmem>>, vector<256x1xi32>
    %eq3A_777 = vector.broadcast %get3A_776 : vector<256x1xi32> to vector<256x8xi32>
    %eq3A_778 = arith.cmpi eq, %eq3A_777, %iota3A_2 : vector<256x8xi32>
    %convert_element_type3A_779 = arith.extui %eq3A_778 : vector<256x8xi1> to vector<256x8xi32>
    %convert_element_type3A_780 = arith.sitofp %convert_element_type3A_779 : vector<256x8xi32> to vector<256x8xf32>
    %mul3A_781 = vector.broadcast %dot_general3A_712 : vector<1x8xf32> to vector<256x8xf32>
    %mul3A_782 = arith.mulf %convert_element_type3A_780, %mul3A_781 : vector<256x8xf32>
    %reduce_sum3A_783 = arith.constant dense<0.000000e+00> : vector<256xf32>
    %reduce_sum3A_784 = vector.multi_reduction <add>, %mul3A_782, %reduce_sum3A_783 [1] : vector<256x8xf32> to vector<256xf32>
    %broadcast_in_dim3A_785 = vector.shape_cast %reduce_sum3A_784 : vector<256xf32> to vector<256x1xf32>
    %get3A_786 = arith.constant 768 : index
    %get3A_787 = arith.constant 0 : index
    %get3A_788 = vector.load %arg3[%get3A_786, %get3A_787] : memref<4096x2xf32, #tpu.memory_space<vmem>>, vector<256x1xf32>
    %add3A_789 = arith.addf %get3A_788, %broadcast_in_dim3A_785 : vector<256x1xf32>
    %convert_element_type3A_790 = arith.fptosi %add3A_789 : vector<256x1xf32> to vector<256x1xi32>
    %swap3A_791 = arith.constant 768 : index
    %swap3A_792 = arith.constant 0 : index
    %swap3A_793 = vector.load %arg1[%swap3A_791, %swap3A_792] : memref<4096x2xi32, #tpu.memory_space<vmem>>, vector<256x1xi32>
    tpu.vector_store %arg1[%swap3A_791, %swap3A_792], %convert_element_type3A_790 {strides = array<i32>} : memref<4096x2xi32, #tpu.memory_space<vmem>>, vector<256x1xi32>,
    %get3A_794 = arith.constant 1024 : index
    %get3A_795 = arith.constant 0 : index
    %get3A_796 = vector.load %arg0[%get3A_794, %get3A_795] : memref<4096x2xi32, #tpu.memory_space<vmem>>, vector<256x1xi32>
    %eq3A_797 = vector.broadcast %get3A_796 : vector<256x1xi32> to vector<256x8xi32>
    %eq3A_798 = arith.cmpi eq, %eq3A_797, %iota3A_2 : vector<256x8xi32>
    %convert_element_type3A_799 = arith.extui %eq3A_798 : vector<256x8xi1> to vector<256x8xi32>
    %convert_element_type3A_800 = arith.sitofp %convert_element_type3A_799 : vector<256x8xi32> to vector<256x8xf32>
    %mul3A_801 = vector.broadcast %dot_general3A_712 : vector<1x8xf32> to vector<256x8xf32>
    %mul3A_802 = arith.mulf %convert_element_type3A_800, %mul3A_801 : vector<256x8xf32>
    %reduce_sum3A_803 = arith.constant dense<0.000000e+00> : vector<256xf32>
    %reduce_sum3A_804 = vector.multi_reduction <add>, %mul3A_802, %reduce_sum3A_803 [1] : vector<256x8xf32> to vector<256xf32>
    %broadcast_in_dim3A_805 = vector.shape_cast %reduce_sum3A_804 : vector<256xf32> to vector<256x1xf32>
    %get3A_806 = arith.constant 1024 : index
    %get3A_807 = arith.constant 0 : index
    %get3A_808 = vector.load %arg3[%get3A_806, %get3A_807] : memref<4096x2xf32, #tpu.memory_space<vmem>>, vector<256x1xf32>
    %add3A_809 = arith.addf %get3A_808, %broadcast_in_dim3A_805 : vector<256x1xf32>
    %convert_element_type3A_810 = arith.fptosi %add3A_809 : vector<256x1xf32> to vector<256x1xi32>
    %swap3A_811 = arith.constant 1024 : index
    %swap3A_812 = arith.constant 0 : index
    %swap3A_813 = vector.load %arg1[%swap3A_811, %swap3A_812] : memref<4096x2xi32, #tpu.memory_space<vmem>>, vector<256x1xi32>
    tpu.vector_store %arg1[%swap3A_811, %swap3A_812], %convert_element_type3A_810 {strides = array<i32>} : memref<4096x2xi32, #tpu.memory_space<vmem>>, vector<256x1xi32>,
    %get3A_814 = arith.constant 1280 : index
    %get3A_815 = arith.constant 0 : index
    %get3A_816 = vector.load %arg0[%get3A_814, %get3A_815] : memref<4096x2xi32, #tpu.memory_space<vmem>>, vector<256x1xi32>
    %eq3A_817 = vector.broadcast %get3A_816 : vector<256x1xi32> to vector<256x8xi32>
    %eq3A_818 = arith.cmpi eq, %eq3A_817, %iota3A_2 : vector<256x8xi32>
    %convert_element_type3A_819 = arith.extui %eq3A_818 : vector<256x8xi1> to vector<256x8xi32>
    %convert_element_type3A_820 = arith.sitofp %convert_element_type3A_819 : vector<256x8xi32> to vector<256x8xf32>
    %mul3A_821 = vector.broadcast %dot_general3A_712 : vector<1x8xf32> to vector<256x8xf32>
    %mul3A_822 = arith.mulf %convert_element_type3A_820, %mul3A_821 : vector<256x8xf32>
    %reduce_sum3A_823 = arith.constant dense<0.000000e+00> : vector<256xf32>
    %reduce_sum3A_824 = vector.multi_reduction <add>, %mul3A_822, %reduce_sum3A_823 [1] : vector<256x8xf32> to vector<256xf32>
    %broadcast_in_dim3A_825 = vector.shape_cast %reduce_sum3A_824 : vector<256xf32> to vector<256x1xf32>
    %get3A_826 = arith.constant 1280 : index
    %get3A_827 = arith.constant 0 : index
    %get3A_828 = vector.load %arg3[%get3A_826, %get3A_827] : memref<4096x2xf32, #tpu.memory_space<vmem>>, vector<256x1xf32>
    %add3A_829 = arith.addf %get3A_828, %broadcast_in_dim3A_825 : vector<256x1xf32>
    %convert_element_type3A_830 = arith.fptosi %add3A_829 : vector<256x1xf32> to vector<256x1xi32>
    %swap3A_831 = arith.constant 1280 : index
    %swap3A_832 = arith.constant 0 : index
    %swap3A_833 = vector.load %arg1[%swap3A_831, %swap3A_832] : memref<4096x2xi32, #tpu.memory_space<vmem>>, vector<256x1xi32>
    tpu.vector_store %arg1[%swap3A_831, %swap3A_832], %convert_element_type3A_830 {strides = array<i32>} : memref<4096x2xi32, #tpu.memory_space<vmem>>, vector<256x1xi32>,
    %get3A_834 = arith.constant 1536 : index
    %get3A_835 = arith.constant 0 : index
    %get3A_836 = vector.load %arg0[%get3A_834, %get3A_835] : memref<4096x2xi32, #tpu.memory_space<vmem>>, vector<256x1xi32>
    %eq3A_837 = vector.broadcast %get3A_836 : vector<256x1xi32> to vector<256x8xi32>
    %eq3A_838 = arith.cmpi eq, %eq3A_837, %iota3A_2 : vector<256x8xi32>
    %convert_element_type3A_839 = arith.extui %eq3A_838 : vector<256x8xi1> to vector<256x8xi32>
    %convert_element_type3A_840 = arith.sitofp %convert_element_type3A_839 : vector<256x8xi32> to vector<256x8xf32>
    %mul3A_841 = vector.broadcast %dot_general3A_712 : vector<1x8xf32> to vector<256x8xf32>
    %mul3A_842 = arith.mulf %convert_element_type3A_840, %mul3A_841 : vector<256x8xf32>
    %reduce_sum3A_843 = arith.constant dense<0.000000e+00> : vector<256xf32>
    %reduce_sum3A_844 = vector.multi_reduction <add>, %mul3A_842, %reduce_sum3A_843 [1] : vector<256x8xf32> to vector<256xf32>
    %broadcast_in_dim3A_845 = vector.shape_cast %reduce_sum3A_844 : vector<256xf32> to vector<256x1xf32>
    %get3A_846 = arith.constant 1536 : index
    %get3A_847 = arith.constant 0 : index
    %get3A_848 = vector.load %arg3[%get3A_846, %get3A_847] : memref<4096x2xf32, #tpu.memory_space<vmem>>, vector<256x1xf32>
    %add3A_849 = arith.addf %get3A_848, %broadcast_in_dim3A_845 : vector<256x1xf32>
    %convert_element_type3A_850 = arith.fptosi %add3A_849 : vector<256x1xf32> to vector<256x1xi32>
    %swap3A_851 = arith.constant 1536 : index
    %swap3A_852 = arith.constant 0 : index
    %swap3A_853 = vector.load %arg1[%swap3A_851, %swap3A_852] : memref<4096x2xi32, #tpu.memory_space<vmem>>, vector<256x1xi32>
    tpu.vector_store %arg1[%swap3A_851, %swap3A_852], %convert_element_type3A_850 {strides = array<i32>} : memref<4096x2xi32, #tpu.memory_space<vmem>>, vector<256x1xi32>,
    %get3A_854 = arith.constant 1792 : index
    %get3A_855 = arith.constant 0 : index
    %get3A_856 = vector.load %arg0[%get3A_854, %get3A_855] : memref<4096x2xi32, #tpu.memory_space<vmem>>, vector<256x1xi32>
    %eq3A_857 = vector.broadcast %get3A_856 : vector<256x1xi32> to vector<256x8xi32>
    %eq3A_858 = arith.cmpi eq, %eq3A_857, %iota3A_2 : vector<256x8xi32>
    %convert_element_type3A_859 = arith.extui %eq3A_858 : vector<256x8xi1> to vector<256x8xi32>
    %convert_element_type3A_860 = arith.sitofp %convert_element_type3A_859 : vector<256x8xi32> to vector<256x8xf32>
    %mul3A_861 = vector.broadcast %dot_general3A_712 : vector<1x8xf32> to vector<256x8xf32>
    %mul3A_862 = arith.mulf %convert_element_type3A_860, %mul3A_861 : vector<256x8xf32>
    %reduce_sum3A_863 = arith.constant dense<0.000000e+00> : vector<256xf32>
    %reduce_sum3A_864 = vector.multi_reduction <add>, %mul3A_862, %reduce_sum3A_863 [1] : vector<256x8xf32> to vector<256xf32>
    %broadcast_in_dim3A_865 = vector.shape_cast %reduce_sum3A_864 : vector<256xf32> to vector<256x1xf32>
    %get3A_866 = arith.constant 1792 : index
    %get3A_867 = arith.constant 0 : index
    %get3A_868 = vector.load %arg3[%get3A_866, %get3A_867] : memref<4096x2xf32, #tpu.memory_space<vmem>>, vector<256x1xf32>
    %add3A_869 = arith.addf %get3A_868, %broadcast_in_dim3A_865 : vector<256x1xf32>
    %convert_element_type3A_870 = arith.fptosi %add3A_869 : vector<256x1xf32> to vector<256x1xi32>
    %swap3A_871 = arith.constant 1792 : index
    %swap3A_872 = arith.constant 0 : index
    %swap3A_873 = vector.load %arg1[%swap3A_871, %swap3A_872] : memref<4096x2xi32, #tpu.memory_space<vmem>>, vector<256x1xi32>
    tpu.vector_store %arg1[%swap3A_871, %swap3A_872], %convert_element_type3A_870 {strides = array<i32>} : memref<4096x2xi32, #tpu.memory_space<vmem>>, vector<256x1xi32>,
    %get3A_874 = arith.constant 2048 : index
    %get3A_875 = arith.constant 0 : index
    %get3A_876 = vector.load %arg0[%get3A_874, %get3A_875] : memref<4096x2xi32, #tpu.memory_space<vmem>>, vector<256x1xi32>
    %eq3A_877 = vector.broadcast %get3A_876 : vector<256x1xi32> to vector<256x8xi32>
    %eq3A_878 = arith.cmpi eq, %eq3A_877, %iota3A_2 : vector<256x8xi32>
    %convert_element_type3A_879 = arith.extui %eq3A_878 : vector<256x8xi1> to vector<256x8xi32>
    %convert_element_type3A_880 = arith.sitofp %convert_element_type3A_879 : vector<256x8xi32> to vector<256x8xf32>
    %mul3A_881 = vector.broadcast %dot_general3A_712 : vector<1x8xf32> to vector<256x8xf32>
    %mul3A_882 = arith.mulf %convert_element_type3A_880, %mul3A_881 : vector<256x8xf32>
    %reduce_sum3A_883 = arith.constant dense<0.000000e+00> : vector<256xf32>
    %reduce_sum3A_884 = vector.multi_reduction <add>, %mul3A_882, %reduce_sum3A_883 [1] : vector<256x8xf32> to vector<256xf32>
    %broadcast_in_dim3A_885 = vector.shape_cast %reduce_sum3A_884 : vector<256xf32> to vector<256x1xf32>
    %get3A_886 = arith.constant 2048 : index
    %get3A_887 = arith.constant 0 : index
    %get3A_888 = vector.load %arg3[%get3A_886, %get3A_887] : memref<4096x2xf32, #tpu.memory_space<vmem>>, vector<256x1xf32>
    %add3A_889 = arith.addf %get3A_888, %broadcast_in_dim3A_885 : vector<256x1xf32>
    %convert_element_type3A_890 = arith.fptosi %add3A_889 : vector<256x1xf32> to vector<256x1xi32>
    %swap3A_891 = arith.constant 2048 : index
    %swap3A_892 = arith.constant 0 : index
    %swap3A_893 = vector.load %arg1[%swap3A_891, %swap3A_892] : memref<4096x2xi32, #tpu.memory_space<vmem>>, vector<256x1xi32>
    tpu.vector_store %arg1[%swap3A_891, %swap3A_892], %convert_element_type3A_890 {strides = array<i32>} : memref<4096x2xi32, #tpu.memory_space<vmem>>, vector<256x1xi32>,
    %get3A_894 = arith.constant 2304 : index
    %get3A_895 = arith.constant 0 : index
    %get3A_896 = vector.load %arg0[%get3A_894, %get3A_895] : memref<4096x2xi32, #tpu.memory_space<vmem>>, vector<256x1xi32>
    %eq3A_897 = vector.broadcast %get3A_896 : vector<256x1xi32> to vector<256x8xi32>
    %eq3A_898 = arith.cmpi eq, %eq3A_897, %iota3A_2 : vector<256x8xi32>
    %convert_element_type3A_899 = arith.extui %eq3A_898 : vector<256x8xi1> to vector<256x8xi32>
    %convert_element_type3A_900 = arith.sitofp %convert_element_type3A_899 : vector<256x8xi32> to vector<256x8xf32>
    %mul3A_901 = vector.broadcast %dot_general3A_712 : vector<1x8xf32> to vector<256x8xf32>
    %mul3A_902 = arith.mulf %convert_element_type3A_900, %mul3A_901 : vector<256x8xf32>
    %reduce_sum3A_903 = arith.constant dense<0.000000e+00> : vector<256xf32>
    %reduce_sum3A_904 = vector.multi_reduction <add>, %mul3A_902, %reduce_sum3A_903 [1] : vector<256x8xf32> to vector<256xf32>
    %broadcast_in_dim3A_905 = vector.shape_cast %reduce_sum3A_904 : vector<256xf32> to vector<256x1xf32>
    %get3A_906 = arith.constant 2304 : index
    %get3A_907 = arith.constant 0 : index
    %get3A_908 = vector.load %arg3[%get3A_906, %get3A_907] : memref<4096x2xf32, #tpu.memory_space<vmem>>, vector<256x1xf32>
    %add3A_909 = arith.addf %get3A_908, %broadcast_in_dim3A_905 : vector<256x1xf32>
    %convert_element_type3A_910 = arith.fptosi %add3A_909 : vector<256x1xf32> to vector<256x1xi32>
    %swap3A_911 = arith.constant 2304 : index
    %swap3A_912 = arith.constant 0 : index
    %swap3A_913 = vector.load %arg1[%swap3A_911, %swap3A_912] : memref<4096x2xi32, #tpu.memory_space<vmem>>, vector<256x1xi32>
    tpu.vector_store %arg1[%swap3A_911, %swap3A_912], %convert_element_type3A_910 {strides = array<i32>} : memref<4096x2xi32, #tpu.memory_space<vmem>>, vector<256x1xi32>,
    %get3A_914 = arith.constant 2560 : index
    %get3A_915 = arith.constant 0 : index
    %get3A_916 = vector.load %arg0[%get3A_914, %get3A_915] : memref<4096x2xi32, #tpu.memory_space<vmem>>, vector<256x1xi32>
    %eq3A_917 = vector.broadcast %get3A_916 : vector<256x1xi32> to vector<256x8xi32>
    %eq3A_918 = arith.cmpi eq, %eq3A_917, %iota3A_2 : vector<256x8xi32>
    %convert_element_type3A_919 = arith.extui %eq3A_918 : vector<256x8xi1> to vector<256x8xi32>
    %convert_element_type3A_920 = arith.sitofp %convert_element_type3A_919 : vector<256x8xi32> to vector<256x8xf32>
    %mul3A_921 = vector.broadcast %dot_general3A_712 : vector<1x8xf32> to vector<256x8xf32>
    %mul3A_922 = arith.mulf %convert_element_type3A_920, %mul3A_921 : vector<256x8xf32>
    %reduce_sum3A_923 = arith.constant dense<0.000000e+00> : vector<256xf32>
    %reduce_sum3A_924 = vector.multi_reduction <add>, %mul3A_922, %reduce_sum3A_923 [1] : vector<256x8xf32> to vector<256xf32>
    %broadcast_in_dim3A_925 = vector.shape_cast %reduce_sum3A_924 : vector<256xf32> to vector<256x1xf32>
    %get3A_926 = arith.constant 2560 : index
    %get3A_927 = arith.constant 0 : index
    %get3A_928 = vector.load %arg3[%get3A_926, %get3A_927] : memref<4096x2xf32, #tpu.memory_space<vmem>>, vector<256x1xf32>
    %add3A_929 = arith.addf %get3A_928, %broadcast_in_dim3A_925 : vector<256x1xf32>
    %convert_element_type3A_930 = arith.fptosi %add3A_929 : vector<256x1xf32> to vector<256x1xi32>
    %swap3A_931 = arith.constant 2560 : index
    %swap3A_932 = arith.constant 0 : index
    %swap3A_933 = vector.load %arg1[%swap3A_931, %swap3A_932] : memref<4096x2xi32, #tpu.memory_space<vmem>>, vector<256x1xi32>
    tpu.vector_store %arg1[%swap3A_931, %swap3A_932], %convert_element_type3A_930 {strides = array<i32>} : memref<4096x2xi32, #tpu.memory_space<vmem>>, vector<256x1xi32>,
    %get3A_934 = arith.constant 2816 : index
    %get3A_935 = arith.constant 0 : index
    %get3A_936 = vector.load %arg0[%get3A_934, %get3A_935] : memref<4096x2xi32, #tpu.memory_space<vmem>>, vector<256x1xi32>
    %eq3A_937 = vector.broadcast %get3A_936 : vector<256x1xi32> to vector<256x8xi32>
    %eq3A_938 = arith.cmpi eq, %eq3A_937, %iota3A_2 : vector<256x8xi32>
    %convert_element_type3A_939 = arith.extui %eq3A_938 : vector<256x8xi1> to vector<256x8xi32>
    %convert_element_type3A_940 = arith.sitofp %convert_element_type3A_939 : vector<256x8xi32> to vector<256x8xf32>
    %mul3A_941 = vector.broadcast %dot_general3A_712 : vector<1x8xf32> to vector<256x8xf32>
    %mul3A_942 = arith.mulf %convert_element_type3A_940, %mul3A_941 : vector<256x8xf32>
    %reduce_sum3A_943 = arith.constant dense<0.000000e+00> : vector<256xf32>
    %reduce_sum3A_944 = vector.multi_reduction <add>, %mul3A_942, %reduce_sum3A_943 [1] : vector<256x8xf32> to vector<256xf32>
    %broadcast_in_dim3A_945 = vector.shape_cast %reduce_sum3A_944 : vector<256xf32> to vector<256x1xf32>
    %get3A_946 = arith.constant 2816 : index
    %get3A_947 = arith.constant 0 : index
    %get3A_948 = vector.load %arg3[%get3A_946, %get3A_947] : memref<4096x2xf32, #tpu.memory_space<vmem>>, vector<256x1xf32>
    %add3A_949 = arith.addf %get3A_948, %broadcast_in_dim3A_945 : vector<256x1xf32>
    %convert_element_type3A_950 = arith.fptosi %add3A_949 : vector<256x1xf32> to vector<256x1xi32>
    %swap3A_951 = arith.constant 2816 : index
    %swap3A_952 = arith.constant 0 : index
    %swap3A_953 = vector.load %arg1[%swap3A_951, %swap3A_952] : memref<4096x2xi32, #tpu.memory_space<vmem>>, vector<256x1xi32>
    tpu.vector_store %arg1[%swap3A_951, %swap3A_952], %convert_element_type3A_950 {strides = array<i32>} : memref<4096x2xi32, #tpu.memory_space<vmem>>, vector<256x1xi32>,
    %get3A_954 = arith.constant 3072 : index
    %get3A_955 = arith.constant 0 : index
    %get3A_956 = vector.load %arg0[%get3A_954, %get3A_955] : memref<4096x2xi32, #tpu.memory_space<vmem>>, vector<256x1xi32>
    %eq3A_957 = vector.broadcast %get3A_956 : vector<256x1xi32> to vector<256x8xi32>
    %eq3A_958 = arith.cmpi eq, %eq3A_957, %iota3A_2 : vector<256x8xi32>
    %convert_element_type3A_959 = arith.extui %eq3A_958 : vector<256x8xi1> to vector<256x8xi32>
    %convert_element_type3A_960 = arith.sitofp %convert_element_type3A_959 : vector<256x8xi32> to vector<256x8xf32>
    %mul3A_961 = vector.broadcast %dot_general3A_712 : vector<1x8xf32> to vector<256x8xf32>
    %mul3A_962 = arith.mulf %convert_element_type3A_960, %mul3A_961 : vector<256x8xf32>
    %reduce_sum3A_963 = arith.constant dense<0.000000e+00> : vector<256xf32>
    %reduce_sum3A_964 = vector.multi_reduction <add>, %mul3A_962, %reduce_sum3A_963 [1] : vector<256x8xf32> to vector<256xf32>
    %broadcast_in_dim3A_965 = vector.shape_cast %reduce_sum3A_964 : vector<256xf32> to vector<256x1xf32>
    %get3A_966 = arith.constant 3072 : index
    %get3A_967 = arith.constant 0 : index
    %get3A_968 = vector.load %arg3[%get3A_966, %get3A_967] : memref<4096x2xf32, #tpu.memory_space<vmem>>, vector<256x1xf32>
    %add3A_969 = arith.addf %get3A_968, %broadcast_in_dim3A_965 : vector<256x1xf32>
    %convert_element_type3A_970 = arith.fptosi %add3A_969 : vector<256x1xf32> to vector<256x1xi32>
    %swap3A_971 = arith.constant 3072 : index
    %swap3A_972 = arith.constant 0 : index
    %swap3A_973 = vector.load %arg1[%swap3A_971, %swap3A_972] : memref<4096x2xi32, #tpu.memory_space<vmem>>, vector<256x1xi32>
    tpu.vector_store %arg1[%swap3A_971, %swap3A_972], %convert_element_type3A_970 {strides = array<i32>} : memref<4096x2xi32, #tpu.memory_space<vmem>>, vector<256x1xi32>,
    %get3A_974 = arith.constant 3328 : index
    %get3A_975 = arith.constant 0 : index
    %get3A_976 = vector.load %arg0[%get3A_974, %get3A_975] : memref<4096x2xi32, #tpu.memory_space<vmem>>, vector<256x1xi32>
    %eq3A_977 = vector.broadcast %get3A_976 : vector<256x1xi32> to vector<256x8xi32>
    %eq3A_978 = arith.cmpi eq, %eq3A_977, %iota3A_2 : vector<256x8xi32>
    %convert_element_type3A_979 = arith.extui %eq3A_978 : vector<256x8xi1> to vector<256x8xi32>
    %convert_element_type3A_980 = arith.sitofp %convert_element_type3A_979 : vector<256x8xi32> to vector<256x8xf32>
    %mul3A_981 = vector.broadcast %dot_general3A_712 : vector<1x8xf32> to vector<256x8xf32>
    %mul3A_982 = arith.mulf %convert_element_type3A_980, %mul3A_981 : vector<256x8xf32>
    %reduce_sum3A_983 = arith.constant dense<0.000000e+00> : vector<256xf32>
    %reduce_sum3A_984 = vector.multi_reduction <add>, %mul3A_982, %reduce_sum3A_983 [1] : vector<256x8xf32> to vector<256xf32>
    %broadcast_in_dim3A_985 = vector.shape_cast %reduce_sum3A_984 : vector<256xf32> to vector<256x1xf32>
    %get3A_986 = arith.constant 3328 : index
    %get3A_987 = arith.constant 0 : index
    %get3A_988 = vector.load %arg3[%get3A_986, %get3A_987] : memref<4096x2xf32, #tpu.memory_space<vmem>>, vector<256x1xf32>
    %add3A_989 = arith.addf %get3A_988, %broadcast_in_dim3A_985 : vector<256x1xf32>
    %convert_element_type3A_990 = arith.fptosi %add3A_989 : vector<256x1xf32> to vector<256x1xi32>
    %swap3A_991 = arith.constant 3328 : index
    %swap3A_992 = arith.constant 0 : index
    %swap3A_993 = vector.load %arg1[%swap3A_991, %swap3A_992] : memref<4096x2xi32, #tpu.memory_space<vmem>>, vector<256x1xi32>
    tpu.vector_store %arg1[%swap3A_991, %swap3A_992], %convert_element_type3A_990 {strides = array<i32>} : memref<4096x2xi32, #tpu.memory_space<vmem>>, vector<256x1xi32>,
    %get3A_994 = arith.constant 3584 : index
    %get3A_995 = arith.constant 0 : index
    %get3A_996 = vector.load %arg0[%get3A_994, %get3A_995] : memref<4096x2xi32, #tpu.memory_space<vmem>>, vector<256x1xi32>
    %eq3A_997 = vector.broadcast %get3A_996 : vector<256x1xi32> to vector<256x8xi32>
    %eq3A_998 = arith.cmpi eq, %eq3A_997, %iota3A_2 : vector<256x8xi32>
    %convert_element_type3A_999 = arith.extui %eq3A_998 : vector<256x8xi1> to vector<256x8xi32>
    %convert_element_type3A_1000 = arith.sitofp %convert_element_type3A_999 : vector<256x8xi32> to vector<256x8xf32>
    %mul3A_1001 = vector.broadcast %dot_general3A_712 : vector<1x8xf32> to vector<256x8xf32>
    %mul3A_1002 = arith.mulf %convert_element_type3A_1000, %mul3A_1001 : vector<256x8xf32>
    %reduce_sum3A_1003 = arith.constant dense<0.000000e+00> : vector<256xf32>
    %reduce_sum3A_1004 = vector.multi_reduction <add>, %mul3A_1002, %reduce_sum3A_1003 [1] : vector<256x8xf32> to vector<256xf32>
    %broadcast_in_dim3A_1005 = vector.shape_cast %reduce_sum3A_1004 : vector<256xf32> to vector<256x1xf32>
    %get3A_1006 = arith.constant 3584 : index
    %get3A_1007 = arith.constant 0 : index
    %get3A_1008 = vector.load %arg3[%get3A_1006, %get3A_1007] : memref<4096x2xf32, #tpu.memory_space<vmem>>, vector<256x1xf32>
    %add3A_1009 = arith.addf %get3A_1008, %broadcast_in_dim3A_1005 : vector<256x1xf32>
    %convert_element_type3A_1010 = arith.fptosi %add3A_1009 : vector<256x1xf32> to vector<256x1xi32>
    %swap3A_1011 = arith.constant 3584 : index
    %swap3A_1012 = arith.constant 0 : index
    %swap3A_1013 = vector.load %arg1[%swap3A_1011, %swap3A_1012] : memref<4096x2xi32, #tpu.memory_space<vmem>>, vector<256x1xi32>
    tpu.vector_store %arg1[%swap3A_1011, %swap3A_1012], %convert_element_type3A_1010 {strides = array<i32>} : memref<4096x2xi32, #tpu.memory_space<vmem>>, vector<256x1xi32>,
    %get3A_1014 = arith.constant 3840 : index
    %get3A_1015 = arith.constant 0 : index
    %get3A_1016 = vector.load %arg0[%get3A_1014, %get3A_1015] : memref<4096x2xi32, #tpu.memory_space<vmem>>, vector<256x1xi32>
    %eq3A_1017 = vector.broadcast %get3A_1016 : vector<256x1xi32> to vector<256x8xi32>
    %eq3A_1018 = arith.cmpi eq, %eq3A_1017, %iota3A_2 : vector<256x8xi32>
    %convert_element_type3A_1019 = arith.extui %eq3A_1018 : vector<256x8xi1> to vector<256x8xi32>
    %convert_element_type3A_1020 = arith.sitofp %convert_element_type3A_1019 : vector<256x8xi32> to vector<256x8xf32>
    %mul3A_1021 = vector.broadcast %dot_general3A_712 : vector<1x8xf32> to vector<256x8xf32>
    %mul3A_1022 = arith.mulf %convert_element_type3A_1020, %mul3A_1021 : vector<256x8xf32>
    %reduce_sum3A_1023 = arith.constant dense<0.000000e+00> : vector<256xf32>
    %reduce_sum3A_1024 = vector.multi_reduction <add>, %mul3A_1022, %reduce_sum3A_1023 [1] : vector<256x8xf32> to vector<256xf32>
    %broadcast_in_dim3A_1025 = vector.shape_cast %reduce_sum3A_1024 : vector<256xf32> to vector<256x1xf32>
    %get3A_1026 = arith.constant 3840 : index
    %get3A_1027 = arith.constant 0 : index
    %get3A_1028 = vector.load %arg3[%get3A_1026, %get3A_1027] : memref<4096x2xf32, #tpu.memory_space<vmem>>, vector<256x1xf32>
    %add3A_1029 = arith.addf %get3A_1028, %broadcast_in_dim3A_1025 : vector<256x1xf32>
    %convert_element_type3A_1030 = arith.fptosi %add3A_1029 : vector<256x1xf32> to vector<256x1xi32>
    %swap3A_1031 = arith.constant 3840 : index
    %swap3A_1032 = arith.constant 0 : index
    %swap3A_1033 = vector.load %arg1[%swap3A_1031, %swap3A_1032] : memref<4096x2xi32, #tpu.memory_space<vmem>>, vector<256x1xi32>
    tpu.vector_store %arg1[%swap3A_1031, %swap3A_1032], %convert_element_type3A_1030 {strides = array<i32>} : memref<4096x2xi32, #tpu.memory_space<vmem>>, vector<256x1xi32>,
    %get3A_1034 = arith.constant 0 : index
    %get3A_1035 = arith.constant 1 : index
    %get3A_1036 = vector.load %arg0[%get3A_1034, %get3A_1035] : memref<4096x2xi32, #tpu.memory_space<vmem>>, vector<256x1xi32>
    %eq3A_1037 = vector.broadcast %get3A_1036 : vector<256x1xi32> to vector<256x8xi32>
    %eq3A_1038 = arith.cmpi eq, %eq3A_1037, %iota3A_2 : vector<256x8xi32>
    %convert_element_type3A_1039 = arith.extui %eq3A_1038 : vector<256x8xi1> to vector<256x8xi32>
    %convert_element_type3A_1040 = arith.sitofp %convert_element_type3A_1039 : vector<256x8xi32> to vector<256x8xf32>
    %mul3A_1041 = vector.broadcast %dot_general3A_712 : vector<1x8xf32> to vector<256x8xf32>
    %mul3A_1042 = arith.mulf %convert_element_type3A_1040, %mul3A_1041 : vector<256x8xf32>
    %reduce_sum3A_1043 = arith.constant dense<0.000000e+00> : vector<256xf32>
    %reduce_sum3A_1044 = vector.multi_reduction <add>, %mul3A_1042, %reduce_sum3A_1043 [1] : vector<256x8xf32> to vector<256xf32>
    %broadcast_in_dim3A_1045 = vector.shape_cast %reduce_sum3A_1044 : vector<256xf32> to vector<256x1xf32>
    %get3A_1046 = arith.constant 0 : index
    %get3A_1047 = arith.constant 1 : index
    %get3A_1048 = vector.load %arg3[%get3A_1046, %get3A_1047] : memref<4096x2xf32, #tpu.memory_space<vmem>>, vector<256x1xf32>
    %add3A_1049 = arith.addf %get3A_1048, %broadcast_in_dim3A_1045 : vector<256x1xf32>
    %convert_element_type3A_1050 = arith.fptosi %add3A_1049 : vector<256x1xf32> to vector<256x1xi32>
    %swap3A_1051 = arith.constant 0 : index
    %swap3A_1052 = arith.constant 1 : index
    %swap3A_1053 = vector.load %arg1[%swap3A_1051, %swap3A_1052] : memref<4096x2xi32, #tpu.memory_space<vmem>>, vector<256x1xi32>
    tpu.vector_store %arg1[%swap3A_1051, %swap3A_1052], %convert_element_type3A_1050 {strides = array<i32>} : memref<4096x2xi32, #tpu.memory_space<vmem>>, vector<256x1xi32>,
    %get3A_1054 = arith.constant 256 : index
    %get3A_1055 = arith.constant 1 : index
    %get3A_1056 = vector.load %arg0[%get3A_1054, %get3A_1055] : memref<4096x2xi32, #tpu.memory_space<vmem>>, vector<256x1xi32>
    %eq3A_1057 = vector.broadcast %get3A_1056 : vector<256x1xi32> to vector<256x8xi32>
    %eq3A_1058 = arith.cmpi eq, %eq3A_1057, %iota3A_2 : vector<256x8xi32>
    %convert_element_type3A_1059 = arith.extui %eq3A_1058 : vector<256x8xi1> to vector<256x8xi32>
    %convert_element_type3A_1060 = arith.sitofp %convert_element_type3A_1059 : vector<256x8xi32> to vector<256x8xf32>
    %mul3A_1061 = vector.broadcast %dot_general3A_712 : vector<1x8xf32> to vector<256x8xf32>
    %mul3A_1062 = arith.mulf %convert_element_type3A_1060, %mul3A_1061 : vector<256x8xf32>
    %reduce_sum3A_1063 = arith.constant dense<0.000000e+00> : vector<256xf32>
    %reduce_sum3A_1064 = vector.multi_reduction <add>, %mul3A_1062, %reduce_sum3A_1063 [1] : vector<256x8xf32> to vector<256xf32>
    %broadcast_in_dim3A_1065 = vector.shape_cast %reduce_sum3A_1064 : vector<256xf32> to vector<256x1xf32>
    %get3A_1066 = arith.constant 256 : index
    %get3A_1067 = arith.constant 1 : index
    %get3A_1068 = vector.load %arg3[%get3A_1066, %get3A_1067] : memref<4096x2xf32, #tpu.memory_space<vmem>>, vector<256x1xf32>
    %add3A_1069 = arith.addf %get3A_1068, %broadcast_in_dim3A_1065 : vector<256x1xf32>
    %convert_element_type3A_1070 = arith.fptosi %add3A_1069 : vector<256x1xf32> to vector<256x1xi32>
    %swap3A_1071 = arith.constant 256 : index
    %swap3A_1072 = arith.constant 1 : index
    %swap3A_1073 = vector.load %arg1[%swap3A_1071, %swap3A_1072] : memref<4096x2xi32, #tpu.memory_space<vmem>>, vector<256x1xi32>
    tpu.vector_store %arg1[%swap3A_1071, %swap3A_1072], %convert_element_type3A_1070 {strides = array<i32>} : memref<4096x2xi32, #tpu.memory_space<vmem>>, vector<256x1xi32>,
    %get3A_1074 = arith.constant 512 : index
    %get3A_1075 = arith.constant 1 : index
    %get3A_1076 = vector.load %arg0[%get3A_1074, %get3A_1075] : memref<4096x2xi32, #tpu.memory_space<vmem>>, vector<256x1xi32>
    %eq3A_1077 = vector.broadcast %get3A_1076 : vector<256x1xi32> to vector<256x8xi32>
    %eq3A_1078 = arith.cmpi eq, %eq3A_1077, %iota3A_2 : vector<256x8xi32>
    %convert_element_type3A_1079 = arith.extui %eq3A_1078 : vector<256x8xi1> to vector<256x8xi32>
    %convert_element_type3A_1080 = arith.sitofp %convert_element_type3A_1079 : vector<256x8xi32> to vector<256x8xf32>
    %mul3A_1081 = vector.broadcast %dot_general3A_712 : vector<1x8xf32> to vector<256x8xf32>
    %mul3A_1082 = arith.mulf %convert_element_type3A_1080, %mul3A_1081 : vector<256x8xf32>
    %reduce_sum3A_1083 = arith.constant dense<0.000000e+00> : vector<256xf32>
    %reduce_sum3A_1084 = vector.multi_reduction <add>, %mul3A_1082, %reduce_sum3A_1083 [1] : vector<256x8xf32> to vector<256xf32>
    %broadcast_in_dim3A_1085 = vector.shape_cast %reduce_sum3A_1084 : vector<256xf32> to vector<256x1xf32>
    %get3A_1086 = arith.constant 512 : index
    %get3A_1087 = arith.constant 1 : index
    %get3A_1088 = vector.load %arg3[%get3A_1086, %get3A_1087] : memref<4096x2xf32, #tpu.memory_space<vmem>>, vector<256x1xf32>
    %add3A_1089 = arith.addf %get3A_1088, %broadcast_in_dim3A_1085 : vector<256x1xf32>
    %convert_element_type3A_1090 = arith.fptosi %add3A_1089 : vector<256x1xf32> to vector<256x1xi32>
    %swap3A_1091 = arith.constant 512 : index
    %swap3A_1092 = arith.constant 1 : index
    %swap3A_1093 = vector.load %arg1[%swap3A_1091, %swap3A_1092] : memref<4096x2xi32, #tpu.memory_space<vmem>>, vector<256x1xi32>
    tpu.vector_store %arg1[%swap3A_1091, %swap3A_1092], %convert_element_type3A_1090 {strides = array<i32>} : memref<4096x2xi32, #tpu.memory_space<vmem>>, vector<256x1xi32>,
    %get3A_1094 = arith.constant 768 : index
    %get3A_1095 = arith.constant 1 : index
    %get3A_1096 = vector.load %arg0[%get3A_1094, %get3A_1095] : memref<4096x2xi32, #tpu.memory_space<vmem>>, vector<256x1xi32>
    %eq3A_1097 = vector.broadcast %get3A_1096 : vector<256x1xi32> to vector<256x8xi32>
    %eq3A_1098 = arith.cmpi eq, %eq3A_1097, %iota3A_2 : vector<256x8xi32>
    %convert_element_type3A_1099 = arith.extui %eq3A_1098 : vector<256x8xi1> to vector<256x8xi32>
    %convert_element_type3A_1100 = arith.sitofp %convert_element_type3A_1099 : vector<256x8xi32> to vector<256x8xf32>
    %mul3A_1101 = vector.broadcast %dot_general3A_712 : vector<1x8xf32> to vector<256x8xf32>
    %mul3A_1102 = arith.mulf %convert_element_type3A_1100, %mul3A_1101 : vector<256x8xf32>
    %reduce_sum3A_1103 = arith.constant dense<0.000000e+00> : vector<256xf32>
    %reduce_sum3A_1104 = vector.multi_reduction <add>, %mul3A_1102, %reduce_sum3A_1103 [1] : vector<256x8xf32> to vector<256xf32>
    %broadcast_in_dim3A_1105 = vector.shape_cast %reduce_sum3A_1104 : vector<256xf32> to vector<256x1xf32>
    %get3A_1106 = arith.constant 768 : index
    %get3A_1107 = arith.constant 1 : index
    %get3A_1108 = vector.load %arg3[%get3A_1106, %get3A_1107] : memref<4096x2xf32, #tpu.memory_space<vmem>>, vector<256x1xf32>
    %add3A_1109 = arith.addf %get3A_1108, %broadcast_in_dim3A_1105 : vector<256x1xf32>
    %convert_element_type3A_1110 = arith.fptosi %add3A_1109 : vector<256x1xf32> to vector<256x1xi32>
    %swap3A_1111 = arith.constant 768 : index
    %swap3A_1112 = arith.constant 1 : index
    %swap3A_1113 = vector.load %arg1[%swap3A_1111, %swap3A_1112] : memref<4096x2xi32, #tpu.memory_space<vmem>>, vector<256x1xi32>
    tpu.vector_store %arg1[%swap3A_1111, %swap3A_1112], %convert_element_type3A_1110 {strides = array<i32>} : memref<4096x2xi32, #tpu.memory_space<vmem>>, vector<256x1xi32>,
    %get3A_1114 = arith.constant 1024 : index
    %get3A_1115 = arith.constant 1 : index
    %get3A_1116 = vector.load %arg0[%get3A_1114, %get3A_1115] : memref<4096x2xi32, #tpu.memory_space<vmem>>, vector<256x1xi32>
    %eq3A_1117 = vector.broadcast %get3A_1116 : vector<256x1xi32> to vector<256x8xi32>
    %eq3A_1118 = arith.cmpi eq, %eq3A_1117, %iota3A_2 : vector<256x8xi32>
    %convert_element_type3A_1119 = arith.extui %eq3A_1118 : vector<256x8xi1> to vector<256x8xi32>
    %convert_element_type3A_1120 = arith.sitofp %convert_element_type3A_1119 : vector<256x8xi32> to vector<256x8xf32>
    %mul3A_1121 = vector.broadcast %dot_general3A_712 : vector<1x8xf32> to vector<256x8xf32>
    %mul3A_1122 = arith.mulf %convert_element_type3A_1120, %mul3A_1121 : vector<256x8xf32>
    %reduce_sum3A_1123 = arith.constant dense<0.000000e+00> : vector<256xf32>
    %reduce_sum3A_1124 = vector.multi_reduction <add>, %mul3A_1122, %reduce_sum3A_1123 [1] : vector<256x8xf32> to vector<256xf32>
    %broadcast_in_dim3A_1125 = vector.shape_cast %reduce_sum3A_1124 : vector<256xf32> to vector<256x1xf32>
    %get3A_1126 = arith.constant 1024 : index
    %get3A_1127 = arith.constant 1 : index
    %get3A_1128 = vector.load %arg3[%get3A_1126, %get3A_1127] : memref<4096x2xf32, #tpu.memory_space<vmem>>, vector<256x1xf32>
    %add3A_1129 = arith.addf %get3A_1128, %broadcast_in_dim3A_1125 : vector<256x1xf32>
    %convert_element_type3A_1130 = arith.fptosi %add3A_1129 : vector<256x1xf32> to vector<256x1xi32>
    %swap3A_1131 = arith.constant 1024 : index
    %swap3A_1132 = arith.constant 1 : index
    %swap3A_1133 = vector.load %arg1[%swap3A_1131, %swap3A_1132] : memref<4096x2xi32, #tpu.memory_space<vmem>>, vector<256x1xi32>
    tpu.vector_store %arg1[%swap3A_1131, %swap3A_1132], %convert_element_type3A_1130 {strides = array<i32>} : memref<4096x2xi32, #tpu.memory_space<vmem>>, vector<256x1xi32>,
    %get3A_1134 = arith.constant 1280 : index
    %get3A_1135 = arith.constant 1 : index
    %get3A_1136 = vector.load %arg0[%get3A_1134, %get3A_1135] : memref<4096x2xi32, #tpu.memory_space<vmem>>, vector<256x1xi32>
    %eq3A_1137 = vector.broadcast %get3A_1136 : vector<256x1xi32> to vector<256x8xi32>
    %eq3A_1138 = arith.cmpi eq, %eq3A_1137, %iota3A_2 : vector<256x8xi32>
    %convert_element_type3A_1139 = arith.extui %eq3A_1138 : vector<256x8xi1> to vector<256x8xi32>
    %convert_element_type3A_1140 = arith.sitofp %convert_element_type3A_1139 : vector<256x8xi32> to vector<256x8xf32>
    %mul3A_1141 = vector.broadcast %dot_general3A_712 : vector<1x8xf32> to vector<256x8xf32>
    %mul3A_1142 = arith.mulf %convert_element_type3A_1140, %mul3A_1141 : vector<256x8xf32>
    %reduce_sum3A_1143 = arith.constant dense<0.000000e+00> : vector<256xf32>
    %reduce_sum3A_1144 = vector.multi_reduction <add>, %mul3A_1142, %reduce_sum3A_1143 [1] : vector<256x8xf32> to vector<256xf32>
    %broadcast_in_dim3A_1145 = vector.shape_cast %reduce_sum3A_1144 : vector<256xf32> to vector<256x1xf32>
    %get3A_1146 = arith.constant 1280 : index
    %get3A_1147 = arith.constant 1 : index
    %get3A_1148 = vector.load %arg3[%get3A_1146, %get3A_1147] : memref<4096x2xf32, #tpu.memory_space<vmem>>, vector<256x1xf32>
    %add3A_1149 = arith.addf %get3A_1148, %broadcast_in_dim3A_1145 : vector<256x1xf32>
    %convert_element_type3A_1150 = arith.fptosi %add3A_1149 : vector<256x1xf32> to vector<256x1xi32>
    %swap3A_1151 = arith.constant 1280 : index
    %swap3A_1152 = arith.constant 1 : index
    %swap3A_1153 = vector.load %arg1[%swap3A_1151, %swap3A_1152] : memref<4096x2xi32, #tpu.memory_space<vmem>>, vector<256x1xi32>
    tpu.vector_store %arg1[%swap3A_1151, %swap3A_1152], %convert_element_type3A_1150 {strides = array<i32>} : memref<4096x2xi32, #tpu.memory_space<vmem>>, vector<256x1xi32>,
    %get3A_1154 = arith.constant 1536 : index
    %get3A_1155 = arith.constant 1 : index
    %get3A_1156 = vector.load %arg0[%get3A_1154, %get3A_1155] : memref<4096x2xi32, #tpu.memory_space<vmem>>, vector<256x1xi32>
    %eq3A_1157 = vector.broadcast %get3A_1156 : vector<256x1xi32> to vector<256x8xi32>
    %eq3A_1158 = arith.cmpi eq, %eq3A_1157, %iota3A_2 : vector<256x8xi32>
    %convert_element_type3A_1159 = arith.extui %eq3A_1158 : vector<256x8xi1> to vector<256x8xi32>
    %convert_element_type3A_1160 = arith.sitofp %convert_element_type3A_1159 : vector<256x8xi32> to vector<256x8xf32>
    %mul3A_1161 = vector.broadcast %dot_general3A_712 : vector<1x8xf32> to vector<256x8xf32>
    %mul3A_1162 = arith.mulf %convert_element_type3A_1160, %mul3A_1161 : vector<256x8xf32>
    %reduce_sum3A_1163 = arith.constant dense<0.000000e+00> : vector<256xf32>
    %reduce_sum3A_1164 = vector.multi_reduction <add>, %mul3A_1162, %reduce_sum3A_1163 [1] : vector<256x8xf32> to vector<256xf32>
    %broadcast_in_dim3A_1165 = vector.shape_cast %reduce_sum3A_1164 : vector<256xf32> to vector<256x1xf32>
    %get3A_1166 = arith.constant 1536 : index
    %get3A_1167 = arith.constant 1 : index
    %get3A_1168 = vector.load %arg3[%get3A_1166, %get3A_1167] : memref<4096x2xf32, #tpu.memory_space<vmem>>, vector<256x1xf32>
    %add3A_1169 = arith.addf %get3A_1168, %broadcast_in_dim3A_1165 : vector<256x1xf32>
    %convert_element_type3A_1170 = arith.fptosi %add3A_1169 : vector<256x1xf32> to vector<256x1xi32>
    %swap3A_1171 = arith.constant 1536 : index
    %swap3A_1172 = arith.constant 1 : index
    %swap3A_1173 = vector.load %arg1[%swap3A_1171, %swap3A_1172] : memref<4096x2xi32, #tpu.memory_space<vmem>>, vector<256x1xi32>
    tpu.vector_store %arg1[%swap3A_1171, %swap3A_1172], %convert_element_type3A_1170 {strides = array<i32>} : memref<4096x2xi32, #tpu.memory_space<vmem>>, vector<256x1xi32>,
    %get3A_1174 = arith.constant 1792 : index
    %get3A_1175 = arith.constant 1 : index
    %get3A_1176 = vector.load %arg0[%get3A_1174, %get3A_1175] : memref<4096x2xi32, #tpu.memory_space<vmem>>, vector<256x1xi32>
    %eq3A_1177 = vector.broadcast %get3A_1176 : vector<256x1xi32> to vector<256x8xi32>
    %eq3A_1178 = arith.cmpi eq, %eq3A_1177, %iota3A_2 : vector<256x8xi32>
    %convert_element_type3A_1179 = arith.extui %eq3A_1178 : vector<256x8xi1> to vector<256x8xi32>
    %convert_element_type3A_1180 = arith.sitofp %convert_element_type3A_1179 : vector<256x8xi32> to vector<256x8xf32>
    %mul3A_1181 = vector.broadcast %dot_general3A_712 : vector<1x8xf32> to vector<256x8xf32>
    %mul3A_1182 = arith.mulf %convert_element_type3A_1180, %mul3A_1181 : vector<256x8xf32>
    %reduce_sum3A_1183 = arith.constant dense<0.000000e+00> : vector<256xf32>
    %reduce_sum3A_1184 = vector.multi_reduction <add>, %mul3A_1182, %reduce_sum3A_1183 [1] : vector<256x8xf32> to vector<256xf32>
    %broadcast_in_dim3A_1185 = vector.shape_cast %reduce_sum3A_1184 : vector<256xf32> to vector<256x1xf32>
    %get3A_1186 = arith.constant 1792 : index
    %get3A_1187 = arith.constant 1 : index
    %get3A_1188 = vector.load %arg3[%get3A_1186, %get3A_1187] : memref<4096x2xf32, #tpu.memory_space<vmem>>, vector<256x1xf32>
    %add3A_1189 = arith.addf %get3A_1188, %broadcast_in_dim3A_1185 : vector<256x1xf32>
    %convert_element_type3A_1190 = arith.fptosi %add3A_1189 : vector<256x1xf32> to vector<256x1xi32>
    %swap3A_1191 = arith.constant 1792 : index
    %swap3A_1192 = arith.constant 1 : index
    %swap3A_1193 = vector.load %arg1[%swap3A_1191, %swap3A_1192] : memref<4096x2xi32, #tpu.memory_space<vmem>>, vector<256x1xi32>
    tpu.vector_store %arg1[%swap3A_1191, %swap3A_1192], %convert_element_type3A_1190 {strides = array<i32>} : memref<4096x2xi32, #tpu.memory_space<vmem>>, vector<256x1xi32>,
    %get3A_1194 = arith.constant 2048 : index
    %get3A_1195 = arith.constant 1 : index
    %get3A_1196 = vector.load %arg0[%get3A_1194, %get3A_1195] : memref<4096x2xi32, #tpu.memory_space<vmem>>, vector<256x1xi32>
    %eq3A_1197 = vector.broadcast %get3A_1196 : vector<256x1xi32> to vector<256x8xi32>
    %eq3A_1198 = arith.cmpi eq, %eq3A_1197, %iota3A_2 : vector<256x8xi32>
    %convert_element_type3A_1199 = arith.extui %eq3A_1198 : vector<256x8xi1> to vector<256x8xi32>
    %convert_element_type3A_1200 = arith.sitofp %convert_element_type3A_1199 : vector<256x8xi32> to vector<256x8xf32>
    %mul3A_1201 = vector.broadcast %dot_general3A_712 : vector<1x8xf32> to vector<256x8xf32>
    %mul3A_1202 = arith.mulf %convert_element_type3A_1200, %mul3A_1201 : vector<256x8xf32>
    %reduce_sum3A_1203 = arith.constant dense<0.000000e+00> : vector<256xf32>
    %reduce_sum3A_1204 = vector.multi_reduction <add>, %mul3A_1202, %reduce_sum3A_1203 [1] : vector<256x8xf32> to vector<256xf32>
    %broadcast_in_dim3A_1205 = vector.shape_cast %reduce_sum3A_1204 : vector<256xf32> to vector<256x1xf32>
    %get3A_1206 = arith.constant 2048 : index
    %get3A_1207 = arith.constant 1 : index
    %get3A_1208 = vector.load %arg3[%get3A_1206, %get3A_1207] : memref<4096x2xf32, #tpu.memory_space<vmem>>, vector<256x1xf32>
    %add3A_1209 = arith.addf %get3A_1208, %broadcast_in_dim3A_1205 : vector<256x1xf32>
    %convert_element_type3A_1210 = arith.fptosi %add3A_1209 : vector<256x1xf32> to vector<256x1xi32>
    %swap3A_1211 = arith.constant 2048 : index
    %swap3A_1212 = arith.constant 1 : index
    %swap3A_1213 = vector.load %arg1[%swap3A_1211, %swap3A_1212] : memref<4096x2xi32, #tpu.memory_space<vmem>>, vector<256x1xi32>
    tpu.vector_store %arg1[%swap3A_1211, %swap3A_1212], %convert_element_type3A_1210 {strides = array<i32>} : memref<4096x2xi32, #tpu.memory_space<vmem>>, vector<256x1xi32>,
    %get3A_1214 = arith.constant 2304 : index
    %get3A_1215 = arith.constant 1 : index
    %get3A_1216 = vector.load %arg0[%get3A_1214, %get3A_1215] : memref<4096x2xi32, #tpu.memory_space<vmem>>, vector<256x1xi32>
    %eq3A_1217 = vector.broadcast %get3A_1216 : vector<256x1xi32> to vector<256x8xi32>
    %eq3A_1218 = arith.cmpi eq, %eq3A_1217, %iota3A_2 : vector<256x8xi32>
    %convert_element_type3A_1219 = arith.extui %eq3A_1218 : vector<256x8xi1> to vector<256x8xi32>
    %convert_element_type3A_1220 = arith.sitofp %convert_element_type3A_1219 : vector<256x8xi32> to vector<256x8xf32>
    %mul3A_1221 = vector.broadcast %dot_general3A_712 : vector<1x8xf32> to vector<256x8xf32>
    %mul3A_1222 = arith.mulf %convert_element_type3A_1220, %mul3A_1221 : vector<256x8xf32>
    %reduce_sum3A_1223 = arith.constant dense<0.000000e+00> : vector<256xf32>
    %reduce_sum3A_1224 = vector.multi_reduction <add>, %mul3A_1222, %reduce_sum3A_1223 [1] : vector<256x8xf32> to vector<256xf32>
    %broadcast_in_dim3A_1225 = vector.shape_cast %reduce_sum3A_1224 : vector<256xf32> to vector<256x1xf32>
    %get3A_1226 = arith.constant 2304 : index
    %get3A_1227 = arith.constant 1 : index
    %get3A_1228 = vector.load %arg3[%get3A_1226, %get3A_1227] : memref<4096x2xf32, #tpu.memory_space<vmem>>, vector<256x1xf32>
    %add3A_1229 = arith.addf %get3A_1228, %broadcast_in_dim3A_1225 : vector<256x1xf32>
    %convert_element_type3A_1230 = arith.fptosi %add3A_1229 : vector<256x1xf32> to vector<256x1xi32>
    %swap3A_1231 = arith.constant 2304 : index
    %swap3A_1232 = arith.constant 1 : index
    %swap3A_1233 = vector.load %arg1[%swap3A_1231, %swap3A_1232] : memref<4096x2xi32, #tpu.memory_space<vmem>>, vector<256x1xi32>
    tpu.vector_store %arg1[%swap3A_1231, %swap3A_1232], %convert_element_type3A_1230 {strides = array<i32>} : memref<4096x2xi32, #tpu.memory_space<vmem>>, vector<256x1xi32>,
    %get3A_1234 = arith.constant 2560 : index
    %get3A_1235 = arith.constant 1 : index
    %get3A_1236 = vector.load %arg0[%get3A_1234, %get3A_1235] : memref<4096x2xi32, #tpu.memory_space<vmem>>, vector<256x1xi32>
    %eq3A_1237 = vector.broadcast %get3A_1236 : vector<256x1xi32> to vector<256x8xi32>
    %eq3A_1238 = arith.cmpi eq, %eq3A_1237, %iota3A_2 : vector<256x8xi32>
    %convert_element_type3A_1239 = arith.extui %eq3A_1238 : vector<256x8xi1> to vector<256x8xi32>
    %convert_element_type3A_1240 = arith.sitofp %convert_element_type3A_1239 : vector<256x8xi32> to vector<256x8xf32>
    %mul3A_1241 = vector.broadcast %dot_general3A_712 : vector<1x8xf32> to vector<256x8xf32>
    %mul3A_1242 = arith.mulf %convert_element_type3A_1240, %mul3A_1241 : vector<256x8xf32>
    %reduce_sum3A_1243 = arith.constant dense<0.000000e+00> : vector<256xf32>
    %reduce_sum3A_1244 = vector.multi_reduction <add>, %mul3A_1242, %reduce_sum3A_1243 [1] : vector<256x8xf32> to vector<256xf32>
    %broadcast_in_dim3A_1245 = vector.shape_cast %reduce_sum3A_1244 : vector<256xf32> to vector<256x1xf32>
    %get3A_1246 = arith.constant 2560 : index
    %get3A_1247 = arith.constant 1 : index
    %get3A_1248 = vector.load %arg3[%get3A_1246, %get3A_1247] : memref<4096x2xf32, #tpu.memory_space<vmem>>, vector<256x1xf32>
    %add3A_1249 = arith.addf %get3A_1248, %broadcast_in_dim3A_1245 : vector<256x1xf32>
    %convert_element_type3A_1250 = arith.fptosi %add3A_1249 : vector<256x1xf32> to vector<256x1xi32>
    %swap3A_1251 = arith.constant 2560 : index
    %swap3A_1252 = arith.constant 1 : index
    %swap3A_1253 = vector.load %arg1[%swap3A_1251, %swap3A_1252] : memref<4096x2xi32, #tpu.memory_space<vmem>>, vector<256x1xi32>
    tpu.vector_store %arg1[%swap3A_1251, %swap3A_1252], %convert_element_type3A_1250 {strides = array<i32>} : memref<4096x2xi32, #tpu.memory_space<vmem>>, vector<256x1xi32>,
    %get3A_1254 = arith.constant 2816 : index
    %get3A_1255 = arith.constant 1 : index
    %get3A_1256 = vector.load %arg0[%get3A_1254, %get3A_1255] : memref<4096x2xi32, #tpu.memory_space<vmem>>, vector<256x1xi32>
    %eq3A_1257 = vector.broadcast %get3A_1256 : vector<256x1xi32> to vector<256x8xi32>
    %eq3A_1258 = arith.cmpi eq, %eq3A_1257, %iota3A_2 : vector<256x8xi32>
    %convert_element_type3A_1259 = arith.extui %eq3A_1258 : vector<256x8xi1> to vector<256x8xi32>
    %convert_element_type3A_1260 = arith.sitofp %convert_element_type3A_1259 : vector<256x8xi32> to vector<256x8xf32>
    %mul3A_1261 = vector.broadcast %dot_general3A_712 : vector<1x8xf32> to vector<256x8xf32>
    %mul3A_1262 = arith.mulf %convert_element_type3A_1260, %mul3A_1261 : vector<256x8xf32>
    %reduce_sum3A_1263 = arith.constant dense<0.000000e+00> : vector<256xf32>
    %reduce_sum3A_1264 = vector.multi_reduction <add>, %mul3A_1262, %reduce_sum3A_1263 [1] : vector<256x8xf32> to vector<256xf32>
    %broadcast_in_dim3A_1265 = vector.shape_cast %reduce_sum3A_1264 : vector<256xf32> to vector<256x1xf32>
    %get3A_1266 = arith.constant 2816 : index
    %get3A_1267 = arith.constant 1 : index
    %get3A_1268 = vector.load %arg3[%get3A_1266, %get3A_1267] : memref<4096x2xf32, #tpu.memory_space<vmem>>, vector<256x1xf32>
    %add3A_1269 = arith.addf %get3A_1268, %broadcast_in_dim3A_1265 : vector<256x1xf32>
    %convert_element_type3A_1270 = arith.fptosi %add3A_1269 : vector<256x1xf32> to vector<256x1xi32>
    %swap3A_1271 = arith.constant 2816 : index
    %swap3A_1272 = arith.constant 1 : index
    %swap3A_1273 = vector.load %arg1[%swap3A_1271, %swap3A_1272] : memref<4096x2xi32, #tpu.memory_space<vmem>>, vector<256x1xi32>
    tpu.vector_store %arg1[%swap3A_1271, %swap3A_1272], %convert_element_type3A_1270 {strides = array<i32>} : memref<4096x2xi32, #tpu.memory_space<vmem>>, vector<256x1xi32>,
    %get3A_1274 = arith.constant 3072 : index
    %get3A_1275 = arith.constant 1 : index
    %get3A_1276 = vector.load %arg0[%get3A_1274, %get3A_1275] : memref<4096x2xi32, #tpu.memory_space<vmem>>, vector<256x1xi32>
    %eq3A_1277 = vector.broadcast %get3A_1276 : vector<256x1xi32> to vector<256x8xi32>
    %eq3A_1278 = arith.cmpi eq, %eq3A_1277, %iota3A_2 : vector<256x8xi32>
    %convert_element_type3A_1279 = arith.extui %eq3A_1278 : vector<256x8xi1> to vector<256x8xi32>
    %convert_element_type3A_1280 = arith.sitofp %convert_element_type3A_1279 : vector<256x8xi32> to vector<256x8xf32>
    %mul3A_1281 = vector.broadcast %dot_general3A_712 : vector<1x8xf32> to vector<256x8xf32>
    %mul3A_1282 = arith.mulf %convert_element_type3A_1280, %mul3A_1281 : vector<256x8xf32>
    %reduce_sum3A_1283 = arith.constant dense<0.000000e+00> : vector<256xf32>
    %reduce_sum3A_1284 = vector.multi_reduction <add>, %mul3A_1282, %reduce_sum3A_1283 [1] : vector<256x8xf32> to vector<256xf32>
    %broadcast_in_dim3A_1285 = vector.shape_cast %reduce_sum3A_1284 : vector<256xf32> to vector<256x1xf32>
    %get3A_1286 = arith.constant 3072 : index
    %get3A_1287 = arith.constant 1 : index
    %get3A_1288 = vector.load %arg3[%get3A_1286, %get3A_1287] : memref<4096x2xf32, #tpu.memory_space<vmem>>, vector<256x1xf32>
    %add3A_1289 = arith.addf %get3A_1288, %broadcast_in_dim3A_1285 : vector<256x1xf32>
    %convert_element_type3A_1290 = arith.fptosi %add3A_1289 : vector<256x1xf32> to vector<256x1xi32>
    %swap3A_1291 = arith.constant 3072 : index
    %swap3A_1292 = arith.constant 1 : index
    %swap3A_1293 = vector.load %arg1[%swap3A_1291, %swap3A_1292] : memref<4096x2xi32, #tpu.memory_space<vmem>>, vector<256x1xi32>
    tpu.vector_store %arg1[%swap3A_1291, %swap3A_1292], %convert_element_type3A_1290 {strides = array<i32>} : memref<4096x2xi32, #tpu.memory_space<vmem>>, vector<256x1xi32>,
    %get3A_1294 = arith.constant 3328 : index
    %get3A_1295 = arith.constant 1 : index
    %get3A_1296 = vector.load %arg0[%get3A_1294, %get3A_1295] : memref<4096x2xi32, #tpu.memory_space<vmem>>, vector<256x1xi32>
    %eq3A_1297 = vector.broadcast %get3A_1296 : vector<256x1xi32> to vector<256x8xi32>
    %eq3A_1298 = arith.cmpi eq, %eq3A_1297, %iota3A_2 : vector<256x8xi32>
    %convert_element_type3A_1299 = arith.extui %eq3A_1298 : vector<256x8xi1> to vector<256x8xi32>
    %convert_element_type3A_1300 = arith.sitofp %convert_element_type3A_1299 : vector<256x8xi32> to vector<256x8xf32>
    %mul3A_1301 = vector.broadcast %dot_general3A_712 : vector<1x8xf32> to vector<256x8xf32>
    %mul3A_1302 = arith.mulf %convert_element_type3A_1300, %mul3A_1301 : vector<256x8xf32>
    %reduce_sum3A_1303 = arith.constant dense<0.000000e+00> : vector<256xf32>
    %reduce_sum3A_1304 = vector.multi_reduction <add>, %mul3A_1302, %reduce_sum3A_1303 [1] : vector<256x8xf32> to vector<256xf32>
    %broadcast_in_dim3A_1305 = vector.shape_cast %reduce_sum3A_1304 : vector<256xf32> to vector<256x1xf32>
    %get3A_1306 = arith.constant 3328 : index
    %get3A_1307 = arith.constant 1 : index
    %get3A_1308 = vector.load %arg3[%get3A_1306, %get3A_1307] : memref<4096x2xf32, #tpu.memory_space<vmem>>, vector<256x1xf32>
    %add3A_1309 = arith.addf %get3A_1308, %broadcast_in_dim3A_1305 : vector<256x1xf32>
    %convert_element_type3A_1310 = arith.fptosi %add3A_1309 : vector<256x1xf32> to vector<256x1xi32>
    %swap3A_1311 = arith.constant 3328 : index
    %swap3A_1312 = arith.constant 1 : index
    %swap3A_1313 = vector.load %arg1[%swap3A_1311, %swap3A_1312] : memref<4096x2xi32, #tpu.memory_space<vmem>>, vector<256x1xi32>
    tpu.vector_store %arg1[%swap3A_1311, %swap3A_1312], %convert_element_type3A_1310 {strides = array<i32>} : memref<4096x2xi32, #tpu.memory_space<vmem>>, vector<256x1xi32>,
    %get3A_1314 = arith.constant 3584 : index
    %get3A_1315 = arith.constant 1 : index
    %get3A_1316 = vector.load %arg0[%get3A_1314, %get3A_1315] : memref<4096x2xi32, #tpu.memory_space<vmem>>, vector<256x1xi32>
    %eq3A_1317 = vector.broadcast %get3A_1316 : vector<256x1xi32> to vector<256x8xi32>
    %eq3A_1318 = arith.cmpi eq, %eq3A_1317, %iota3A_2 : vector<256x8xi32>
    %convert_element_type3A_1319 = arith.extui %eq3A_1318 : vector<256x8xi1> to vector<256x8xi32>
    %convert_element_type3A_1320 = arith.sitofp %convert_element_type3A_1319 : vector<256x8xi32> to vector<256x8xf32>
    %mul3A_1321 = vector.broadcast %dot_general3A_712 : vector<1x8xf32> to vector<256x8xf32>
    %mul3A_1322 = arith.mulf %convert_element_type3A_1320, %mul3A_1321 : vector<256x8xf32>
    %reduce_sum3A_1323 = arith.constant dense<0.000000e+00> : vector<256xf32>
    %reduce_sum3A_1324 = vector.multi_reduction <add>, %mul3A_1322, %reduce_sum3A_1323 [1] : vector<256x8xf32> to vector<256xf32>
    %broadcast_in_dim3A_1325 = vector.shape_cast %reduce_sum3A_1324 : vector<256xf32> to vector<256x1xf32>
    %get3A_1326 = arith.constant 3584 : index
    %get3A_1327 = arith.constant 1 : index
    %get3A_1328 = vector.load %arg3[%get3A_1326, %get3A_1327] : memref<4096x2xf32, #tpu.memory_space<vmem>>, vector<256x1xf32>
    %add3A_1329 = arith.addf %get3A_1328, %broadcast_in_dim3A_1325 : vector<256x1xf32>
    %convert_element_type3A_1330 = arith.fptosi %add3A_1329 : vector<256x1xf32> to vector<256x1xi32>
    %swap3A_1331 = arith.constant 3584 : index
    %swap3A_1332 = arith.constant 1 : index
    %swap3A_1333 = vector.load %arg1[%swap3A_1331, %swap3A_1332] : memref<4096x2xi32, #tpu.memory_space<vmem>>, vector<256x1xi32>
    tpu.vector_store %arg1[%swap3A_1331, %swap3A_1332], %convert_element_type3A_1330 {strides = array<i32>} : memref<4096x2xi32, #tpu.memory_space<vmem>>, vector<256x1xi32>,
    %get3A_1334 = arith.constant 3840 : index
    %get3A_1335 = arith.constant 1 : index
    %get3A_1336 = vector.load %arg0[%get3A_1334, %get3A_1335] : memref<4096x2xi32, #tpu.memory_space<vmem>>, vector<256x1xi32>
    %eq3A_1337 = vector.broadcast %get3A_1336 : vector<256x1xi32> to vector<256x8xi32>
    %eq3A_1338 = arith.cmpi eq, %eq3A_1337, %iota3A_2 : vector<256x8xi32>
    %convert_element_type3A_1339 = arith.extui %eq3A_1338 : vector<256x8xi1> to vector<256x8xi32>
    %convert_element_type3A_1340 = arith.sitofp %convert_element_type3A_1339 : vector<256x8xi32> to vector<256x8xf32>
    %mul3A_1341 = vector.broadcast %dot_general3A_712 : vector<1x8xf32> to vector<256x8xf32>
    %mul3A_1342 = arith.mulf %convert_element_type3A_1340, %mul3A_1341 : vector<256x8xf32>
    %reduce_sum3A_1343 = arith.constant dense<0.000000e+00> : vector<256xf32>
    %reduce_sum3A_1344 = vector.multi_reduction <add>, %mul3A_1342, %reduce_sum3A_1343 [1] : vector<256x8xf32> to vector<256xf32>
    %broadcast_in_dim3A_1345 = vector.shape_cast %reduce_sum3A_1344 : vector<256xf32> to vector<256x1xf32>
    %get3A_1346 = arith.constant 3840 : index
    %get3A_1347 = arith.constant 1 : index
    %get3A_1348 = vector.load %arg3[%get3A_1346, %get3A_1347] : memref<4096x2xf32, #tpu.memory_space<vmem>>, vector<256x1xf32>
    %add3A_1349 = arith.addf %get3A_1348, %broadcast_in_dim3A_1345 : vector<256x1xf32>
    %convert_element_type3A_1350 = arith.fptosi %add3A_1349 : vector<256x1xf32> to vector<256x1xi32>
    %swap3A_1351 = arith.constant 3840 : index
    %swap3A_1352 = arith.constant 1 : index
    %swap3A_1353 = vector.load %arg1[%swap3A_1351, %swap3A_1352] : memref<4096x2xi32, #tpu.memory_space<vmem>>, vector<256x1xi32>
    tpu.vector_store %arg1[%swap3A_1351, %swap3A_1352], %convert_element_type3A_1350 {strides = array<i32>} : memref<4096x2xi32, #tpu.memory_space<vmem>>, vector<256x1xi32>,
    %iota3A_1354 = tpu.iota {dimensions = array<i32: 1>} : vector<1x40xi32>
    %convert_element_type3A_1355 = arith.sitofp %iota3A_1354 : vector<1x40xi32> to vector<1x40xf32>
    %mul3A_1356 = arith.constant 2.560000e+02 : f32
    %mul3A_1357 = vector.broadcast %mul3A_1356 : f32 to vector<1x40xf32>
    %mul3A_1358 = arith.mulf %convert_element_type3A_1355, %mul3A_1357 : vector<1x40xf32>
    %broadcast_in_dim3A_1359 = arith.constant 0.000000e+00 : f32
    %broadcast_in_dim3A_1360 = vector.broadcast %broadcast_in_dim3A_1359 : f32 to vector<1x40xf32>
    %slice3A = vector.extract_strided_slice %add3A_713 {offsets = [0, 0], sizes = [1, 1], strides = [1, 1]} : vector<1x8xf32> to vector<1x1xf32>
    %ge3A = vector.broadcast %slice3A : vector<1x1xf32> to vector<1x40xf32>
    %ge3A_1361 = arith.cmpf oge, %mul3A_1358, %ge3A : vector<1x40xf32>
    %convert_element_type3A_1362 = arith.extui %ge3A_1361 : vector<1x40xi1> to vector<1x40xi32>
    %convert_element_type3A_1363 = arith.sitofp %convert_element_type3A_1362 : vector<1x40xi32> to vector<1x40xf32>
    %add3A_1364 = arith.addf %broadcast_in_dim3A_1360, %convert_element_type3A_1363 : vector<1x40xf32>
    %slice3A_1365 = vector.extract_strided_slice %add3A_713 {offsets = [0, 1], sizes = [1, 1], strides = [1, 1]} : vector<1x8xf32> to vector<1x1xf32>
    %ge3A_1366 = vector.broadcast %slice3A_1365 : vector<1x1xf32> to vector<1x40xf32>
    %ge3A_1367 = arith.cmpf oge, %mul3A_1358, %ge3A_1366 : vector<1x40xf32>
    %convert_element_type3A_1368 = arith.extui %ge3A_1367 : vector<1x40xi1> to vector<1x40xi32>
    %convert_element_type3A_1369 = arith.sitofp %convert_element_type3A_1368 : vector<1x40xi32> to vector<1x40xf32>
    %add3A_1370 = arith.addf %add3A_1364, %convert_element_type3A_1369 : vector<1x40xf32>
    %slice3A_1371 = vector.extract_strided_slice %add3A_713 {offsets = [0, 2], sizes = [1, 1], strides = [1, 1]} : vector<1x8xf32> to vector<1x1xf32>
    %ge3A_1372 = vector.broadcast %slice3A_1371 : vector<1x1xf32> to vector<1x40xf32>
    %ge3A_1373 = arith.cmpf oge, %mul3A_1358, %ge3A_1372 : vector<1x40xf32>
    %convert_element_type3A_1374 = arith.extui %ge3A_1373 : vector<1x40xi1> to vector<1x40xi32>
    %convert_element_type3A_1375 = arith.sitofp %convert_element_type3A_1374 : vector<1x40xi32> to vector<1x40xf32>
    %add3A_1376 = arith.addf %add3A_1370, %convert_element_type3A_1375 : vector<1x40xf32>
    %slice3A_1377 = vector.extract_strided_slice %add3A_713 {offsets = [0, 3], sizes = [1, 1], strides = [1, 1]} : vector<1x8xf32> to vector<1x1xf32>
    %ge3A_1378 = vector.broadcast %slice3A_1377 : vector<1x1xf32> to vector<1x40xf32>
    %ge3A_1379 = arith.cmpf oge, %mul3A_1358, %ge3A_1378 : vector<1x40xf32>
    %convert_element_type3A_1380 = arith.extui %ge3A_1379 : vector<1x40xi1> to vector<1x40xi32>
    %convert_element_type3A_1381 = arith.sitofp %convert_element_type3A_1380 : vector<1x40xi32> to vector<1x40xf32>
    %add3A_1382 = arith.addf %add3A_1376, %convert_element_type3A_1381 : vector<1x40xf32>
    %slice3A_1383 = vector.extract_strided_slice %add3A_713 {offsets = [0, 4], sizes = [1, 1], strides = [1, 1]} : vector<1x8xf32> to vector<1x1xf32>
    %ge3A_1384 = vector.broadcast %slice3A_1383 : vector<1x1xf32> to vector<1x40xf32>
    %ge3A_1385 = arith.cmpf oge, %mul3A_1358, %ge3A_1384 : vector<1x40xf32>
    %convert_element_type3A_1386 = arith.extui %ge3A_1385 : vector<1x40xi1> to vector<1x40xi32>
    %convert_element_type3A_1387 = arith.sitofp %convert_element_type3A_1386 : vector<1x40xi32> to vector<1x40xf32>
    %add3A_1388 = arith.addf %add3A_1382, %convert_element_type3A_1387 : vector<1x40xf32>
    %slice3A_1389 = vector.extract_strided_slice %add3A_713 {offsets = [0, 5], sizes = [1, 1], strides = [1, 1]} : vector<1x8xf32> to vector<1x1xf32>
    %ge3A_1390 = vector.broadcast %slice3A_1389 : vector<1x1xf32> to vector<1x40xf32>
    %ge3A_1391 = arith.cmpf oge, %mul3A_1358, %ge3A_1390 : vector<1x40xf32>
    %convert_element_type3A_1392 = arith.extui %ge3A_1391 : vector<1x40xi1> to vector<1x40xi32>
    %convert_element_type3A_1393 = arith.sitofp %convert_element_type3A_1392 : vector<1x40xi32> to vector<1x40xf32>
    %add3A_1394 = arith.addf %add3A_1388, %convert_element_type3A_1393 : vector<1x40xf32>
    %slice3A_1395 = vector.extract_strided_slice %add3A_713 {offsets = [0, 6], sizes = [1, 1], strides = [1, 1]} : vector<1x8xf32> to vector<1x1xf32>
    %ge3A_1396 = vector.broadcast %slice3A_1395 : vector<1x1xf32> to vector<1x40xf32>
    %ge3A_1397 = arith.cmpf oge, %mul3A_1358, %ge3A_1396 : vector<1x40xf32>
    %convert_element_type3A_1398 = arith.extui %ge3A_1397 : vector<1x40xi1> to vector<1x40xi32>
    %convert_element_type3A_1399 = arith.sitofp %convert_element_type3A_1398 : vector<1x40xi32> to vector<1x40xf32>
    %add3A_1400 = arith.addf %add3A_1394, %convert_element_type3A_1399 : vector<1x40xf32>
    %slice3A_1401 = vector.extract_strided_slice %add3A_713 {offsets = [0, 7], sizes = [1, 1], strides = [1, 1]} : vector<1x8xf32> to vector<1x1xf32>
    %ge3A_1402 = vector.broadcast %slice3A_1401 : vector<1x1xf32> to vector<1x40xf32>
    %ge3A_1403 = arith.cmpf oge, %mul3A_1358, %ge3A_1402 : vector<1x40xf32>
    %convert_element_type3A_1404 = arith.extui %ge3A_1403 : vector<1x40xi1> to vector<1x40xi32>
    %convert_element_type3A_1405 = arith.sitofp %convert_element_type3A_1404 : vector<1x40xi32> to vector<1x40xf32>
    %add3A_1406 = arith.addf %add3A_1400, %convert_element_type3A_1405 : vector<1x40xf32>
    %min3A = arith.constant 7.000000e+00 : f32
    %min3A_1407 = vector.broadcast %min3A : f32 to vector<1x40xf32>
    %min3A_1408 = arith.minimumf %add3A_1406, %min3A_1407 : vector<1x40xf32>
    %convert_element_type3A_1409 = arith.fptosi %min3A_1408 : vector<1x40xf32> to vector<1x40xi32>
    %swap3A_1410 = arith.constant 0 : index
    %swap3A_1411 = arith.constant 0 : index
    %swap3A_1412 = vector.load %arg2[%swap3A_1410, %swap3A_1411] : memref<1x40xi32, #tpu.memory_space<vmem>>, vector<1x40xi32>
    tpu.vector_store %arg2[%swap3A_1410, %swap3A_1411], %convert_element_type3A_1409 {strides = array<i32>} : memref<1x40xi32, #tpu.memory_space<vmem>>, vector<1x40xi32>,
    return
  }
}

module attributes {stable_mosaic.version = 14 : i64} {
  func.func @_expert_k(%arg0: i32, %arg1: memref<1x40xi32, #tpu.memory_space<smem>>, %arg2: memref<256x768xf32, #tpu.memory_space<vmem>>, %arg3: memref<1x768x768xf32, #tpu.memory_space<vmem>>, %arg4: memref<1x1x768xf32, #tpu.memory_space<vmem>>, %arg5: memref<1x768x768xf32, #tpu.memory_space<vmem>>, %arg6: memref<1x1x768xf32, #tpu.memory_space<vmem>>, %arg7: memref<256x768xf32, #tpu.memory_space<vmem>>) attributes {dimension_semantics = [#tpu.dimension_semantics<arbitrary>], iteration_bounds = array<i64: 40>, scalar_prefetch = 1 : i64, scratch_operands = 0 : i64, tpu.core_type = #tpu.core_type<tc>, window_params = [{transform_indices = @transform_0, window_bounds = array<i64: 256, 768>}, {transform_indices = @transform_1, window_bounds = array<i64: 1, 768, 768>}, {transform_indices = @transform_2, window_bounds = array<i64: 1, 1, 768>}, {transform_indices = @transform_3, window_bounds = array<i64: 1, 768, 768>}, {transform_indices = @transform_4, window_bounds = array<i64: 1, 1, 768>}, {transform_indices = @transform_5, window_bounds = array<i64: 256, 768>}]} {
    %get3A = arith.constant 0 : index
    %get3A_0 = arith.constant 0 : index
    %get3A_1 = vector.load %arg2[%get3A, %get3A_0] : memref<256x768xf32, #tpu.memory_space<vmem>>, vector<256x768xf32>
    %get3A_2 = arith.constant 0 : index
    %get3A_3 = arith.constant 0 : index
    %get3A_4 = arith.constant 0 : index
    %get3A_5 = vector.load %arg3[%get3A_2, %get3A_3, %get3A_4] : memref<1x768x768xf32, #tpu.memory_space<vmem>>, vector<1x768x768xf32>
    %get3A_6 = vector.shape_cast %get3A_5 : vector<1x768x768xf32> to vector<768x768xf32>
    %dot_general3A = arith.constant dense<0.000000e+00> : vector<256x768xf32>
    %dot_general3A_7 = tpu.matmul %get3A_1, %get3A_6, %dot_general3A {dimension_numbers = #tpu.dot_dimension_numbers<[1], [0], [0], [1], [0, 0, 1, 1], [], []>, transpose_lhs_hint = false} : vector<256x768xf32>, vector<768x768xf32>, vector<256x768xf32> -> vector<256x768xf32>
    %get3A_8 = arith.constant 0 : index
    %get3A_9 = arith.constant 0 : index
    %get3A_10 = arith.constant 0 : index
    %get3A_11 = vector.load %arg4[%get3A_8, %get3A_9, %get3A_10] : memref<1x1x768xf32, #tpu.memory_space<vmem>>, vector<1x1x768xf32>
    %get3A_12 = vector.shape_cast %get3A_11 : vector<1x1x768xf32> to vector<1x768xf32>
    %add3A = vector.broadcast %get3A_12 : vector<1x768xf32> to vector<256x768xf32>
    %add3A_13 = arith.addf %dot_general3A_7, %add3A : vector<256x768xf32>
    %max3A = arith.constant 0.000000e+00 : f32
    %max3A_14 = vector.broadcast %max3A : f32 to vector<256x768xf32>
    %max3A_15 = arith.maximumf %add3A_13, %max3A_14 : vector<256x768xf32>
    %get3A_16 = arith.constant 0 : index
    %get3A_17 = arith.constant 0 : index
    %get3A_18 = arith.constant 0 : index
    %get3A_19 = vector.load %arg5[%get3A_16, %get3A_17, %get3A_18] : memref<1x768x768xf32, #tpu.memory_space<vmem>>, vector<1x768x768xf32>
    %get3A_20 = vector.shape_cast %get3A_19 : vector<1x768x768xf32> to vector<768x768xf32>
    %dot_general3A_21 = arith.constant dense<0.000000e+00> : vector<256x768xf32>
    %dot_general3A_22 = tpu.matmul %max3A_15, %get3A_20, %dot_general3A_21 {dimension_numbers = #tpu.dot_dimension_numbers<[1], [0], [0], [1], [0, 0, 1, 1], [], []>, transpose_lhs_hint = false} : vector<256x768xf32>, vector<768x768xf32>, vector<256x768xf32> -> vector<256x768xf32>
    %get3A_23 = arith.constant 0 : index
    %get3A_24 = arith.constant 0 : index
    %get3A_25 = arith.constant 0 : index
    %get3A_26 = vector.load %arg6[%get3A_23, %get3A_24, %get3A_25] : memref<1x1x768xf32, #tpu.memory_space<vmem>>, vector<1x1x768xf32>
    %get3A_27 = vector.shape_cast %get3A_26 : vector<1x1x768xf32> to vector<1x768xf32>
    %add3A_28 = vector.broadcast %get3A_27 : vector<1x768xf32> to vector<256x768xf32>
    %add3A_29 = arith.addf %dot_general3A_22, %add3A_28 : vector<256x768xf32>
    %swap3A = arith.constant 0 : index
    %swap3A_30 = arith.constant 0 : index
    %swap3A_31 = vector.load %arg7[%swap3A, %swap3A_30] : memref<256x768xf32, #tpu.memory_space<vmem>>, vector<256x768xf32>
    tpu.vector_store %arg7[%swap3A, %swap3A_30], %add3A_29 {strides = array<i32>} : memref<256x768xf32, #tpu.memory_space<vmem>>, vector<256x768xf32>,
    return
  }
  func.func @transform_0(%arg0: i32, %arg1: memref<1x40xi32, #tpu.memory_space<smem>>) -> (i32, i32) {
    %c0_i32 = arith.constant 0 : i32
    %c0_i32_0 = arith.constant 0 : i32
    return %arg0, %c0_i32 : i32, i32
  }
  func.func @transform_1(%arg0: i32, %arg1: memref<1x40xi32, #tpu.memory_space<smem>>) -> (i32, i32, i32) {
    %get3A = arith.constant 0 : index
    %get3A_0 = arith.index_cast %arg0 : i32 to index
    %get3A_1 = memref.load %arg1[%get3A, %get3A_0] : memref<1x40xi32, #tpu.memory_space<smem>>
    %c0_i32 = arith.constant 0 : i32
    %c0_i32_2 = arith.constant 0 : i32
    %c0_i32_3 = arith.constant 0 : i32
    return %get3A_1, %c0_i32, %c0_i32_2 : i32, i32, i32
  }
  func.func @transform_2(%arg0: i32, %arg1: memref<1x40xi32, #tpu.memory_space<smem>>) -> (i32, i32, i32) {
    %get3A = arith.constant 0 : index
    %get3A_0 = arith.index_cast %arg0 : i32 to index
    %get3A_1 = memref.load %arg1[%get3A, %get3A_0] : memref<1x40xi32, #tpu.memory_space<smem>>
    %c0_i32 = arith.constant 0 : i32
    %c0_i32_2 = arith.constant 0 : i32
    %c0_i32_3 = arith.constant 0 : i32
    return %get3A_1, %c0_i32, %c0_i32_2 : i32, i32, i32
  }
  func.func @transform_3(%arg0: i32, %arg1: memref<1x40xi32, #tpu.memory_space<smem>>) -> (i32, i32, i32) {
    %get3A = arith.constant 0 : index
    %get3A_0 = arith.index_cast %arg0 : i32 to index
    %get3A_1 = memref.load %arg1[%get3A, %get3A_0] : memref<1x40xi32, #tpu.memory_space<smem>>
    %c0_i32 = arith.constant 0 : i32
    %c0_i32_2 = arith.constant 0 : i32
    %c0_i32_3 = arith.constant 0 : i32
    return %get3A_1, %c0_i32, %c0_i32_2 : i32, i32, i32
  }
  func.func @transform_4(%arg0: i32, %arg1: memref<1x40xi32, #tpu.memory_space<smem>>) -> (i32, i32, i32) {
    %get3A = arith.constant 0 : index
    %get3A_0 = arith.index_cast %arg0 : i32 to index
    %get3A_1 = memref.load %arg1[%get3A, %get3A_0] : memref<1x40xi32, #tpu.memory_space<smem>>
    %c0_i32 = arith.constant 0 : i32
    %c0_i32_2 = arith.constant 0 : i32
    %c0_i32_3 = arith.constant 0 : i32
    return %get3A_1, %c0_i32, %c0_i32_2 : i32, i32, i32
  }
  func.func @transform_5(%arg0: i32, %arg1: memref<1x40xi32, #tpu.memory_space<smem>>) -> (i32, i32) {
    %c0_i32 = arith.constant 0 : i32
    %c0_i32_0 = arith.constant 0 : i32
    return %arg0, %c0_i32 : i32, i32
  }
}

module attributes {stable_mosaic.version = 14 : i64} {
  func.func @_fma_k(%arg0: i32, %arg1: memref<512x768xf32, #tpu.memory_space<vmem>>, %arg2: memref<512x768xf32, #tpu.memory_space<vmem>>, %arg3: memref<512x768xf32, #tpu.memory_space<vmem>>, %arg4: memref<512x2xf32, #tpu.memory_space<vmem>>, %arg5: memref<512x768xf32, #tpu.memory_space<vmem>>) attributes {dimension_semantics = [#tpu.dimension_semantics<arbitrary>], iteration_bounds = array<i64: 8>, scalar_prefetch = 0 : i64, scratch_operands = 0 : i64, tpu.core_type = #tpu.core_type<tc>, window_params = [{transform_indices = @transform_0, window_bounds = array<i64: 512, 768>}, {transform_indices = @transform_1, window_bounds = array<i64: 512, 768>}, {transform_indices = @transform_2, window_bounds = array<i64: 512, 768>}, {transform_indices = @transform_3, window_bounds = array<i64: 512, 2>}, {transform_indices = @transform_4, window_bounds = array<i64: 512, 768>}]} {
    %get3A = arith.constant 0 : index
    %get3A_0 = arith.constant 0 : index
    %get3A_1 = vector.load %arg4[%get3A, %get3A_0] : memref<512x2xf32, #tpu.memory_space<vmem>>, vector<512x1xf32>
    %get3A_2 = arith.constant 0 : index
    %get3A_3 = arith.constant 1 : index
    %get3A_4 = vector.load %arg4[%get3A_2, %get3A_3] : memref<512x2xf32, #tpu.memory_space<vmem>>, vector<512x1xf32>
    %get3A_5 = arith.constant 0 : index
    %get3A_6 = arith.constant 0 : index
    %get3A_7 = vector.load %arg1[%get3A_5, %get3A_6] : memref<512x768xf32, #tpu.memory_space<vmem>>, vector<512x768xf32>
    %get3A_8 = arith.constant 0 : index
    %get3A_9 = arith.constant 0 : index
    %get3A_10 = vector.load %arg2[%get3A_8, %get3A_9] : memref<512x768xf32, #tpu.memory_space<vmem>>, vector<512x768xf32>
    %mul3A = vector.broadcast %get3A_1 : vector<512x1xf32> to vector<512x768xf32>
    %mul3A_11 = arith.mulf %mul3A, %get3A_10 : vector<512x768xf32>
    %add3A = arith.addf %get3A_7, %mul3A_11 : vector<512x768xf32>
    %get3A_12 = arith.constant 0 : index
    %get3A_13 = arith.constant 0 : index
    %get3A_14 = vector.load %arg3[%get3A_12, %get3A_13] : memref<512x768xf32, #tpu.memory_space<vmem>>, vector<512x768xf32>
    %mul3A_15 = vector.broadcast %get3A_4 : vector<512x1xf32> to vector<512x768xf32>
    %mul3A_16 = arith.mulf %mul3A_15, %get3A_14 : vector<512x768xf32>
    %add3A_17 = arith.addf %add3A, %mul3A_16 : vector<512x768xf32>
    %swap3A = arith.constant 0 : index
    %swap3A_18 = arith.constant 0 : index
    %swap3A_19 = vector.load %arg5[%swap3A, %swap3A_18] : memref<512x768xf32, #tpu.memory_space<vmem>>, vector<512x768xf32>
    tpu.vector_store %arg5[%swap3A, %swap3A_18], %add3A_17 {strides = array<i32>} : memref<512x768xf32, #tpu.memory_space<vmem>>, vector<512x768xf32>,
    return
  }
  func.func @transform_0(%arg0: i32) -> (i32, i32) {
    %c0_i32 = arith.constant 0 : i32
    %c0_i32_0 = arith.constant 0 : i32
    return %arg0, %c0_i32 : i32, i32
  }
  func.func @transform_1(%arg0: i32) -> (i32, i32) {
    %c0_i32 = arith.constant 0 : i32
    %c0_i32_0 = arith.constant 0 : i32
    return %arg0, %c0_i32 : i32, i32
  }
  func.func @transform_2(%arg0: i32) -> (i32, i32) {
    %c0_i32 = arith.constant 0 : i32
    %c0_i32_0 = arith.constant 0 : i32
    return %arg0, %c0_i32 : i32, i32
  }
  func.func @transform_3(%arg0: i32) -> (i32, i32) {
    %c0_i32 = arith.constant 0 : i32
    %c0_i32_0 = arith.constant 0 : i32
    return %arg0, %c0_i32 : i32, i32
  }
  func.func @transform_4(%arg0: i32) -> (i32, i32) {
    %c0_i32 = arith.constant 0 : i32
    %c0_i32_0 = arith.constant 0 : i32
    return %arg0, %c0_i32 : i32, i32
  }
}

module attributes {stable_mosaic.version = 14 : i64} {
  func.func @_head_k(%arg0: memref<4096x768xf32, #tpu.memory_space<vmem>>, %arg1: memref<768x1xf32, #tpu.memory_space<vmem>>, %arg2: memref<768x1xf32, #tpu.memory_space<vmem>>, %arg3: memref<1x1xf32, #tpu.memory_space<vmem>>, %arg4: memref<3x1xf32, #tpu.memory_space<vmem>>, %arg5: memref<2x1xf32, #tpu.memory_space<vmem>>, %arg6: memref<1x1xf32, #tpu.memory_space<vmem>>) attributes {dimension_semantics = [], scalar_prefetch = 0 : i64, scratch_operands = 0 : i64, tpu.core_type = #tpu.core_type<tc>} {
    %get3A = arith.constant 0 : index
    %get3A_0 = arith.constant 0 : index
    %get3A_1 = vector.load %arg0[%get3A, %get3A_0] : memref<4096x768xf32, #tpu.memory_space<vmem>>, vector<2048x768xf32>
    %get3A_2 = arith.constant 0 : index
    %get3A_3 = arith.constant 0 : index
    %get3A_4 = vector.load %arg1[%get3A_2, %get3A_3] : memref<768x1xf32, #tpu.memory_space<vmem>>, vector<768x1xf32>
    %dot_general3A = arith.constant dense<0.000000e+00> : vector<2048x1xf32>
    %dot_general3A_5 = tpu.matmul %get3A_1, %get3A_4, %dot_general3A {dimension_numbers = #tpu.dot_dimension_numbers<[1], [0], [0], [1], [0, 0, 1, 1], [], []>, transpose_lhs_hint = false} : vector<2048x768xf32>, vector<768x1xf32>, vector<2048x1xf32> -> vector<2048x1xf32>
    %reduce_max3A = arith.constant dense<0xFF800000> : vector<1xf32>
    %reduce_max3A_6 = vector.multi_reduction <maximumf>, %dot_general3A_5, %reduce_max3A [0] : vector<2048x1xf32> to vector<1xf32>
    %broadcast_in_dim3A = vector.shape_cast %reduce_max3A_6 : vector<1xf32> to vector<1x1xf32>
    %sub3A = vector.broadcast %broadcast_in_dim3A : vector<1x1xf32> to vector<2048x1xf32>
    %sub3A_7 = arith.subf %dot_general3A_5, %sub3A : vector<2048x1xf32>
    %exp3A = math.exp %sub3A_7 : vector<2048x1xf32>
    %reduce_sum3A = arith.constant dense<0.000000e+00> : vector<1xf32>
    %reduce_sum3A_8 = vector.multi_reduction <add>, %exp3A, %reduce_sum3A [0] : vector<2048x1xf32> to vector<1xf32>
    %broadcast_in_dim3A_9 = vector.shape_cast %reduce_sum3A_8 : vector<1xf32> to vector<1x1xf32>
    %div3A = vector.broadcast %broadcast_in_dim3A_9 : vector<1x1xf32> to vector<2048x1xf32>
    %div3A_10 = arith.divf %exp3A, %div3A : vector<2048x1xf32>
    %mul3A = vector.broadcast %div3A_10 : vector<2048x1xf32> to vector<2048x768xf32>
    %mul3A_11 = arith.mulf %mul3A, %get3A_1 : vector<2048x768xf32>
    %reduce_sum3A_12 = arith.constant dense<0.000000e+00> : vector<768xf32>
    %reduce_sum3A_13 = vector.multi_reduction <add>, %mul3A_11, %reduce_sum3A_12 [0] : vector<2048x768xf32> to vector<768xf32>
    %broadcast_in_dim3A_14 = vector.shape_cast %reduce_sum3A_13 : vector<768xf32> to vector<1x768xf32>
    %get3A_15 = arith.constant 0 : index
    %get3A_16 = arith.constant 0 : index
    %get3A_17 = vector.load %arg2[%get3A_15, %get3A_16] : memref<768x1xf32, #tpu.memory_space<vmem>>, vector<768x1xf32>
    %dot_general3A_18 = arith.constant dense<0.000000e+00> : vector<1x1xf32>
    %dot_general3A_19 = tpu.matmul %broadcast_in_dim3A_14, %get3A_17, %dot_general3A_18 {dimension_numbers = #tpu.dot_dimension_numbers<[1], [0], [0], [1], [0, 0, 1, 1], [], []>, transpose_lhs_hint = false} : vector<1x768xf32>, vector<768x1xf32>, vector<1x1xf32> -> vector<1x1xf32>
    %get3A_20 = arith.constant 0 : index
    %get3A_21 = arith.constant 0 : index
    %get3A_22 = vector.load %arg3[%get3A_20, %get3A_21] : memref<1x1xf32, #tpu.memory_space<vmem>>, vector<1x1xf32>
    %add3A = arith.addf %dot_general3A_19, %get3A_22 : vector<1x1xf32>
    %swap3A = arith.constant 0 : index
    %swap3A_23 = arith.constant 0 : index
    %swap3A_24 = vector.load %arg5[%swap3A, %swap3A_23] : memref<2x1xf32, #tpu.memory_space<vmem>>, vector<1x1xf32>
    tpu.vector_store %arg5[%swap3A, %swap3A_23], %add3A {strides = array<i32>} : memref<2x1xf32, #tpu.memory_space<vmem>>, vector<1x1xf32>,
    %get3A_25 = arith.constant 2048 : index
    %get3A_26 = arith.constant 0 : index
    %get3A_27 = vector.load %arg0[%get3A_25, %get3A_26] : memref<4096x768xf32, #tpu.memory_space<vmem>>, vector<2048x768xf32>
    %get3A_28 = arith.constant 0 : index
    %get3A_29 = arith.constant 0 : index
    %get3A_30 = vector.load %arg1[%get3A_28, %get3A_29] : memref<768x1xf32, #tpu.memory_space<vmem>>, vector<768x1xf32>
    %dot_general3A_31 = arith.constant dense<0.000000e+00> : vector<2048x1xf32>
    %dot_general3A_32 = tpu.matmul %get3A_27, %get3A_30, %dot_general3A_31 {dimension_numbers = #tpu.dot_dimension_numbers<[1], [0], [0], [1], [0, 0, 1, 1], [], []>, transpose_lhs_hint = false} : vector<2048x768xf32>, vector<768x1xf32>, vector<2048x1xf32> -> vector<2048x1xf32>
    %reduce_max3A_33 = arith.constant dense<0xFF800000> : vector<1xf32>
    %reduce_max3A_34 = vector.multi_reduction <maximumf>, %dot_general3A_32, %reduce_max3A_33 [0] : vector<2048x1xf32> to vector<1xf32>
    %broadcast_in_dim3A_35 = vector.shape_cast %reduce_max3A_34 : vector<1xf32> to vector<1x1xf32>
    %sub3A_36 = vector.broadcast %broadcast_in_dim3A_35 : vector<1x1xf32> to vector<2048x1xf32>
    %sub3A_37 = arith.subf %dot_general3A_32, %sub3A_36 : vector<2048x1xf32>
    %exp3A_38 = math.exp %sub3A_37 : vector<2048x1xf32>
    %reduce_sum3A_39 = arith.constant dense<0.000000e+00> : vector<1xf32>
    %reduce_sum3A_40 = vector.multi_reduction <add>, %exp3A_38, %reduce_sum3A_39 [0] : vector<2048x1xf32> to vector<1xf32>
    %broadcast_in_dim3A_41 = vector.shape_cast %reduce_sum3A_40 : vector<1xf32> to vector<1x1xf32>
    %div3A_42 = vector.broadcast %broadcast_in_dim3A_41 : vector<1x1xf32> to vector<2048x1xf32>
    %div3A_43 = arith.divf %exp3A_38, %div3A_42 : vector<2048x1xf32>
    %mul3A_44 = vector.broadcast %div3A_43 : vector<2048x1xf32> to vector<2048x768xf32>
    %mul3A_45 = arith.mulf %mul3A_44, %get3A_27 : vector<2048x768xf32>
    %reduce_sum3A_46 = arith.constant dense<0.000000e+00> : vector<768xf32>
    %reduce_sum3A_47 = vector.multi_reduction <add>, %mul3A_45, %reduce_sum3A_46 [0] : vector<2048x768xf32> to vector<768xf32>
    %broadcast_in_dim3A_48 = vector.shape_cast %reduce_sum3A_47 : vector<768xf32> to vector<1x768xf32>
    %get3A_49 = arith.constant 0 : index
    %get3A_50 = arith.constant 0 : index
    %get3A_51 = vector.load %arg2[%get3A_49, %get3A_50] : memref<768x1xf32, #tpu.memory_space<vmem>>, vector<768x1xf32>
    %dot_general3A_52 = arith.constant dense<0.000000e+00> : vector<1x1xf32>
    %dot_general3A_53 = tpu.matmul %broadcast_in_dim3A_48, %get3A_51, %dot_general3A_52 {dimension_numbers = #tpu.dot_dimension_numbers<[1], [0], [0], [1], [0, 0, 1, 1], [], []>, transpose_lhs_hint = false} : vector<1x768xf32>, vector<768x1xf32>, vector<1x1xf32> -> vector<1x1xf32>
    %get3A_54 = arith.constant 0 : index
    %get3A_55 = arith.constant 0 : index
    %get3A_56 = vector.load %arg3[%get3A_54, %get3A_55] : memref<1x1xf32, #tpu.memory_space<vmem>>, vector<1x1xf32>
    %add3A_57 = arith.addf %dot_general3A_53, %get3A_56 : vector<1x1xf32>
    %swap3A_58 = arith.constant 1 : index
    %swap3A_59 = arith.constant 0 : index
    %swap3A_60 = vector.load %arg5[%swap3A_58, %swap3A_59] : memref<2x1xf32, #tpu.memory_space<vmem>>, vector<1x1xf32>
    tpu.vector_store %arg5[%swap3A_58, %swap3A_59], %add3A_57 {strides = array<i32>} : memref<2x1xf32, #tpu.memory_space<vmem>>, vector<1x1xf32>,
    %get3A_61 = arith.constant 0 : index
    %get3A_62 = arith.constant 0 : index
    %get3A_63 = vector.load %arg4[%get3A_61, %get3A_62] : memref<3x1xf32, #tpu.memory_space<vmem>>, vector<3x1xf32>
    %reduce_sum3A_64 = vector.shape_cast %get3A_63 : vector<3x1xf32> to vector<1x3x1xf32>
    %reduce_sum3A_65 = arith.constant dense<0.000000e+00> : vector<1xf32>
    %reduce_sum3A_66 = vector.multi_reduction <add>, %reduce_sum3A_64, %reduce_sum3A_65 [1, 2] : vector<1x3x1xf32> to vector<1xf32>
    %reduce_sum3A_67 = vector.shape_cast %reduce_sum3A_66 : vector<1xf32> to vector<1x1x1xf32>
    %reduce_sum3A_68 = vector.extract %reduce_sum3A_67[0, 0, 0] : f32 from vector<1x1x1xf32>
    %broadcast_in_dim3A_69 = vector.broadcast %reduce_sum3A_68 : f32 to vector<1x1xf32>
    %swap3A_70 = arith.constant 0 : index
    %swap3A_71 = arith.constant 0 : index
    %swap3A_72 = vector.load %arg6[%swap3A_70, %swap3A_71] : memref<1x1xf32, #tpu.memory_space<vmem>>, vector<1x1xf32>
    tpu.vector_store %arg6[%swap3A_70, %swap3A_71], %broadcast_in_dim3A_69 {strides = array<i32>} : memref<1x1xf32, #tpu.memory_space<vmem>>, vector<1x1xf32>,
    return
  }
}

</mosaic_0001>

<sc_bundles>
// kernel: kernel.31.cloned.1.call-start
scs
__scs_entry_jumppad:
0x0: {  	(pc) =	sbr.rel $0x88, $3  }
0x1: {  	(tag) =	ssettag $0x0;
	lr =	simm.s32 $0x1  }
0x2: {  	[smem:$0x3F89] =	sst lr;
	_ =	strace $0xD0000000  }
0x3: {  	_ = 	snop  }
0x4: {  	_ = 	snop  }
0x5: {  	_ = 	snop  }
0x6: {  	_ = 	snop  }
0x7: {  	_ = 	snop  }
__scs_overlays_trampoline_lowered:
0x8: {  	[smem:$0x3F98] =	sst s0  }
0x9: {  	[smem:$0x3F99] =	sst s1  }
0xa: {  	[smem:$0x3F9A] =	sst s2  }
0xb: {  	[smem:$0x3F9B] =	sst s3  }
0xc: {  	[smem:$0x3F9C] =	sst s4  }
0xd: {  	[smem:$0x3F9D] =	sst s5  }
0xe: {  	[smem:$0x3F9E] =	sst s6  }
0xf: {  	[smem:$0x3F9F] =	sst s7  }
0x10: {  	[smem:$0x3FA0] =	sst s8  }
0x11: {  	[smem:$0x3FA1] =	sst s9;
	s0 =	simm.s32 @!p0 $0x0  }
0x12: {  	s1 =	sld [smem:$0x3F87];
	s0 =	simm.s32 @p0 $0x1  }
0x13: {  	[smem:$0x3FA2] =	sst s0;
	s0 =	simm.s32 @!p1 $0x0  }
0x14: {  	s2 =	sld [smem:$0x3F86];
	s0 =	simm.s32 @p1 $0x1  }
0x15: {  	[smem:$0x3FA3] =	sst s0;
	s0 =	simm.s32 @!p2 $0x0  }
0x16: {  	s3 =	sld [smem:$0x3FDB];
	s0 =	simm.s32 @p2 $0x1  }
0x17: {  	s4 =	simm.s32 $0x1BF5;
	[smem:$0x3FA5] =	sst s0  }
0x18: {  	s0 =	sld [smem:$0x3F88];
	_ =	swait.ge [sflag:s4], $0x0  }
0x19: {  	s7 =	sld [smem:$0x3F89]  }
0x1a: {  	s8 =	sadd.s32 $0xFFFFE003, lr  }
0x1b: {  	s9 =	sadd.s32 $0xFFFFFEF7, lr;
	s5 =	simm.s32 $0xFFFFFFFF;
	p2 =	slt.u32 s8, $0xFFFFF086  }
0x1c: {  	p1 =	slt.u32 s9, $0xF7A;
	s5 =	simm.s32 @!p2 $0x0  }
0x1d: {  	s5 =	simm.s32 @p1 $0x1;
	p0 =	seq.s32 s7, s2  }
0x1e: {  	s7 =	smul.u32 @!p0 $0xF7A, s2;
	p2 =	seq.s32 @!p0 s5, $0x0  }
0x1f: {  	s9 =	smul.u32 $0xF7A, s1;
	s8 =	simm.s32 @!p0 $0x1BF5;
	p2 =	por !p2, p0  }
0x20: {  	[sflag:s8] =	ssyncset.s32 @!p0 $0xFFFFF086;
	s6 =	sadd.s32 @!p0 s3, s7;
	s7 =	simm.s32 @!p0 $0x108  }
0x21: {  	s3 =	sadd.s32 s3, s9;
	s6 =	sadd.s32 @!p0 $0x88, s6;
	s7 =	simm.s32 @p2 $0x1082  }
0x22: {  	[simem:s7], [sflag:s8] =	dma.local @!p0 [hbm:s6], $0xF7A  }
0x23: {  	s9 =	sor.u32 $0xD0000000, s2;
	s6 =	simm.s32 $0x108;
	_ =	swait.ge @!p0 [sflag:s8], $0x0  }
0x24: {  	s3 =	sadd.s32 $0x88, s3;
	s6 =	simm.s32 @!p1 $0x1082;
	[sflag:s4] =	ssyncset.s32 $0xFFFFF086  }
0x25: {  	[simem:s6], [sflag:s4] =	dma.local [hbm:s3], $0xF7A  }
0x26: {  	[smem:$0x3F89] =	sst s1;
	(tag) =	ssettag s2;
	_ =	strace s9  }
0x27: {  	s1 =	sld [smem:$0x3F99]  }
0x28: {  	s2 =	sld [smem:$0x3F9A]  }
0x29: {  	s4 =	sld [smem:$0x3F9C]  }
0x2a: {  	p0 =	seq.s32 s5, $0x0;
	s5 =	sld [smem:$0x3F9D]  }
0x2b: {  	s6 =	sld [smem:$0x3F9E]  }
0x2c: {  	s7 =	sld [smem:$0x3F9F]  }
0x2d: {  	s3 =	simm.s32 $0x108;
	s8 =	sld [smem:$0x3FA0]  }
0x2e: {  	s3 =	simm.s32 @!p0 $0x1082;
	s9 =	sld [smem:$0x3FA1]  }
0x2f: {  	lr =	sadd.s32 s0, s3;
	s0 =	sld [smem:$0x3F98]  }
0x30: {  	s3 =	sld [smem:$0x3F9B]  }
0x31: {  	[smem:$0x3FA4] =	sst s10  }
0x32: {  	s10 =	sld [smem:$0x3FA2];
	_ =	sdelay $0x3  }
0x33: {  	p0 =	seq.s32 s10, $0x1;
	s10 =	sld [smem:$0x3FA4];
	_ =	sdelay $0x3  }
0x34: {  	[smem:$0x3FA4] =	sst s10  }
0x35: {  	s10 =	sld [smem:$0x3FA3];
	_ =	sdelay $0x3  }
0x36: {  	p1 =	seq.s32 s10, $0x1;
	s10 =	sld [smem:$0x3FA4];
	_ =	sdelay $0x3  }
0x37: {  	[smem:$0x3FA4] =	sst s10  }
0x38: {  	s10 =	sld [smem:$0x3FA5]  }
0x39: {  	_ = 	snop;
	(pc) =	sbr.ind lr, $3  }
0x3a: {  	_ = 	snop  }
0x3b: {  	_ = 	snop  }
0x3c: {  	p2 =	seq.s32 s10, $0x1;
	s10 =	sld [smem:$0x3FA4]  }
0x3d: {  	_ =	shalt  }
0x3e: {  	_ =	shalt  }
0x3f: {  	_ =	shalt  }
0x40: {  	_ =	shalt  }
0x41: {  	_ =	shalt  }
0x42: {  	_ =	shalt  }
0x43: {  	_ =	shalt  }
0x44: {  	_ =	shalt  }
0x45: {  	_ =	shalt  }
0x46: {  	_ =	shalt  }
0x47: {  	_ =	shalt  }
0x48: {  	_ =	shalt  }
0x49: {  	_ =	shalt  }
0x4a: {  	_ =	shalt  }
0x4b: {  	_ =	shalt  }
0x4c: {  	_ =	shalt  }
0x4d: {  	_ =	shalt  }
0x4e: {  	_ =	shalt  }
0x4f: {  	_ =	shalt  }
0x50: {  	_ =	shalt  }
0x51: {  	_ =	shalt  }
0x52: {  	_ =	shalt  }
0x53: {  	_ =	shalt  }
0x54: {  	_ =	shalt  }
0x55: {  	_ =	shalt  }
0x56: {  	_ =	shalt  }
0x57: {  	_ =	shalt  }
0x58: {  	_ =	shalt  }
0x59: {  	_ =	shalt  }
0x5a: {  	_ =	shalt  }
0x5b: {  	_ =	shalt  }
0x5c: {  	_ =	shalt  }
0x5d: {  	_ =	shalt  }
0x5e: {  	_ =	shalt  }
0x5f: {  	_ =	shalt  }
0x60: {  	_ =	shalt  }
0x61: {  	_ =	shalt  }
0x62: {  	_ =	shalt  }
0x63: {  	_ =	shalt  }
0x64: {  	_ =	shalt  }
0x65: {  	_ =	shalt  }
0x66: {  	_ =	shalt  }
0x67: {  	_ =	shalt  }
0x68: {  	_ =	shalt  }
0x69: {  	_ =	shalt  }
0x6a: {  	_ =	shalt  }
0x6b: {  	_ =	shalt  }
0x6c: {  	_ =	shalt  }
0x6d: {  	_ =	shalt  }
0x6e: {  	_ =	shalt  }
0x6f: {  	_ =	shalt  }
0x70: {  	_ =	shalt  }
0x71: {  	_ =	shalt  }
0x72: {  	_ =	shalt  }
0x73: {  	_ =	shalt  }
0x74: {  	_ =	shalt  }
0x75: {  	_ =	shalt  }
0x76: {  	_ =	shalt  }
0x77: {  	_ =	shalt  }
0x78: {  	_ =	shalt  }
0x79: {  	_ =	shalt  }
0x7a: {  	_ =	shalt  }
0x7b: {  	_ =	shalt  }
0x7c: {  	_ =	shalt  }
0x7d: {  	_ =	shalt  }
0x7e: {  	_ =	shalt  }
0x7f: {  	_ =	shalt  }
0x80: {  	_ =	shalt  }
0x81: {  	_ =	shalt  }
0x82: {  	_ =	shalt  }
0x83: {  	_ =	shalt  }
0x84: {  	_ =	shalt  }
0x85: {  	_ =	shalt  }
0x86: {  	_ =	shalt  }
0x87: {  	_ =	shalt  }
.Lfunc_end0:
.L_simem_size_0:
called_computation_lowered:
.L_overlay_start_0:
0x88: {  	s2 =	sld [smem:$0x3FD9]  }
0x89: {  	s3 =	sld [smem:$0x3FFE];
	_ =	sdelay $0x1  }
0x8a: {  	s1 =	srdreg.scid  }
0x8b: {  	s0 =	sand.u32 $0x1, s1  }
0x8c: {  	s16 =	sshll.u32 s0, $0xA;
	s2 =	sadd.s32 s3, s2  }
0x8d: {  	s2 =	sadd.s32 s2, s16  }
0x8e: {  	[smem:$0x3FB0] =	sst s2  }
0x8f: {  	_ = 	snop  }
0x90: {  	(tm) =	ssettm $0x1  }
0x91: {  	s17 =	sld [smem:$0x3FFB];
	_ =	sdelay $0x3  }
0x92: {  	_ =	strace s17  }
0x93: {  	s2 =	sld [smem:$0x3FFC];
	_ =	sdelay $0x3  }
0x94: {  	_ =	strace s2  }
0x95: {  	s2 =	sld [smem:$0x3FFD];
	_ =	sdelay $0x3  }
0x96: {  	_ =	strace s2  }
0x97: {  	_ =	strace $0x8FFFFFFF  }
0x98: {  	s18 =	sld [smem:$0x3FDB];
	_ =	sdelay $0x1  }
0x99: {  	s19 =	simm.s32 $_scs_section_size  }
0x9a: {  	s4 =	simm.s32 $_size__tile_overlayer_lowered;
	s5 =	simm.s32 $_tile_overlayer_lowered  }
0x9b: {  	s22 =	simm.s32 $0x1BFF;
	s21 =	sshll.u32 s5, $0x1;
	s2 =	sadd.s32 s19, s18  }
0x9c: {  	s6 =	simm.s32 $0x0;
	s20 =	sshll.u32 s4, $0x1;
	s4 =	sadd.s32 s21, s2  }
0x9d: {  	[timem:s6], [sflag:s22] =	dma.local [hbm:s4], s20  }
0x9e: {  	_ =	swait.ge [sflag:s22], s20  }
0x9f: {  	s3 =	ssub.s32 $0x0, s20;
	[sflag:s22] =	ssyncset.done $0x0  }
0xa0: {  	[sflag:s22] =	ssyncadd.s32 s3;
	_ =	sdelay $0x1  }
0xa1: {  	s23 =	simm.s32 $0x1B8B  }
0xa2: {  	_ =	swait.ge [sflag:s23], $0x1  }
0xa3: {  	[sflag:s23] =	ssyncset.done $0x0  }
0xa4: {  	s25 =	simm.s32 $0x1B8E;
	s24 =	sld [smem:$0x3FFE];
	[sflag:s23] =	ssyncadd.s32 $0xFFFFFFFF  }
0xa5: {  	s26 =	simm.s32 $execute0_lowered;
	[smem:$0x3FD2] =	sst s25  }
0xa6: {  	s4 =	sshll.u32 s26, $0x1;
	_ =	strace $0x80000046;
	[dreg:$0x1] =	wrdreg $0xFFFFFFFF  }
0xa7: {  	s28 =	simm.s32 $_size_execute0_lowered;
	s2 =	sadd.s32 s2, s4;
	[dreg:$0x0] =	wrdreg $0x0  }
0xa8: {  	s4 =	sshll.u32 s28, $0x1;
	[dreg:$0x2] =	wrdreg s2  }
0xa9: {  	[dreg:$0x3] =	wrdreg s4  }
0xaa: {  	[dreg:$0x4] =	wrdreg $0xC0  }
0xab: {  	_ =	task [dreg:s6], $0x5FFFF  }
0xac: {  	[dreg:$0x1] =	wrdreg $0xFFFFFFFF  }
0xad: {  	[dreg:$0x0] =	wrdreg $0x60  }
0xae: {  	[dreg:$0x2] =	wrdreg s24  }
0xaf: {  	[dreg:$0x3] =	wrdreg $0x9  }
0xb0: {  	_ =	task.clear_ibuf [dreg:s6], $0x4FFFF;
	_ =	strace $0x90000046  }
0xb1: {  	s29 =	simm.s32 $0x9;
	_ =	strace $0x80000048  }
0xb2: {  	_ =	swait.ge [sflag:s29], $0x1  }
0xb3: {  	[sflag:s29] =	ssyncadd.s32 $0xFFFFFFFF  }
0xb4: {  	_ =	strace $0x90000048  }
0xb5: {  	_ =	sfence  }
0xb6: {  	s30 =	sld [smem:$0x0];
	_ =	sdelay $0x2  }
0xb7: {  	s31 =	sshll.u32 s1, $0xD;
	s1 =	sshrl.u32 s1, $0x2  }
0xb8: {  	s3 =	sand.u32 $0x4000, s31;
	s1 =	sadd.s32 s1, s30  }
0xb9: {  	s0 =	sor.u32 s3, s0;
	s1 =	sshll.u32 s1, $0x11  }
0xba: {  	s0 =	sor.u32 s1, s0  }
0xbb: {  	s0 =	sadd.s32 $0x8F2B, s0  }
0xbc: {  	[sflag:s0] =	ssyncadd.remote.s32 $0x1  }
0xbd: {  	_ =	sfence.sel $0xFFFF  }
0xbe: {  	[dreg:$0x0] =	wrdreg $0xFFFFFFFF;
	(pc) =	sbr.abs _section_cstart, $3  }
0xbf: {  	[dreg:$0x1] =	wrdreg $0xFFFFFFFF  }
0xc0: {  	_ =	task.clear_ibuf [dreg:s6], $0x2FFFF;
	_ =	strace $0x9FFFFFFF  }
0xc1: {  	(tm) =	ssettm $0x7FFFFFFF  }
tec
execute0_lowered:
.L_overlay_start_1:
0x0: {  	(tag) =	ssettag $0x1  }
0x1: {  	s0 =	rddreg [dreg:$0x0]  }
0x2: {  	s1 =	simm.s32 $0x0;
	s2 =	srdreg.scid;
	s6 =	stileid.u32  }
0x3: {  	s11 =	simm.s32 $0x2;
	s22 =	simm.s32 $0x5000;
	s23 =	simm.s32 $0x5800  }
0x4: {  	s28 =	simm.s32 $0x7800;
	s29 =	simm.s32 $0x8000;
	s30 =	simm.s32 $0x8800  }
0x5: {  	s31 =	simm.s32 $0x9000;
	s10 =	simm.s32 $0xA800;
	[smem:$0x7FF] =	sst s1  }
0x6: {  	s13 =	simm.s32 $0x0;
	s3 =	sadd.s32 $0x104800, s0;
	s24 =	sadd.s32 $0x174800, s0  }
0x7: {  	s2 =	sand.u32 $0x1, s2;
	s5 =	sadd.s32 $0x174C00, s0;
	s7 =	sadd.s32 $0x174D00, s0  }
0x8: {  	s6 =	sshll.u32 s6, $0x5;
	s8 =	sadd.s32 $0x174E00, s0;
	s15 =	sadd.s32 $0x174A00, s0  }
0x9: {  	s0 =	simm.s32 $0x9800;
	_ =	strace $0x80000047;
	[dreg:$0x2] =	wrdreg s3  }
0xa: {  	[dreg:$0x3] =	wrdreg s24;
	s25 =	ssub.s32 $0x2, s2;
	s2 =	sshll.u32 s2, $0x4  }
0xb: {  	s24 =	simm.s32 $0x6000;
	s4 =	sshrl.u32 s25, $0x1;
	s12 =	sor.u32 s2, s6  }
0xc: {  	v2 =	vlaneseq.u32;
	s2 =	simm.s32 $0xA000;
	s6 =	simm.s32 $0x1;
	s3 =	ssub.s32 s25, s4  }
0xd: {  	vm0 =	vmmov $0xffff;
	v1 =	vshrl.u32 v2, $0x3;
	s25 =	simm.s32 $0x6800;
	s4 =	simm.s32 $0xB800;
	s26 =	smax.u32 s3, $0x1  }
0xe: {  	v0 =	vand.u32 $0x7, v2;
	v2 =	vor.u32 $0x8, v2;
	v1 =	vmul.u32 $0x8, v1;
	s3 =	simm.s32 $0xB000;
	[dreg:$0x4] =	wrdreg s26;
	s26 =	simm.s32 $0x7000  }
.LBB2_1:
0xf: {  	[dreg:$0x5] =	wrdreg s13  }
0x10: {  	s13 =	rddreg [dreg:$0x2]  }
0x11: {  	p0 =	por $0x1, $0x1;
	s9 =	simm.s32 $0x0;
	s14 =	rddreg [dreg:$0x3]  }
.LBB2_2:
0x12: {  	s9 =	sor.u32 s12, s9  }
0x13: {  	s16 =	smov.u32 s15;
	s15 =	smov.u32 s12;
	s12 =	smul.u32 $0x300, s9  }
0x14: {  	_ = 	snop  }
0x15: {  	s12 =	sadd.s32 s13, s12  }
0x16: {  	[tilespmem:s1], [sflag:$0x2] =	stream.linear.gather [hbm4b:s12+s1], $0xC000, $0x38;
	[tilespmem:$0xC080] =	vst v63  }
0x17: {  	_ =	swait.ge [sflag:s11], $0xC000  }
0x18: {  	[sflag:s11] =	ssyncset.done $0x0  }
0x19: {  	s17 =	simm.s32 $0xC000;
	s12 =	sadd.s32 s14, s9;
	[sflag:s11] =	ssyncadd.s32 $0xFFFF4000  }
0x1a: {  	[tilespmem:s17], [sflag:$0x2] =	stream.linear.gather [hbm4b:s12+s1], $0x40, $0x38;
	[tilespmem:$0xC080] =	vst v63  }
0x1b: {  	_ =	swait.ge [sflag:s11], $0x40  }
0x1c: {  	[sflag:s11] =	ssyncset.done $0x0  }
0x1d: {  	[sflag:s11] =	ssyncadd.s32 $0xFFFFFFC0  }
0x1e: {  	v3 =	vld [tilespmem:$0xC000];
	_ =	sdelay $0x4  }
0x1f: {  	v4 =	vshrl.u32 v3, $0x3  }
0x20: {  	v4 =	vmul.u32 $0x30, v4  }
0x21: {  	v3 =	vand.u32 $0x7, v3  }
0x22: {  	v3 =	vor.u32 v3, v4  }
0x23: {  	v4 =	vperm.xlane v3, v0;
	_ =	sdelay $0x1  }
0x24: {  	v4 =	vadd.s32 v1, v4;
	_ =	sdelay $0x3  }
0x25: {  	v3 =	vperm.xlane v3, v2  }
0x26: {  	[hbm4b:s5+s1] =	stream.indirect_vreg.scatter [tilespmem:s1], [sflag:$0x1], $0x80, v4, vm0, $0xb8;
	[tilespmem:$0xC080] =	vst v63  }
0x27: {  	s17 =	simm.s32 $0x800;
	v3 =	vadd.s32 v1, v3  }
0x28: {  	[hbm4b:s7+s1] =	stream.indirect_vreg.scatter [tilespmem:s17], [sflag:$0x1], $0x80, v4, vm0, $0xb8;
	[tilespmem:$0xC080] =	vst v63  }
0x29: {  	s18 =	simm.s32 $0x1000  }
0x2a: {  	[hbm4b:s8+s1] =	stream.indirect_vreg.scatter [tilespmem:s18], [sflag:$0x1], $0x80, v4, vm0, $0xb8;
	[tilespmem:$0xC080] =	vst v63  }
0x2b: {  	s18 =	simm.s32 $0x1800  }
0x2c: {  	[hbm4b:s5+s1] =	stream.indirect_vreg.scatter [tilespmem:s18], [sflag:$0x1], $0x80, v3, vm0, $0xb8;
	[tilespmem:$0xC080] =	vst v63  }
0x2d: {  	s19 =	simm.s32 $0x2000  }
0x2e: {  	[hbm4b:s7+s1] =	stream.indirect_vreg.scatter [tilespmem:s19], [sflag:$0x1], $0x80, v3, vm0, $0xb8;
	[tilespmem:$0xC080] =	vst v63  }
0x2f: {  	s19 =	simm.s32 $0x2800  }
0x30: {  	[hbm4b:s8+s1] =	stream.indirect_vreg.scatter [tilespmem:s19], [sflag:$0x1], $0x80, v3, vm0, $0xb8;
	[tilespmem:$0xC080] =	vst v63  }
0x31: {  	v3 =	vld [tilespmem:$0xC010];
	_ =	sdelay $0x4  }
0x32: {  	v57 =	vshrl.u32 v3, $0x3  }
0x33: {  	v4 =	vmul.u32 $0x30, v57  }
0x34: {  	v3 =	vand.u32 $0x7, v3  }
0x35: {  	v3 =	vor.u32 v3, v4  }
0x36: {  	v4 =	vperm.xlane v3, v0;
	_ =	sdelay $0x1  }
0x37: {  	v4 =	vadd.s32 v1, v4;
	_ =	sdelay $0x3  }
0x38: {  	s20 =	simm.s32 $0x3000;
	v3 =	vperm.xlane v3, v2  }
0x39: {  	[hbm4b:s5+s1] =	stream.indirect_vreg.scatter [tilespmem:s20], [sflag:$0x1], $0x80, v4, vm0, $0xb8;
	[tilespmem:$0xC080] =	vst v63  }
0x3a: {  	v3 =	vadd.s32 v1, v3;
	s20 =	simm.s32 $0x3800  }
0x3b: {  	[hbm4b:s7+s1] =	stream.indirect_vreg.scatter [tilespmem:s20], [sflag:$0x1], $0x80, v4, vm0, $0xb8;
	[tilespmem:$0xC080] =	vst v63  }
0x3c: {  	s21 =	simm.s32 $0x4000  }
0x3d: {  	[hbm4b:s8+s1] =	stream.indirect_vreg.scatter [tilespmem:s21], [sflag:$0x1], $0x80, v4, vm0, $0xb8;
	[tilespmem:$0xC080] =	vst v63  }
0x3e: {  	s21 =	simm.s32 $0x4800  }
0x3f: {  	[hbm4b:s5+s1] =	stream.indirect_vreg.scatter [tilespmem:s21], [sflag:$0x1], $0x80, v3, vm0, $0xb8;
	[tilespmem:$0xC080] =	vst v63  }
0x40: {  	_ = 	snop  }
0x41: {  	[hbm4b:s7+s1] =	stream.indirect_vreg.scatter [tilespmem:s22], [sflag:$0x1], $0x80, v3, vm0, $0xb8;
	[tilespmem:$0xC080] =	vst v63  }
0x42: {  	_ = 	snop  }
0x43: {  	[hbm4b:s8+s1] =	stream.indirect_vreg.scatter [tilespmem:s23], [sflag:$0x1], $0x80, v3, vm0, $0xb8;
	[tilespmem:$0xC080] =	vst v63  }
0x44: {  	v3 =	vld [tilespmem:$0xC020];
	_ =	sdelay $0x4  }
0x45: {  	v58 =	vshrl.u32 v3, $0x3  }
0x46: {  	v4 =	vmul.u32 $0x30, v58  }
0x47: {  	v3 =	vand.u32 $0x7, v3  }
0x48: {  	v3 =	vor.u32 v3, v4  }
0x49: {  	v4 =	vperm.xlane v3, v0;
	_ =	sdelay $0x1  }
0x4a: {  	v4 =	vadd.s32 v1, v4;
	_ =	sdelay $0x3  }
0x4b: {  	v3 =	vperm.xlane v3, v2  }
0x4c: {  	[hbm4b:s5+s1] =	stream.indirect_vreg.scatter [tilespmem:s24], [sflag:$0x1], $0x80, v4, vm0, $0xb8;
	[tilespmem:$0xC080] =	vst v63  }
0x4d: {  	v3 =	vadd.s32 v1, v3  }
0x4e: {  	[hbm4b:s7+s1] =	stream.indirect_vreg.scatter [tilespmem:s25], [sflag:$0x1], $0x80, v4, vm0, $0xb8;
	[tilespmem:$0xC080] =	vst v63  }
0x4f: {  	_ = 	snop  }
0x50: {  	[hbm4b:s8+s1] =	stream.indirect_vreg.scatter [tilespmem:s26], [sflag:$0x1], $0x80, v4, vm0, $0xb8;
	[tilespmem:$0xC080] =	vst v63  }
0x51: {  	_ = 	snop  }
0x52: {  	[hbm4b:s5+s1] =	stream.indirect_vreg.scatter [tilespmem:s28], [sflag:$0x1], $0x80, v3, vm0, $0xb8;
	[tilespmem:$0xC080] =	vst v63  }
0x53: {  	_ = 	snop  }
0x54: {  	[hbm4b:s7+s1] =	stream.indirect_vreg.scatter [tilespmem:s29], [sflag:$0x1], $0x80, v3, vm0, $0xb8;
	[tilespmem:$0xC080] =	vst v63  }
0x55: {  	_ = 	snop  }
0x56: {  	[hbm4b:s8+s1] =	stream.indirect_vreg.scatter [tilespmem:s30], [sflag:$0x1], $0x80, v3, vm0, $0xb8;
	[tilespmem:$0xC080] =	vst v63  }
0x57: {  	v3 =	vld [tilespmem:$0xC030];
	_ =	sdelay $0x4  }
0x58: {  	v59 =	vshrl.u32 v3, $0x3  }
0x59: {  	v4 =	vmul.u32 $0x30, v59  }
0x5a: {  	v3 =	vand.u32 $0x7, v3  }
0x5b: {  	v3 =	vor.u32 v3, v4  }
0x5c: {  	v4 =	vperm.xlane v3, v0;
	_ =	sdelay $0x1  }
0x5d: {  	v4 =	vadd.s32 v1, v4;
	_ =	sdelay $0x3  }
0x5e: {  	v3 =	vperm.xlane v3, v2  }
0x5f: {  	[hbm4b:s5+s1] =	stream.indirect_vreg.scatter [tilespmem:s31], [sflag:$0x1], $0x80, v4, vm0, $0xb8;
	[tilespmem:$0xC080] =	vst v63  }
0x60: {  	v3 =	vadd.s32 v1, v3  }
0x61: {  	[hbm4b:s7+s1] =	stream.indirect_vreg.scatter [tilespmem:s0], [sflag:$0x1], $0x80, v4, vm0, $0xb8;
	[tilespmem:$0xC080] =	vst v63  }
0x62: {  	_ = 	snop  }
0x63: {  	[hbm4b:s8+s1] =	stream.indirect_vreg.scatter [tilespmem:s2], [sflag:$0x1], $0x80, v4, vm0, $0xb8;
	[tilespmem:$0xC080] =	vst v63  }
0x64: {  	_ = 	snop  }
0x65: {  	[hbm4b:s5+s1] =	stream.indirect_vreg.scatter [tilespmem:s10], [sflag:$0x1], $0x80, v3, vm0, $0xb8;
	[tilespmem:$0xC080] =	vst v63  }
0x66: {  	_ = 	snop  }
0x67: {  	[hbm4b:s7+s1] =	stream.indirect_vreg.scatter [tilespmem:s3], [sflag:$0x1], $0x80, v3, vm0, $0xb8;
	[tilespmem:$0xC080] =	vst v63  }
0x68: {  	_ = 	snop  }
0x69: {  	[hbm4b:s8+s1] =	stream.indirect_vreg.scatter [tilespmem:s4], [sflag:$0x1], $0x80, v3, vm0, $0xb8;
	[tilespmem:$0xC080] =	vst v63  }
0x6a: {  	_ =	swait.ge [sflag:s6], $0xC000  }
0x6b: {  	s12 =	smov.u32 s15;
	s15 =	smov.u32 s16;
	[sflag:s6] =	ssyncset.done $0x0  }
0x6c: {  	s16 =	simm.s32 $0xC000;
	s9 =	sadd.s32 s9, s15;
	[sflag:s6] =	ssyncadd.s32 $0xFFFF4000  }
0x6d: {  	[tilespmem:s16], [sflag:$0x2] =	stream.linear.gather [hbm4b:s9+s1], $0x40, $0x38;
	[tilespmem:$0xC080] =	vst v63  }
0x6e: {  	_ =	swait.ge [sflag:s11], $0x40  }
0x6f: {  	[sflag:s11] =	ssyncset.done $0x0  }
0x70: {  	[sflag:s11] =	ssyncadd.s32 $0xFFFFFFC0  }
0x71: {  	v3 =	vld [tilespmem:$0xC000];
	_ =	sdelay $0x4  }
0x72: {  	v60 =	vshrl.u32 v3, $0x3  }
0x73: {  	v4 =	vmul.u32 $0x30, v60  }
0x74: {  	v3 =	vand.u32 $0x7, v3  }
0x75: {  	v3 =	vor.u32 v3, v4  }
0x76: {  	v4 =	vperm.xlane v3, v0;
	_ =	sdelay $0x1  }
0x77: {  	v4 =	vadd.s32 v1, v4;
	_ =	sdelay $0x3  }
0x78: {  	v3 =	vperm.xlane v3, v2  }
0x79: {  	[hbm4b:s5+s1] =	stream.indirect_vreg.scatter [tilespmem:s1], [sflag:$0x1], $0x80, v4, vm0, $0xb8;
	[tilespmem:$0xC080] =	vst v63  }
0x7a: {  	v3 =	vadd.s32 v1, v3  }
0x7b: {  	[hbm4b:s7+s1] =	stream.indirect_vreg.scatter [tilespmem:s17], [sflag:$0x1], $0x80, v4, vm0, $0xb8;
	[tilespmem:$0xC080] =	vst v63  }
0x7c: {  	s9 =	simm.s32 $0x1000  }
0x7d: {  	[hbm4b:s8+s1] =	stream.indirect_vreg.scatter [tilespmem:s9], [sflag:$0x1], $0x80, v4, vm0, $0xb8;
	[tilespmem:$0xC080] =	vst v63  }
0x7e: {  	_ = 	snop  }
0x7f: {  	[hbm4b:s5+s1] =	stream.indirect_vreg.scatter [tilespmem:s18], [sflag:$0x1], $0x80, v3, vm0, $0xb8;
	[tilespmem:$0xC080] =	vst v63  }
0x80: {  	s16 =	simm.s32 $0x2000  }
0x81: {  	[hbm4b:s7+s1] =	stream.indirect_vreg.scatter [tilespmem:s16], [sflag:$0x1], $0x80, v3, vm0, $0xb8;
	[tilespmem:$0xC080] =	vst v63  }
0x82: {  	_ = 	snop  }
0x83: {  	[hbm4b:s8+s1] =	stream.indirect_vreg.scatter [tilespmem:s19], [sflag:$0x1], $0x80, v3, vm0, $0xb8;
	[tilespmem:$0xC080] =	vst v63  }
0x84: {  	v3 =	vld [tilespmem:$0xC010];
	_ =	sdelay $0x4  }
0x85: {  	v61 =	vshrl.u32 v3, $0x3  }
0x86: {  	v4 =	vmul.u32 $0x30, v61  }
0x87: {  	v3 =	vand.u32 $0x7, v3  }
0x88: {  	v3 =	vor.u32 v3, v4  }
0x89: {  	v4 =	vperm.xlane v3, v0;
	_ =	sdelay $0x1  }
0x8a: {  	v4 =	vadd.s32 v1, v4;
	_ =	sdelay $0x3  }
0x8b: {  	s18 =	simm.s32 $0x3000;
	v3 =	vperm.xlane v3, v2  }
0x8c: {  	[hbm4b:s5+s1] =	stream.indirect_vreg.scatter [tilespmem:s18], [sflag:$0x1], $0x80, v4, vm0, $0xb8;
	[tilespmem:$0xC080] =	vst v63  }
0x8d: {  	v3 =	vadd.s32 v1, v3  }
0x8e: {  	[hbm4b:s7+s1] =	stream.indirect_vreg.scatter [tilespmem:s20], [sflag:$0x1], $0x80, v4, vm0, $0xb8;
	[tilespmem:$0xC080] =	vst v63  }
0x8f: {  	s17 =	simm.s32 $0x4000  }
0x90: {  	[hbm4b:s8+s1] =	stream.indirect_vreg.scatter [tilespmem:s17], [sflag:$0x1], $0x80, v4, vm0, $0xb8;
	[tilespmem:$0xC080] =	vst v63  }
0x91: {  	_ = 	snop  }
0x92: {  	[hbm4b:s5+s1] =	stream.indirect_vreg.scatter [tilespmem:s21], [sflag:$0x1], $0x80, v3, vm0, $0xb8;
	[tilespmem:$0xC080] =	vst v63  }
0x93: {  	_ = 	snop  }
0x94: {  	[hbm4b:s7+s1] =	stream.indirect_vreg.scatter [tilespmem:s22], [sflag:$0x1], $0x80, v3, vm0, $0xb8;
	[tilespmem:$0xC080] =	vst v63  }
0x95: {  	_ = 	snop  }
0x96: {  	[hbm4b:s8+s1] =	stream.indirect_vreg.scatter [tilespmem:s23], [sflag:$0x1], $0x80, v3, vm0, $0xb8;
	[tilespmem:$0xC080] =	vst v63  }
0x97: {  	v3 =	vld [tilespmem:$0xC020];
	_ =	sdelay $0x4  }
0x98: {  	v62 =	vshrl.u32 v3, $0x3  }
0x99: {  	v4 =	vmul.u32 $0x30, v62  }
0x9a: {  	v3 =	vand.u32 $0x7, v3  }
0x9b: {  	v3 =	vor.u32 v3, v4  }
0x9c: {  	v4 =	vperm.xlane v3, v0;
	_ =	sdelay $0x1  }
0x9d: {  	v4 =	vadd.s32 v1, v4;
	_ =	sdelay $0x3  }
0x9e: {  	v3 =	vperm.xlane v3, v2  }
0x9f: {  	[hbm4b:s5+s1] =	stream.indirect_vreg.scatter [tilespmem:s24], [sflag:$0x1], $0x80, v4, vm0, $0xb8;
	[tilespmem:$0xC080] =	vst v63  }
0xa0: {  	v3 =	vadd.s32 v1, v3  }
0xa1: {  	[hbm4b:s7+s1] =	stream.indirect_vreg.scatter [tilespmem:s25], [sflag:$0x1], $0x80, v4, vm0, $0xb8;
	[tilespmem:$0xC080] =	vst v63  }
0xa2: {  	_ = 	snop  }
0xa3: {  	[hbm4b:s8+s1] =	stream.indirect_vreg.scatter [tilespmem:s26], [sflag:$0x1], $0x80, v4, vm0, $0xb8;
	[tilespmem:$0xC080] =	vst v63  }
0xa4: {  	_ = 	snop  }
0xa5: {  	[hbm4b:s5+s1] =	stream.indirect_vreg.scatter [tilespmem:s28], [sflag:$0x1], $0x80, v3, vm0, $0xb8;
	[tilespmem:$0xC080] =	vst v63  }
0xa6: {  	_ = 	snop  }
0xa7: {  	[hbm4b:s7+s1] =	stream.indirect_vreg.scatter [tilespmem:s29], [sflag:$0x1], $0x80, v3, vm0, $0xb8;
	[tilespmem:$0xC080] =	vst v63  }
0xa8: {  	_ = 	snop  }
0xa9: {  	[hbm4b:s8+s1] =	stream.indirect_vreg.scatter [tilespmem:s30], [sflag:$0x1], $0x80, v3, vm0, $0xb8;
	[tilespmem:$0xC080] =	vst v63  }
0xaa: {  	v3 =	vld [tilespmem:$0xC030];
	_ =	sdelay $0x4  }
0xab: {  	v63 =	vshrl.u32 v3, $0x3  }
0xac: {  	v4 =	vmul.u32 $0x30, v63  }
0xad: {  	v3 =	vand.u32 $0x7, v3  }
0xae: {  	v3 =	vor.u32 v3, v4  }
0xaf: {  	v4 =	vperm.xlane v3, v0;
	_ =	sdelay $0x1  }
0xb0: {  	v4 =	vadd.s32 v1, v4;
	_ =	sdelay $0x3  }
0xb1: {  	v3 =	vperm.xlane v3, v2  }
0xb2: {  	[hbm4b:s5+s1] =	stream.indirect_vreg.scatter [tilespmem:s31], [sflag:$0x1], $0x80, v4, vm0, $0xb8;
	[tilespmem:$0xC080] =	vst v63  }
0xb3: {  	v3 =	vadd.s32 v1, v3  }
0xb4: {  	[hbm4b:s7+s1] =	stream.indirect_vreg.scatter [tilespmem:s0], [sflag:$0x1], $0x80, v4, vm0, $0xb8;
	[tilespmem:$0xC080] =	vst v63  }
0xb5: {  	_ = 	snop  }
0xb6: {  	[hbm4b:s8+s1] =	stream.indirect_vreg.scatter [tilespmem:s2], [sflag:$0x1], $0x80, v4, vm0, $0xb8;
	[tilespmem:$0xC080] =	vst v63  }
0xb7: {  	_ = 	snop  }
0xb8: {  	[hbm4b:s5+s1] =	stream.indirect_vreg.scatter [tilespmem:s10], [sflag:$0x1], $0x80, v3, vm0, $0xb8;
	[tilespmem:$0xC080] =	vst v63  }
0xb9: {  	p1 =	por p0, p0  }
0xba: {  	[hbm4b:s7+s1] =	stream.indirect_vreg.scatter [tilespmem:s3], [sflag:$0x1], $0x80, v3, vm0, $0xb8;
	[tilespmem:$0xC080] =	vst v63  }
.Ltmp0:
0xbb: {  	_ = 	snop;
	(pc) =	sbr.rel @p1 .LBB2_2-.Ltmp0, $4  }
0xbc: {  	[hbm4b:s8+s1] =	stream.indirect_vreg.scatter [tilespmem:s4], [sflag:$0x1], $0x80, v3, vm0, $0xb8;
	[tilespmem:$0xC080] =	vst v63  }
0xbd: {  	_ =	swait.ge [sflag:s6], $0xC000  }
0xbe: {  	[sflag:s6] =	ssyncset.done $0x0  }
0xbf: {  	p0 =	por $0x0, $0x0;
	s9 =	simm.s32 $0x8;
	[sflag:s6] =	ssyncadd.s32 $0xFFFF4000  }
0xc0: {  	s13 =	rddreg [dreg:$0x5]  }
0xc1: {  	s9 =	rddreg [dreg:$0x4];
	s13 =	sadd.s32 $0x1, s13  }
0xc2: {  	p0 =	sne.s32 s13, s9  }
.Ltmp1:
0xc3: {  	_ = 	snop;
	(pc) =	sbr.rel @p0 .LBB2_1-.Ltmp1, $1  }
0xc4: {  	_ =	sdelay $0x3  }
0xc5: {  	_ =	sfence.sel $0x180000  }
0xc6: {  	[bflag:$0x0] =	sbarrier.arrive $0xFFFF  }
0xc7: {  	_ =	strace $0x90000047  }
0xc8: {  	s0 =	stileid.u32;
	[bflag:$0x2] =	sbarrier.arrive $0xFFFF  }
0xc9: {  	p0 =	sne.s32 s0, $0x0;
	s0 =	rddreg [dreg:$0x1]  }
0xca: {  	s0 =	sadd.s32 @!p0 $0x100000, s0  }
0xcb: {  	[sflag:s0] =	ssyncadd.tile.s32 @!p0 $0x1;
	_ =	shalt  }
.Lfunc_end2:
_tile_overlayer_lowered:
.L_overlay_start_2:
0xcc: {  	(tag) =	ssettag $0x2  }
0xcd: {  	s0 =	rddreg [dreg:$0x0];
	s2 =	stileid.u32  }
0xce: {  	s1 =	rddreg [dreg:$0x1];
	p0 =	sne.s32 s2, $0x0  }
0xcf: {  	s3 =	rddreg [dreg:$0x2];
	[bflag:$0x3] =	sbarrier.arrive $0xFFFF;
	s2 =	simm.s32 @!p0 $0x1C02  }
0xd0: {  	[timem:s3], [sflag:s2] =	dma.local @!p0 [hbm:s0], s1  }
0xd1: {  	s0 =	simm.s32 @!p0 $0x2  }
0xd2: {  	_ =	swait.ge @!p0 [sflag:s0], s1  }
0xd3: {  	s1 =	ssub.s32 @!p0 $0x0, s1;
	[sflag:s0] =	ssyncset.done @!p0 $0x0  }
0xd4: {  	[sflag:s0] =	ssyncadd.s32 @!p0 s1  }
0xd5: {  	[bflag:$0x3] =	sbarrier.arrive $0xFFFF  }
0xd6: {  	_ =	shalt  }

// kernel: kernel.34.cloned.1.call-start
scs
__scs_entry_jumppad:
0x0: {  	(pc) =	sbr.rel $0x88, $3  }
0x1: {  	(tag) =	ssettag $0x0;
	lr =	simm.s32 $0x1  }
0x2: {  	[smem:$0x3F89] =	sst lr;
	_ =	strace $0xD0000000  }
0x3: {  	_ = 	snop  }
0x4: {  	_ = 	snop  }
0x5: {  	_ = 	snop  }
0x6: {  	_ = 	snop  }
0x7: {  	_ = 	snop  }
__scs_overlays_trampoline_lowered:
0x8: {  	[smem:$0x3F98] =	sst s0  }
0x9: {  	[smem:$0x3F99] =	sst s1  }
0xa: {  	[smem:$0x3F9A] =	sst s2  }
0xb: {  	[smem:$0x3F9B] =	sst s3  }
0xc: {  	[smem:$0x3F9C] =	sst s4  }
0xd: {  	[smem:$0x3F9D] =	sst s5  }
0xe: {  	[smem:$0x3F9E] =	sst s6  }
0xf: {  	[smem:$0x3F9F] =	sst s7  }
0x10: {  	[smem:$0x3FA0] =	sst s8  }
0x11: {  	[smem:$0x3FA1] =	sst s9;
	s0 =	simm.s32 @!p0 $0x0  }
0x12: {  	s1 =	sld [smem:$0x3F87];
	s0 =	simm.s32 @p0 $0x1  }
0x13: {  	[smem:$0x3FA2] =	sst s0;
	s0 =	simm.s32 @!p1 $0x0  }
0x14: {  	s2 =	sld [smem:$0x3F86];
	s0 =	simm.s32 @p1 $0x1  }
0x15: {  	[smem:$0x3FA3] =	sst s0;
	s0 =	simm.s32 @!p2 $0x0  }
0x16: {  	s3 =	sld [smem:$0x3FDB];
	s0 =	simm.s32 @p2 $0x1  }
0x17: {  	s4 =	simm.s32 $0x1BF5;
	[smem:$0x3FA5] =	sst s0  }
0x18: {  	s0 =	sld [smem:$0x3F88];
	_ =	swait.ge [sflag:s4], $0x0  }
0x19: {  	s7 =	sld [smem:$0x3F89]  }
0x1a: {  	s8 =	sadd.s32 $0xFFFFE003, lr  }
0x1b: {  	s9 =	sadd.s32 $0xFFFFFEF7, lr;
	s5 =	simm.s32 $0xFFFFFFFF;
	p2 =	slt.u32 s8, $0xFFFFF086  }
0x1c: {  	p1 =	slt.u32 s9, $0xF7A;
	s5 =	simm.s32 @!p2 $0x0  }
0x1d: {  	s5 =	simm.s32 @p1 $0x1;
	p0 =	seq.s32 s7, s2  }
0x1e: {  	s7 =	smul.u32 @!p0 $0xF7A, s2;
	p2 =	seq.s32 @!p0 s5, $0x0  }
0x1f: {  	s9 =	smul.u32 $0xF7A, s1;
	s8 =	simm.s32 @!p0 $0x1BF5;
	p2 =	por !p2, p0  }
0x20: {  	[sflag:s8] =	ssyncset.s32 @!p0 $0xFFFFF086;
	s6 =	sadd.s32 @!p0 s3, s7;
	s7 =	simm.s32 @!p0 $0x108  }
0x21: {  	s3 =	sadd.s32 s3, s9;
	s6 =	sadd.s32 @!p0 $0x88, s6;
	s7 =	simm.s32 @p2 $0x1082  }
0x22: {  	[simem:s7], [sflag:s8] =	dma.local @!p0 [hbm:s6], $0xF7A  }
0x23: {  	s9 =	sor.u32 $0xD0000000, s2;
	s6 =	simm.s32 $0x108;
	_ =	swait.ge @!p0 [sflag:s8], $0x0  }
0x24: {  	s3 =	sadd.s32 $0x88, s3;
	s6 =	simm.s32 @!p1 $0x1082;
	[sflag:s4] =	ssyncset.s32 $0xFFFFF086  }
0x25: {  	[simem:s6], [sflag:s4] =	dma.local [hbm:s3], $0xF7A  }
0x26: {  	[smem:$0x3F89] =	sst s1;
	(tag) =	ssettag s2;
	_ =	strace s9  }
0x27: {  	s1 =	sld [smem:$0x3F99]  }
0x28: {  	s2 =	sld [smem:$0x3F9A]  }
0x29: {  	s4 =	sld [smem:$0x3F9C]  }
0x2a: {  	p0 =	seq.s32 s5, $0x0;
	s5 =	sld [smem:$0x3F9D]  }
0x2b: {  	s6 =	sld [smem:$0x3F9E]  }
0x2c: {  	s7 =	sld [smem:$0x3F9F]  }
0x2d: {  	s3 =	simm.s32 $0x108;
	s8 =	sld [smem:$0x3FA0]  }
0x2e: {  	s3 =	simm.s32 @!p0 $0x1082;
	s9 =	sld [smem:$0x3FA1]  }
0x2f: {  	lr =	sadd.s32 s0, s3;
	s0 =	sld [smem:$0x3F98]  }
0x30: {  	s3 =	sld [smem:$0x3F9B]  }
0x31: {  	[smem:$0x3FA4] =	sst s10  }
0x32: {  	s10 =	sld [smem:$0x3FA2];
	_ =	sdelay $0x3  }
0x33: {  	p0 =	seq.s32 s10, $0x1;
	s10 =	sld [smem:$0x3FA4];
	_ =	sdelay $0x3  }
0x34: {  	[smem:$0x3FA4] =	sst s10  }
0x35: {  	s10 =	sld [smem:$0x3FA3];
	_ =	sdelay $0x3  }
0x36: {  	p1 =	seq.s32 s10, $0x1;
	s10 =	sld [smem:$0x3FA4];
	_ =	sdelay $0x3  }
0x37: {  	[smem:$0x3FA4] =	sst s10  }
0x38: {  	s10 =	sld [smem:$0x3FA5]  }
0x39: {  	_ = 	snop;
	(pc) =	sbr.ind lr, $3  }
0x3a: {  	_ = 	snop  }
0x3b: {  	_ = 	snop  }
0x3c: {  	p2 =	seq.s32 s10, $0x1;
	s10 =	sld [smem:$0x3FA4]  }
0x3d: {  	_ =	shalt  }
0x3e: {  	_ =	shalt  }
0x3f: {  	_ =	shalt  }
0x40: {  	_ =	shalt  }
0x41: {  	_ =	shalt  }
0x42: {  	_ =	shalt  }
0x43: {  	_ =	shalt  }
0x44: {  	_ =	shalt  }
0x45: {  	_ =	shalt  }
0x46: {  	_ =	shalt  }
0x47: {  	_ =	shalt  }
0x48: {  	_ =	shalt  }
0x49: {  	_ =	shalt  }
0x4a: {  	_ =	shalt  }
0x4b: {  	_ =	shalt  }
0x4c: {  	_ =	shalt  }
0x4d: {  	_ =	shalt  }
0x4e: {  	_ =	shalt  }
0x4f: {  	_ =	shalt  }
0x50: {  	_ =	shalt  }
0x51: {  	_ =	shalt  }
0x52: {  	_ =	shalt  }
0x53: {  	_ =	shalt  }
0x54: {  	_ =	shalt  }
0x55: {  	_ =	shalt  }
0x56: {  	_ =	shalt  }
0x57: {  	_ =	shalt  }
0x58: {  	_ =	shalt  }
0x59: {  	_ =	shalt  }
0x5a: {  	_ =	shalt  }
0x5b: {  	_ =	shalt  }
0x5c: {  	_ =	shalt  }
0x5d: {  	_ =	shalt  }
0x5e: {  	_ =	shalt  }
0x5f: {  	_ =	shalt  }
0x60: {  	_ =	shalt  }
0x61: {  	_ =	shalt  }
0x62: {  	_ =	shalt  }
0x63: {  	_ =	shalt  }
0x64: {  	_ =	shalt  }
0x65: {  	_ =	shalt  }
0x66: {  	_ =	shalt  }
0x67: {  	_ =	shalt  }
0x68: {  	_ =	shalt  }
0x69: {  	_ =	shalt  }
0x6a: {  	_ =	shalt  }
0x6b: {  	_ =	shalt  }
0x6c: {  	_ =	shalt  }
0x6d: {  	_ =	shalt  }
0x6e: {  	_ =	shalt  }
0x6f: {  	_ =	shalt  }
0x70: {  	_ =	shalt  }
0x71: {  	_ =	shalt  }
0x72: {  	_ =	shalt  }
0x73: {  	_ =	shalt  }
0x74: {  	_ =	shalt  }
0x75: {  	_ =	shalt  }
0x76: {  	_ =	shalt  }
0x77: {  	_ =	shalt  }
0x78: {  	_ =	shalt  }
0x79: {  	_ =	shalt  }
0x7a: {  	_ =	shalt  }
0x7b: {  	_ =	shalt  }
0x7c: {  	_ =	shalt  }
0x7d: {  	_ =	shalt  }
0x7e: {  	_ =	shalt  }
0x7f: {  	_ =	shalt  }
0x80: {  	_ =	shalt  }
0x81: {  	_ =	shalt  }
0x82: {  	_ =	shalt  }
0x83: {  	_ =	shalt  }
0x84: {  	_ =	shalt  }
0x85: {  	_ =	shalt  }
0x86: {  	_ =	shalt  }
0x87: {  	_ =	shalt  }
.Lfunc_end0:
.L_simem_size_0:
called_computation.1_lowered:
.L_overlay_start_0:
0x88: {  	s2 =	sld [smem:$0x3FD9]  }
0x89: {  	s3 =	sld [smem:$0x3FFE];
	_ =	sdelay $0x1  }
0x8a: {  	s1 =	srdreg.scid  }
0x8b: {  	s0 =	sand.u32 $0x1, s1  }
0x8c: {  	s16 =	sshll.u32 s0, $0xA;
	s2 =	sadd.s32 s3, s2  }
0x8d: {  	s2 =	sadd.s32 s2, s16  }
0x8e: {  	[smem:$0x3FB0] =	sst s2  }
0x8f: {  	_ = 	snop  }
0x90: {  	(tm) =	ssettm $0x1  }
0x91: {  	s17 =	sld [smem:$0x3FFB];
	_ =	sdelay $0x3  }
0x92: {  	_ =	strace s17  }
0x93: {  	s2 =	sld [smem:$0x3FFC];
	_ =	sdelay $0x3  }
0x94: {  	_ =	strace s2  }
0x95: {  	s2 =	sld [smem:$0x3FFD];
	_ =	sdelay $0x3  }
0x96: {  	_ =	strace s2  }
0x97: {  	_ =	strace $0x8FFFFFFF  }
0x98: {  	s18 =	sld [smem:$0x3FDB];
	_ =	sdelay $0x1  }
0x99: {  	s19 =	simm.s32 $_scs_section_size  }
0x9a: {  	s4 =	simm.s32 $_size__tile_overlayer_lowered;
	s5 =	simm.s32 $_tile_overlayer_lowered  }
0x9b: {  	s22 =	simm.s32 $0x1BFF;
	s21 =	sshll.u32 s5, $0x1;
	s2 =	sadd.s32 s19, s18  }
0x9c: {  	s6 =	simm.s32 $0x0;
	s20 =	sshll.u32 s4, $0x1;
	s4 =	sadd.s32 s21, s2  }
0x9d: {  	[timem:s6], [sflag:s22] =	dma.local [hbm:s4], s20  }
0x9e: {  	_ =	swait.ge [sflag:s22], s20  }
0x9f: {  	s3 =	ssub.s32 $0x0, s20;
	[sflag:s22] =	ssyncset.done $0x0  }
0xa0: {  	[sflag:s22] =	ssyncadd.s32 s3;
	_ =	sdelay $0x1  }
0xa1: {  	s23 =	simm.s32 $0x1B8B  }
0xa2: {  	_ =	swait.ge [sflag:s23], $0x1  }
0xa3: {  	[sflag:s23] =	ssyncset.done $0x0  }
0xa4: {  	s25 =	simm.s32 $0x1B8E;
	s24 =	sld [smem:$0x3FFE];
	[sflag:s23] =	ssyncadd.s32 $0xFFFFFFFF  }
0xa5: {  	s26 =	simm.s32 $execute0_lowered;
	[smem:$0x3FD2] =	sst s25  }
0xa6: {  	s4 =	sshll.u32 s26, $0x1;
	_ =	strace $0x80000049;
	[dreg:$0x1] =	wrdreg $0xFFFFFFFF  }
0xa7: {  	s28 =	simm.s32 $_size_execute0_lowered;
	s2 =	sadd.s32 s2, s4;
	[dreg:$0x0] =	wrdreg $0x0  }
0xa8: {  	s4 =	sshll.u32 s28, $0x1;
	[dreg:$0x2] =	wrdreg s2  }
0xa9: {  	[dreg:$0x3] =	wrdreg s4  }
0xaa: {  	[dreg:$0x4] =	wrdreg $0xC0  }
0xab: {  	_ =	task [dreg:s6], $0x5FFFF  }
0xac: {  	[dreg:$0x1] =	wrdreg $0xFFFFFFFF  }
0xad: {  	[dreg:$0x0] =	wrdreg $0x60  }
0xae: {  	[dreg:$0x2] =	wrdreg s24  }
0xaf: {  	[dreg:$0x3] =	wrdreg $0x9  }
0xb0: {  	_ =	task.clear_ibuf [dreg:s6], $0x4FFFF;
	_ =	strace $0x90000049  }
0xb1: {  	s29 =	simm.s32 $0x9;
	_ =	strace $0x8000004B  }
0xb2: {  	_ =	swait.ge [sflag:s29], $0x1  }
0xb3: {  	[sflag:s29] =	ssyncadd.s32 $0xFFFFFFFF  }
0xb4: {  	_ =	strace $0x9000004B  }
0xb5: {  	_ =	sfence  }
0xb6: {  	s30 =	sld [smem:$0x0];
	_ =	sdelay $0x2  }
0xb7: {  	s31 =	sshll.u32 s1, $0xD;
	s1 =	sshrl.u32 s1, $0x2  }
0xb8: {  	s3 =	sand.u32 $0x4000, s31;
	s1 =	sadd.s32 s1, s30  }
0xb9: {  	s0 =	sor.u32 s3, s0;
	s1 =	sshll.u32 s1, $0x11  }
0xba: {  	s0 =	sor.u32 s1, s0  }
0xbb: {  	s0 =	sadd.s32 $0x8F2B, s0  }
0xbc: {  	[sflag:s0] =	ssyncadd.remote.s32 $0x1  }
0xbd: {  	_ =	sfence.sel $0xFFFF  }
0xbe: {  	[dreg:$0x0] =	wrdreg $0xFFFFFFFF;
	(pc) =	sbr.abs _section_cstart, $3  }
0xbf: {  	[dreg:$0x1] =	wrdreg $0xFFFFFFFF  }
0xc0: {  	_ =	task.clear_ibuf [dreg:s6], $0x2FFFF;
	_ =	strace $0x9FFFFFFF  }
0xc1: {  	(tm) =	ssettm $0x7FFFFFFF  }
tec
execute0_lowered:
.L_overlay_start_1:
0x0: {  	(tag) =	ssettag $0x1  }
0x1: {  	s0 =	rddreg [dreg:$0x0];
	s2 =	simm.s32 $0x0;
	s1 =	stileid.u32  }
0x2: {  	s3 =	srdreg.scid;
	s19 =	simm.s32 $0x80;
	s9 =	simm.s32 $0x900  }
0x3: {  	s20 =	simm.s32 $0x1100;
	s22 =	simm.s32 $0x1900;
	s24 =	simm.s32 $0x2100  }
0x4: {  	s26 =	simm.s32 $0x2900;
	s30 =	simm.s32 $0x3100;
	s31 =	simm.s32 $0x3900  }
0x5: {  	s10 =	simm.s32 $0x100;
	s11 =	simm.s32 $0x4100;
	s12 =	simm.s32 $0x4900  }
0x6: {  	s13 =	simm.s32 $0x5100;
	s14 =	simm.s32 $0x5900;
	[smem:$0x7FF] =	sst s2  }
0x7: {  	s15 =	simm.s32 $0x1;
	_ =	strace $0x8000004A;
	[dreg:$0x3] =	wrdreg s19  }
0x8: {  	s16 =	simm.s32 $0x6100;
	s28 =	simm.s32 $0xB900;
	[dreg:$0x4] =	wrdreg s9  }
0x9: {  	s29 =	simm.s32 $0x0;
	s4 =	sshll.u32 s1, $0x5;
	[dreg:$0x5] =	wrdreg s20  }
0xa: {  	s6 =	sand.u32 $0x1, s3;
	s5 =	smul.u32 $0x6000, s1;
	[dreg:$0x6] =	wrdreg s22  }
0xb: {  	s3 =	sadd.s32 $0x535C00, s0;
	s4 =	sadd.s32 s4, s0;
	[dreg:$0x7] =	wrdreg s24  }
0xc: {  	s7 =	sshll.u32 s6, $0x4;
	s8 =	ssub.s32 $0x2, s6;
	[dreg:$0x8] =	wrdreg s26  }
0xd: {  	s21 =	smul.u32 $0x3000, s6;
	[dreg:$0x9] =	wrdreg s30;
	s9 =	simm.s32 $0x2  }
0xe: {  	[dreg:$0xa] =	wrdreg s31;
	s19 =	simm.s32 $0x7900;
	s20 =	simm.s32 $0x8100  }
0xf: {  	s22 =	simm.s32 $0x9100;
	s24 =	simm.s32 $0xA100;
	s26 =	simm.s32 $0xB100  }
0x10: {  	s4 =	sadd.s32 s7, s4;
	s17 =	sadd.s32 s5, s0;
	s18 =	sshrl.u32 s8, $0x1  }
0x11: {  	s5 =	sadd.s32 $0x535E00, s0;
	s4 =	sadd.s32 $0x174800, s4;
	s8 =	ssub.s32 s8, s18  }
0x12: {  	s25 =	sadd.s32 s21, s17;
	s17 =	simm.s32 $0x6900;
	s18 =	simm.s32 $0x7100  }
0x13: {  	v2 =	vlaneseq.u32;
	s21 =	simm.s32 $0x8900;
	[dreg:$0x2] =	wrdreg s4;
	s4 =	sadd.s32 $0x535D00, s0  }
0x14: {  	vm0 =	vmmov $0xffff;
	v1 =	vshrl.u32 v2, $0x3;
	s23 =	smax.u32 s8, $0x1;
	s7 =	sadd.s32 $0x104800, s25;
	s8 =	sadd.s32 $0x265C00, s25  }
0x15: {  	v0 =	vand.u32 $0x7, v2;
	v2 =	vor.u32 $0x8, v2;
	v1 =	vmul.u32 $0x8, v1;
	s25 =	simm.s32 $0xA900;
	[dreg:$0xb] =	wrdreg s23;
	s23 =	simm.s32 $0x9900  }
.LBB2_1:
0x16: {  	s30 =	smov.u32 s8;
	s31 =	smov.u32 s7;
	s0 =	simm.s32 $0x0  }
.LBB2_2:
0x17: {  	s1 =	rddreg [dreg:$0x2]  }
0x18: {  	s1 =	sadd.s32 s0, s1  }
0x19: {  	[tilespmem:s2], [sflag:$0x2] =	stream.linear.gather [hbm4b:s1+s2], $0x20, $0x38;
	[tilespmem:$0xC100] =	vst v63  }
0x1a: {  	_ =	swait.ge [sflag:s9], $0x20  }
0x1b: {  	[sflag:s9] =	ssyncset.done $0x0  }
0x1c: {  	s1 =	sadd.s32 $0x200, s1;
	s6 =	rddreg [dreg:$0x3];
	[sflag:s9] =	ssyncadd.s32 $0xFFFFFFE0  }
0x1d: {  	[tilespmem:s6], [sflag:$0x2] =	stream.linear.gather [hbm4b:s1+s2], $0x20, $0x38;
	[tilespmem:$0xC100] =	vst v63  }
0x1e: {  	_ =	swait.ge [sflag:s9], $0x20  }
0x1f: {  	[sflag:s9] =	ssyncset.done $0x0  }
0x20: {  	[sflag:s9] =	ssyncadd.s32 $0xFFFFFFE0  }
0x21: {  	v3 =	vld [tilespmem:$0x0];
	_ =	sdelay $0x4  }
0x22: {  	v4 =	vshrl.u32 v3, $0x3  }
0x23: {  	v4 =	vmul.u32 $0x30, v4  }
0x24: {  	v3 =	vand.u32 $0x7, v3  }
0x25: {  	v3 =	vor.u32 v3, v4  }
0x26: {  	v4 =	vperm.xlane v3, v0;
	_ =	sdelay $0x1  }
0x27: {  	v4 =	vadd.s32 v1, v4;
	_ =	sdelay $0x3  }
0x28: {  	v3 =	vperm.xlane v3, v2  }
0x29: {  	[tilespmem:s10], [sflag:$0x1] =	stream.indirect_vreg.gather [hbm4b:s3+s2], $0x80, v4, vm0, $0xb8;
	[tilespmem:$0xC100] =	vst v63  }
0x2a: {  	s1 =	rddreg [dreg:$0x4];
	v3 =	vadd.s32 v1, v3  }
0x2b: {  	[tilespmem:s1], [sflag:$0x1] =	stream.indirect_vreg.gather [hbm4b:s4+s2], $0x80, v4, vm0, $0xb8;
	[tilespmem:$0xC100] =	vst v63  }
0x2c: {  	s6 =	rddreg [dreg:$0x5]  }
0x2d: {  	[tilespmem:s6], [sflag:$0x1] =	stream.indirect_vreg.gather [hbm4b:s5+s2], $0x80, v4, vm0, $0xb8;
	[tilespmem:$0xC100] =	vst v63  }
0x2e: {  	s1 =	rddreg [dreg:$0x6]  }
0x2f: {  	[tilespmem:s1], [sflag:$0x1] =	stream.indirect_vreg.gather [hbm4b:s3+s2], $0x80, v3, vm0, $0xb8;
	[tilespmem:$0xC100] =	vst v63  }
0x30: {  	s6 =	rddreg [dreg:$0x7]  }
0x31: {  	[tilespmem:s6], [sflag:$0x1] =	stream.indirect_vreg.gather [hbm4b:s4+s2], $0x80, v3, vm0, $0xb8;
	[tilespmem:$0xC100] =	vst v63  }
0x32: {  	s1 =	rddreg [dreg:$0x8]  }
0x33: {  	[tilespmem:s1], [sflag:$0x1] =	stream.indirect_vreg.gather [hbm4b:s5+s2], $0x80, v3, vm0, $0xb8;
	[tilespmem:$0xC100] =	vst v63  }
0x34: {  	v3 =	vld [tilespmem:$0x10];
	_ =	sdelay $0x4  }
0x35: {  	v61 =	vshrl.u32 v3, $0x3  }
0x36: {  	v4 =	vmul.u32 $0x30, v61  }
0x37: {  	v3 =	vand.u32 $0x7, v3  }
0x38: {  	v3 =	vor.u32 v3, v4  }
0x39: {  	v4 =	vperm.xlane v3, v0;
	_ =	sdelay $0x1  }
0x3a: {  	v4 =	vadd.s32 v1, v4;
	_ =	sdelay $0x3  }
0x3b: {  	s1 =	rddreg [dreg:$0x9];
	v3 =	vperm.xlane v3, v2  }
0x3c: {  	[tilespmem:s1], [sflag:$0x1] =	stream.indirect_vreg.gather [hbm4b:s3+s2], $0x80, v4, vm0, $0xb8;
	[tilespmem:$0xC100] =	vst v63  }
0x3d: {  	s6 =	rddreg [dreg:$0xa];
	v3 =	vadd.s32 v1, v3  }
0x3e: {  	[tilespmem:s6], [sflag:$0x1] =	stream.indirect_vreg.gather [hbm4b:s4+s2], $0x80, v4, vm0, $0xb8;
	[tilespmem:$0xC100] =	vst v63  }
0x3f: {  	_ = 	snop  }
0x40: {  	[tilespmem:s11], [sflag:$0x1] =	stream.indirect_vreg.gather [hbm4b:s5+s2], $0x80, v4, vm0, $0xb8;
	[tilespmem:$0xC100] =	vst v63  }
0x41: {  	_ = 	snop  }
0x42: {  	[tilespmem:s12], [sflag:$0x1] =	stream.indirect_vreg.gather [hbm4b:s3+s2], $0x80, v3, vm0, $0xb8;
	[tilespmem:$0xC100] =	vst v63  }
0x43: {  	_ = 	snop  }
0x44: {  	[tilespmem:s13], [sflag:$0x1] =	stream.indirect_vreg.gather [hbm4b:s4+s2], $0x80, v3, vm0, $0xb8;
	[tilespmem:$0xC100] =	vst v63  }
0x45: {  	_ = 	snop  }
0x46: {  	[tilespmem:s14], [sflag:$0x1] =	stream.indirect_vreg.gather [hbm4b:s5+s2], $0x80, v3, vm0, $0xb8;
	[tilespmem:$0xC100] =	vst v63  }
0x47: {  	_ =	swait.ge [sflag:s15], $0x6000  }
0x48: {  	[sflag:s15] =	ssyncset.done $0x0  }
0x49: {  	[sflag:s15] =	ssyncadd.s32 $0xFFFFA000  }
0x4a: {  	v3 =	vld [tilespmem:$0x80];
	_ =	sdelay $0x4  }
0x4b: {  	v62 =	vshrl.u32 v3, $0x3  }
0x4c: {  	v4 =	vmul.u32 $0x30, v62  }
0x4d: {  	v3 =	vand.u32 $0x7, v3  }
0x4e: {  	v3 =	vor.u32 v3, v4  }
0x4f: {  	v4 =	vperm.xlane v3, v0;
	_ =	sdelay $0x1  }
0x50: {  	v4 =	vadd.s32 v1, v4;
	_ =	sdelay $0x3  }
0x51: {  	v3 =	vperm.xlane v3, v2  }
0x52: {  	[tilespmem:s16], [sflag:$0x1] =	stream.indirect_vreg.gather [hbm4b:s3+s2], $0x80, v4, vm0, $0xb8;
	[tilespmem:$0xC100] =	vst v63  }
0x53: {  	v3 =	vadd.s32 v1, v3  }
0x54: {  	[tilespmem:s17], [sflag:$0x1] =	stream.indirect_vreg.gather [hbm4b:s4+s2], $0x80, v4, vm0, $0xb8;
	[tilespmem:$0xC100] =	vst v63  }
0x55: {  	_ = 	snop  }
0x56: {  	[tilespmem:s18], [sflag:$0x1] =	stream.indirect_vreg.gather [hbm4b:s5+s2], $0x80, v4, vm0, $0xb8;
	[tilespmem:$0xC100] =	vst v63  }
0x57: {  	_ = 	snop  }
0x58: {  	[tilespmem:s19], [sflag:$0x1] =	stream.indirect_vreg.gather [hbm4b:s3+s2], $0x80, v3, vm0, $0xb8;
	[tilespmem:$0xC100] =	vst v63  }
0x59: {  	_ = 	snop  }
0x5a: {  	[tilespmem:s20], [sflag:$0x1] =	stream.indirect_vreg.gather [hbm4b:s4+s2], $0x80, v3, vm0, $0xb8;
	[tilespmem:$0xC100] =	vst v63  }
0x5b: {  	_ = 	snop  }
0x5c: {  	[tilespmem:s21], [sflag:$0x1] =	stream.indirect_vreg.gather [hbm4b:s5+s2], $0x80, v3, vm0, $0xb8;
	[tilespmem:$0xC100] =	vst v63  }
0x5d: {  	v3 =	vld [tilespmem:$0x90];
	_ =	sdelay $0x4  }
0x5e: {  	v63 =	vshrl.u32 v3, $0x3  }
0x5f: {  	v4 =	vmul.u32 $0x30, v63  }
0x60: {  	v3 =	vand.u32 $0x7, v3  }
0x61: {  	v3 =	vor.u32 v3, v4  }
0x62: {  	v4 =	vperm.xlane v3, v0;
	_ =	sdelay $0x1  }
0x63: {  	v4 =	vadd.s32 v1, v4;
	_ =	sdelay $0x3  }
0x64: {  	v3 =	vperm.xlane v3, v2  }
0x65: {  	[tilespmem:s22], [sflag:$0x1] =	stream.indirect_vreg.gather [hbm4b:s3+s2], $0x80, v4, vm0, $0xb8;
	[tilespmem:$0xC100] =	vst v63  }
0x66: {  	v3 =	vadd.s32 v1, v3  }
0x67: {  	[tilespmem:s23], [sflag:$0x1] =	stream.indirect_vreg.gather [hbm4b:s4+s2], $0x80, v4, vm0, $0xb8;
	[tilespmem:$0xC100] =	vst v63  }
0x68: {  	_ = 	snop  }
0x69: {  	[tilespmem:s24], [sflag:$0x1] =	stream.indirect_vreg.gather [hbm4b:s5+s2], $0x80, v4, vm0, $0xb8;
	[tilespmem:$0xC100] =	vst v63  }
0x6a: {  	_ = 	snop  }
0x6b: {  	[tilespmem:s25], [sflag:$0x1] =	stream.indirect_vreg.gather [hbm4b:s3+s2], $0x80, v3, vm0, $0xb8;
	[tilespmem:$0xC100] =	vst v63  }
0x6c: {  	_ = 	snop  }
0x6d: {  	[tilespmem:s26], [sflag:$0x1] =	stream.indirect_vreg.gather [hbm4b:s4+s2], $0x80, v3, vm0, $0xb8;
	[tilespmem:$0xC100] =	vst v63  }
0x6e: {  	_ = 	snop  }
0x6f: {  	[tilespmem:s28], [sflag:$0x1] =	stream.indirect_vreg.gather [hbm4b:s5+s2], $0x80, v3, vm0, $0xb8;
	[tilespmem:$0xC100] =	vst v63  }
0x70: {  	_ =	swait.ge [sflag:s15], $0x6000  }
0x71: {  	[sflag:s15] =	ssyncset.done $0x0  }
0x72: {  	[sflag:s15] =	ssyncadd.s32 $0xFFFFA000  }
0x73: {  	[hbm4b:s31+s2] =	stream.linear.scatter [tilespmem:s10], [sflag:$0x2], $0x6000, $0x38;
	[tilespmem:$0xC100] =	vst v63  }
0x74: {  	_ =	swait.ge [sflag:s9], $0x6000  }
0x75: {  	p0 =	sne.s32 s0, $0xC;
	[sflag:s9] =	ssyncset.done $0x0  }
.Ltmp0:
0x76: {  	[sflag:s9] =	ssyncadd.s32 $0xFFFFA000;
	(pc) =	sbr.rel @p0 .LBB2_2-.Ltmp0, $4  }
0x77: {  	[hbm4b:s30+s2] =	stream.linear.scatter [tilespmem:s16], [sflag:$0x2], $0x6000, $0x38;
	[tilespmem:$0xC100] =	vst v63  }
0x78: {  	_ =	swait.ge [sflag:s9], $0x6000  }
0x79: {  	s0 =	sadd.s32 $0x4, s0;
	[sflag:s9] =	ssyncset.done $0x0  }
0x7a: {  	s31 =	sadd.s32 $0xC00, s31;
	s30 =	sadd.s32 $0xC00, s30;
	[sflag:s9] =	ssyncadd.s32 $0xFFFFA000  }
0x7b: {  	s29 =	sadd.s32 $0x1, s29;
	s0 =	rddreg [dreg:$0xb]  }
0x7c: {  	p0 =	sne.s32 s29, s0  }
.Ltmp1:
0x7d: {  	_ = 	snop;
	(pc) =	sbr.rel @p0 .LBB2_1-.Ltmp1, $1  }
0x7e: {  	_ =	sdelay $0x3  }
0x7f: {  	_ =	sfence.sel $0x180000  }
0x80: {  	[bflag:$0x0] =	sbarrier.arrive $0xFFFF  }
0x81: {  	_ =	strace $0x9000004A  }
0x82: {  	s0 =	stileid.u32;
	[bflag:$0x2] =	sbarrier.arrive $0xFFFF  }
0x83: {  	p0 =	sne.s32 s0, $0x0;
	s0 =	rddreg [dreg:$0x1]  }
0x84: {  	s0 =	sadd.s32 @!p0 $0x100000, s0  }
0x85: {  	[sflag:s0] =	ssyncadd.tile.s32 @!p0 $0x1;
	_ =	shalt  }
.Lfunc_end2:
_tile_overlayer_lowered:
.L_overlay_start_2:
0x86: {  	(tag) =	ssettag $0x2  }
0x87: {  	s0 =	rddreg [dreg:$0x0];
	s2 =	stileid.u32  }
0x88: {  	s1 =	rddreg [dreg:$0x1];
	p0 =	sne.s32 s2, $0x0  }
0x89: {  	s3 =	rddreg [dreg:$0x2];
	[bflag:$0x3] =	sbarrier.arrive $0xFFFF;
	s2 =	simm.s32 @!p0 $0x1C02  }
0x8a: {  	[timem:s3], [sflag:s2] =	dma.local @!p0 [hbm:s0], s1  }
0x8b: {  	s0 =	simm.s32 @!p0 $0x2  }
0x8c: {  	_ =	swait.ge @!p0 [sflag:s0], s1  }
0x8d: {  	s1 =	ssub.s32 @!p0 $0x0, s1;
	[sflag:s0] =	ssyncset.done @!p0 $0x0  }
0x8e: {  	[sflag:s0] =	ssyncadd.s32 @!p0 s1  }
0x8f: {  	[bflag:$0x3] =	sbarrier.arrive $0xFFFF  }
0x90: {  	_ =	shalt  }

// kernel: kernel.37.cloned.1.call-start
scs
__scs_entry_jumppad:
0x0: {  	(pc) =	sbr.rel $0x88, $3  }
0x1: {  	(tag) =	ssettag $0x0;
	lr =	simm.s32 $0x1  }
0x2: {  	[smem:$0x3F89] =	sst lr;
	_ =	strace $0xD0000000  }
0x3: {  	_ = 	snop  }
0x4: {  	_ = 	snop  }
0x5: {  	_ = 	snop  }
0x6: {  	_ = 	snop  }
0x7: {  	_ = 	snop  }
__scs_overlays_trampoline_lowered:
0x8: {  	[smem:$0x3F98] =	sst s0  }
0x9: {  	[smem:$0x3F99] =	sst s1  }
0xa: {  	[smem:$0x3F9A] =	sst s2  }
0xb: {  	[smem:$0x3F9B] =	sst s3  }
0xc: {  	[smem:$0x3F9C] =	sst s4  }
0xd: {  	[smem:$0x3F9D] =	sst s5  }
0xe: {  	[smem:$0x3F9E] =	sst s6  }
0xf: {  	[smem:$0x3F9F] =	sst s7  }
0x10: {  	[smem:$0x3FA0] =	sst s8  }
0x11: {  	[smem:$0x3FA1] =	sst s9;
	s0 =	simm.s32 @!p0 $0x0  }
0x12: {  	s1 =	sld [smem:$0x3F87];
	s0 =	simm.s32 @p0 $0x1  }
0x13: {  	[smem:$0x3FA2] =	sst s0;
	s0 =	simm.s32 @!p1 $0x0  }
0x14: {  	s2 =	sld [smem:$0x3F86];
	s0 =	simm.s32 @p1 $0x1  }
0x15: {  	[smem:$0x3FA3] =	sst s0;
	s0 =	simm.s32 @!p2 $0x0  }
0x16: {  	s3 =	sld [smem:$0x3FDB];
	s0 =	simm.s32 @p2 $0x1  }
0x17: {  	s4 =	simm.s32 $0x1BF5;
	[smem:$0x3FA5] =	sst s0  }
0x18: {  	s0 =	sld [smem:$0x3F88];
	_ =	swait.ge [sflag:s4], $0x0  }
0x19: {  	s7 =	sld [smem:$0x3F89]  }
0x1a: {  	s8 =	sadd.s32 $0xFFFFE003, lr  }
0x1b: {  	s9 =	sadd.s32 $0xFFFFFEF7, lr;
	s5 =	simm.s32 $0xFFFFFFFF;
	p2 =	slt.u32 s8, $0xFFFFF086  }
0x1c: {  	p1 =	slt.u32 s9, $0xF7A;
	s5 =	simm.s32 @!p2 $0x0  }
0x1d: {  	s5 =	simm.s32 @p1 $0x1;
	p0 =	seq.s32 s7, s2  }
0x1e: {  	s7 =	smul.u32 @!p0 $0xF7A, s2;
	p2 =	seq.s32 @!p0 s5, $0x0  }
0x1f: {  	s9 =	smul.u32 $0xF7A, s1;
	s8 =	simm.s32 @!p0 $0x1BF5;
	p2 =	por !p2, p0  }
0x20: {  	[sflag:s8] =	ssyncset.s32 @!p0 $0xFFFFF086;
	s6 =	sadd.s32 @!p0 s3, s7;
	s7 =	simm.s32 @!p0 $0x108  }
0x21: {  	s3 =	sadd.s32 s3, s9;
	s6 =	sadd.s32 @!p0 $0x88, s6;
	s7 =	simm.s32 @p2 $0x1082  }
0x22: {  	[simem:s7], [sflag:s8] =	dma.local @!p0 [hbm:s6], $0xF7A  }
0x23: {  	s9 =	sor.u32 $0xD0000000, s2;
	s6 =	simm.s32 $0x108;
	_ =	swait.ge @!p0 [sflag:s8], $0x0  }
0x24: {  	s3 =	sadd.s32 $0x88, s3;
	s6 =	simm.s32 @!p1 $0x1082;
	[sflag:s4] =	ssyncset.s32 $0xFFFFF086  }
0x25: {  	[simem:s6], [sflag:s4] =	dma.local [hbm:s3], $0xF7A  }
0x26: {  	[smem:$0x3F89] =	sst s1;
	(tag) =	ssettag s2;
	_ =	strace s9  }
0x27: {  	s1 =	sld [smem:$0x3F99]  }
0x28: {  	s2 =	sld [smem:$0x3F9A]  }
0x29: {  	s4 =	sld [smem:$0x3F9C]  }
0x2a: {  	p0 =	seq.s32 s5, $0x0;
	s5 =	sld [smem:$0x3F9D]  }
0x2b: {  	s6 =	sld [smem:$0x3F9E]  }
0x2c: {  	s7 =	sld [smem:$0x3F9F]  }
0x2d: {  	s3 =	simm.s32 $0x108;
	s8 =	sld [smem:$0x3FA0]  }
0x2e: {  	s3 =	simm.s32 @!p0 $0x1082;
	s9 =	sld [smem:$0x3FA1]  }
0x2f: {  	lr =	sadd.s32 s0, s3;
	s0 =	sld [smem:$0x3F98]  }
0x30: {  	s3 =	sld [smem:$0x3F9B]  }
0x31: {  	[smem:$0x3FA4] =	sst s10  }
0x32: {  	s10 =	sld [smem:$0x3FA2];
	_ =	sdelay $0x3  }
0x33: {  	p0 =	seq.s32 s10, $0x1;
	s10 =	sld [smem:$0x3FA4];
	_ =	sdelay $0x3  }
0x34: {  	[smem:$0x3FA4] =	sst s10  }
0x35: {  	s10 =	sld [smem:$0x3FA3];
	_ =	sdelay $0x3  }
0x36: {  	p1 =	seq.s32 s10, $0x1;
	s10 =	sld [smem:$0x3FA4];
	_ =	sdelay $0x3  }
0x37: {  	[smem:$0x3FA4] =	sst s10  }
0x38: {  	s10 =	sld [smem:$0x3FA5]  }
0x39: {  	_ = 	snop;
	(pc) =	sbr.ind lr, $3  }
0x3a: {  	_ = 	snop  }
0x3b: {  	_ = 	snop  }
0x3c: {  	p2 =	seq.s32 s10, $0x1;
	s10 =	sld [smem:$0x3FA4]  }
0x3d: {  	_ =	shalt  }
0x3e: {  	_ =	shalt  }
0x3f: {  	_ =	shalt  }
0x40: {  	_ =	shalt  }
0x41: {  	_ =	shalt  }
0x42: {  	_ =	shalt  }
0x43: {  	_ =	shalt  }
0x44: {  	_ =	shalt  }
0x45: {  	_ =	shalt  }
0x46: {  	_ =	shalt  }
0x47: {  	_ =	shalt  }
0x48: {  	_ =	shalt  }
0x49: {  	_ =	shalt  }
0x4a: {  	_ =	shalt  }
0x4b: {  	_ =	shalt  }
0x4c: {  	_ =	shalt  }
0x4d: {  	_ =	shalt  }
0x4e: {  	_ =	shalt  }
0x4f: {  	_ =	shalt  }
0x50: {  	_ =	shalt  }
0x51: {  	_ =	shalt  }
0x52: {  	_ =	shalt  }
0x53: {  	_ =	shalt  }
0x54: {  	_ =	shalt  }
0x55: {  	_ =	shalt  }
0x56: {  	_ =	shalt  }
0x57: {  	_ =	shalt  }
0x58: {  	_ =	shalt  }
0x59: {  	_ =	shalt  }
0x5a: {  	_ =	shalt  }
0x5b: {  	_ =	shalt  }
0x5c: {  	_ =	shalt  }
0x5d: {  	_ =	shalt  }
0x5e: {  	_ =	shalt  }
0x5f: {  	_ =	shalt  }
0x60: {  	_ =	shalt  }
0x61: {  	_ =	shalt  }
0x62: {  	_ =	shalt  }
0x63: {  	_ =	shalt  }
0x64: {  	_ =	shalt  }
0x65: {  	_ =	shalt  }
0x66: {  	_ =	shalt  }
0x67: {  	_ =	shalt  }
0x68: {  	_ =	shalt  }
0x69: {  	_ =	shalt  }
0x6a: {  	_ =	shalt  }
0x6b: {  	_ =	shalt  }
0x6c: {  	_ =	shalt  }
0x6d: {  	_ =	shalt  }
0x6e: {  	_ =	shalt  }
0x6f: {  	_ =	shalt  }
0x70: {  	_ =	shalt  }
0x71: {  	_ =	shalt  }
0x72: {  	_ =	shalt  }
0x73: {  	_ =	shalt  }
0x74: {  	_ =	shalt  }
0x75: {  	_ =	shalt  }
0x76: {  	_ =	shalt  }
0x77: {  	_ =	shalt  }
0x78: {  	_ =	shalt  }
0x79: {  	_ =	shalt  }
0x7a: {  	_ =	shalt  }
0x7b: {  	_ =	shalt  }
0x7c: {  	_ =	shalt  }
0x7d: {  	_ =	shalt  }
0x7e: {  	_ =	shalt  }
0x7f: {  	_ =	shalt  }
0x80: {  	_ =	shalt  }
0x81: {  	_ =	shalt  }
0x82: {  	_ =	shalt  }
0x83: {  	_ =	shalt  }
0x84: {  	_ =	shalt  }
0x85: {  	_ =	shalt  }
0x86: {  	_ =	shalt  }
0x87: {  	_ =	shalt  }
.Lfunc_end0:
.L_simem_size_0:
called_computation.2_lowered:
.L_overlay_start_0:
0x88: {  	s2 =	sld [smem:$0x3FD9]  }
0x89: {  	s3 =	sld [smem:$0x3FFE];
	_ =	sdelay $0x1  }
0x8a: {  	s1 =	srdreg.scid  }
0x8b: {  	s0 =	sand.u32 $0x1, s1  }
0x8c: {  	s16 =	sshll.u32 s0, $0xA;
	s2 =	sadd.s32 s3, s2  }
0x8d: {  	s2 =	sadd.s32 s2, s16  }
0x8e: {  	[smem:$0x3FB0] =	sst s2  }
0x8f: {  	_ = 	snop  }
0x90: {  	(tm) =	ssettm $0x1  }
0x91: {  	s17 =	sld [smem:$0x3FFB];
	_ =	sdelay $0x3  }
0x92: {  	_ =	strace s17  }
0x93: {  	s2 =	sld [smem:$0x3FFC];
	_ =	sdelay $0x3  }
0x94: {  	_ =	strace s2  }
0x95: {  	s2 =	sld [smem:$0x3FFD];
	_ =	sdelay $0x3  }
0x96: {  	_ =	strace s2  }
0x97: {  	_ =	strace $0x8FFFFFFF  }
0x98: {  	s18 =	sld [smem:$0x3FDB];
	_ =	sdelay $0x1  }
0x99: {  	s19 =	simm.s32 $_scs_section_size  }
0x9a: {  	s4 =	simm.s32 $_size__tile_overlayer_lowered;
	s5 =	simm.s32 $_tile_overlayer_lowered  }
0x9b: {  	s22 =	simm.s32 $0x1BFF;
	s21 =	sshll.u32 s5, $0x1;
	s2 =	sadd.s32 s19, s18  }
0x9c: {  	s6 =	simm.s32 $0x0;
	s20 =	sshll.u32 s4, $0x1;
	s4 =	sadd.s32 s21, s2  }
0x9d: {  	[timem:s6], [sflag:s22] =	dma.local [hbm:s4], s20  }
0x9e: {  	_ =	swait.ge [sflag:s22], s20  }
0x9f: {  	s3 =	ssub.s32 $0x0, s20;
	[sflag:s22] =	ssyncset.done $0x0  }
0xa0: {  	[sflag:s22] =	ssyncadd.s32 s3;
	_ =	sdelay $0x1  }
0xa1: {  	s23 =	simm.s32 $0x1B8B  }
0xa2: {  	_ =	swait.ge [sflag:s23], $0x1  }
0xa3: {  	[sflag:s23] =	ssyncset.done $0x0  }
0xa4: {  	s25 =	simm.s32 $0x1B8E;
	s24 =	sld [smem:$0x3FFE];
	[sflag:s23] =	ssyncadd.s32 $0xFFFFFFFF  }
0xa5: {  	s26 =	simm.s32 $execute0_lowered;
	[smem:$0x3FD2] =	sst s25  }
0xa6: {  	s4 =	sshll.u32 s26, $0x1;
	_ =	strace $0x8000004C;
	[dreg:$0x1] =	wrdreg $0xFFFFFFFF  }
0xa7: {  	s28 =	simm.s32 $_size_execute0_lowered;
	s2 =	sadd.s32 s2, s4;
	[dreg:$0x0] =	wrdreg $0x0  }
0xa8: {  	s4 =	sshll.u32 s28, $0x1;
	[dreg:$0x2] =	wrdreg s2  }
0xa9: {  	[dreg:$0x3] =	wrdreg s4  }
0xaa: {  	[dreg:$0x4] =	wrdreg $0xC0  }
0xab: {  	_ =	task [dreg:s6], $0x5FFFF  }
0xac: {  	[dreg:$0x1] =	wrdreg $0xFFFFFFFF  }
0xad: {  	[dreg:$0x0] =	wrdreg $0x60  }
0xae: {  	[dreg:$0x2] =	wrdreg s24  }
0xaf: {  	[dreg:$0x3] =	wrdreg $0x9  }
0xb0: {  	_ =	task.clear_ibuf [dreg:s6], $0x4FFFF;
	_ =	strace $0x9000004C  }
0xb1: {  	s29 =	simm.s32 $0x9;
	_ =	strace $0x8000004E  }
0xb2: {  	_ =	swait.ge [sflag:s29], $0x1  }
0xb3: {  	[sflag:s29] =	ssyncadd.s32 $0xFFFFFFFF  }
0xb4: {  	_ =	strace $0x9000004E  }
0xb5: {  	_ =	sfence  }
0xb6: {  	s30 =	sld [smem:$0x0];
	_ =	sdelay $0x2  }
0xb7: {  	s31 =	sshll.u32 s1, $0xD;
	s1 =	sshrl.u32 s1, $0x2  }
0xb8: {  	s3 =	sand.u32 $0x4000, s31;
	s1 =	sadd.s32 s1, s30  }
0xb9: {  	s0 =	sor.u32 s3, s0;
	s1 =	sshll.u32 s1, $0x11  }
0xba: {  	s0 =	sor.u32 s1, s0  }
0xbb: {  	s0 =	sadd.s32 $0x8F2B, s0  }
0xbc: {  	[sflag:s0] =	ssyncadd.remote.s32 $0x1  }
0xbd: {  	_ =	sfence.sel $0xFFFF  }
0xbe: {  	[dreg:$0x0] =	wrdreg $0xFFFFFFFF;
	(pc) =	sbr.abs _section_cstart, $3  }
0xbf: {  	[dreg:$0x1] =	wrdreg $0xFFFFFFFF  }
0xc0: {  	_ =	task.clear_ibuf [dreg:s6], $0x2FFFF;
	_ =	strace $0x9FFFFFFF  }
0xc1: {  	(tm) =	ssettm $0x7FFFFFFF  }
tec
execute0_lowered:
.L_overlay_start_1:
0x0: {  	(tag) =	ssettag $0x1  }
0x1: {  	s0 =	rddreg [dreg:$0x0]  }
0x2: {  	s1 =	simm.s32 $0x0;
	s2 =	srdreg.scid;
	s6 =	stileid.u32  }
0x3: {  	s11 =	simm.s32 $0x2;
	s22 =	simm.s32 $0x5000;
	s23 =	simm.s32 $0x5800  }
0x4: {  	s28 =	simm.s32 $0x7800;
	s29 =	simm.s32 $0x8000;
	s30 =	simm.s32 $0x8800  }
0x5: {  	s31 =	simm.s32 $0x9000;
	s10 =	simm.s32 $0xA800;
	s13 =	simm.s32 $0x0  }
0x6: {  	[smem:$0x7FF] =	sst s1;
	s3 =	sadd.s32 $0x265C00, s0;
	s24 =	sadd.s32 $0x11A00, s0  }
0x7: {  	s2 =	sand.u32 $0x1, s2;
	s5 =	sadd.s32 $0x104800, s0;
	s7 =	sadd.s32 $0x104900, s0  }
0x8: {  	s6 =	sshll.u32 s6, $0x5;
	s8 =	sadd.s32 $0x104A00, s0;
	s15 =	sadd.s32 $0x11C00, s0  }
0x9: {  	s0 =	simm.s32 $0x9800;
	_ =	strace $0x8000004D;
	[dreg:$0x2] =	wrdreg s3  }
0xa: {  	[dreg:$0x3] =	wrdreg s24;
	s25 =	ssub.s32 $0x2, s2;
	s2 =	sshll.u32 s2, $0x4  }
0xb: {  	s24 =	simm.s32 $0x6000;
	s4 =	sshrl.u32 s25, $0x1;
	s12 =	sor.u32 s2, s6  }
0xc: {  	v2 =	vlaneseq.u32;
	s2 =	simm.s32 $0xA000;
	s6 =	simm.s32 $0x1;
	s3 =	ssub.s32 s25, s4  }
0xd: {  	vm0 =	vmmov $0xffff;
	v1 =	vshrl.u32 v2, $0x3;
	s25 =	simm.s32 $0x6800;
	s4 =	simm.s32 $0xB800;
	s26 =	smax.u32 s3, $0x1  }
0xe: {  	v0 =	vand.u32 $0x7, v2;
	v2 =	vor.u32 $0x8, v2;
	v1 =	vmul.u32 $0x8, v1;
	s3 =	simm.s32 $0xB000;
	[dreg:$0x4] =	wrdreg s26;
	s26 =	simm.s32 $0x7000  }
.LBB2_1:
0xf: {  	[dreg:$0x5] =	wrdreg s13  }
0x10: {  	s13 =	rddreg [dreg:$0x2]  }
0x11: {  	p0 =	por $0x1, $0x1;
	s9 =	simm.s32 $0x0;
	s14 =	rddreg [dreg:$0x3]  }
.LBB2_2:
0x12: {  	s9 =	sor.u32 s12, s9  }
0x13: {  	s16 =	smov.u32 s15;
	s15 =	smov.u32 s12;
	s12 =	smul.u32 $0x300, s9  }
0x14: {  	_ = 	snop  }
0x15: {  	s12 =	sadd.s32 s13, s12  }
0x16: {  	[tilespmem:s1], [sflag:$0x2] =	stream.linear.gather [hbm4b:s12+s1], $0xC000, $0x38;
	[tilespmem:$0xC080] =	vst v63  }
0x17: {  	_ =	swait.ge [sflag:s11], $0xC000  }
0x18: {  	[sflag:s11] =	ssyncset.done $0x0  }
0x19: {  	s17 =	simm.s32 $0xC000;
	s12 =	sadd.s32 s14, s9;
	[sflag:s11] =	ssyncadd.s32 $0xFFFF4000  }
0x1a: {  	[tilespmem:s17], [sflag:$0x2] =	stream.linear.gather [hbm4b:s12+s1], $0x40, $0x38;
	[tilespmem:$0xC080] =	vst v63  }
0x1b: {  	_ =	swait.ge [sflag:s11], $0x40  }
0x1c: {  	[sflag:s11] =	ssyncset.done $0x0  }
0x1d: {  	[sflag:s11] =	ssyncadd.s32 $0xFFFFFFC0  }
0x1e: {  	v3 =	vld [tilespmem:$0xC000];
	_ =	sdelay $0x4  }
0x1f: {  	v4 =	vshrl.u32 v3, $0x3  }
0x20: {  	v4 =	vmul.u32 $0x30, v4  }
0x21: {  	v3 =	vand.u32 $0x7, v3  }
0x22: {  	v3 =	vor.u32 v3, v4  }
0x23: {  	v4 =	vperm.xlane v3, v0;
	_ =	sdelay $0x1  }
0x24: {  	v4 =	vadd.s32 v1, v4;
	_ =	sdelay $0x3  }
0x25: {  	v3 =	vperm.xlane v3, v2  }
0x26: {  	[hbm4b:s5+s1] =	stream.indirect_vreg.scatter [tilespmem:s1], [sflag:$0x1], $0x80, v4, vm0, $0xb8;
	[tilespmem:$0xC080] =	vst v63  }
0x27: {  	s17 =	simm.s32 $0x800;
	v3 =	vadd.s32 v1, v3  }
0x28: {  	[hbm4b:s7+s1] =	stream.indirect_vreg.scatter [tilespmem:s17], [sflag:$0x1], $0x80, v4, vm0, $0xb8;
	[tilespmem:$0xC080] =	vst v63  }
0x29: {  	s18 =	simm.s32 $0x1000  }
0x2a: {  	[hbm4b:s8+s1] =	stream.indirect_vreg.scatter [tilespmem:s18], [sflag:$0x1], $0x80, v4, vm0, $0xb8;
	[tilespmem:$0xC080] =	vst v63  }
0x2b: {  	s18 =	simm.s32 $0x1800  }
0x2c: {  	[hbm4b:s5+s1] =	stream.indirect_vreg.scatter [tilespmem:s18], [sflag:$0x1], $0x80, v3, vm0, $0xb8;
	[tilespmem:$0xC080] =	vst v63  }
0x2d: {  	s19 =	simm.s32 $0x2000  }
0x2e: {  	[hbm4b:s7+s1] =	stream.indirect_vreg.scatter [tilespmem:s19], [sflag:$0x1], $0x80, v3, vm0, $0xb8;
	[tilespmem:$0xC080] =	vst v63  }
0x2f: {  	s19 =	simm.s32 $0x2800  }
0x30: {  	[hbm4b:s8+s1] =	stream.indirect_vreg.scatter [tilespmem:s19], [sflag:$0x1], $0x80, v3, vm0, $0xb8;
	[tilespmem:$0xC080] =	vst v63  }
0x31: {  	v3 =	vld [tilespmem:$0xC010];
	_ =	sdelay $0x4  }
0x32: {  	v57 =	vshrl.u32 v3, $0x3  }
0x33: {  	v4 =	vmul.u32 $0x30, v57  }
0x34: {  	v3 =	vand.u32 $0x7, v3  }
0x35: {  	v3 =	vor.u32 v3, v4  }
0x36: {  	v4 =	vperm.xlane v3, v0;
	_ =	sdelay $0x1  }
0x37: {  	v4 =	vadd.s32 v1, v4;
	_ =	sdelay $0x3  }
0x38: {  	s20 =	simm.s32 $0x3000;
	v3 =	vperm.xlane v3, v2  }
0x39: {  	[hbm4b:s5+s1] =	stream.indirect_vreg.scatter [tilespmem:s20], [sflag:$0x1], $0x80, v4, vm0, $0xb8;
	[tilespmem:$0xC080] =	vst v63  }
0x3a: {  	v3 =	vadd.s32 v1, v3;
	s20 =	simm.s32 $0x3800  }
0x3b: {  	[hbm4b:s7+s1] =	stream.indirect_vreg.scatter [tilespmem:s20], [sflag:$0x1], $0x80, v4, vm0, $0xb8;
	[tilespmem:$0xC080] =	vst v63  }
0x3c: {  	s21 =	simm.s32 $0x4000  }
0x3d: {  	[hbm4b:s8+s1] =	stream.indirect_vreg.scatter [tilespmem:s21], [sflag:$0x1], $0x80, v4, vm0, $0xb8;
	[tilespmem:$0xC080] =	vst v63  }
0x3e: {  	s21 =	simm.s32 $0x4800  }
0x3f: {  	[hbm4b:s5+s1] =	stream.indirect_vreg.scatter [tilespmem:s21], [sflag:$0x1], $0x80, v3, vm0, $0xb8;
	[tilespmem:$0xC080] =	vst v63  }
0x40: {  	_ = 	snop  }
0x41: {  	[hbm4b:s7+s1] =	stream.indirect_vreg.scatter [tilespmem:s22], [sflag:$0x1], $0x80, v3, vm0, $0xb8;
	[tilespmem:$0xC080] =	vst v63  }
0x42: {  	_ = 	snop  }
0x43: {  	[hbm4b:s8+s1] =	stream.indirect_vreg.scatter [tilespmem:s23], [sflag:$0x1], $0x80, v3, vm0, $0xb8;
	[tilespmem:$0xC080] =	vst v63  }
0x44: {  	v3 =	vld [tilespmem:$0xC020];
	_ =	sdelay $0x4  }
0x45: {  	v58 =	vshrl.u32 v3, $0x3  }
0x46: {  	v4 =	vmul.u32 $0x30, v58  }
0x47: {  	v3 =	vand.u32 $0x7, v3  }
0x48: {  	v3 =	vor.u32 v3, v4  }
0x49: {  	v4 =	vperm.xlane v3, v0;
	_ =	sdelay $0x1  }
0x4a: {  	v4 =	vadd.s32 v1, v4;
	_ =	sdelay $0x3  }
0x4b: {  	v3 =	vperm.xlane v3, v2  }
0x4c: {  	[hbm4b:s5+s1] =	stream.indirect_vreg.scatter [tilespmem:s24], [sflag:$0x1], $0x80, v4, vm0, $0xb8;
	[tilespmem:$0xC080] =	vst v63  }
0x4d: {  	v3 =	vadd.s32 v1, v3  }
0x4e: {  	[hbm4b:s7+s1] =	stream.indirect_vreg.scatter [tilespmem:s25], [sflag:$0x1], $0x80, v4, vm0, $0xb8;
	[tilespmem:$0xC080] =	vst v63  }
0x4f: {  	_ = 	snop  }
0x50: {  	[hbm4b:s8+s1] =	stream.indirect_vreg.scatter [tilespmem:s26], [sflag:$0x1], $0x80, v4, vm0, $0xb8;
	[tilespmem:$0xC080] =	vst v63  }
0x51: {  	_ = 	snop  }
0x52: {  	[hbm4b:s5+s1] =	stream.indirect_vreg.scatter [tilespmem:s28], [sflag:$0x1], $0x80, v3, vm0, $0xb8;
	[tilespmem:$0xC080] =	vst v63  }
0x53: {  	_ = 	snop  }
0x54: {  	[hbm4b:s7+s1] =	stream.indirect_vreg.scatter [tilespmem:s29], [sflag:$0x1], $0x80, v3, vm0, $0xb8;
	[tilespmem:$0xC080] =	vst v63  }
0x55: {  	_ = 	snop  }
0x56: {  	[hbm4b:s8+s1] =	stream.indirect_vreg.scatter [tilespmem:s30], [sflag:$0x1], $0x80, v3, vm0, $0xb8;
	[tilespmem:$0xC080] =	vst v63  }
0x57: {  	v3 =	vld [tilespmem:$0xC030];
	_ =	sdelay $0x4  }
0x58: {  	v59 =	vshrl.u32 v3, $0x3  }
0x59: {  	v4 =	vmul.u32 $0x30, v59  }
0x5a: {  	v3 =	vand.u32 $0x7, v3  }
0x5b: {  	v3 =	vor.u32 v3, v4  }
0x5c: {  	v4 =	vperm.xlane v3, v0;
	_ =	sdelay $0x1  }
0x5d: {  	v4 =	vadd.s32 v1, v4;
	_ =	sdelay $0x3  }
0x5e: {  	v3 =	vperm.xlane v3, v2  }
0x5f: {  	[hbm4b:s5+s1] =	stream.indirect_vreg.scatter [tilespmem:s31], [sflag:$0x1], $0x80, v4, vm0, $0xb8;
	[tilespmem:$0xC080] =	vst v63  }
0x60: {  	v3 =	vadd.s32 v1, v3  }
0x61: {  	[hbm4b:s7+s1] =	stream.indirect_vreg.scatter [tilespmem:s0], [sflag:$0x1], $0x80, v4, vm0, $0xb8;
	[tilespmem:$0xC080] =	vst v63  }
0x62: {  	_ = 	snop  }
0x63: {  	[hbm4b:s8+s1] =	stream.indirect_vreg.scatter [tilespmem:s2], [sflag:$0x1], $0x80, v4, vm0, $0xb8;
	[tilespmem:$0xC080] =	vst v63  }
0x64: {  	_ = 	snop  }
0x65: {  	[hbm4b:s5+s1] =	stream.indirect_vreg.scatter [tilespmem:s10], [sflag:$0x1], $0x80, v3, vm0, $0xb8;
	[tilespmem:$0xC080] =	vst v63  }
0x66: {  	_ = 	snop  }
0x67: {  	[hbm4b:s7+s1] =	stream.indirect_vreg.scatter [tilespmem:s3], [sflag:$0x1], $0x80, v3, vm0, $0xb8;
	[tilespmem:$0xC080] =	vst v63  }
0x68: {  	_ = 	snop  }
0x69: {  	[hbm4b:s8+s1] =	stream.indirect_vreg.scatter [tilespmem:s4], [sflag:$0x1], $0x80, v3, vm0, $0xb8;
	[tilespmem:$0xC080] =	vst v63  }
0x6a: {  	_ =	swait.ge [sflag:s6], $0xC000  }
0x6b: {  	s12 =	smov.u32 s15;
	s15 =	smov.u32 s16;
	[sflag:s6] =	ssyncset.done $0x0  }
0x6c: {  	s16 =	simm.s32 $0xC000;
	s9 =	sadd.s32 s9, s15;
	[sflag:s6] =	ssyncadd.s32 $0xFFFF4000  }
0x6d: {  	[tilespmem:s16], [sflag:$0x2] =	stream.linear.gather [hbm4b:s9+s1], $0x40, $0x38;
	[tilespmem:$0xC080] =	vst v63  }
0x6e: {  	_ =	swait.ge [sflag:s11], $0x40  }
0x6f: {  	[sflag:s11] =	ssyncset.done $0x0  }
0x70: {  	[sflag:s11] =	ssyncadd.s32 $0xFFFFFFC0  }
0x71: {  	v3 =	vld [tilespmem:$0xC000];
	_ =	sdelay $0x4  }
0x72: {  	v60 =	vshrl.u32 v3, $0x3  }
0x73: {  	v4 =	vmul.u32 $0x30, v60  }
0x74: {  	v3 =	vand.u32 $0x7, v3  }
0x75: {  	v3 =	vor.u32 v3, v4  }
0x76: {  	v4 =	vperm.xlane v3, v0;
	_ =	sdelay $0x1  }
0x77: {  	v4 =	vadd.s32 v1, v4;
	_ =	sdelay $0x3  }
0x78: {  	v3 =	vperm.xlane v3, v2  }
0x79: {  	[hbm4b:s5+s1] =	stream.indirect_vreg.scatter [tilespmem:s1], [sflag:$0x1], $0x80, v4, vm0, $0xb8;
	[tilespmem:$0xC080] =	vst v63  }
0x7a: {  	v3 =	vadd.s32 v1, v3  }
0x7b: {  	[hbm4b:s7+s1] =	stream.indirect_vreg.scatter [tilespmem:s17], [sflag:$0x1], $0x80, v4, vm0, $0xb8;
	[tilespmem:$0xC080] =	vst v63  }
0x7c: {  	s9 =	simm.s32 $0x1000  }
0x7d: {  	[hbm4b:s8+s1] =	stream.indirect_vreg.scatter [tilespmem:s9], [sflag:$0x1], $0x80, v4, vm0, $0xb8;
	[tilespmem:$0xC080] =	vst v63  }
0x7e: {  	_ = 	snop  }
0x7f: {  	[hbm4b:s5+s1] =	stream.indirect_vreg.scatter [tilespmem:s18], [sflag:$0x1], $0x80, v3, vm0, $0xb8;
	[tilespmem:$0xC080] =	vst v63  }
0x80: {  	s16 =	simm.s32 $0x2000  }
0x81: {  	[hbm4b:s7+s1] =	stream.indirect_vreg.scatter [tilespmem:s16], [sflag:$0x1], $0x80, v3, vm0, $0xb8;
	[tilespmem:$0xC080] =	vst v63  }
0x82: {  	_ = 	snop  }
0x83: {  	[hbm4b:s8+s1] =	stream.indirect_vreg.scatter [tilespmem:s19], [sflag:$0x1], $0x80, v3, vm0, $0xb8;
	[tilespmem:$0xC080] =	vst v63  }
0x84: {  	v3 =	vld [tilespmem:$0xC010];
	_ =	sdelay $0x4  }
0x85: {  	v61 =	vshrl.u32 v3, $0x3  }
0x86: {  	v4 =	vmul.u32 $0x30, v61  }
0x87: {  	v3 =	vand.u32 $0x7, v3  }
0x88: {  	v3 =	vor.u32 v3, v4  }
0x89: {  	v4 =	vperm.xlane v3, v0;
	_ =	sdelay $0x1  }
0x8a: {  	v4 =	vadd.s32 v1, v4;
	_ =	sdelay $0x3  }
0x8b: {  	s18 =	simm.s32 $0x3000;
	v3 =	vperm.xlane v3, v2  }
0x8c: {  	[hbm4b:s5+s1] =	stream.indirect_vreg.scatter [tilespmem:s18], [sflag:$0x1], $0x80, v4, vm0, $0xb8;
	[tilespmem:$0xC080] =	vst v63  }
0x8d: {  	v3 =	vadd.s32 v1, v3  }
0x8e: {  	[hbm4b:s7+s1] =	stream.indirect_vreg.scatter [tilespmem:s20], [sflag:$0x1], $0x80, v4, vm0, $0xb8;
	[tilespmem:$0xC080] =	vst v63  }
0x8f: {  	s17 =	simm.s32 $0x4000  }
0x90: {  	[hbm4b:s8+s1] =	stream.indirect_vreg.scatter [tilespmem:s17], [sflag:$0x1], $0x80, v4, vm0, $0xb8;
	[tilespmem:$0xC080] =	vst v63  }
0x91: {  	_ = 	snop  }
0x92: {  	[hbm4b:s5+s1] =	stream.indirect_vreg.scatter [tilespmem:s21], [sflag:$0x1], $0x80, v3, vm0, $0xb8;
	[tilespmem:$0xC080] =	vst v63  }
0x93: {  	_ = 	snop  }
0x94: {  	[hbm4b:s7+s1] =	stream.indirect_vreg.scatter [tilespmem:s22], [sflag:$0x1], $0x80, v3, vm0, $0xb8;
	[tilespmem:$0xC080] =	vst v63  }
0x95: {  	_ = 	snop  }
0x96: {  	[hbm4b:s8+s1] =	stream.indirect_vreg.scatter [tilespmem:s23], [sflag:$0x1], $0x80, v3, vm0, $0xb8;
	[tilespmem:$0xC080] =	vst v63  }
0x97: {  	v3 =	vld [tilespmem:$0xC020];
	_ =	sdelay $0x4  }
0x98: {  	v62 =	vshrl.u32 v3, $0x3  }
0x99: {  	v4 =	vmul.u32 $0x30, v62  }
0x9a: {  	v3 =	vand.u32 $0x7, v3  }
0x9b: {  	v3 =	vor.u32 v3, v4  }
0x9c: {  	v4 =	vperm.xlane v3, v0;
	_ =	sdelay $0x1  }
0x9d: {  	v4 =	vadd.s32 v1, v4;
	_ =	sdelay $0x3  }
0x9e: {  	v3 =	vperm.xlane v3, v2  }
0x9f: {  	[hbm4b:s5+s1] =	stream.indirect_vreg.scatter [tilespmem:s24], [sflag:$0x1], $0x80, v4, vm0, $0xb8;
	[tilespmem:$0xC080] =	vst v63  }
0xa0: {  	v3 =	vadd.s32 v1, v3  }
0xa1: {  	[hbm4b:s7+s1] =	stream.indirect_vreg.scatter [tilespmem:s25], [sflag:$0x1], $0x80, v4, vm0, $0xb8;
	[tilespmem:$0xC080] =	vst v63  }
0xa2: {  	_ = 	snop  }
0xa3: {  	[hbm4b:s8+s1] =	stream.indirect_vreg.scatter [tilespmem:s26], [sflag:$0x1], $0x80, v4, vm0, $0xb8;
	[tilespmem:$0xC080] =	vst v63  }
0xa4: {  	_ = 	snop  }
0xa5: {  	[hbm4b:s5+s1] =	stream.indirect_vreg.scatter [tilespmem:s28], [sflag:$0x1], $0x80, v3, vm0, $0xb8;
	[tilespmem:$0xC080] =	vst v63  }
0xa6: {  	_ = 	snop  }
0xa7: {  	[hbm4b:s7+s1] =	stream.indirect_vreg.scatter [tilespmem:s29], [sflag:$0x1], $0x80, v3, vm0, $0xb8;
	[tilespmem:$0xC080] =	vst v63  }
0xa8: {  	_ = 	snop  }
0xa9: {  	[hbm4b:s8+s1] =	stream.indirect_vreg.scatter [tilespmem:s30], [sflag:$0x1], $0x80, v3, vm0, $0xb8;
	[tilespmem:$0xC080] =	vst v63  }
0xaa: {  	v3 =	vld [tilespmem:$0xC030];
	_ =	sdelay $0x4  }
0xab: {  	v63 =	vshrl.u32 v3, $0x3  }
0xac: {  	v4 =	vmul.u32 $0x30, v63  }
0xad: {  	v3 =	vand.u32 $0x7, v3  }
0xae: {  	v3 =	vor.u32 v3, v4  }
0xaf: {  	v4 =	vperm.xlane v3, v0;
	_ =	sdelay $0x1  }
0xb0: {  	v4 =	vadd.s32 v1, v4;
	_ =	sdelay $0x3  }
0xb1: {  	v3 =	vperm.xlane v3, v2  }
0xb2: {  	[hbm4b:s5+s1] =	stream.indirect_vreg.scatter [tilespmem:s31], [sflag:$0x1], $0x80, v4, vm0, $0xb8;
	[tilespmem:$0xC080] =	vst v63  }
0xb3: {  	v3 =	vadd.s32 v1, v3  }
0xb4: {  	[hbm4b:s7+s1] =	stream.indirect_vreg.scatter [tilespmem:s0], [sflag:$0x1], $0x80, v4, vm0, $0xb8;
	[tilespmem:$0xC080] =	vst v63  }
0xb5: {  	_ = 	snop  }
0xb6: {  	[hbm4b:s8+s1] =	stream.indirect_vreg.scatter [tilespmem:s2], [sflag:$0x1], $0x80, v4, vm0, $0xb8;
	[tilespmem:$0xC080] =	vst v63  }
0xb7: {  	_ = 	snop  }
0xb8: {  	[hbm4b:s5+s1] =	stream.indirect_vreg.scatter [tilespmem:s10], [sflag:$0x1], $0x80, v3, vm0, $0xb8;
	[tilespmem:$0xC080] =	vst v63  }
0xb9: {  	p1 =	por p0, p0  }
0xba: {  	[hbm4b:s7+s1] =	stream.indirect_vreg.scatter [tilespmem:s3], [sflag:$0x1], $0x80, v3, vm0, $0xb8;
	[tilespmem:$0xC080] =	vst v63  }
.Ltmp0:
0xbb: {  	_ = 	snop;
	(pc) =	sbr.rel @p1 .LBB2_2-.Ltmp0, $4  }
0xbc: {  	[hbm4b:s8+s1] =	stream.indirect_vreg.scatter [tilespmem:s4], [sflag:$0x1], $0x80, v3, vm0, $0xb8;
	[tilespmem:$0xC080] =	vst v63  }
0xbd: {  	_ =	swait.ge [sflag:s6], $0xC000  }
0xbe: {  	[sflag:s6] =	ssyncset.done $0x0  }
0xbf: {  	p0 =	por $0x0, $0x0;
	s9 =	simm.s32 $0x8;
	[sflag:s6] =	ssyncadd.s32 $0xFFFF4000  }
0xc0: {  	s13 =	rddreg [dreg:$0x5]  }
0xc1: {  	s9 =	rddreg [dreg:$0x4];
	s13 =	sadd.s32 $0x1, s13  }
0xc2: {  	p0 =	sne.s32 s13, s9  }
.Ltmp1:
0xc3: {  	_ = 	snop;
	(pc) =	sbr.rel @p0 .LBB2_1-.Ltmp1, $1  }
0xc4: {  	_ =	sdelay $0x3  }
0xc5: {  	_ =	sfence.sel $0x180000  }
0xc6: {  	[bflag:$0x0] =	sbarrier.arrive $0xFFFF  }
0xc7: {  	_ =	strace $0x9000004D  }
0xc8: {  	s0 =	stileid.u32;
	[bflag:$0x2] =	sbarrier.arrive $0xFFFF  }
0xc9: {  	p0 =	sne.s32 s0, $0x0;
	s0 =	rddreg [dreg:$0x1]  }
0xca: {  	s0 =	sadd.s32 @!p0 $0x100000, s0  }
0xcb: {  	[sflag:s0] =	ssyncadd.tile.s32 @!p0 $0x1;
	_ =	shalt  }
.Lfunc_end2:
_tile_overlayer_lowered:
.L_overlay_start_2:
0xcc: {  	(tag) =	ssettag $0x2  }
0xcd: {  	s0 =	rddreg [dreg:$0x0];
	s2 =	stileid.u32  }
0xce: {  	s1 =	rddreg [dreg:$0x1];
	p0 =	sne.s32 s2, $0x0  }
0xcf: {  	s3 =	rddreg [dreg:$0x2];
	[bflag:$0x3] =	sbarrier.arrive $0xFFFF;
	s2 =	simm.s32 @!p0 $0x1C02  }
0xd0: {  	[timem:s3], [sflag:s2] =	dma.local @!p0 [hbm:s0], s1  }
0xd1: {  	s0 =	simm.s32 @!p0 $0x2  }
0xd2: {  	_ =	swait.ge @!p0 [sflag:s0], s1  }
0xd3: {  	s1 =	ssub.s32 @!p0 $0x0, s1;
	[sflag:s0] =	ssyncset.done @!p0 $0x0  }
0xd4: {  	[sflag:s0] =	ssyncadd.s32 @!p0 s1  }
0xd5: {  	[bflag:$0x3] =	sbarrier.arrive $0xFFFF  }
0xd6: {  	_ =	shalt  }

// kernel: kernel.40.cloned.1.call-start
scs
__scs_entry_jumppad:
0x0: {  	(pc) =	sbr.rel $0x88, $3  }
0x1: {  	(tag) =	ssettag $0x0;
	lr =	simm.s32 $0x1  }
0x2: {  	[smem:$0x3F89] =	sst lr;
	_ =	strace $0xD0000000  }
0x3: {  	_ = 	snop  }
0x4: {  	_ = 	snop  }
0x5: {  	_ = 	snop  }
0x6: {  	_ = 	snop  }
0x7: {  	_ = 	snop  }
__scs_overlays_trampoline_lowered:
0x8: {  	[smem:$0x3F98] =	sst s0  }
0x9: {  	[smem:$0x3F99] =	sst s1  }
0xa: {  	[smem:$0x3F9A] =	sst s2  }
0xb: {  	[smem:$0x3F9B] =	sst s3  }
0xc: {  	[smem:$0x3F9C] =	sst s4  }
0xd: {  	[smem:$0x3F9D] =	sst s5  }
0xe: {  	[smem:$0x3F9E] =	sst s6  }
0xf: {  	[smem:$0x3F9F] =	sst s7  }
0x10: {  	[smem:$0x3FA0] =	sst s8  }
0x11: {  	[smem:$0x3FA1] =	sst s9;
	s0 =	simm.s32 @!p0 $0x0  }
0x12: {  	s1 =	sld [smem:$0x3F87];
	s0 =	simm.s32 @p0 $0x1  }
0x13: {  	[smem:$0x3FA2] =	sst s0;
	s0 =	simm.s32 @!p1 $0x0  }
0x14: {  	s2 =	sld [smem:$0x3F86];
	s0 =	simm.s32 @p1 $0x1  }
0x15: {  	[smem:$0x3FA3] =	sst s0;
	s0 =	simm.s32 @!p2 $0x0  }
0x16: {  	s3 =	sld [smem:$0x3FDB];
	s0 =	simm.s32 @p2 $0x1  }
0x17: {  	s4 =	simm.s32 $0x1BF5;
	[smem:$0x3FA5] =	sst s0  }
0x18: {  	s0 =	sld [smem:$0x3F88];
	_ =	swait.ge [sflag:s4], $0x0  }
0x19: {  	s7 =	sld [smem:$0x3F89]  }
0x1a: {  	s8 =	sadd.s32 $0xFFFFE003, lr  }
0x1b: {  	s9 =	sadd.s32 $0xFFFFFEF7, lr;
	s5 =	simm.s32 $0xFFFFFFFF;
	p2 =	slt.u32 s8, $0xFFFFF086  }
0x1c: {  	p1 =	slt.u32 s9, $0xF7A;
	s5 =	simm.s32 @!p2 $0x0  }
0x1d: {  	s5 =	simm.s32 @p1 $0x1;
	p0 =	seq.s32 s7, s2  }
0x1e: {  	s7 =	smul.u32 @!p0 $0xF7A, s2;
	p2 =	seq.s32 @!p0 s5, $0x0  }
0x1f: {  	s9 =	smul.u32 $0xF7A, s1;
	s8 =	simm.s32 @!p0 $0x1BF5;
	p2 =	por !p2, p0  }
0x20: {  	[sflag:s8] =	ssyncset.s32 @!p0 $0xFFFFF086;
	s6 =	sadd.s32 @!p0 s3, s7;
	s7 =	simm.s32 @!p0 $0x108  }
0x21: {  	s3 =	sadd.s32 s3, s9;
	s6 =	sadd.s32 @!p0 $0x88, s6;
	s7 =	simm.s32 @p2 $0x1082  }
0x22: {  	[simem:s7], [sflag:s8] =	dma.local @!p0 [hbm:s6], $0xF7A  }
0x23: {  	s9 =	sor.u32 $0xD0000000, s2;
	s6 =	simm.s32 $0x108;
	_ =	swait.ge @!p0 [sflag:s8], $0x0  }
0x24: {  	s3 =	sadd.s32 $0x88, s3;
	s6 =	simm.s32 @!p1 $0x1082;
	[sflag:s4] =	ssyncset.s32 $0xFFFFF086  }
0x25: {  	[simem:s6], [sflag:s4] =	dma.local [hbm:s3], $0xF7A  }
0x26: {  	[smem:$0x3F89] =	sst s1;
	(tag) =	ssettag s2;
	_ =	strace s9  }
0x27: {  	s1 =	sld [smem:$0x3F99]  }
0x28: {  	s2 =	sld [smem:$0x3F9A]  }
0x29: {  	s4 =	sld [smem:$0x3F9C]  }
0x2a: {  	p0 =	seq.s32 s5, $0x0;
	s5 =	sld [smem:$0x3F9D]  }
0x2b: {  	s6 =	sld [smem:$0x3F9E]  }
0x2c: {  	s7 =	sld [smem:$0x3F9F]  }
0x2d: {  	s3 =	simm.s32 $0x108;
	s8 =	sld [smem:$0x3FA0]  }
0x2e: {  	s3 =	simm.s32 @!p0 $0x1082;
	s9 =	sld [smem:$0x3FA1]  }
0x2f: {  	lr =	sadd.s32 s0, s3;
	s0 =	sld [smem:$0x3F98]  }
0x30: {  	s3 =	sld [smem:$0x3F9B]  }
0x31: {  	[smem:$0x3FA4] =	sst s10  }
0x32: {  	s10 =	sld [smem:$0x3FA2];
	_ =	sdelay $0x3  }
0x33: {  	p0 =	seq.s32 s10, $0x1;
	s10 =	sld [smem:$0x3FA4];
	_ =	sdelay $0x3  }
0x34: {  	[smem:$0x3FA4] =	sst s10  }
0x35: {  	s10 =	sld [smem:$0x3FA3];
	_ =	sdelay $0x3  }
0x36: {  	p1 =	seq.s32 s10, $0x1;
	s10 =	sld [smem:$0x3FA4];
	_ =	sdelay $0x3  }
0x37: {  	[smem:$0x3FA4] =	sst s10  }
0x38: {  	s10 =	sld [smem:$0x3FA5]  }
0x39: {  	_ = 	snop;
	(pc) =	sbr.ind lr, $3  }
0x3a: {  	_ = 	snop  }
0x3b: {  	_ = 	snop  }
0x3c: {  	p2 =	seq.s32 s10, $0x1;
	s10 =	sld [smem:$0x3FA4]  }
0x3d: {  	_ =	shalt  }
0x3e: {  	_ =	shalt  }
0x3f: {  	_ =	shalt  }
0x40: {  	_ =	shalt  }
0x41: {  	_ =	shalt  }
0x42: {  	_ =	shalt  }
0x43: {  	_ =	shalt  }
0x44: {  	_ =	shalt  }
0x45: {  	_ =	shalt  }
0x46: {  	_ =	shalt  }
0x47: {  	_ =	shalt  }
0x48: {  	_ =	shalt  }
0x49: {  	_ =	shalt  }
0x4a: {  	_ =	shalt  }
0x4b: {  	_ =	shalt  }
0x4c: {  	_ =	shalt  }
0x4d: {  	_ =	shalt  }
0x4e: {  	_ =	shalt  }
0x4f: {  	_ =	shalt  }
0x50: {  	_ =	shalt  }
0x51: {  	_ =	shalt  }
0x52: {  	_ =	shalt  }
0x53: {  	_ =	shalt  }
0x54: {  	_ =	shalt  }
0x55: {  	_ =	shalt  }
0x56: {  	_ =	shalt  }
0x57: {  	_ =	shalt  }
0x58: {  	_ =	shalt  }
0x59: {  	_ =	shalt  }
0x5a: {  	_ =	shalt  }
0x5b: {  	_ =	shalt  }
0x5c: {  	_ =	shalt  }
0x5d: {  	_ =	shalt  }
0x5e: {  	_ =	shalt  }
0x5f: {  	_ =	shalt  }
0x60: {  	_ =	shalt  }
0x61: {  	_ =	shalt  }
0x62: {  	_ =	shalt  }
0x63: {  	_ =	shalt  }
0x64: {  	_ =	shalt  }
0x65: {  	_ =	shalt  }
0x66: {  	_ =	shalt  }
0x67: {  	_ =	shalt  }
0x68: {  	_ =	shalt  }
0x69: {  	_ =	shalt  }
0x6a: {  	_ =	shalt  }
0x6b: {  	_ =	shalt  }
0x6c: {  	_ =	shalt  }
0x6d: {  	_ =	shalt  }
0x6e: {  	_ =	shalt  }
0x6f: {  	_ =	shalt  }
0x70: {  	_ =	shalt  }
0x71: {  	_ =	shalt  }
0x72: {  	_ =	shalt  }
0x73: {  	_ =	shalt  }
0x74: {  	_ =	shalt  }
0x75: {  	_ =	shalt  }
0x76: {  	_ =	shalt  }
0x77: {  	_ =	shalt  }
0x78: {  	_ =	shalt  }
0x79: {  	_ =	shalt  }
0x7a: {  	_ =	shalt  }
0x7b: {  	_ =	shalt  }
0x7c: {  	_ =	shalt  }
0x7d: {  	_ =	shalt  }
0x7e: {  	_ =	shalt  }
0x7f: {  	_ =	shalt  }
0x80: {  	_ =	shalt  }
0x81: {  	_ =	shalt  }
0x82: {  	_ =	shalt  }
0x83: {  	_ =	shalt  }
0x84: {  	_ =	shalt  }
0x85: {  	_ =	shalt  }
0x86: {  	_ =	shalt  }
0x87: {  	_ =	shalt  }
.Lfunc_end0:
.L_simem_size_0:
called_computation.3_lowered:
.L_overlay_start_0:
0x88: {  	s2 =	sld [smem:$0x3FD9]  }
0x89: {  	s3 =	sld [smem:$0x3FFE];
	_ =	sdelay $0x1  }
0x8a: {  	s1 =	srdreg.scid  }
0x8b: {  	s0 =	sand.u32 $0x1, s1  }
0x8c: {  	s16 =	sshll.u32 s0, $0xA;
	s2 =	sadd.s32 s3, s2  }
0x8d: {  	s2 =	sadd.s32 s2, s16  }
0x8e: {  	[smem:$0x3FB0] =	sst s2  }
0x8f: {  	_ = 	snop  }
0x90: {  	(tm) =	ssettm $0x1  }
0x91: {  	s17 =	sld [smem:$0x3FFB];
	_ =	sdelay $0x3  }
0x92: {  	_ =	strace s17  }
0x93: {  	s2 =	sld [smem:$0x3FFC];
	_ =	sdelay $0x3  }
0x94: {  	_ =	strace s2  }
0x95: {  	s2 =	sld [smem:$0x3FFD];
	_ =	sdelay $0x3  }
0x96: {  	_ =	strace s2  }
0x97: {  	_ =	strace $0x8FFFFFFF  }
0x98: {  	s18 =	sld [smem:$0x3FDB];
	_ =	sdelay $0x1  }
0x99: {  	s19 =	simm.s32 $_scs_section_size  }
0x9a: {  	s4 =	simm.s32 $_size__tile_overlayer_lowered;
	s5 =	simm.s32 $_tile_overlayer_lowered  }
0x9b: {  	s22 =	simm.s32 $0x1BFF;
	s21 =	sshll.u32 s5, $0x1;
	s2 =	sadd.s32 s19, s18  }
0x9c: {  	s6 =	simm.s32 $0x0;
	s20 =	sshll.u32 s4, $0x1;
	s4 =	sadd.s32 s21, s2  }
0x9d: {  	[timem:s6], [sflag:s22] =	dma.local [hbm:s4], s20  }
0x9e: {  	_ =	swait.ge [sflag:s22], s20  }
0x9f: {  	s3 =	ssub.s32 $0x0, s20;
	[sflag:s22] =	ssyncset.done $0x0  }
0xa0: {  	[sflag:s22] =	ssyncadd.s32 s3;
	_ =	sdelay $0x1  }
0xa1: {  	s23 =	simm.s32 $0x1B8B  }
0xa2: {  	_ =	swait.ge [sflag:s23], $0x1  }
0xa3: {  	[sflag:s23] =	ssyncset.done $0x0  }
0xa4: {  	s25 =	simm.s32 $0x1B8E;
	s24 =	sld [smem:$0x3FFE];
	[sflag:s23] =	ssyncadd.s32 $0xFFFFFFFF  }
0xa5: {  	s26 =	simm.s32 $execute0_lowered;
	[smem:$0x3FD2] =	sst s25  }
0xa6: {  	s4 =	sshll.u32 s26, $0x1;
	_ =	strace $0x8000004F;
	[dreg:$0x1] =	wrdreg $0xFFFFFFFF  }
0xa7: {  	s28 =	simm.s32 $_size_execute0_lowered;
	s2 =	sadd.s32 s2, s4;
	[dreg:$0x0] =	wrdreg $0x0  }
0xa8: {  	s4 =	sshll.u32 s28, $0x1;
	[dreg:$0x2] =	wrdreg s2  }
0xa9: {  	[dreg:$0x3] =	wrdreg s4  }
0xaa: {  	[dreg:$0x4] =	wrdreg $0xC0  }
0xab: {  	_ =	task [dreg:s6], $0x5FFFF  }
0xac: {  	[dreg:$0x1] =	wrdreg $0xFFFFFFFF  }
0xad: {  	[dreg:$0x0] =	wrdreg $0x60  }
0xae: {  	[dreg:$0x2] =	wrdreg s24  }
0xaf: {  	[dreg:$0x3] =	wrdreg $0x9  }
0xb0: {  	_ =	task.clear_ibuf [dreg:s6], $0x4FFFF;
	_ =	strace $0x9000004F  }
0xb1: {  	s29 =	simm.s32 $0x9;
	_ =	strace $0x80000051  }
0xb2: {  	_ =	swait.ge [sflag:s29], $0x1  }
0xb3: {  	[sflag:s29] =	ssyncadd.s32 $0xFFFFFFFF  }
0xb4: {  	_ =	strace $0x90000051  }
0xb5: {  	_ =	sfence  }
0xb6: {  	s30 =	sld [smem:$0x0];
	_ =	sdelay $0x2  }
0xb7: {  	s31 =	sshll.u32 s1, $0xD;
	s1 =	sshrl.u32 s1, $0x2  }
0xb8: {  	s3 =	sand.u32 $0x4000, s31;
	s1 =	sadd.s32 s1, s30  }
0xb9: {  	s0 =	sor.u32 s3, s0;
	s1 =	sshll.u32 s1, $0x11  }
0xba: {  	s0 =	sor.u32 s1, s0  }
0xbb: {  	s0 =	sadd.s32 $0x8F2B, s0  }
0xbc: {  	[sflag:s0] =	ssyncadd.remote.s32 $0x1  }
0xbd: {  	_ =	sfence.sel $0xFFFF  }
0xbe: {  	[dreg:$0x0] =	wrdreg $0xFFFFFFFF;
	(pc) =	sbr.abs _section_cstart, $3  }
0xbf: {  	[dreg:$0x1] =	wrdreg $0xFFFFFFFF  }
0xc0: {  	_ =	task.clear_ibuf [dreg:s6], $0x2FFFF;
	_ =	strace $0x9FFFFFFF  }
0xc1: {  	(tm) =	ssettm $0x7FFFFFFF  }
tec
execute0_lowered:
.L_overlay_start_1:
0x0: {  	(tag) =	ssettag $0x1  }
0x1: {  	s0 =	rddreg [dreg:$0x0];
	s2 =	simm.s32 $0x0;
	s1 =	stileid.u32  }
0x2: {  	s3 =	srdreg.scid;
	s19 =	simm.s32 $0x80;
	s9 =	simm.s32 $0x900  }
0x3: {  	s20 =	simm.s32 $0x1100;
	s22 =	simm.s32 $0x1900;
	s24 =	simm.s32 $0x2100  }
0x4: {  	s26 =	simm.s32 $0x2900;
	s30 =	simm.s32 $0x3100;
	s31 =	simm.s32 $0x3900  }
0x5: {  	s10 =	simm.s32 $0x100;
	s11 =	simm.s32 $0x4100;
	s12 =	simm.s32 $0x4900  }
0x6: {  	s13 =	simm.s32 $0x5100;
	s14 =	simm.s32 $0x5900;
	[smem:$0x7FF] =	sst s2  }
0x7: {  	s15 =	simm.s32 $0x1;
	_ =	strace $0x80000050;
	[dreg:$0x3] =	wrdreg s19  }
0x8: {  	s16 =	simm.s32 $0x6100;
	s28 =	simm.s32 $0xB900;
	[dreg:$0x4] =	wrdreg s9  }
0x9: {  	s29 =	simm.s32 $0x0;
	s4 =	sshll.u32 s1, $0x5;
	[dreg:$0x5] =	wrdreg s20  }
0xa: {  	s6 =	sand.u32 $0x1, s3;
	s5 =	smul.u32 $0x6000, s1;
	[dreg:$0x6] =	wrdreg s22  }
0xb: {  	s3 =	sadd.s32 $0x1F4800, s0;
	s4 =	sadd.s32 s4, s0;
	[dreg:$0x7] =	wrdreg s24  }
0xc: {  	s7 =	sshll.u32 s6, $0x4;
	s8 =	ssub.s32 $0x2, s6;
	[dreg:$0x8] =	wrdreg s26  }
0xd: {  	s21 =	smul.u32 $0x3000, s6;
	[dreg:$0x9] =	wrdreg s30;
	s9 =	simm.s32 $0x2  }
0xe: {  	[dreg:$0xa] =	wrdreg s31;
	s19 =	simm.s32 $0x7900;
	s20 =	simm.s32 $0x8100  }
0xf: {  	s22 =	simm.s32 $0x9100;
	s24 =	simm.s32 $0xA100;
	s26 =	simm.s32 $0xB100  }
0x10: {  	s4 =	sadd.s32 s7, s4;
	s17 =	sadd.s32 s5, s0;
	s18 =	sshrl.u32 s8, $0x1  }
0x11: {  	s5 =	sadd.s32 $0x1F4A00, s0;
	s4 =	sadd.s32 $0x11A00, s4;
	s8 =	ssub.s32 s8, s18  }
0x12: {  	s25 =	sadd.s32 s21, s17;
	s17 =	simm.s32 $0x6900;
	s18 =	simm.s32 $0x7100  }
0x13: {  	v2 =	vlaneseq.u32;
	s21 =	simm.s32 $0x8900;
	[dreg:$0x2] =	wrdreg s4;
	s4 =	sadd.s32 $0x1F4900, s0  }
0x14: {  	vm0 =	vmmov $0xffff;
	v1 =	vshrl.u32 v2, $0x3;
	s23 =	smax.u32 s8, $0x1;
	s7 =	sadd.s32 $0x104800, s25;
	s8 =	sadd.s32 $0x164800, s25  }
0x15: {  	v0 =	vand.u32 $0x7, v2;
	v2 =	vor.u32 $0x8, v2;
	v1 =	vmul.u32 $0x8, v1;
	s25 =	simm.s32 $0xA900;
	[dreg:$0xb] =	wrdreg s23;
	s23 =	simm.s32 $0x9900  }
.LBB2_1:
0x16: {  	s30 =	smov.u32 s8;
	s31 =	smov.u32 s7;
	s0 =	simm.s32 $0x0  }
.LBB2_2:
0x17: {  	s1 =	rddreg [dreg:$0x2]  }
0x18: {  	s1 =	sadd.s32 s0, s1  }
0x19: {  	[tilespmem:s2], [sflag:$0x2] =	stream.linear.gather [hbm4b:s1+s2], $0x20, $0x38;
	[tilespmem:$0xC100] =	vst v63  }
0x1a: {  	_ =	swait.ge [sflag:s9], $0x20  }
0x1b: {  	[sflag:s9] =	ssyncset.done $0x0  }
0x1c: {  	s1 =	sadd.s32 $0x200, s1;
	s6 =	rddreg [dreg:$0x3];
	[sflag:s9] =	ssyncadd.s32 $0xFFFFFFE0  }
0x1d: {  	[tilespmem:s6], [sflag:$0x2] =	stream.linear.gather [hbm4b:s1+s2], $0x20, $0x38;
	[tilespmem:$0xC100] =	vst v63  }
0x1e: {  	_ =	swait.ge [sflag:s9], $0x20  }
0x1f: {  	[sflag:s9] =	ssyncset.done $0x0  }
0x20: {  	[sflag:s9] =	ssyncadd.s32 $0xFFFFFFE0  }
0x21: {  	v3 =	vld [tilespmem:$0x0];
	_ =	sdelay $0x4  }
0x22: {  	v4 =	vshrl.u32 v3, $0x3  }
0x23: {  	v4 =	vmul.u32 $0x30, v4  }
0x24: {  	v3 =	vand.u32 $0x7, v3  }
0x25: {  	v3 =	vor.u32 v3, v4  }
0x26: {  	v4 =	vperm.xlane v3, v0;
	_ =	sdelay $0x1  }
0x27: {  	v4 =	vadd.s32 v1, v4;
	_ =	sdelay $0x3  }
0x28: {  	v3 =	vperm.xlane v3, v2  }
0x29: {  	[tilespmem:s10], [sflag:$0x1] =	stream.indirect_vreg.gather [hbm4b:s3+s2], $0x80, v4, vm0, $0xb8;
	[tilespmem:$0xC100] =	vst v63  }
0x2a: {  	s1 =	rddreg [dreg:$0x4];
	v3 =	vadd.s32 v1, v3  }
0x2b: {  	[tilespmem:s1], [sflag:$0x1] =	stream.indirect_vreg.gather [hbm4b:s4+s2], $0x80, v4, vm0, $0xb8;
	[tilespmem:$0xC100] =	vst v63  }
0x2c: {  	s6 =	rddreg [dreg:$0x5]  }
0x2d: {  	[tilespmem:s6], [sflag:$0x1] =	stream.indirect_vreg.gather [hbm4b:s5+s2], $0x80, v4, vm0, $0xb8;
	[tilespmem:$0xC100] =	vst v63  }
0x2e: {  	s1 =	rddreg [dreg:$0x6]  }
0x2f: {  	[tilespmem:s1], [sflag:$0x1] =	stream.indirect_vreg.gather [hbm4b:s3+s2], $0x80, v3, vm0, $0xb8;
	[tilespmem:$0xC100] =	vst v63  }
0x30: {  	s6 =	rddreg [dreg:$0x7]  }
0x31: {  	[tilespmem:s6], [sflag:$0x1] =	stream.indirect_vreg.gather [hbm4b:s4+s2], $0x80, v3, vm0, $0xb8;
	[tilespmem:$0xC100] =	vst v63  }
0x32: {  	s1 =	rddreg [dreg:$0x8]  }
0x33: {  	[tilespmem:s1], [sflag:$0x1] =	stream.indirect_vreg.gather [hbm4b:s5+s2], $0x80, v3, vm0, $0xb8;
	[tilespmem:$0xC100] =	vst v63  }
0x34: {  	v3 =	vld [tilespmem:$0x10];
	_ =	sdelay $0x4  }
0x35: {  	v61 =	vshrl.u32 v3, $0x3  }
0x36: {  	v4 =	vmul.u32 $0x30, v61  }
0x37: {  	v3 =	vand.u32 $0x7, v3  }
0x38: {  	v3 =	vor.u32 v3, v4  }
0x39: {  	v4 =	vperm.xlane v3, v0;
	_ =	sdelay $0x1  }
0x3a: {  	v4 =	vadd.s32 v1, v4;
	_ =	sdelay $0x3  }
0x3b: {  	s1 =	rddreg [dreg:$0x9];
	v3 =	vperm.xlane v3, v2  }
0x3c: {  	[tilespmem:s1], [sflag:$0x1] =	stream.indirect_vreg.gather [hbm4b:s3+s2], $0x80, v4, vm0, $0xb8;
	[tilespmem:$0xC100] =	vst v63  }
0x3d: {  	s6 =	rddreg [dreg:$0xa];
	v3 =	vadd.s32 v1, v3  }
0x3e: {  	[tilespmem:s6], [sflag:$0x1] =	stream.indirect_vreg.gather [hbm4b:s4+s2], $0x80, v4, vm0, $0xb8;
	[tilespmem:$0xC100] =	vst v63  }
0x3f: {  	_ = 	snop  }
0x40: {  	[tilespmem:s11], [sflag:$0x1] =	stream.indirect_vreg.gather [hbm4b:s5+s2], $0x80, v4, vm0, $0xb8;
	[tilespmem:$0xC100] =	vst v63  }
0x41: {  	_ = 	snop  }
0x42: {  	[tilespmem:s12], [sflag:$0x1] =	stream.indirect_vreg.gather [hbm4b:s3+s2], $0x80, v3, vm0, $0xb8;
	[tilespmem:$0xC100] =	vst v63  }
0x43: {  	_ = 	snop  }
0x44: {  	[tilespmem:s13], [sflag:$0x1] =	stream.indirect_vreg.gather [hbm4b:s4+s2], $0x80, v3, vm0, $0xb8;
	[tilespmem:$0xC100] =	vst v63  }
0x45: {  	_ = 	snop  }
0x46: {  	[tilespmem:s14], [sflag:$0x1] =	stream.indirect_vreg.gather [hbm4b:s5+s2], $0x80, v3, vm0, $0xb8;
	[tilespmem:$0xC100] =	vst v63  }
0x47: {  	_ =	swait.ge [sflag:s15], $0x6000  }
0x48: {  	[sflag:s15] =	ssyncset.done $0x0  }
0x49: {  	[sflag:s15] =	ssyncadd.s32 $0xFFFFA000  }
0x4a: {  	v3 =	vld [tilespmem:$0x80];
	_ =	sdelay $0x4  }
0x4b: {  	v62 =	vshrl.u32 v3, $0x3  }
0x4c: {  	v4 =	vmul.u32 $0x30, v62  }
0x4d: {  	v3 =	vand.u32 $0x7, v3  }
0x4e: {  	v3 =	vor.u32 v3, v4  }
0x4f: {  	v4 =	vperm.xlane v3, v0;
	_ =	sdelay $0x1  }
0x50: {  	v4 =	vadd.s32 v1, v4;
	_ =	sdelay $0x3  }
0x51: {  	v3 =	vperm.xlane v3, v2  }
0x52: {  	[tilespmem:s16], [sflag:$0x1] =	stream.indirect_vreg.gather [hbm4b:s3+s2], $0x80, v4, vm0, $0xb8;
	[tilespmem:$0xC100] =	vst v63  }
0x53: {  	v3 =	vadd.s32 v1, v3  }
0x54: {  	[tilespmem:s17], [sflag:$0x1] =	stream.indirect_vreg.gather [hbm4b:s4+s2], $0x80, v4, vm0, $0xb8;
	[tilespmem:$0xC100] =	vst v63  }
0x55: {  	_ = 	snop  }
0x56: {  	[tilespmem:s18], [sflag:$0x1] =	stream.indirect_vreg.gather [hbm4b:s5+s2], $0x80, v4, vm0, $0xb8;
	[tilespmem:$0xC100] =	vst v63  }
0x57: {  	_ = 	snop  }
0x58: {  	[tilespmem:s19], [sflag:$0x1] =	stream.indirect_vreg.gather [hbm4b:s3+s2], $0x80, v3, vm0, $0xb8;
	[tilespmem:$0xC100] =	vst v63  }
0x59: {  	_ = 	snop  }
0x5a: {  	[tilespmem:s20], [sflag:$0x1] =	stream.indirect_vreg.gather [hbm4b:s4+s2], $0x80, v3, vm0, $0xb8;
	[tilespmem:$0xC100] =	vst v63  }
0x5b: {  	_ = 	snop  }
0x5c: {  	[tilespmem:s21], [sflag:$0x1] =	stream.indirect_vreg.gather [hbm4b:s5+s2], $0x80, v3, vm0, $0xb8;
	[tilespmem:$0xC100] =	vst v63  }
0x5d: {  	v3 =	vld [tilespmem:$0x90];
	_ =	sdelay $0x4  }
0x5e: {  	v63 =	vshrl.u32 v3, $0x3  }
0x5f: {  	v4 =	vmul.u32 $0x30, v63  }
0x60: {  	v3 =	vand.u32 $0x7, v3  }
0x61: {  	v3 =	vor.u32 v3, v4  }
0x62: {  	v4 =	vperm.xlane v3, v0;
	_ =	sdelay $0x1  }
0x63: {  	v4 =	vadd.s32 v1, v4;
	_ =	sdelay $0x3  }
0x64: {  	v3 =	vperm.xlane v3, v2  }
0x65: {  	[tilespmem:s22], [sflag:$0x1] =	stream.indirect_vreg.gather [hbm4b:s3+s2], $0x80, v4, vm0, $0xb8;
	[tilespmem:$0xC100] =	vst v63  }
0x66: {  	v3 =	vadd.s32 v1, v3  }
0x67: {  	[tilespmem:s23], [sflag:$0x1] =	stream.indirect_vreg.gather [hbm4b:s4+s2], $0x80, v4, vm0, $0xb8;
	[tilespmem:$0xC100] =	vst v63  }
0x68: {  	_ = 	snop  }
0x69: {  	[tilespmem:s24], [sflag:$0x1] =	stream.indirect_vreg.gather [hbm4b:s5+s2], $0x80, v4, vm0, $0xb8;
	[tilespmem:$0xC100] =	vst v63  }
0x6a: {  	_ = 	snop  }
0x6b: {  	[tilespmem:s25], [sflag:$0x1] =	stream.indirect_vreg.gather [hbm4b:s3+s2], $0x80, v3, vm0, $0xb8;
	[tilespmem:$0xC100] =	vst v63  }
0x6c: {  	_ = 	snop  }
0x6d: {  	[tilespmem:s26], [sflag:$0x1] =	stream.indirect_vreg.gather [hbm4b:s4+s2], $0x80, v3, vm0, $0xb8;
	[tilespmem:$0xC100] =	vst v63  }
0x6e: {  	_ = 	snop  }
0x6f: {  	[tilespmem:s28], [sflag:$0x1] =	stream.indirect_vreg.gather [hbm4b:s5+s2], $0x80, v3, vm0, $0xb8;
	[tilespmem:$0xC100] =	vst v63  }
0x70: {  	_ =	swait.ge [sflag:s15], $0x6000  }
0x71: {  	[sflag:s15] =	ssyncset.done $0x0  }
0x72: {  	[sflag:s15] =	ssyncadd.s32 $0xFFFFA000  }
0x73: {  	[hbm4b:s31+s2] =	stream.linear.scatter [tilespmem:s10], [sflag:$0x2], $0x6000, $0x38;
	[tilespmem:$0xC100] =	vst v63  }
0x74: {  	_ =	swait.ge [sflag:s9], $0x6000  }
0x75: {  	p0 =	sne.s32 s0, $0xC;
	[sflag:s9] =	ssyncset.done $0x0  }
.Ltmp0:
0x76: {  	[sflag:s9] =	ssyncadd.s32 $0xFFFFA000;
	(pc) =	sbr.rel @p0 .LBB2_2-.Ltmp0, $4  }
0x77: {  	[hbm4b:s30+s2] =	stream.linear.scatter [tilespmem:s16], [sflag:$0x2], $0x6000, $0x38;
	[tilespmem:$0xC100] =	vst v63  }
0x78: {  	_ =	swait.ge [sflag:s9], $0x6000  }
0x79: {  	s0 =	sadd.s32 $0x4, s0;
	[sflag:s9] =	ssyncset.done $0x0  }
0x7a: {  	s31 =	sadd.s32 $0xC00, s31;
	s30 =	sadd.s32 $0xC00, s30;
	[sflag:s9] =	ssyncadd.s32 $0xFFFFA000  }
0x7b: {  	s29 =	sadd.s32 $0x1, s29;
	s0 =	rddreg [dreg:$0xb]  }
0x7c: {  	p0 =	sne.s32 s29, s0  }
.Ltmp1:
0x7d: {  	_ = 	snop;
	(pc) =	sbr.rel @p0 .LBB2_1-.Ltmp1, $1  }
0x7e: {  	_ =	sdelay $0x3  }
0x7f: {  	_ =	sfence.sel $0x180000  }
0x80: {  	[bflag:$0x0] =	sbarrier.arrive $0xFFFF  }
0x81: {  	_ =	strace $0x90000050  }
0x82: {  	s0 =	stileid.u32;
	[bflag:$0x2] =	sbarrier.arrive $0xFFFF  }
0x83: {  	p0 =	sne.s32 s0, $0x0;
	s0 =	rddreg [dreg:$0x1]  }
0x84: {  	s0 =	sadd.s32 @!p0 $0x100000, s0  }
0x85: {  	[sflag:s0] =	ssyncadd.tile.s32 @!p0 $0x1;
	_ =	shalt  }
.Lfunc_end2:
_tile_overlayer_lowered:
.L_overlay_start_2:
0x86: {  	(tag) =	ssettag $0x2  }
0x87: {  	s0 =	rddreg [dreg:$0x0];
	s2 =	stileid.u32  }
0x88: {  	s1 =	rddreg [dreg:$0x1];
	p0 =	sne.s32 s2, $0x0  }
0x89: {  	s3 =	rddreg [dreg:$0x2];
	[bflag:$0x3] =	sbarrier.arrive $0xFFFF;
	s2 =	simm.s32 @!p0 $0x1C02  }
0x8a: {  	[timem:s3], [sflag:s2] =	dma.local @!p0 [hbm:s0], s1  }
0x8b: {  	s0 =	simm.s32 @!p0 $0x2  }
0x8c: {  	_ =	swait.ge @!p0 [sflag:s0], s1  }
0x8d: {  	s1 =	ssub.s32 @!p0 $0x0, s1;
	[sflag:s0] =	ssyncset.done @!p0 $0x0  }
0x8e: {  	[sflag:s0] =	ssyncadd.s32 @!p0 s1  }
0x8f: {  	[bflag:$0x3] =	sbarrier.arrive $0xFFFF  }
0x90: {  	_ =	shalt  }

// kernel: kernel.43.cloned.1.call-start
scs
__scs_entry_jumppad:
0x0: {  	(pc) =	sbr.rel $0x88, $3  }
0x1: {  	(tag) =	ssettag $0x0;
	lr =	simm.s32 $0x1  }
0x2: {  	[smem:$0x3F89] =	sst lr;
	_ =	strace $0xD0000000  }
0x3: {  	_ = 	snop  }
0x4: {  	_ = 	snop  }
0x5: {  	_ = 	snop  }
0x6: {  	_ = 	snop  }
0x7: {  	_ = 	snop  }
__scs_overlays_trampoline_lowered:
0x8: {  	[smem:$0x3F98] =	sst s0  }
0x9: {  	[smem:$0x3F99] =	sst s1  }
0xa: {  	[smem:$0x3F9A] =	sst s2  }
0xb: {  	[smem:$0x3F9B] =	sst s3  }
0xc: {  	[smem:$0x3F9C] =	sst s4  }
0xd: {  	[smem:$0x3F9D] =	sst s5  }
0xe: {  	[smem:$0x3F9E] =	sst s6  }
0xf: {  	[smem:$0x3F9F] =	sst s7  }
0x10: {  	[smem:$0x3FA0] =	sst s8  }
0x11: {  	[smem:$0x3FA1] =	sst s9;
	s0 =	simm.s32 @!p0 $0x0  }
0x12: {  	s1 =	sld [smem:$0x3F87];
	s0 =	simm.s32 @p0 $0x1  }
0x13: {  	[smem:$0x3FA2] =	sst s0;
	s0 =	simm.s32 @!p1 $0x0  }
0x14: {  	s2 =	sld [smem:$0x3F86];
	s0 =	simm.s32 @p1 $0x1  }
0x15: {  	[smem:$0x3FA3] =	sst s0;
	s0 =	simm.s32 @!p2 $0x0  }
0x16: {  	s3 =	sld [smem:$0x3FDB];
	s0 =	simm.s32 @p2 $0x1  }
0x17: {  	s4 =	simm.s32 $0x1BF5;
	[smem:$0x3FA5] =	sst s0  }
0x18: {  	s0 =	sld [smem:$0x3F88];
	_ =	swait.ge [sflag:s4], $0x0  }
0x19: {  	s7 =	sld [smem:$0x3F89]  }
0x1a: {  	s8 =	sadd.s32 $0xFFFFE003, lr  }
0x1b: {  	s9 =	sadd.s32 $0xFFFFFEF7, lr;
	s5 =	simm.s32 $0xFFFFFFFF;
	p2 =	slt.u32 s8, $0xFFFFF086  }
0x1c: {  	p1 =	slt.u32 s9, $0xF7A;
	s5 =	simm.s32 @!p2 $0x0  }
0x1d: {  	s5 =	simm.s32 @p1 $0x1;
	p0 =	seq.s32 s7, s2  }
0x1e: {  	s7 =	smul.u32 @!p0 $0xF7A, s2;
	p2 =	seq.s32 @!p0 s5, $0x0  }
0x1f: {  	s9 =	smul.u32 $0xF7A, s1;
	s8 =	simm.s32 @!p0 $0x1BF5;
	p2 =	por !p2, p0  }
0x20: {  	[sflag:s8] =	ssyncset.s32 @!p0 $0xFFFFF086;
	s6 =	sadd.s32 @!p0 s3, s7;
	s7 =	simm.s32 @!p0 $0x108  }
0x21: {  	s3 =	sadd.s32 s3, s9;
	s6 =	sadd.s32 @!p0 $0x88, s6;
	s7 =	simm.s32 @p2 $0x1082  }
0x22: {  	[simem:s7], [sflag:s8] =	dma.local @!p0 [hbm:s6], $0xF7A  }
0x23: {  	s9 =	sor.u32 $0xD0000000, s2;
	s6 =	simm.s32 $0x108;
	_ =	swait.ge @!p0 [sflag:s8], $0x0  }
0x24: {  	s3 =	sadd.s32 $0x88, s3;
	s6 =	simm.s32 @!p1 $0x1082;
	[sflag:s4] =	ssyncset.s32 $0xFFFFF086  }
0x25: {  	[simem:s6], [sflag:s4] =	dma.local [hbm:s3], $0xF7A  }
0x26: {  	[smem:$0x3F89] =	sst s1;
	(tag) =	ssettag s2;
	_ =	strace s9  }
0x27: {  	s1 =	sld [smem:$0x3F99]  }
0x28: {  	s2 =	sld [smem:$0x3F9A]  }
0x29: {  	s4 =	sld [smem:$0x3F9C]  }
0x2a: {  	p0 =	seq.s32 s5, $0x0;
	s5 =	sld [smem:$0x3F9D]  }
0x2b: {  	s6 =	sld [smem:$0x3F9E]  }
0x2c: {  	s7 =	sld [smem:$0x3F9F]  }
0x2d: {  	s3 =	simm.s32 $0x108;
	s8 =	sld [smem:$0x3FA0]  }
0x2e: {  	s3 =	simm.s32 @!p0 $0x1082;
	s9 =	sld [smem:$0x3FA1]  }
0x2f: {  	lr =	sadd.s32 s0, s3;
	s0 =	sld [smem:$0x3F98]  }
0x30: {  	s3 =	sld [smem:$0x3F9B]  }
0x31: {  	[smem:$0x3FA4] =	sst s10  }
0x32: {  	s10 =	sld [smem:$0x3FA2];
	_ =	sdelay $0x3  }
0x33: {  	p0 =	seq.s32 s10, $0x1;
	s10 =	sld [smem:$0x3FA4];
	_ =	sdelay $0x3  }
0x34: {  	[smem:$0x3FA4] =	sst s10  }
0x35: {  	s10 =	sld [smem:$0x3FA3];
	_ =	sdelay $0x3  }
0x36: {  	p1 =	seq.s32 s10, $0x1;
	s10 =	sld [smem:$0x3FA4];
	_ =	sdelay $0x3  }
0x37: {  	[smem:$0x3FA4] =	sst s10  }
0x38: {  	s10 =	sld [smem:$0x3FA5]  }
0x39: {  	_ = 	snop;
	(pc) =	sbr.ind lr, $3  }
0x3a: {  	_ = 	snop  }
0x3b: {  	_ = 	snop  }
0x3c: {  	p2 =	seq.s32 s10, $0x1;
	s10 =	sld [smem:$0x3FA4]  }
0x3d: {  	_ =	shalt  }
0x3e: {  	_ =	shalt  }
0x3f: {  	_ =	shalt  }
0x40: {  	_ =	shalt  }
0x41: {  	_ =	shalt  }
0x42: {  	_ =	shalt  }
0x43: {  	_ =	shalt  }
0x44: {  	_ =	shalt  }
0x45: {  	_ =	shalt  }
0x46: {  	_ =	shalt  }
0x47: {  	_ =	shalt  }
0x48: {  	_ =	shalt  }
0x49: {  	_ =	shalt  }
0x4a: {  	_ =	shalt  }
0x4b: {  	_ =	shalt  }
0x4c: {  	_ =	shalt  }
0x4d: {  	_ =	shalt  }
0x4e: {  	_ =	shalt  }
0x4f: {  	_ =	shalt  }
0x50: {  	_ =	shalt  }
0x51: {  	_ =	shalt  }
0x52: {  	_ =	shalt  }
0x53: {  	_ =	shalt  }
0x54: {  	_ =	shalt  }
0x55: {  	_ =	shalt  }
0x56: {  	_ =	shalt  }
0x57: {  	_ =	shalt  }
0x58: {  	_ =	shalt  }
0x59: {  	_ =	shalt  }
0x5a: {  	_ =	shalt  }
0x5b: {  	_ =	shalt  }
0x5c: {  	_ =	shalt  }
0x5d: {  	_ =	shalt  }
0x5e: {  	_ =	shalt  }
0x5f: {  	_ =	shalt  }
0x60: {  	_ =	shalt  }
0x61: {  	_ =	shalt  }
0x62: {  	_ =	shalt  }
0x63: {  	_ =	shalt  }
0x64: {  	_ =	shalt  }
0x65: {  	_ =	shalt  }
0x66: {  	_ =	shalt  }
0x67: {  	_ =	shalt  }
0x68: {  	_ =	shalt  }
0x69: {  	_ =	shalt  }
0x6a: {  	_ =	shalt  }
0x6b: {  	_ =	shalt  }
0x6c: {  	_ =	shalt  }
0x6d: {  	_ =	shalt  }
0x6e: {  	_ =	shalt  }
0x6f: {  	_ =	shalt  }
0x70: {  	_ =	shalt  }
0x71: {  	_ =	shalt  }
0x72: {  	_ =	shalt  }
0x73: {  	_ =	shalt  }
0x74: {  	_ =	shalt  }
0x75: {  	_ =	shalt  }
0x76: {  	_ =	shalt  }
0x77: {  	_ =	shalt  }
0x78: {  	_ =	shalt  }
0x79: {  	_ =	shalt  }
0x7a: {  	_ =	shalt  }
0x7b: {  	_ =	shalt  }
0x7c: {  	_ =	shalt  }
0x7d: {  	_ =	shalt  }
0x7e: {  	_ =	shalt  }
0x7f: {  	_ =	shalt  }
0x80: {  	_ =	shalt  }
0x81: {  	_ =	shalt  }
0x82: {  	_ =	shalt  }
0x83: {  	_ =	shalt  }
0x84: {  	_ =	shalt  }
0x85: {  	_ =	shalt  }
0x86: {  	_ =	shalt  }
0x87: {  	_ =	shalt  }
.Lfunc_end0:
.L_simem_size_0:
called_computation.4_lowered:
.L_overlay_start_0:
0x88: {  	s2 =	sld [smem:$0x3FD9]  }
0x89: {  	s3 =	sld [smem:$0x3FFE];
	_ =	sdelay $0x1  }
0x8a: {  	s1 =	srdreg.scid  }
0x8b: {  	s0 =	sand.u32 $0x1, s1  }
0x8c: {  	s16 =	sshll.u32 s0, $0xA;
	s2 =	sadd.s32 s3, s2  }
0x8d: {  	s2 =	sadd.s32 s2, s16  }
0x8e: {  	[smem:$0x3FB0] =	sst s2  }
0x8f: {  	_ = 	snop  }
0x90: {  	(tm) =	ssettm $0x1  }
0x91: {  	s17 =	sld [smem:$0x3FFB];
	_ =	sdelay $0x3  }
0x92: {  	_ =	strace s17  }
0x93: {  	s2 =	sld [smem:$0x3FFC];
	_ =	sdelay $0x3  }
0x94: {  	_ =	strace s2  }
0x95: {  	s2 =	sld [smem:$0x3FFD];
	_ =	sdelay $0x3  }
0x96: {  	_ =	strace s2  }
0x97: {  	_ =	strace $0x8FFFFFFF  }
0x98: {  	s18 =	sld [smem:$0x3FDB];
	_ =	sdelay $0x1  }
0x99: {  	s19 =	simm.s32 $_scs_section_size  }
0x9a: {  	s4 =	simm.s32 $_size__tile_overlayer_lowered;
	s5 =	simm.s32 $_tile_overlayer_lowered  }
0x9b: {  	s22 =	simm.s32 $0x1BFF;
	s21 =	sshll.u32 s5, $0x1;
	s2 =	sadd.s32 s19, s18  }
0x9c: {  	s6 =	simm.s32 $0x0;
	s20 =	sshll.u32 s4, $0x1;
	s4 =	sadd.s32 s21, s2  }
0x9d: {  	[timem:s6], [sflag:s22] =	dma.local [hbm:s4], s20  }
0x9e: {  	_ =	swait.ge [sflag:s22], s20  }
0x9f: {  	s3 =	ssub.s32 $0x0, s20;
	[sflag:s22] =	ssyncset.done $0x0  }
0xa0: {  	[sflag:s22] =	ssyncadd.s32 s3;
	_ =	sdelay $0x1  }
0xa1: {  	s23 =	simm.s32 $0x1B8B  }
0xa2: {  	_ =	swait.ge [sflag:s23], $0x1  }
0xa3: {  	[sflag:s23] =	ssyncset.done $0x0  }
0xa4: {  	s25 =	simm.s32 $0x1B8E;
	s24 =	sld [smem:$0x3FFE];
	[sflag:s23] =	ssyncadd.s32 $0xFFFFFFFF  }
0xa5: {  	s26 =	simm.s32 $execute0_lowered;
	[smem:$0x3FD2] =	sst s25  }
0xa6: {  	s4 =	sshll.u32 s26, $0x1;
	_ =	strace $0x80000052;
	[dreg:$0x1] =	wrdreg $0xFFFFFFFF  }
0xa7: {  	s28 =	simm.s32 $_size_execute0_lowered;
	s2 =	sadd.s32 s2, s4;
	[dreg:$0x0] =	wrdreg $0x0  }
0xa8: {  	s4 =	sshll.u32 s28, $0x1;
	[dreg:$0x2] =	wrdreg s2  }
0xa9: {  	[dreg:$0x3] =	wrdreg s4  }
0xaa: {  	[dreg:$0x4] =	wrdreg $0xC0  }
0xab: {  	_ =	task [dreg:s6], $0x5FFFF  }
0xac: {  	[dreg:$0x1] =	wrdreg $0xFFFFFFFF  }
0xad: {  	[dreg:$0x0] =	wrdreg $0x60  }
0xae: {  	[dreg:$0x2] =	wrdreg s24  }
0xaf: {  	[dreg:$0x3] =	wrdreg $0x9  }
0xb0: {  	_ =	task.clear_ibuf [dreg:s6], $0x4FFFF;
	_ =	strace $0x90000052  }
0xb1: {  	s29 =	simm.s32 $0x9;
	_ =	strace $0x80000054  }
0xb2: {  	_ =	swait.ge [sflag:s29], $0x1  }
0xb3: {  	[sflag:s29] =	ssyncadd.s32 $0xFFFFFFFF  }
0xb4: {  	_ =	strace $0x90000054  }
0xb5: {  	_ =	sfence  }
0xb6: {  	s30 =	sld [smem:$0x0];
	_ =	sdelay $0x2  }
0xb7: {  	s31 =	sshll.u32 s1, $0xD;
	s1 =	sshrl.u32 s1, $0x2  }
0xb8: {  	s3 =	sand.u32 $0x4000, s31;
	s1 =	sadd.s32 s1, s30  }
0xb9: {  	s0 =	sor.u32 s3, s0;
	s1 =	sshll.u32 s1, $0x11  }
0xba: {  	s0 =	sor.u32 s1, s0  }
0xbb: {  	s0 =	sadd.s32 $0x8F2B, s0  }
0xbc: {  	[sflag:s0] =	ssyncadd.remote.s32 $0x1  }
0xbd: {  	_ =	sfence.sel $0xFFFF  }
0xbe: {  	[dreg:$0x0] =	wrdreg $0xFFFFFFFF;
	(pc) =	sbr.abs _section_cstart, $3  }
0xbf: {  	[dreg:$0x1] =	wrdreg $0xFFFFFFFF  }
0xc0: {  	_ =	task.clear_ibuf [dreg:s6], $0x2FFFF;
	_ =	strace $0x9FFFFFFF  }
0xc1: {  	(tm) =	ssettm $0x7FFFFFFF  }
tec
execute0_lowered:
.L_overlay_start_1:
0x0: {  	(tag) =	ssettag $0x1  }
0x1: {  	s0 =	rddreg [dreg:$0x0]  }
0x2: {  	s1 =	simm.s32 $0x0;
	s2 =	srdreg.scid;
	s6 =	stileid.u32  }
0x3: {  	s11 =	simm.s32 $0x2;
	s22 =	simm.s32 $0x5000;
	s23 =	simm.s32 $0x5800  }
0x4: {  	s28 =	simm.s32 $0x7800;
	s29 =	simm.s32 $0x8000;
	s30 =	simm.s32 $0x8800  }
0x5: {  	s31 =	simm.s32 $0x9000;
	s10 =	simm.s32 $0xA800;
	s13 =	simm.s32 $0x0  }
0x6: {  	[smem:$0x7FF] =	sst s1;
	s3 =	sadd.s32 $0x104800, s0;
	s24 =	sadd.s32 $0x11A00, s0  }
0x7: {  	s2 =	sand.u32 $0x1, s2;
	s5 =	sadd.s32 $0x164800, s0;
	s7 =	sadd.s32 $0x164900, s0  }
0x8: {  	s6 =	sshll.u32 s6, $0x5;
	s8 =	sadd.s32 $0x164A00, s0;
	s15 =	sadd.s32 $0x11C00, s0  }
0x9: {  	s0 =	simm.s32 $0x9800;
	_ =	strace $0x80000053;
	[dreg:$0x2] =	wrdreg s3  }
0xa: {  	[dreg:$0x3] =	wrdreg s24;
	s25 =	ssub.s32 $0x2, s2;
	s2 =	sshll.u32 s2, $0x4  }
0xb: {  	s24 =	simm.s32 $0x6000;
	s4 =	sshrl.u32 s25, $0x1;
	s12 =	sor.u32 s2, s6  }
0xc: {  	v2 =	vlaneseq.u32;
	s2 =	simm.s32 $0xA000;
	s6 =	simm.s32 $0x1;
	s3 =	ssub.s32 s25, s4  }
0xd: {  	vm0 =	vmmov $0xffff;
	v1 =	vshrl.u32 v2, $0x3;
	s25 =	simm.s32 $0x6800;
	s4 =	simm.s32 $0xB800;
	s26 =	smax.u32 s3, $0x1  }
0xe: {  	v0 =	vand.u32 $0x7, v2;
	v2 =	vor.u32 $0x8, v2;
	v1 =	vmul.u32 $0x8, v1;
	s3 =	simm.s32 $0xB000;
	[dreg:$0x4] =	wrdreg s26;
	s26 =	simm.s32 $0x7000  }
.LBB2_1:
0xf: {  	[dreg:$0x5] =	wrdreg s13  }
0x10: {  	s13 =	rddreg [dreg:$0x2]  }
0x11: {  	p0 =	por $0x1, $0x1;
	s9 =	simm.s32 $0x0;
	s14 =	rddreg [dreg:$0x3]  }
.LBB2_2:
0x12: {  	s9 =	sor.u32 s12, s9  }
0x13: {  	s16 =	smov.u32 s15;
	s15 =	smov.u32 s12;
	s12 =	smul.u32 $0x300, s9  }
0x14: {  	_ = 	snop  }
0x15: {  	s12 =	sadd.s32 s13, s12  }
0x16: {  	[tilespmem:s1], [sflag:$0x2] =	stream.linear.gather [hbm4b:s12+s1], $0xC000, $0x38;
	[tilespmem:$0xC080] =	vst v63  }
0x17: {  	_ =	swait.ge [sflag:s11], $0xC000  }
0x18: {  	[sflag:s11] =	ssyncset.done $0x0  }
0x19: {  	s17 =	simm.s32 $0xC000;
	s12 =	sadd.s32 s14, s9;
	[sflag:s11] =	ssyncadd.s32 $0xFFFF4000  }
0x1a: {  	[tilespmem:s17], [sflag:$0x2] =	stream.linear.gather [hbm4b:s12+s1], $0x40, $0x38;
	[tilespmem:$0xC080] =	vst v63  }
0x1b: {  	_ =	swait.ge [sflag:s11], $0x40  }
0x1c: {  	[sflag:s11] =	ssyncset.done $0x0  }
0x1d: {  	[sflag:s11] =	ssyncadd.s32 $0xFFFFFFC0  }
0x1e: {  	v3 =	vld [tilespmem:$0xC000];
	_ =	sdelay $0x4  }
0x1f: {  	v4 =	vshrl.u32 v3, $0x3  }
0x20: {  	v4 =	vmul.u32 $0x30, v4  }
0x21: {  	v3 =	vand.u32 $0x7, v3  }
0x22: {  	v3 =	vor.u32 v3, v4  }
0x23: {  	v4 =	vperm.xlane v3, v0;
	_ =	sdelay $0x1  }
0x24: {  	v4 =	vadd.s32 v1, v4;
	_ =	sdelay $0x3  }
0x25: {  	v3 =	vperm.xlane v3, v2  }
0x26: {  	[hbm4b:s5+s1] =	stream.indirect_vreg.scatter [tilespmem:s1], [sflag:$0x1], $0x80, v4, vm0, $0xb8;
	[tilespmem:$0xC080] =	vst v63  }
0x27: {  	s17 =	simm.s32 $0x800;
	v3 =	vadd.s32 v1, v3  }
0x28: {  	[hbm4b:s7+s1] =	stream.indirect_vreg.scatter [tilespmem:s17], [sflag:$0x1], $0x80, v4, vm0, $0xb8;
	[tilespmem:$0xC080] =	vst v63  }
0x29: {  	s18 =	simm.s32 $0x1000  }
0x2a: {  	[hbm4b:s8+s1] =	stream.indirect_vreg.scatter [tilespmem:s18], [sflag:$0x1], $0x80, v4, vm0, $0xb8;
	[tilespmem:$0xC080] =	vst v63  }
0x2b: {  	s18 =	simm.s32 $0x1800  }
0x2c: {  	[hbm4b:s5+s1] =	stream.indirect_vreg.scatter [tilespmem:s18], [sflag:$0x1], $0x80, v3, vm0, $0xb8;
	[tilespmem:$0xC080] =	vst v63  }
0x2d: {  	s19 =	simm.s32 $0x2000  }
0x2e: {  	[hbm4b:s7+s1] =	stream.indirect_vreg.scatter [tilespmem:s19], [sflag:$0x1], $0x80, v3, vm0, $0xb8;
	[tilespmem:$0xC080] =	vst v63  }
0x2f: {  	s19 =	simm.s32 $0x2800  }
0x30: {  	[hbm4b:s8+s1] =	stream.indirect_vreg.scatter [tilespmem:s19], [sflag:$0x1], $0x80, v3, vm0, $0xb8;
	[tilespmem:$0xC080] =	vst v63  }
0x31: {  	v3 =	vld [tilespmem:$0xC010];
	_ =	sdelay $0x4  }
0x32: {  	v57 =	vshrl.u32 v3, $0x3  }
0x33: {  	v4 =	vmul.u32 $0x30, v57  }
0x34: {  	v3 =	vand.u32 $0x7, v3  }
0x35: {  	v3 =	vor.u32 v3, v4  }
0x36: {  	v4 =	vperm.xlane v3, v0;
	_ =	sdelay $0x1  }
0x37: {  	v4 =	vadd.s32 v1, v4;
	_ =	sdelay $0x3  }
0x38: {  	s20 =	simm.s32 $0x3000;
	v3 =	vperm.xlane v3, v2  }
0x39: {  	[hbm4b:s5+s1] =	stream.indirect_vreg.scatter [tilespmem:s20], [sflag:$0x1], $0x80, v4, vm0, $0xb8;
	[tilespmem:$0xC080] =	vst v63  }
0x3a: {  	v3 =	vadd.s32 v1, v3;
	s20 =	simm.s32 $0x3800  }
0x3b: {  	[hbm4b:s7+s1] =	stream.indirect_vreg.scatter [tilespmem:s20], [sflag:$0x1], $0x80, v4, vm0, $0xb8;
	[tilespmem:$0xC080] =	vst v63  }
0x3c: {  	s21 =	simm.s32 $0x4000  }
0x3d: {  	[hbm4b:s8+s1] =	stream.indirect_vreg.scatter [tilespmem:s21], [sflag:$0x1], $0x80, v4, vm0, $0xb8;
	[tilespmem:$0xC080] =	vst v63  }
0x3e: {  	s21 =	simm.s32 $0x4800  }
0x3f: {  	[hbm4b:s5+s1] =	stream.indirect_vreg.scatter [tilespmem:s21], [sflag:$0x1], $0x80, v3, vm0, $0xb8;
	[tilespmem:$0xC080] =	vst v63  }
0x40: {  	_ = 	snop  }
0x41: {  	[hbm4b:s7+s1] =	stream.indirect_vreg.scatter [tilespmem:s22], [sflag:$0x1], $0x80, v3, vm0, $0xb8;
	[tilespmem:$0xC080] =	vst v63  }
0x42: {  	_ = 	snop  }
0x43: {  	[hbm4b:s8+s1] =	stream.indirect_vreg.scatter [tilespmem:s23], [sflag:$0x1], $0x80, v3, vm0, $0xb8;
	[tilespmem:$0xC080] =	vst v63  }
0x44: {  	v3 =	vld [tilespmem:$0xC020];
	_ =	sdelay $0x4  }
0x45: {  	v58 =	vshrl.u32 v3, $0x3  }
0x46: {  	v4 =	vmul.u32 $0x30, v58  }
0x47: {  	v3 =	vand.u32 $0x7, v3  }
0x48: {  	v3 =	vor.u32 v3, v4  }
0x49: {  	v4 =	vperm.xlane v3, v0;
	_ =	sdelay $0x1  }
0x4a: {  	v4 =	vadd.s32 v1, v4;
	_ =	sdelay $0x3  }
0x4b: {  	v3 =	vperm.xlane v3, v2  }
0x4c: {  	[hbm4b:s5+s1] =	stream.indirect_vreg.scatter [tilespmem:s24], [sflag:$0x1], $0x80, v4, vm0, $0xb8;
	[tilespmem:$0xC080] =	vst v63  }
0x4d: {  	v3 =	vadd.s32 v1, v3  }
0x4e: {  	[hbm4b:s7+s1] =	stream.indirect_vreg.scatter [tilespmem:s25], [sflag:$0x1], $0x80, v4, vm0, $0xb8;
	[tilespmem:$0xC080] =	vst v63  }
0x4f: {  	_ = 	snop  }
0x50: {  	[hbm4b:s8+s1] =	stream.indirect_vreg.scatter [tilespmem:s26], [sflag:$0x1], $0x80, v4, vm0, $0xb8;
	[tilespmem:$0xC080] =	vst v63  }
0x51: {  	_ = 	snop  }
0x52: {  	[hbm4b:s5+s1] =	stream.indirect_vreg.scatter [tilespmem:s28], [sflag:$0x1], $0x80, v3, vm0, $0xb8;
	[tilespmem:$0xC080] =	vst v63  }
0x53: {  	_ = 	snop  }
0x54: {  	[hbm4b:s7+s1] =	stream.indirect_vreg.scatter [tilespmem:s29], [sflag:$0x1], $0x80, v3, vm0, $0xb8;
	[tilespmem:$0xC080] =	vst v63  }
0x55: {  	_ = 	snop  }
0x56: {  	[hbm4b:s8+s1] =	stream.indirect_vreg.scatter [tilespmem:s30], [sflag:$0x1], $0x80, v3, vm0, $0xb8;
	[tilespmem:$0xC080] =	vst v63  }
0x57: {  	v3 =	vld [tilespmem:$0xC030];
	_ =	sdelay $0x4  }
0x58: {  	v59 =	vshrl.u32 v3, $0x3  }
0x59: {  	v4 =	vmul.u32 $0x30, v59  }
0x5a: {  	v3 =	vand.u32 $0x7, v3  }
0x5b: {  	v3 =	vor.u32 v3, v4  }
0x5c: {  	v4 =	vperm.xlane v3, v0;
	_ =	sdelay $0x1  }
0x5d: {  	v4 =	vadd.s32 v1, v4;
	_ =	sdelay $0x3  }
0x5e: {  	v3 =	vperm.xlane v3, v2  }
0x5f: {  	[hbm4b:s5+s1] =	stream.indirect_vreg.scatter [tilespmem:s31], [sflag:$0x1], $0x80, v4, vm0, $0xb8;
	[tilespmem:$0xC080] =	vst v63  }
0x60: {  	v3 =	vadd.s32 v1, v3  }
0x61: {  	[hbm4b:s7+s1] =	stream.indirect_vreg.scatter [tilespmem:s0], [sflag:$0x1], $0x80, v4, vm0, $0xb8;
	[tilespmem:$0xC080] =	vst v63  }
0x62: {  	_ = 	snop  }
0x63: {  	[hbm4b:s8+s1] =	stream.indirect_vreg.scatter [tilespmem:s2], [sflag:$0x1], $0x80, v4, vm0, $0xb8;
	[tilespmem:$0xC080] =	vst v63  }
0x64: {  	_ = 	snop  }
0x65: {  	[hbm4b:s5+s1] =	stream.indirect_vreg.scatter [tilespmem:s10], [sflag:$0x1], $0x80, v3, vm0, $0xb8;
	[tilespmem:$0xC080] =	vst v63  }
0x66: {  	_ = 	snop  }
0x67: {  	[hbm4b:s7+s1] =	stream.indirect_vreg.scatter [tilespmem:s3], [sflag:$0x1], $0x80, v3, vm0, $0xb8;
	[tilespmem:$0xC080] =	vst v63  }
0x68: {  	_ = 	snop  }
0x69: {  	[hbm4b:s8+s1] =	stream.indirect_vreg.scatter [tilespmem:s4], [sflag:$0x1], $0x80, v3, vm0, $0xb8;
	[tilespmem:$0xC080] =	vst v63  }
0x6a: {  	_ =	swait.ge [sflag:s6], $0xC000  }
0x6b: {  	s12 =	smov.u32 s15;
	s15 =	smov.u32 s16;
	[sflag:s6] =	ssyncset.done $0x0  }
0x6c: {  	s16 =	simm.s32 $0xC000;
	s9 =	sadd.s32 s9, s15;
	[sflag:s6] =	ssyncadd.s32 $0xFFFF4000  }
0x6d: {  	[tilespmem:s16], [sflag:$0x2] =	stream.linear.gather [hbm4b:s9+s1], $0x40, $0x38;
	[tilespmem:$0xC080] =	vst v63  }
0x6e: {  	_ =	swait.ge [sflag:s11], $0x40  }
0x6f: {  	[sflag:s11] =	ssyncset.done $0x0  }
0x70: {  	[sflag:s11] =	ssyncadd.s32 $0xFFFFFFC0  }
0x71: {  	v3 =	vld [tilespmem:$0xC000];
	_ =	sdelay $0x4  }
0x72: {  	v60 =	vshrl.u32 v3, $0x3  }
0x73: {  	v4 =	vmul.u32 $0x30, v60  }
0x74: {  	v3 =	vand.u32 $0x7, v3  }
0x75: {  	v3 =	vor.u32 v3, v4  }
0x76: {  	v4 =	vperm.xlane v3, v0;
	_ =	sdelay $0x1  }
0x77: {  	v4 =	vadd.s32 v1, v4;
	_ =	sdelay $0x3  }
0x78: {  	v3 =	vperm.xlane v3, v2  }
0x79: {  	[hbm4b:s5+s1] =	stream.indirect_vreg.scatter [tilespmem:s1], [sflag:$0x1], $0x80, v4, vm0, $0xb8;
	[tilespmem:$0xC080] =	vst v63  }
0x7a: {  	v3 =	vadd.s32 v1, v3  }
0x7b: {  	[hbm4b:s7+s1] =	stream.indirect_vreg.scatter [tilespmem:s17], [sflag:$0x1], $0x80, v4, vm0, $0xb8;
	[tilespmem:$0xC080] =	vst v63  }
0x7c: {  	s9 =	simm.s32 $0x1000  }
0x7d: {  	[hbm4b:s8+s1] =	stream.indirect_vreg.scatter [tilespmem:s9], [sflag:$0x1], $0x80, v4, vm0, $0xb8;
	[tilespmem:$0xC080] =	vst v63  }
0x7e: {  	_ = 	snop  }
0x7f: {  	[hbm4b:s5+s1] =	stream.indirect_vreg.scatter [tilespmem:s18], [sflag:$0x1], $0x80, v3, vm0, $0xb8;
	[tilespmem:$0xC080] =	vst v63  }
0x80: {  	s16 =	simm.s32 $0x2000  }
0x81: {  	[hbm4b:s7+s1] =	stream.indirect_vreg.scatter [tilespmem:s16], [sflag:$0x1], $0x80, v3, vm0, $0xb8;
	[tilespmem:$0xC080] =	vst v63  }
0x82: {  	_ = 	snop  }
0x83: {  	[hbm4b:s8+s1] =	stream.indirect_vreg.scatter [tilespmem:s19], [sflag:$0x1], $0x80, v3, vm0, $0xb8;
	[tilespmem:$0xC080] =	vst v63  }
0x84: {  	v3 =	vld [tilespmem:$0xC010];
	_ =	sdelay $0x4  }
0x85: {  	v61 =	vshrl.u32 v3, $0x3  }
0x86: {  	v4 =	vmul.u32 $0x30, v61  }
0x87: {  	v3 =	vand.u32 $0x7, v3  }
0x88: {  	v3 =	vor.u32 v3, v4  }
0x89: {  	v4 =	vperm.xlane v3, v0;
	_ =	sdelay $0x1  }
0x8a: {  	v4 =	vadd.s32 v1, v4;
	_ =	sdelay $0x3  }
0x8b: {  	s18 =	simm.s32 $0x3000;
	v3 =	vperm.xlane v3, v2  }
0x8c: {  	[hbm4b:s5+s1] =	stream.indirect_vreg.scatter [tilespmem:s18], [sflag:$0x1], $0x80, v4, vm0, $0xb8;
	[tilespmem:$0xC080] =	vst v63  }
0x8d: {  	v3 =	vadd.s32 v1, v3  }
0x8e: {  	[hbm4b:s7+s1] =	stream.indirect_vreg.scatter [tilespmem:s20], [sflag:$0x1], $0x80, v4, vm0, $0xb8;
	[tilespmem:$0xC080] =	vst v63  }
0x8f: {  	s17 =	simm.s32 $0x4000  }
0x90: {  	[hbm4b:s8+s1] =	stream.indirect_vreg.scatter [tilespmem:s17], [sflag:$0x1], $0x80, v4, vm0, $0xb8;
	[tilespmem:$0xC080] =	vst v63  }
0x91: {  	_ = 	snop  }
0x92: {  	[hbm4b:s5+s1] =	stream.indirect_vreg.scatter [tilespmem:s21], [sflag:$0x1], $0x80, v3, vm0, $0xb8;
	[tilespmem:$0xC080] =	vst v63  }
0x93: {  	_ = 	snop  }
0x94: {  	[hbm4b:s7+s1] =	stream.indirect_vreg.scatter [tilespmem:s22], [sflag:$0x1], $0x80, v3, vm0, $0xb8;
	[tilespmem:$0xC080] =	vst v63  }
0x95: {  	_ = 	snop  }
0x96: {  	[hbm4b:s8+s1] =	stream.indirect_vreg.scatter [tilespmem:s23], [sflag:$0x1], $0x80, v3, vm0, $0xb8;
	[tilespmem:$0xC080] =	vst v63  }
0x97: {  	v3 =	vld [tilespmem:$0xC020];
	_ =	sdelay $0x4  }
0x98: {  	v62 =	vshrl.u32 v3, $0x3  }
0x99: {  	v4 =	vmul.u32 $0x30, v62  }
0x9a: {  	v3 =	vand.u32 $0x7, v3  }
0x9b: {  	v3 =	vor.u32 v3, v4  }
0x9c: {  	v4 =	vperm.xlane v3, v0;
	_ =	sdelay $0x1  }
0x9d: {  	v4 =	vadd.s32 v1, v4;
	_ =	sdelay $0x3  }
0x9e: {  	v3 =	vperm.xlane v3, v2  }
0x9f: {  	[hbm4b:s5+s1] =	stream.indirect_vreg.scatter [tilespmem:s24], [sflag:$0x1], $0x80, v4, vm0, $0xb8;
	[tilespmem:$0xC080] =	vst v63  }
0xa0: {  	v3 =	vadd.s32 v1, v3  }
0xa1: {  	[hbm4b:s7+s1] =	stream.indirect_vreg.scatter [tilespmem:s25], [sflag:$0x1], $0x80, v4, vm0, $0xb8;
	[tilespmem:$0xC080] =	vst v63  }
0xa2: {  	_ = 	snop  }
0xa3: {  	[hbm4b:s8+s1] =	stream.indirect_vreg.scatter [tilespmem:s26], [sflag:$0x1], $0x80, v4, vm0, $0xb8;
	[tilespmem:$0xC080] =	vst v63  }
0xa4: {  	_ = 	snop  }
0xa5: {  	[hbm4b:s5+s1] =	stream.indirect_vreg.scatter [tilespmem:s28], [sflag:$0x1], $0x80, v3, vm0, $0xb8;
	[tilespmem:$0xC080] =	vst v63  }
0xa6: {  	_ = 	snop  }
0xa7: {  	[hbm4b:s7+s1] =	stream.indirect_vreg.scatter [tilespmem:s29], [sflag:$0x1], $0x80, v3, vm0, $0xb8;
	[tilespmem:$0xC080] =	vst v63  }
0xa8: {  	_ = 	snop  }
0xa9: {  	[hbm4b:s8+s1] =	stream.indirect_vreg.scatter [tilespmem:s30], [sflag:$0x1], $0x80, v3, vm0, $0xb8;
	[tilespmem:$0xC080] =	vst v63  }
0xaa: {  	v3 =	vld [tilespmem:$0xC030];
	_ =	sdelay $0x4  }
0xab: {  	v63 =	vshrl.u32 v3, $0x3  }
0xac: {  	v4 =	vmul.u32 $0x30, v63  }
0xad: {  	v3 =	vand.u32 $0x7, v3  }
0xae: {  	v3 =	vor.u32 v3, v4  }
0xaf: {  	v4 =	vperm.xlane v3, v0;
	_ =	sdelay $0x1  }
0xb0: {  	v4 =	vadd.s32 v1, v4;
	_ =	sdelay $0x3  }
0xb1: {  	v3 =	vperm.xlane v3, v2  }
0xb2: {  	[hbm4b:s5+s1] =	stream.indirect_vreg.scatter [tilespmem:s31], [sflag:$0x1], $0x80, v4, vm0, $0xb8;
	[tilespmem:$0xC080] =	vst v63  }
0xb3: {  	v3 =	vadd.s32 v1, v3  }
0xb4: {  	[hbm4b:s7+s1] =	stream.indirect_vreg.scatter [tilespmem:s0], [sflag:$0x1], $0x80, v4, vm0, $0xb8;
	[tilespmem:$0xC080] =	vst v63  }
0xb5: {  	_ = 	snop  }
0xb6: {  	[hbm4b:s8+s1] =	stream.indirect_vreg.scatter [tilespmem:s2], [sflag:$0x1], $0x80, v4, vm0, $0xb8;
	[tilespmem:$0xC080] =	vst v63  }
0xb7: {  	_ = 	snop  }
0xb8: {  	[hbm4b:s5+s1] =	stream.indirect_vreg.scatter [tilespmem:s10], [sflag:$0x1], $0x80, v3, vm0, $0xb8;
	[tilespmem:$0xC080] =	vst v63  }
0xb9: {  	p1 =	por p0, p0  }
0xba: {  	[hbm4b:s7+s1] =	stream.indirect_vreg.scatter [tilespmem:s3], [sflag:$0x1], $0x80, v3, vm0, $0xb8;
	[tilespmem:$0xC080] =	vst v63  }
.Ltmp0:
0xbb: {  	_ = 	snop;
	(pc) =	sbr.rel @p1 .LBB2_2-.Ltmp0, $4  }
0xbc: {  	[hbm4b:s8+s1] =	stream.indirect_vreg.scatter [tilespmem:s4], [sflag:$0x1], $0x80, v3, vm0, $0xb8;
	[tilespmem:$0xC080] =	vst v63  }
0xbd: {  	_ =	swait.ge [sflag:s6], $0xC000  }
0xbe: {  	[sflag:s6] =	ssyncset.done $0x0  }
0xbf: {  	p0 =	por $0x0, $0x0;
	s9 =	simm.s32 $0x8;
	[sflag:s6] =	ssyncadd.s32 $0xFFFF4000  }
0xc0: {  	s13 =	rddreg [dreg:$0x5]  }
0xc1: {  	s9 =	rddreg [dreg:$0x4];
	s13 =	sadd.s32 $0x1, s13  }
0xc2: {  	p0 =	sne.s32 s13, s9  }
.Ltmp1:
0xc3: {  	_ = 	snop;
	(pc) =	sbr.rel @p0 .LBB2_1-.Ltmp1, $1  }
0xc4: {  	_ =	sdelay $0x3  }
0xc5: {  	_ =	sfence.sel $0x180000  }
0xc6: {  	[bflag:$0x0] =	sbarrier.arrive $0xFFFF  }
0xc7: {  	_ =	strace $0x90000053  }
0xc8: {  	s0 =	stileid.u32;
	[bflag:$0x2] =	sbarrier.arrive $0xFFFF  }
0xc9: {  	p0 =	sne.s32 s0, $0x0;
	s0 =	rddreg [dreg:$0x1]  }
0xca: {  	s0 =	sadd.s32 @!p0 $0x100000, s0  }
0xcb: {  	[sflag:s0] =	ssyncadd.tile.s32 @!p0 $0x1;
	_ =	shalt  }
.Lfunc_end2:
_tile_overlayer_lowered:
.L_overlay_start_2:
0xcc: {  	(tag) =	ssettag $0x2  }
0xcd: {  	s0 =	rddreg [dreg:$0x0];
	s2 =	stileid.u32  }
0xce: {  	s1 =	rddreg [dreg:$0x1];
	p0 =	sne.s32 s2, $0x0  }
0xcf: {  	s3 =	rddreg [dreg:$0x2];
	[bflag:$0x3] =	sbarrier.arrive $0xFFFF;
	s2 =	simm.s32 @!p0 $0x1C02  }
0xd0: {  	[timem:s3], [sflag:s2] =	dma.local @!p0 [hbm:s0], s1  }
0xd1: {  	s0 =	simm.s32 @!p0 $0x2  }
0xd2: {  	_ =	swait.ge @!p0 [sflag:s0], s1  }
0xd3: {  	s1 =	ssub.s32 @!p0 $0x0, s1;
	[sflag:s0] =	ssyncset.done @!p0 $0x0  }
0xd4: {  	[sflag:s0] =	ssyncadd.s32 @!p0 s1  }
0xd5: {  	[bflag:$0x3] =	sbarrier.arrive $0xFFFF  }
0xd6: {  	_ =	shalt  }

// kernel: kernel.46.cloned.1.call-start
scs
__scs_entry_jumppad:
0x0: {  	(pc) =	sbr.rel $0x88, $3  }
0x1: {  	(tag) =	ssettag $0x0;
	lr =	simm.s32 $0x1  }
0x2: {  	[smem:$0x3F89] =	sst lr;
	_ =	strace $0xD0000000  }
0x3: {  	_ = 	snop  }
0x4: {  	_ = 	snop  }
0x5: {  	_ = 	snop  }
0x6: {  	_ = 	snop  }
0x7: {  	_ = 	snop  }
__scs_overlays_trampoline_lowered:
0x8: {  	[smem:$0x3F98] =	sst s0  }
0x9: {  	[smem:$0x3F99] =	sst s1  }
0xa: {  	[smem:$0x3F9A] =	sst s2  }
0xb: {  	[smem:$0x3F9B] =	sst s3  }
0xc: {  	[smem:$0x3F9C] =	sst s4  }
0xd: {  	[smem:$0x3F9D] =	sst s5  }
0xe: {  	[smem:$0x3F9E] =	sst s6  }
0xf: {  	[smem:$0x3F9F] =	sst s7  }
0x10: {  	[smem:$0x3FA0] =	sst s8  }
0x11: {  	[smem:$0x3FA1] =	sst s9;
	s0 =	simm.s32 @!p0 $0x0  }
0x12: {  	s1 =	sld [smem:$0x3F87];
	s0 =	simm.s32 @p0 $0x1  }
0x13: {  	[smem:$0x3FA2] =	sst s0;
	s0 =	simm.s32 @!p1 $0x0  }
0x14: {  	s2 =	sld [smem:$0x3F86];
	s0 =	simm.s32 @p1 $0x1  }
0x15: {  	[smem:$0x3FA3] =	sst s0;
	s0 =	simm.s32 @!p2 $0x0  }
0x16: {  	s3 =	sld [smem:$0x3FDB];
	s0 =	simm.s32 @p2 $0x1  }
0x17: {  	s4 =	simm.s32 $0x1BF5;
	[smem:$0x3FA5] =	sst s0  }
0x18: {  	s0 =	sld [smem:$0x3F88];
	_ =	swait.ge [sflag:s4], $0x0  }
0x19: {  	s7 =	sld [smem:$0x3F89]  }
0x1a: {  	s8 =	sadd.s32 $0xFFFFE003, lr  }
0x1b: {  	s9 =	sadd.s32 $0xFFFFFEF7, lr;
	s5 =	simm.s32 $0xFFFFFFFF;
	p2 =	slt.u32 s8, $0xFFFFF086  }
0x1c: {  	p1 =	slt.u32 s9, $0xF7A;
	s5 =	simm.s32 @!p2 $0x0  }
0x1d: {  	s5 =	simm.s32 @p1 $0x1;
	p0 =	seq.s32 s7, s2  }
0x1e: {  	s7 =	smul.u32 @!p0 $0xF7A, s2;
	p2 =	seq.s32 @!p0 s5, $0x0  }
0x1f: {  	s9 =	smul.u32 $0xF7A, s1;
	s8 =	simm.s32 @!p0 $0x1BF5;
	p2 =	por !p2, p0  }
0x20: {  	[sflag:s8] =	ssyncset.s32 @!p0 $0xFFFFF086;
	s6 =	sadd.s32 @!p0 s3, s7;
	s7 =	simm.s32 @!p0 $0x108  }
0x21: {  	s3 =	sadd.s32 s3, s9;
	s6 =	sadd.s32 @!p0 $0x88, s6;
	s7 =	simm.s32 @p2 $0x1082  }
0x22: {  	[simem:s7], [sflag:s8] =	dma.local @!p0 [hbm:s6], $0xF7A  }
0x23: {  	s9 =	sor.u32 $0xD0000000, s2;
	s6 =	simm.s32 $0x108;
	_ =	swait.ge @!p0 [sflag:s8], $0x0  }
0x24: {  	s3 =	sadd.s32 $0x88, s3;
	s6 =	simm.s32 @!p1 $0x1082;
	[sflag:s4] =	ssyncset.s32 $0xFFFFF086  }
0x25: {  	[simem:s6], [sflag:s4] =	dma.local [hbm:s3], $0xF7A  }
0x26: {  	[smem:$0x3F89] =	sst s1;
	(tag) =	ssettag s2;
	_ =	strace s9  }
0x27: {  	s1 =	sld [smem:$0x3F99]  }
0x28: {  	s2 =	sld [smem:$0x3F9A]  }
0x29: {  	s4 =	sld [smem:$0x3F9C]  }
0x2a: {  	p0 =	seq.s32 s5, $0x0;
	s5 =	sld [smem:$0x3F9D]  }
0x2b: {  	s6 =	sld [smem:$0x3F9E]  }
0x2c: {  	s7 =	sld [smem:$0x3F9F]  }
0x2d: {  	s3 =	simm.s32 $0x108;
	s8 =	sld [smem:$0x3FA0]  }
0x2e: {  	s3 =	simm.s32 @!p0 $0x1082;
	s9 =	sld [smem:$0x3FA1]  }
0x2f: {  	lr =	sadd.s32 s0, s3;
	s0 =	sld [smem:$0x3F98]  }
0x30: {  	s3 =	sld [smem:$0x3F9B]  }
0x31: {  	[smem:$0x3FA4] =	sst s10  }
0x32: {  	s10 =	sld [smem:$0x3FA2];
	_ =	sdelay $0x3  }
0x33: {  	p0 =	seq.s32 s10, $0x1;
	s10 =	sld [smem:$0x3FA4];
	_ =	sdelay $0x3  }
0x34: {  	[smem:$0x3FA4] =	sst s10  }
0x35: {  	s10 =	sld [smem:$0x3FA3];
	_ =	sdelay $0x3  }
0x36: {  	p1 =	seq.s32 s10, $0x1;
	s10 =	sld [smem:$0x3FA4];
	_ =	sdelay $0x3  }
0x37: {  	[smem:$0x3FA4] =	sst s10  }
0x38: {  	s10 =	sld [smem:$0x3FA5]  }
0x39: {  	_ = 	snop;
	(pc) =	sbr.ind lr, $3  }
0x3a: {  	_ = 	snop  }
0x3b: {  	_ = 	snop  }
0x3c: {  	p2 =	seq.s32 s10, $0x1;
	s10 =	sld [smem:$0x3FA4]  }
0x3d: {  	_ =	shalt  }
0x3e: {  	_ =	shalt  }
0x3f: {  	_ =	shalt  }
0x40: {  	_ =	shalt  }
0x41: {  	_ =	shalt  }
0x42: {  	_ =	shalt  }
0x43: {  	_ =	shalt  }
0x44: {  	_ =	shalt  }
0x45: {  	_ =	shalt  }
0x46: {  	_ =	shalt  }
0x47: {  	_ =	shalt  }
0x48: {  	_ =	shalt  }
0x49: {  	_ =	shalt  }
0x4a: {  	_ =	shalt  }
0x4b: {  	_ =	shalt  }
0x4c: {  	_ =	shalt  }
0x4d: {  	_ =	shalt  }
0x4e: {  	_ =	shalt  }
0x4f: {  	_ =	shalt  }
0x50: {  	_ =	shalt  }
0x51: {  	_ =	shalt  }
0x52: {  	_ =	shalt  }
0x53: {  	_ =	shalt  }
0x54: {  	_ =	shalt  }
0x55: {  	_ =	shalt  }
0x56: {  	_ =	shalt  }
0x57: {  	_ =	shalt  }
0x58: {  	_ =	shalt  }
0x59: {  	_ =	shalt  }
0x5a: {  	_ =	shalt  }
0x5b: {  	_ =	shalt  }
0x5c: {  	_ =	shalt  }
0x5d: {  	_ =	shalt  }
0x5e: {  	_ =	shalt  }
0x5f: {  	_ =	shalt  }
0x60: {  	_ =	shalt  }
0x61: {  	_ =	shalt  }
0x62: {  	_ =	shalt  }
0x63: {  	_ =	shalt  }
0x64: {  	_ =	shalt  }
0x65: {  	_ =	shalt  }
0x66: {  	_ =	shalt  }
0x67: {  	_ =	shalt  }
0x68: {  	_ =	shalt  }
0x69: {  	_ =	shalt  }
0x6a: {  	_ =	shalt  }
0x6b: {  	_ =	shalt  }
0x6c: {  	_ =	shalt  }
0x6d: {  	_ =	shalt  }
0x6e: {  	_ =	shalt  }
0x6f: {  	_ =	shalt  }
0x70: {  	_ =	shalt  }
0x71: {  	_ =	shalt  }
0x72: {  	_ =	shalt  }
0x73: {  	_ =	shalt  }
0x74: {  	_ =	shalt  }
0x75: {  	_ =	shalt  }
0x76: {  	_ =	shalt  }
0x77: {  	_ =	shalt  }
0x78: {  	_ =	shalt  }
0x79: {  	_ =	shalt  }
0x7a: {  	_ =	shalt  }
0x7b: {  	_ =	shalt  }
0x7c: {  	_ =	shalt  }
0x7d: {  	_ =	shalt  }
0x7e: {  	_ =	shalt  }
0x7f: {  	_ =	shalt  }
0x80: {  	_ =	shalt  }
0x81: {  	_ =	shalt  }
0x82: {  	_ =	shalt  }
0x83: {  	_ =	shalt  }
0x84: {  	_ =	shalt  }
0x85: {  	_ =	shalt  }
0x86: {  	_ =	shalt  }
0x87: {  	_ =	shalt  }
.Lfunc_end0:
.L_simem_size_0:
called_computation.5_lowered:
.L_overlay_start_0:
0x88: {  	s2 =	sld [smem:$0x3FD9]  }
0x89: {  	s3 =	sld [smem:$0x3FFE];
	_ =	sdelay $0x1  }
0x8a: {  	s1 =	srdreg.scid  }
0x8b: {  	s0 =	sand.u32 $0x1, s1  }
0x8c: {  	s16 =	sshll.u32 s0, $0xA;
	s2 =	sadd.s32 s3, s2  }
0x8d: {  	s2 =	sadd.s32 s2, s16  }
0x8e: {  	[smem:$0x3FB0] =	sst s2  }
0x8f: {  	_ = 	snop  }
0x90: {  	(tm) =	ssettm $0x1  }
0x91: {  	s17 =	sld [smem:$0x3FFB];
	_ =	sdelay $0x3  }
0x92: {  	_ =	strace s17  }
0x93: {  	s2 =	sld [smem:$0x3FFC];
	_ =	sdelay $0x3  }
0x94: {  	_ =	strace s2  }
0x95: {  	s2 =	sld [smem:$0x3FFD];
	_ =	sdelay $0x3  }
0x96: {  	_ =	strace s2  }
0x97: {  	_ =	strace $0x8FFFFFFF  }
0x98: {  	s18 =	sld [smem:$0x3FDB];
	_ =	sdelay $0x1  }
0x99: {  	s19 =	simm.s32 $_scs_section_size  }
0x9a: {  	s4 =	simm.s32 $_size__tile_overlayer_lowered;
	s5 =	simm.s32 $_tile_overlayer_lowered  }
0x9b: {  	s22 =	simm.s32 $0x1BFF;
	s21 =	sshll.u32 s5, $0x1;
	s2 =	sadd.s32 s19, s18  }
0x9c: {  	s6 =	simm.s32 $0x0;
	s20 =	sshll.u32 s4, $0x1;
	s4 =	sadd.s32 s21, s2  }
0x9d: {  	[timem:s6], [sflag:s22] =	dma.local [hbm:s4], s20  }
0x9e: {  	_ =	swait.ge [sflag:s22], s20  }
0x9f: {  	s3 =	ssub.s32 $0x0, s20;
	[sflag:s22] =	ssyncset.done $0x0  }
0xa0: {  	[sflag:s22] =	ssyncadd.s32 s3;
	_ =	sdelay $0x1  }
0xa1: {  	s23 =	simm.s32 $0x1B8B  }
0xa2: {  	_ =	swait.ge [sflag:s23], $0x1  }
0xa3: {  	[sflag:s23] =	ssyncset.done $0x0  }
0xa4: {  	s25 =	simm.s32 $0x1B8E;
	s24 =	sld [smem:$0x3FFE];
	[sflag:s23] =	ssyncadd.s32 $0xFFFFFFFF  }
0xa5: {  	s26 =	simm.s32 $execute0_lowered;
	[smem:$0x3FD2] =	sst s25  }
0xa6: {  	s4 =	sshll.u32 s26, $0x1;
	_ =	strace $0x80000055;
	[dreg:$0x1] =	wrdreg $0xFFFFFFFF  }
0xa7: {  	s28 =	simm.s32 $_size_execute0_lowered;
	s2 =	sadd.s32 s2, s4;
	[dreg:$0x0] =	wrdreg $0x0  }
0xa8: {  	s4 =	sshll.u32 s28, $0x1;
	[dreg:$0x2] =	wrdreg s2  }
0xa9: {  	[dreg:$0x3] =	wrdreg s4  }
0xaa: {  	[dreg:$0x4] =	wrdreg $0xC0  }
0xab: {  	_ =	task [dreg:s6], $0x5FFFF  }
0xac: {  	[dreg:$0x1] =	wrdreg $0xFFFFFFFF  }
0xad: {  	[dreg:$0x0] =	wrdreg $0x60  }
0xae: {  	[dreg:$0x2] =	wrdreg s24  }
0xaf: {  	[dreg:$0x3] =	wrdreg $0x9  }
0xb0: {  	_ =	task.clear_ibuf [dreg:s6], $0x4FFFF;
	_ =	strace $0x90000055  }
0xb1: {  	s29 =	simm.s32 $0x9;
	_ =	strace $0x80000057  }
0xb2: {  	_ =	swait.ge [sflag:s29], $0x1  }
0xb3: {  	[sflag:s29] =	ssyncadd.s32 $0xFFFFFFFF  }
0xb4: {  	_ =	strace $0x90000057  }
0xb5: {  	_ =	sfence  }
0xb6: {  	s30 =	sld [smem:$0x0];
	_ =	sdelay $0x2  }
0xb7: {  	s31 =	sshll.u32 s1, $0xD;
	s1 =	sshrl.u32 s1, $0x2  }
0xb8: {  	s3 =	sand.u32 $0x4000, s31;
	s1 =	sadd.s32 s1, s30  }
0xb9: {  	s0 =	sor.u32 s3, s0;
	s1 =	sshll.u32 s1, $0x11  }
0xba: {  	s0 =	sor.u32 s1, s0  }
0xbb: {  	s0 =	sadd.s32 $0x8F2B, s0  }
0xbc: {  	[sflag:s0] =	ssyncadd.remote.s32 $0x1  }
0xbd: {  	_ =	sfence.sel $0xFFFF  }
0xbe: {  	[dreg:$0x0] =	wrdreg $0xFFFFFFFF;
	(pc) =	sbr.abs _section_cstart, $3  }
0xbf: {  	[dreg:$0x1] =	wrdreg $0xFFFFFFFF  }
0xc0: {  	_ =	task.clear_ibuf [dreg:s6], $0x2FFFF;
	_ =	strace $0x9FFFFFFF  }
0xc1: {  	(tm) =	ssettm $0x7FFFFFFF  }
tec
execute0_lowered:
.L_overlay_start_1:
0x0: {  	(tag) =	ssettag $0x1  }
0x1: {  	s0 =	rddreg [dreg:$0x0];
	s2 =	simm.s32 $0x0;
	s1 =	stileid.u32  }
0x2: {  	s3 =	srdreg.scid;
	s19 =	simm.s32 $0x80;
	s9 =	simm.s32 $0x900  }
0x3: {  	s20 =	simm.s32 $0x1100;
	s22 =	simm.s32 $0x1900;
	s24 =	simm.s32 $0x2100  }
0x4: {  	s26 =	simm.s32 $0x2900;
	s30 =	simm.s32 $0x3100;
	s31 =	simm.s32 $0x3900  }
0x5: {  	s10 =	simm.s32 $0x100;
	s11 =	simm.s32 $0x4100;
	s12 =	simm.s32 $0x4900  }
0x6: {  	s13 =	simm.s32 $0x5100;
	s14 =	simm.s32 $0x5900;
	[smem:$0x7FF] =	sst s2  }
0x7: {  	s15 =	simm.s32 $0x1;
	_ =	strace $0x80000056;
	[dreg:$0x3] =	wrdreg s19  }
0x8: {  	s16 =	simm.s32 $0x6100;
	s28 =	simm.s32 $0xB900;
	[dreg:$0x4] =	wrdreg s9  }
0x9: {  	s29 =	simm.s32 $0x0;
	s4 =	sshll.u32 s1, $0x5;
	[dreg:$0x5] =	wrdreg s20  }
0xa: {  	s6 =	sand.u32 $0x1, s3;
	s5 =	smul.u32 $0x6000, s1;
	[dreg:$0x6] =	wrdreg s22  }
0xb: {  	s3 =	sadd.s32 $0x254800, s0;
	s4 =	sadd.s32 s4, s0;
	[dreg:$0x7] =	wrdreg s24  }
0xc: {  	s7 =	sshll.u32 s6, $0x4;
	s8 =	ssub.s32 $0x2, s6;
	[dreg:$0x8] =	wrdreg s26  }
0xd: {  	s21 =	smul.u32 $0x3000, s6;
	[dreg:$0x9] =	wrdreg s30;
	s9 =	simm.s32 $0x2  }
0xe: {  	[dreg:$0xa] =	wrdreg s31;
	s19 =	simm.s32 $0x7900;
	s20 =	simm.s32 $0x8100  }
0xf: {  	s22 =	simm.s32 $0x9100;
	s24 =	simm.s32 $0xA100;
	s26 =	simm.s32 $0xB100  }
0x10: {  	s4 =	sadd.s32 s7, s4;
	s17 =	sadd.s32 s5, s0;
	s18 =	sshrl.u32 s8, $0x1  }
0x11: {  	s5 =	sadd.s32 $0x254A00, s0;
	s4 =	sadd.s32 $0x11A00, s4;
	s8 =	ssub.s32 s8, s18  }
0x12: {  	s25 =	sadd.s32 s21, s17;
	s17 =	simm.s32 $0x6900;
	s18 =	simm.s32 $0x7100  }
0x13: {  	v2 =	vlaneseq.u32;
	s21 =	simm.s32 $0x8900;
	[dreg:$0x2] =	wrdreg s4;
	s4 =	sadd.s32 $0x254900, s0  }
0x14: {  	vm0 =	vmmov $0xffff;
	v1 =	vshrl.u32 v2, $0x3;
	s23 =	smax.u32 s8, $0x1;
	s7 =	sadd.s32 $0x104800, s25;
	s8 =	sadd.s32 $0x164800, s25  }
0x15: {  	v0 =	vand.u32 $0x7, v2;
	v2 =	vor.u32 $0x8, v2;
	v1 =	vmul.u32 $0x8, v1;
	s25 =	simm.s32 $0xA900;
	[dreg:$0xb] =	wrdreg s23;
	s23 =	simm.s32 $0x9900  }
.LBB2_1:
0x16: {  	s30 =	smov.u32 s8;
	s31 =	smov.u32 s7;
	s0 =	simm.s32 $0x0  }
.LBB2_2:
0x17: {  	s1 =	rddreg [dreg:$0x2]  }
0x18: {  	s1 =	sadd.s32 s0, s1  }
0x19: {  	[tilespmem:s2], [sflag:$0x2] =	stream.linear.gather [hbm4b:s1+s2], $0x20, $0x38;
	[tilespmem:$0xC100] =	vst v63  }
0x1a: {  	_ =	swait.ge [sflag:s9], $0x20  }
0x1b: {  	[sflag:s9] =	ssyncset.done $0x0  }
0x1c: {  	s1 =	sadd.s32 $0x200, s1;
	s6 =	rddreg [dreg:$0x3];
	[sflag:s9] =	ssyncadd.s32 $0xFFFFFFE0  }
0x1d: {  	[tilespmem:s6], [sflag:$0x2] =	stream.linear.gather [hbm4b:s1+s2], $0x20, $0x38;
	[tilespmem:$0xC100] =	vst v63  }
0x1e: {  	_ =	swait.ge [sflag:s9], $0x20  }
0x1f: {  	[sflag:s9] =	ssyncset.done $0x0  }
0x20: {  	[sflag:s9] =	ssyncadd.s32 $0xFFFFFFE0  }
0x21: {  	v3 =	vld [tilespmem:$0x0];
	_ =	sdelay $0x4  }
0x22: {  	v4 =	vshrl.u32 v3, $0x3  }
0x23: {  	v4 =	vmul.u32 $0x30, v4  }
0x24: {  	v3 =	vand.u32 $0x7, v3  }
0x25: {  	v3 =	vor.u32 v3, v4  }
0x26: {  	v4 =	vperm.xlane v3, v0;
	_ =	sdelay $0x1  }
0x27: {  	v4 =	vadd.s32 v1, v4;
	_ =	sdelay $0x3  }
0x28: {  	v3 =	vperm.xlane v3, v2  }
0x29: {  	[tilespmem:s10], [sflag:$0x1] =	stream.indirect_vreg.gather [hbm4b:s3+s2], $0x80, v4, vm0, $0xb8;
	[tilespmem:$0xC100] =	vst v63  }
0x2a: {  	s1 =	rddreg [dreg:$0x4];
	v3 =	vadd.s32 v1, v3  }
0x2b: {  	[tilespmem:s1], [sflag:$0x1] =	stream.indirect_vreg.gather [hbm4b:s4+s2], $0x80, v4, vm0, $0xb8;
	[tilespmem:$0xC100] =	vst v63  }
0x2c: {  	s6 =	rddreg [dreg:$0x5]  }
0x2d: {  	[tilespmem:s6], [sflag:$0x1] =	stream.indirect_vreg.gather [hbm4b:s5+s2], $0x80, v4, vm0, $0xb8;
	[tilespmem:$0xC100] =	vst v63  }
0x2e: {  	s1 =	rddreg [dreg:$0x6]  }
0x2f: {  	[tilespmem:s1], [sflag:$0x1] =	stream.indirect_vreg.gather [hbm4b:s3+s2], $0x80, v3, vm0, $0xb8;
	[tilespmem:$0xC100] =	vst v63  }
0x30: {  	s6 =	rddreg [dreg:$0x7]  }
0x31: {  	[tilespmem:s6], [sflag:$0x1] =	stream.indirect_vreg.gather [hbm4b:s4+s2], $0x80, v3, vm0, $0xb8;
	[tilespmem:$0xC100] =	vst v63  }
0x32: {  	s1 =	rddreg [dreg:$0x8]  }
0x33: {  	[tilespmem:s1], [sflag:$0x1] =	stream.indirect_vreg.gather [hbm4b:s5+s2], $0x80, v3, vm0, $0xb8;
	[tilespmem:$0xC100] =	vst v63  }
0x34: {  	v3 =	vld [tilespmem:$0x10];
	_ =	sdelay $0x4  }
0x35: {  	v61 =	vshrl.u32 v3, $0x3  }
0x36: {  	v4 =	vmul.u32 $0x30, v61  }
0x37: {  	v3 =	vand.u32 $0x7, v3  }
0x38: {  	v3 =	vor.u32 v3, v4  }
0x39: {  	v4 =	vperm.xlane v3, v0;
	_ =	sdelay $0x1  }
0x3a: {  	v4 =	vadd.s32 v1, v4;
	_ =	sdelay $0x3  }
0x3b: {  	s1 =	rddreg [dreg:$0x9];
	v3 =	vperm.xlane v3, v2  }
0x3c: {  	[tilespmem:s1], [sflag:$0x1] =	stream.indirect_vreg.gather [hbm4b:s3+s2], $0x80, v4, vm0, $0xb8;
	[tilespmem:$0xC100] =	vst v63  }
0x3d: {  	s6 =	rddreg [dreg:$0xa];
	v3 =	vadd.s32 v1, v3  }
0x3e: {  	[tilespmem:s6], [sflag:$0x1] =	stream.indirect_vreg.gather [hbm4b:s4+s2], $0x80, v4, vm0, $0xb8;
	[tilespmem:$0xC100] =	vst v63  }
0x3f: {  	_ = 	snop  }
0x40: {  	[tilespmem:s11], [sflag:$0x1] =	stream.indirect_vreg.gather [hbm4b:s5+s2], $0x80, v4, vm0, $0xb8;
	[tilespmem:$0xC100] =	vst v63  }
0x41: {  	_ = 	snop  }
0x42: {  	[tilespmem:s12], [sflag:$0x1] =	stream.indirect_vreg.gather [hbm4b:s3+s2], $0x80, v3, vm0, $0xb8;
	[tilespmem:$0xC100] =	vst v63  }
0x43: {  	_ = 	snop  }
0x44: {  	[tilespmem:s13], [sflag:$0x1] =	stream.indirect_vreg.gather [hbm4b:s4+s2], $0x80, v3, vm0, $0xb8;
	[tilespmem:$0xC100] =	vst v63  }
0x45: {  	_ = 	snop  }
0x46: {  	[tilespmem:s14], [sflag:$0x1] =	stream.indirect_vreg.gather [hbm4b:s5+s2], $0x80, v3, vm0, $0xb8;
	[tilespmem:$0xC100] =	vst v63  }
0x47: {  	_ =	swait.ge [sflag:s15], $0x6000  }
0x48: {  	[sflag:s15] =	ssyncset.done $0x0  }
0x49: {  	[sflag:s15] =	ssyncadd.s32 $0xFFFFA000  }
0x4a: {  	v3 =	vld [tilespmem:$0x80];
	_ =	sdelay $0x4  }
0x4b: {  	v62 =	vshrl.u32 v3, $0x3  }
0x4c: {  	v4 =	vmul.u32 $0x30, v62  }
0x4d: {  	v3 =	vand.u32 $0x7, v3  }
0x4e: {  	v3 =	vor.u32 v3, v4  }
0x4f: {  	v4 =	vperm.xlane v3, v0;
	_ =	sdelay $0x1  }
0x50: {  	v4 =	vadd.s32 v1, v4;
	_ =	sdelay $0x3  }
0x51: {  	v3 =	vperm.xlane v3, v2  }
0x52: {  	[tilespmem:s16], [sflag:$0x1] =	stream.indirect_vreg.gather [hbm4b:s3+s2], $0x80, v4, vm0, $0xb8;
	[tilespmem:$0xC100] =	vst v63  }
0x53: {  	v3 =	vadd.s32 v1, v3  }
0x54: {  	[tilespmem:s17], [sflag:$0x1] =	stream.indirect_vreg.gather [hbm4b:s4+s2], $0x80, v4, vm0, $0xb8;
	[tilespmem:$0xC100] =	vst v63  }
0x55: {  	_ = 	snop  }
0x56: {  	[tilespmem:s18], [sflag:$0x1] =	stream.indirect_vreg.gather [hbm4b:s5+s2], $0x80, v4, vm0, $0xb8;
	[tilespmem:$0xC100] =	vst v63  }
0x57: {  	_ = 	snop  }
0x58: {  	[tilespmem:s19], [sflag:$0x1] =	stream.indirect_vreg.gather [hbm4b:s3+s2], $0x80, v3, vm0, $0xb8;
	[tilespmem:$0xC100] =	vst v63  }
0x59: {  	_ = 	snop  }
0x5a: {  	[tilespmem:s20], [sflag:$0x1] =	stream.indirect_vreg.gather [hbm4b:s4+s2], $0x80, v3, vm0, $0xb8;
	[tilespmem:$0xC100] =	vst v63  }
0x5b: {  	_ = 	snop  }
0x5c: {  	[tilespmem:s21], [sflag:$0x1] =	stream.indirect_vreg.gather [hbm4b:s5+s2], $0x80, v3, vm0, $0xb8;
	[tilespmem:$0xC100] =	vst v63  }
0x5d: {  	v3 =	vld [tilespmem:$0x90];
	_ =	sdelay $0x4  }
0x5e: {  	v63 =	vshrl.u32 v3, $0x3  }
0x5f: {  	v4 =	vmul.u32 $0x30, v63  }
0x60: {  	v3 =	vand.u32 $0x7, v3  }
0x61: {  	v3 =	vor.u32 v3, v4  }
0x62: {  	v4 =	vperm.xlane v3, v0;
	_ =	sdelay $0x1  }
0x63: {  	v4 =	vadd.s32 v1, v4;
	_ =	sdelay $0x3  }
0x64: {  	v3 =	vperm.xlane v3, v2  }
0x65: {  	[tilespmem:s22], [sflag:$0x1] =	stream.indirect_vreg.gather [hbm4b:s3+s2], $0x80, v4, vm0, $0xb8;
	[tilespmem:$0xC100] =	vst v63  }
0x66: {  	v3 =	vadd.s32 v1, v3  }
0x67: {  	[tilespmem:s23], [sflag:$0x1] =	stream.indirect_vreg.gather [hbm4b:s4+s2], $0x80, v4, vm0, $0xb8;
	[tilespmem:$0xC100] =	vst v63  }
0x68: {  	_ = 	snop  }
0x69: {  	[tilespmem:s24], [sflag:$0x1] =	stream.indirect_vreg.gather [hbm4b:s5+s2], $0x80, v4, vm0, $0xb8;
	[tilespmem:$0xC100] =	vst v63  }
0x6a: {  	_ = 	snop  }
0x6b: {  	[tilespmem:s25], [sflag:$0x1] =	stream.indirect_vreg.gather [hbm4b:s3+s2], $0x80, v3, vm0, $0xb8;
	[tilespmem:$0xC100] =	vst v63  }
0x6c: {  	_ = 	snop  }
0x6d: {  	[tilespmem:s26], [sflag:$0x1] =	stream.indirect_vreg.gather [hbm4b:s4+s2], $0x80, v3, vm0, $0xb8;
	[tilespmem:$0xC100] =	vst v63  }
0x6e: {  	_ = 	snop  }
0x6f: {  	[tilespmem:s28], [sflag:$0x1] =	stream.indirect_vreg.gather [hbm4b:s5+s2], $0x80, v3, vm0, $0xb8;
	[tilespmem:$0xC100] =	vst v63  }
0x70: {  	_ =	swait.ge [sflag:s15], $0x6000  }
0x71: {  	[sflag:s15] =	ssyncset.done $0x0  }
0x72: {  	[sflag:s15] =	ssyncadd.s32 $0xFFFFA000  }
0x73: {  	[hbm4b:s31+s2] =	stream.linear.scatter [tilespmem:s10], [sflag:$0x2], $0x6000, $0x38;
	[tilespmem:$0xC100] =	vst v63  }
0x74: {  	_ =	swait.ge [sflag:s9], $0x6000  }
0x75: {  	p0 =	sne.s32 s0, $0xC;
	[sflag:s9] =	ssyncset.done $0x0  }
.Ltmp0:
0x76: {  	[sflag:s9] =	ssyncadd.s32 $0xFFFFA000;
	(pc) =	sbr.rel @p0 .LBB2_2-.Ltmp0, $4  }
0x77: {  	[hbm4b:s30+s2] =	stream.linear.scatter [tilespmem:s16], [sflag:$0x2], $0x6000, $0x38;
	[tilespmem:$0xC100] =	vst v63  }
0x78: {  	_ =	swait.ge [sflag:s9], $0x6000  }
0x79: {  	s0 =	sadd.s32 $0x4, s0;
	[sflag:s9] =	ssyncset.done $0x0  }
0x7a: {  	s31 =	sadd.s32 $0xC00, s31;
	s30 =	sadd.s32 $0xC00, s30;
	[sflag:s9] =	ssyncadd.s32 $0xFFFFA000  }
0x7b: {  	s29 =	sadd.s32 $0x1, s29;
	s0 =	rddreg [dreg:$0xb]  }
0x7c: {  	p0 =	sne.s32 s29, s0  }
.Ltmp1:
0x7d: {  	_ = 	snop;
	(pc) =	sbr.rel @p0 .LBB2_1-.Ltmp1, $1  }
0x7e: {  	_ =	sdelay $0x3  }
0x7f: {  	_ =	sfence.sel $0x180000  }
0x80: {  	[bflag:$0x0] =	sbarrier.arrive $0xFFFF  }
0x81: {  	_ =	strace $0x90000056  }
0x82: {  	s0 =	stileid.u32;
	[bflag:$0x2] =	sbarrier.arrive $0xFFFF  }
0x83: {  	p0 =	sne.s32 s0, $0x0;
	s0 =	rddreg [dreg:$0x1]  }
0x84: {  	s0 =	sadd.s32 @!p0 $0x100000, s0  }
0x85: {  	[sflag:s0] =	ssyncadd.tile.s32 @!p0 $0x1;
	_ =	shalt  }
.Lfunc_end2:
_tile_overlayer_lowered:
.L_overlay_start_2:
0x86: {  	(tag) =	ssettag $0x2  }
0x87: {  	s0 =	rddreg [dreg:$0x0];
	s2 =	stileid.u32  }
0x88: {  	s1 =	rddreg [dreg:$0x1];
	p0 =	sne.s32 s2, $0x0  }
0x89: {  	s3 =	rddreg [dreg:$0x2];
	[bflag:$0x3] =	sbarrier.arrive $0xFFFF;
	s2 =	simm.s32 @!p0 $0x1C02  }
0x8a: {  	[timem:s3], [sflag:s2] =	dma.local @!p0 [hbm:s0], s1  }
0x8b: {  	s0 =	simm.s32 @!p0 $0x2  }
0x8c: {  	_ =	swait.ge @!p0 [sflag:s0], s1  }
0x8d: {  	s1 =	ssub.s32 @!p0 $0x0, s1;
	[sflag:s0] =	ssyncset.done @!p0 $0x0  }
0x8e: {  	[sflag:s0] =	ssyncadd.s32 @!p0 s1  }
0x8f: {  	[bflag:$0x3] =	sbarrier.arrive $0xFFFF  }
0x90: {  	_ =	shalt  }

</sc_bundles>
